<compile_context>
chip_gen: v7x
topology: tpu7x:2x2x1
jax: 0.10.2.dev20260603
libtpu: 0.0.44.dev20260713+nightly
codegen_flags: <defaults>
</compile_context>

<pallas_src>
import functools

import jax
import jax.numpy as jnp
from jax import lax
from jax.experimental import pallas as pl
from jax.experimental.pallas import tpu as pltpu
from jax.experimental.pallas import tpu_sc as plsc

NC = 2
NS = 16
NW = NC * NS
L = 16


def _make_sc_kernel(B, S, D, P):
    BPW = B // NW
    RPB = 16
    DT = D // 8
    KK = D // L
    CHUNK = DT * 8 * BPW
    assert B % NW == 0 and D % L == 0 and S % 2 == 0 and BPW % L == 0

    mesh = plsc.VectorSubcoreMesh(core_axis_name="c", subcore_axis_name="s")

    @functools.partial(
        pl.kernel,
        out_type=jax.ShapeDtypeStruct((S, DT, NW, 8, BPW), jnp.float32),
        mesh=mesh,
        compiler_params=pltpu.CompilerParams(use_tc_tiling_on_sc=False,
                                             needs_layout_passes=False),
        scratch_types=[
            pltpu.VMEM((S, BPW), jnp.int32),
            pltpu.VMEM((P * D,), jnp.float32),
            [pltpu.VMEM((BPW, D), jnp.float32)] * 4,
            [pltpu.VMEM((DT, 8, BPW + 1), jnp.float32)] * 4,
            pltpu.VMEM((D + L,), jnp.int32),
            [pltpu.SemaphoreType.DMA] * 4,
            [pltpu.SemaphoreType.DMA] * 4,
        ],
    )
    def sc_kernel(xT_hbm, posf_hbm, tok_hbm, out_hbm,
                  idx_v, pos_v, ins, outs, cbase, gsems, osems):
        wid = lax.axis_index("s") * NC + lax.axis_index("c")
        b0 = wid * BPW

        pltpu.sync_copy(xT_hbm.at[:, pl.ds(b0, BPW)], idx_v)
        pltpu.sync_copy(posf_hbm, pos_v)

        lanes = lax.iota(jnp.int32, L)
        for k in range(KK):
            cbase[pl.ds(k * L, L)] = lax.shift_right_logical(
                lanes + k * L, 3)
        cbase[pl.ds(D, L)] = lax.bitwise_and(lanes, 7)

        def start_gather(s, inbuf, gsem):
            pltpu.async_copy(tok_hbm.at[idx_v.at[s]], inbuf, gsem)

        def gather_wait(inbuf, gsem):
            pltpu.make_async_copy(tok_hbm.at[idx_v.at[0]], inbuf, gsem).wait()

        def store_wait(outbuf, osem):
            pltpu.make_async_copy(
                outbuf.at[:, :, pl.ds(0, BPW)],
                out_hbm.at[0, :, 0], osem).wait()

        def compute(s, inbuf, outbuf):
            svec = jnp.full((L,), s, dtype=jnp.int32)
            pbase = (s + 1) * D
            prow = [plsc.load_gather(pos_v, [pbase + k * L + lanes])
                    for k in range(KK)]
            colb = [cbase[pl.ds(k * L, L)] for k in range(KK)]
            dsub = cbase[pl.ds(D, L)]
            RB = 4

            def rowblock(blk, carry):
                r0 = blk * RPB
                for rb in range(0, RPB, RB):
                    rows = [r0 + rb + q for q in range(RB)]
                    xspl = [plsc.load_gather(
                        idx_v, [svec, jnp.full((L,), r, dtype=jnp.int32)])
                        for r in rows]
                    ms = [jnp.where(xv > 0, jnp.float32(1.0),
                                    jnp.float32(0.0)) for xv in xspl]
                    tvs = [inbuf[r, pl.ds(k * L, L)]
                           for r in rows for k in range(KK)]
                    pms = [prow[k] * ms[i]
                           for i in range(RB) for k in range(KK)]
                    vals = [tv + pm for tv, pm in zip(tvs, pms)]
                    i = 0
                    for r in rows:
                        rsp = jnp.full((L,), r, dtype=jnp.int32)
                        for k in range(KK):
                            plsc.store_scatter(
                                outbuf, [colb[k], dsub, rsp], vals[i])
                            i += 1
                return carry

            lax.fori_loop(0, BPW // RPB, rowblock, 0)

        def start_store(s, outbuf, osem):
            pltpu.async_copy(
                outbuf.at[:, :, pl.ds(0, BPW)],
                out_hbm.at[s, :, wid], osem)

        NB = 4
        for j in range(NB):
            start_gather(j, ins[j], gsems[j])

        def body(it, carry):
            s0 = NB * it
            for j in range(NB):
                @pl.when(it > 0)
                def _(j=j):
                    store_wait(outs[j], osems[j])
                gather_wait(ins[j], gsems[j])
                compute(s0 + j, ins[j], outs[j])
                start_store(s0 + j, outs[j], osems[j])

                @pl.when(it < S // NB - 1)
                def _(j=j):
                    start_gather(s0 + j + NB, ins[j], gsems[j])
            return carry

        lax.fori_loop(0, S // NB, body, 0)
        for j in range(NB):
            store_wait(outs[j], osems[j])

    return sc_kernel


@jax.jit
def kernel(x, tok_table, pos_table):
    B, S = x.shape
    V, D = tok_table.shape
    P = pos_table.shape[0]
    xT = jnp.transpose(x)
    posf = pos_table.reshape(P * D)
    out5 = _make_sc_kernel(B, S, D, P)(xT, posf, tok_table)
    out = out5.transpose(2, 4, 0, 1, 3).reshape(B, S, D)
    return out

# --- scband reference (transcript-rebuilt; emitter-appended) ---
"""Pipeline reference for scband-abs-pos-embedding-30185030156555 (READ-ONLY COPY).

The authoritative reference and input builder live on the scoring server;
editing this copy changes nothing except your own understanding.
"""

import jax, jax.numpy as jnp
import numpy as np

TOKEN_SIZE = 1000000
MAX_LEN = 200
D_MODEL = 64
BATCH = 4096
SEQ = 200


def setup_inputs(seed: int = 0) -> dict:
    key = jax.random.key(seed)
    k1, k2, k3 = jax.random.split(key, 3)
    x = jax.random.randint(k1, (BATCH, SEQ), 0, TOKEN_SIZE, dtype=jnp.int32)
    tok_table = jax.random.normal(k2, (TOKEN_SIZE, D_MODEL), dtype=jnp.float32) * 0.02
    tok_table = tok_table.at[0].set(0.0)  # padding_idx=0
    pos_table = jax.random.normal(k3, (MAX_LEN + 1, D_MODEL), dtype=jnp.float32) * 0.02
    pos_table = pos_table.at[0].set(0.0)  # padding_idx=0
    return {"x": x, "tok_table": tok_table, "pos_table": pos_table}


def reference(x, tok_table, pos_table):
    # AbsPosEmbedding.forward (dropout is identity in eval mode)
    xlen = x.shape[-1]
    mask = (x > 0).astype(jnp.int32)
    position = jnp.arange(1, xlen + 1, dtype=jnp.int32) * mask  # masked positions -> 0 (padding row)
    tok = jnp.take(tok_table, x, axis=0)
    pos = jnp.take(pos_table, position, axis=0)
    return tok + pos

if __name__ == "__main__":
    import jax
    _d = setup_inputs()
    print(jax.jit(kernel)(*tuple(_d.values())))

</pallas_src>

<mosaic_0001>
#map = affine_map<(d0, d1) -> (0, 0)>
#map1 = affine_map<(d0, d1) -> (0)>
#map2 = affine_map<(d0, d1) -> (0, 0, 0, 0, 0)>
module attributes {stable_mosaic.version = 14 : i64} {
  func.func @sc_kernel(%arg0: i32, %arg1: i32, %arg2: memref<200x4096xi32, #tpu.memory_space<hbm>>, %arg3: memref<12864xf32, #tpu.memory_space<hbm>>, %arg4: memref<1000000x64xf32, #tpu.memory_space<hbm>>, %arg5: memref<200x8x32x8x128xf32, #tpu.memory_space<hbm>>, %arg6: memref<200x128xi32, #tpu.memory_space<vmem>>, %arg7: memref<12864xf32, #tpu.memory_space<vmem>>, %arg8: memref<128x64xf32, #tpu.memory_space<vmem>>, %arg9: memref<128x64xf32, #tpu.memory_space<vmem>>, %arg10: memref<128x64xf32, #tpu.memory_space<vmem>>, %arg11: memref<128x64xf32, #tpu.memory_space<vmem>>, %arg12: memref<8x8x129xf32, #tpu.memory_space<vmem>>, %arg13: memref<8x8x129xf32, #tpu.memory_space<vmem>>, %arg14: memref<8x8x129xf32, #tpu.memory_space<vmem>>, %arg15: memref<8x8x129xf32, #tpu.memory_space<vmem>>, %arg16: memref<80xi32, #tpu.memory_space<vmem>>, %arg17: memref<!tpu.dma_semaphore, #tpu.memory_space<semaphore_mem>>, %arg18: memref<!tpu.dma_semaphore, #tpu.memory_space<semaphore_mem>>, %arg19: memref<!tpu.dma_semaphore, #tpu.memory_space<semaphore_mem>>, %arg20: memref<!tpu.dma_semaphore, #tpu.memory_space<semaphore_mem>>, %arg21: memref<!tpu.dma_semaphore, #tpu.memory_space<semaphore_mem>>, %arg22: memref<!tpu.dma_semaphore, #tpu.memory_space<semaphore_mem>>, %arg23: memref<!tpu.dma_semaphore, #tpu.memory_space<semaphore_mem>>, %arg24: memref<!tpu.dma_semaphore, #tpu.memory_space<semaphore_mem>>) attributes {dimension_semantics = [#tpu.dimension_semantics<core_parallel>, #tpu.dimension_semantics<subcore_parallel>], iteration_bounds = array<i64: 2, 16>, scalar_prefetch = 0 : i64, scratch_operands = 19 : i64, tpu.core_type = #tpu.core_type<sc_vector_subcore>, window_params = [{transform_indices = #map}, {transform_indices = #map1}, {transform_indices = #map}, {transform_indices = #map2}]} {
    %mul3A = arith.constant 2 : i32
    %mul3A_0 = arith.muli %arg1, %mul3A : i32
    %add3A = arith.addi %mul3A_0, %arg0 : i32
    %mul3A_1 = arith.constant 128 : i32
    %mul3A_2 = arith.muli %add3A, %mul3A_1 : i32
    "tpu.region"() ({
      %run_scoped3A = tpu.sem_alloc : memref<!tpu.dma_semaphore, #tpu.memory_space<semaphore_mem>>
      %dma_start3A_148 = arith.constant 0 : i32
      %dma_start3A_149 = tpu.memref_slice %arg2[%dma_start3A_148, %mul3A_2] : memref<200x4096xi32, #tpu.memory_space<hbm>> -> memref<200x128xi32, #tpu.memory_space<hbm>>
      %dma_start3A_150 = arith.constant 0 : i32
      %dma_start3A_151 = tpu.memref_slice %arg2[%dma_start3A_150, %mul3A_2] : memref<200x4096xi32, #tpu.memory_space<hbm>> -> memref<200x128xi32, #tpu.memory_space<hbm>>
      tpu.enqueue_dma source(%dma_start3A_151 : memref<200x128xi32, #tpu.memory_space<hbm>>) target(%arg6 : memref<200x128xi32, #tpu.memory_space<vmem>>) target_semaphore(%run_scoped3A : memref<!tpu.dma_semaphore, #tpu.memory_space<semaphore_mem>>)
      %dma_wait3A_152 = arith.constant 0 : i32
      %dma_wait3A_153 = tpu.memref_slice %arg2[%dma_wait3A_152, %mul3A_2] : memref<200x4096xi32, #tpu.memory_space<hbm>> -> memref<200x128xi32, #tpu.memory_space<hbm>>
      %dma_wait3A_154 = arith.constant 0 : i32
      %dma_wait3A_155 = tpu.memref_slice %arg2[%dma_wait3A_154, %mul3A_2] : memref<200x4096xi32, #tpu.memory_space<hbm>> -> memref<200x128xi32, #tpu.memory_space<hbm>>
      tpu.wait_dma2 semaphore(%run_scoped3A : memref<!tpu.dma_semaphore, #tpu.memory_space<semaphore_mem>>) src(%dma_wait3A_155 : memref<200x128xi32, #tpu.memory_space<hbm>>) dst(%arg6 : memref<200x128xi32, #tpu.memory_space<vmem>>)
      tpu.yield
    }) : () -> ()
    "tpu.region"() ({
      %run_scoped3A = tpu.sem_alloc : memref<!tpu.dma_semaphore, #tpu.memory_space<semaphore_mem>>
      tpu.enqueue_dma source(%arg3 : memref<12864xf32, #tpu.memory_space<hbm>>) target(%arg7 : memref<12864xf32, #tpu.memory_space<vmem>>) target_semaphore(%run_scoped3A : memref<!tpu.dma_semaphore, #tpu.memory_space<semaphore_mem>>)
      tpu.wait_dma2 semaphore(%run_scoped3A : memref<!tpu.dma_semaphore, #tpu.memory_space<semaphore_mem>>) src(%arg3 : memref<12864xf32, #tpu.memory_space<hbm>>) dst(%arg7 : memref<12864xf32, #tpu.memory_space<vmem>>)
      tpu.yield
    }) : () -> ()
    %iota3A = tpu.iota {dimensions = array<i32: 0>} : vector<16xi32>
    %add3A_3 = arith.constant 0 : i32
    %add3A_4 = vector.broadcast %add3A_3 : i32 to vector<16xi32>
    %add3A_5 = arith.addi %iota3A, %add3A_4 : vector<16xi32>
    %shift_right_logical3A = arith.constant 3 : i32
    %shift_right_logical3A_6 = vector.broadcast %shift_right_logical3A : i32 to vector<16xi32>
    %shift_right_logical3A_7 = arith.shrui %add3A_5, %shift_right_logical3A_6 : vector<16xi32>
    %swap3A = arith.constant 0 : index
    %swap3A_8 = tpu.vector_load %arg16[%swap3A] {strides = array<i32>} : memref<80xi32, #tpu.memory_space<vmem>>, vector<16xi32>,
    tpu.vector_store %arg16[%swap3A], %shift_right_logical3A_7 {strides = array<i32>} : memref<80xi32, #tpu.memory_space<vmem>>, vector<16xi32>,
    %add3A_9 = arith.constant 16 : i32
    %add3A_10 = vector.broadcast %add3A_9 : i32 to vector<16xi32>
    %add3A_11 = arith.addi %iota3A, %add3A_10 : vector<16xi32>
    %shift_right_logical3A_12 = arith.constant 3 : i32
    %shift_right_logical3A_13 = vector.broadcast %shift_right_logical3A_12 : i32 to vector<16xi32>
    %shift_right_logical3A_14 = arith.shrui %add3A_11, %shift_right_logical3A_13 : vector<16xi32>
    %swap3A_15 = arith.constant 16 : index
    %swap3A_16 = tpu.vector_load %arg16[%swap3A_15] {strides = array<i32>} : memref<80xi32, #tpu.memory_space<vmem>>, vector<16xi32>,
    tpu.vector_store %arg16[%swap3A_15], %shift_right_logical3A_14 {strides = array<i32>} : memref<80xi32, #tpu.memory_space<vmem>>, vector<16xi32>,
    %add3A_17 = arith.constant 32 : i32
    %add3A_18 = vector.broadcast %add3A_17 : i32 to vector<16xi32>
    %add3A_19 = arith.addi %iota3A, %add3A_18 : vector<16xi32>
    %shift_right_logical3A_20 = arith.constant 3 : i32
    %shift_right_logical3A_21 = vector.broadcast %shift_right_logical3A_20 : i32 to vector<16xi32>
    %shift_right_logical3A_22 = arith.shrui %add3A_19, %shift_right_logical3A_21 : vector<16xi32>
    %swap3A_23 = arith.constant 32 : index
    %swap3A_24 = tpu.vector_load %arg16[%swap3A_23] {strides = array<i32>} : memref<80xi32, #tpu.memory_space<vmem>>, vector<16xi32>,
    tpu.vector_store %arg16[%swap3A_23], %shift_right_logical3A_22 {strides = array<i32>} : memref<80xi32, #tpu.memory_space<vmem>>, vector<16xi32>,
    %add3A_25 = arith.constant 48 : i32
    %add3A_26 = vector.broadcast %add3A_25 : i32 to vector<16xi32>
    %add3A_27 = arith.addi %iota3A, %add3A_26 : vector<16xi32>
    %shift_right_logical3A_28 = arith.constant 3 : i32
    %shift_right_logical3A_29 = vector.broadcast %shift_right_logical3A_28 : i32 to vector<16xi32>
    %shift_right_logical3A_30 = arith.shrui %add3A_27, %shift_right_logical3A_29 : vector<16xi32>
    %swap3A_31 = arith.constant 48 : index
    %swap3A_32 = tpu.vector_load %arg16[%swap3A_31] {strides = array<i32>} : memref<80xi32, #tpu.memory_space<vmem>>, vector<16xi32>,
    tpu.vector_store %arg16[%swap3A_31], %shift_right_logical3A_30 {strides = array<i32>} : memref<80xi32, #tpu.memory_space<vmem>>, vector<16xi32>,
    %and3A = arith.constant 7 : i32
    %and3A_33 = vector.broadcast %and3A : i32 to vector<16xi32>
    %and3A_34 = arith.andi %iota3A, %and3A_33 : vector<16xi32>
    %swap3A_35 = arith.constant 64 : index
    %swap3A_36 = tpu.vector_load %arg16[%swap3A_35] {strides = array<i32>} : memref<80xi32, #tpu.memory_space<vmem>>, vector<16xi32>,
    tpu.vector_store %arg16[%swap3A_35], %and3A_34 {strides = array<i32>} : memref<80xi32, #tpu.memory_space<vmem>>, vector<16xi32>,
    %dma_start3A = arith.constant 0 : i32
    %dma_start3A_37 = arith.constant 0 : i32
    %dma_start3A_38 = tpu.memref_slice %arg6[%dma_start3A, %dma_start3A_37] : memref<200x128xi32, #tpu.memory_space<vmem>> -> memref<1x128xi32, #tpu.memory_space<vmem>>
    %dma_start3A_39 = tpu.memref_squeeze %dma_start3A_38 : memref<1x128xi32, #tpu.memory_space<vmem>> -> memref<128xi32, #tpu.memory_space<vmem>>
    %dma_start3A_40 = arith.constant 0 : i32
    %dma_start3A_41 = arith.constant 0 : i32
    %dma_start3A_42 = tpu.memref_slice %arg4[%dma_start3A_40, %dma_start3A_41] : memref<1000000x64xf32, #tpu.memory_space<hbm>> -> memref<1000000x64xf32, #tpu.memory_space<hbm>>
    tpu.enqueue_indirect_dma source(%dma_start3A_42 : memref<1000000x64xf32, #tpu.memory_space<hbm>>) target(%arg8 : memref<128x64xf32, #tpu.memory_space<vmem>>) offsets(%dma_start3A_39 : memref<128xi32, #tpu.memory_space<vmem>>) semaphore(%arg17 : memref<!tpu.dma_semaphore, #tpu.memory_space<semaphore_mem>>)
    %dma_start3A_43 = arith.constant 1 : i32
    %dma_start3A_44 = arith.constant 0 : i32
    %dma_start3A_45 = tpu.memref_slice %arg6[%dma_start3A_43, %dma_start3A_44] : memref<200x128xi32, #tpu.memory_space<vmem>> -> memref<1x128xi32, #tpu.memory_space<vmem>>
    %dma_start3A_46 = tpu.memref_squeeze %dma_start3A_45 : memref<1x128xi32, #tpu.memory_space<vmem>> -> memref<128xi32, #tpu.memory_space<vmem>>
    %dma_start3A_47 = arith.constant 0 : i32
    %dma_start3A_48 = arith.constant 0 : i32
    %dma_start3A_49 = tpu.memref_slice %arg4[%dma_start3A_47, %dma_start3A_48] : memref<1000000x64xf32, #tpu.memory_space<hbm>> -> memref<1000000x64xf32, #tpu.memory_space<hbm>>
    tpu.enqueue_indirect_dma source(%dma_start3A_49 : memref<1000000x64xf32, #tpu.memory_space<hbm>>) target(%arg9 : memref<128x64xf32, #tpu.memory_space<vmem>>) offsets(%dma_start3A_46 : memref<128xi32, #tpu.memory_space<vmem>>) semaphore(%arg18 : memref<!tpu.dma_semaphore, #tpu.memory_space<semaphore_mem>>)
    %dma_start3A_50 = arith.constant 2 : i32
    %dma_start3A_51 = arith.constant 0 : i32
    %dma_start3A_52 = tpu.memref_slice %arg6[%dma_start3A_50, %dma_start3A_51] : memref<200x128xi32, #tpu.memory_space<vmem>> -> memref<1x128xi32, #tpu.memory_space<vmem>>
    %dma_start3A_53 = tpu.memref_squeeze %dma_start3A_52 : memref<1x128xi32, #tpu.memory_space<vmem>> -> memref<128xi32, #tpu.memory_space<vmem>>
    %dma_start3A_54 = arith.constant 0 : i32
    %dma_start3A_55 = arith.constant 0 : i32
    %dma_start3A_56 = tpu.memref_slice %arg4[%dma_start3A_54, %dma_start3A_55] : memref<1000000x64xf32, #tpu.memory_space<hbm>> -> memref<1000000x64xf32, #tpu.memory_space<hbm>>
    tpu.enqueue_indirect_dma source(%dma_start3A_56 : memref<1000000x64xf32, #tpu.memory_space<hbm>>) target(%arg10 : memref<128x64xf32, #tpu.memory_space<vmem>>) offsets(%dma_start3A_53 : memref<128xi32, #tpu.memory_space<vmem>>) semaphore(%arg19 : memref<!tpu.dma_semaphore, #tpu.memory_space<semaphore_mem>>)
    %dma_start3A_57 = arith.constant 3 : i32
    %dma_start3A_58 = arith.constant 0 : i32
    %dma_start3A_59 = tpu.memref_slice %arg6[%dma_start3A_57, %dma_start3A_58] : memref<200x128xi32, #tpu.memory_space<vmem>> -> memref<1x128xi32, #tpu.memory_space<vmem>>
    %dma_start3A_60 = tpu.memref_squeeze %dma_start3A_59 : memref<1x128xi32, #tpu.memory_space<vmem>> -> memref<128xi32, #tpu.memory_space<vmem>>
    %dma_start3A_61 = arith.constant 0 : i32
    %dma_start3A_62 = arith.constant 0 : i32
    %dma_start3A_63 = tpu.memref_slice %arg4[%dma_start3A_61, %dma_start3A_62] : memref<1000000x64xf32, #tpu.memory_space<hbm>> -> memref<1000000x64xf32, #tpu.memory_space<hbm>>
    tpu.enqueue_indirect_dma source(%dma_start3A_63 : memref<1000000x64xf32, #tpu.memory_space<hbm>>) target(%arg11 : memref<128x64xf32, #tpu.memory_space<vmem>>) offsets(%dma_start3A_60 : memref<128xi32, #tpu.memory_space<vmem>>) semaphore(%arg20 : memref<!tpu.dma_semaphore, #tpu.memory_space<semaphore_mem>>)
    %scan3A = arith.constant 0 : i32
    %scan3A_64 = arith.constant 0 : i32
    %scan3A_65 = arith.constant 50 : i32
    %scan3A_66 = arith.addi %scan3A_64, %scan3A_65 : i32
    %scan3A_67 = arith.constant 1 : i32
    scf.for %scan3A_148 = %scan3A_64 to %scan3A_66 step %scan3A_67  : i32 {
      %mul3A_149 = arith.constant 4 : i32
      %mul3A_150 = arith.muli %mul3A_149, %scan3A_148 : i32
      %gt3A = arith.constant 0 : i32
      %gt3A_151 = arith.cmpi sgt, %scan3A_148, %gt3A : i32
      %convert_element_type3A = arith.extui %gt3A_151 : i1 to i32
      %cond3A = arith.constant 0 : i32
      %cond3A_152 = arith.cmpi ne, %convert_element_type3A, %cond3A : i32
      scf.if %cond3A_152 {
        %dma_wait3A_464 = arith.constant 0 : i32
        %dma_wait3A_465 = arith.constant 0 : i32
        %dma_wait3A_466 = arith.constant 0 : i32
        %dma_wait3A_467 = arith.constant 0 : i32
        %dma_wait3A_468 = arith.constant 0 : i32
        %dma_wait3A_469 = tpu.memref_slice %arg12[%dma_wait3A_466, %dma_wait3A_467, %dma_wait3A_468] : memref<8x8x129xf32, #tpu.memory_space<vmem>> -> memref<8x8x128xf32, #tpu.memory_space<vmem>>
        %dma_wait3A_470 = arith.constant 0 : i32
        %dma_wait3A_471 = arith.constant 0 : i32
        %dma_wait3A_472 = arith.constant 0 : i32
        %dma_wait3A_473 = tpu.memref_slice %arg5[%dma_wait3A_464, %dma_wait3A_470, %dma_wait3A_465, %dma_wait3A_471, %dma_wait3A_472] : memref<200x8x32x8x128xf32, #tpu.memory_space<hbm>> -> memref<1x8x1x8x128xf32, #tpu.memory_space<hbm>>
        %dma_wait3A_474 = tpu.memref_squeeze %dma_wait3A_473 : memref<1x8x1x8x128xf32, #tpu.memory_space<hbm>> -> memref<8x8x128xf32, #tpu.memory_space<hbm>>
        %dma_wait3A_475 = arith.constant 0 : i32
        %dma_wait3A_476 = arith.constant 0 : i32
        %dma_wait3A_477 = arith.constant 0 : i32
        %dma_wait3A_478 = tpu.memref_slice %arg5[%dma_wait3A_464, %dma_wait3A_475, %dma_wait3A_465, %dma_wait3A_476, %dma_wait3A_477] : memref<200x8x32x8x128xf32, #tpu.memory_space<hbm>> -> memref<1x8x1x8x128xf32, #tpu.memory_space<hbm>>
        %dma_wait3A_479 = tpu.memref_squeeze %dma_wait3A_478 : memref<1x8x1x8x128xf32, #tpu.memory_space<hbm>> -> memref<8x8x128xf32, #tpu.memory_space<hbm>>
        %dma_wait3A_480 = arith.constant 0 : i32
        %dma_wait3A_481 = arith.constant 0 : i32
        %dma_wait3A_482 = arith.constant 0 : i32
        %dma_wait3A_483 = tpu.memref_slice %arg12[%dma_wait3A_480, %dma_wait3A_481, %dma_wait3A_482] : memref<8x8x129xf32, #tpu.memory_space<vmem>> -> memref<8x8x128xf32, #tpu.memory_space<vmem>>
        tpu.wait_dma2 semaphore(%arg21 : memref<!tpu.dma_semaphore, #tpu.memory_space<semaphore_mem>>) src(%dma_wait3A_483 : memref<8x8x128xf32, #tpu.memory_space<vmem>>) dst(%dma_wait3A_479 : memref<8x8x128xf32, #tpu.memory_space<hbm>>)
      } else {
      }
      %dma_wait3A_153 = arith.constant 0 : i32
      %dma_wait3A_154 = arith.constant 0 : i32
      %dma_wait3A_155 = tpu.memref_slice %arg6[%dma_wait3A_153, %dma_wait3A_154] : memref<200x128xi32, #tpu.memory_space<vmem>> -> memref<1x128xi32, #tpu.memory_space<vmem>>
      %dma_wait3A_156 = tpu.memref_squeeze %dma_wait3A_155 : memref<1x128xi32, #tpu.memory_space<vmem>> -> memref<128xi32, #tpu.memory_space<vmem>>
      %dma_wait3A_157 = arith.constant 0 : i32
      %dma_wait3A_158 = arith.constant 0 : i32
      %dma_wait3A_159 = tpu.memref_slice %arg4[%dma_wait3A_157, %dma_wait3A_158] : memref<1000000x64xf32, #tpu.memory_space<hbm>> -> memref<1000000x64xf32, #tpu.memory_space<hbm>>
      tpu.wait_indirect_dma semaphore(%arg17 : memref<!tpu.dma_semaphore, #tpu.memory_space<semaphore_mem>>) src(%dma_wait3A_159 : memref<1000000x64xf32, #tpu.memory_space<hbm>>) dst(%arg8 : memref<128x64xf32, #tpu.memory_space<vmem>>)
      %add3A_160 = arith.constant 0 : i32
      %add3A_161 = arith.addi %mul3A_150, %add3A_160 : i32
      %broadcast_in_dim3A = vector.broadcast %add3A_161 : i32 to vector<16xi32>
      %add3A_162 = arith.constant 1 : i32
      %add3A_163 = arith.addi %add3A_161, %add3A_162 : i32
      %mul3A_164 = arith.constant 64 : i32
      %mul3A_165 = arith.muli %add3A_163, %mul3A_164 : i32
      %add3A_166 = arith.constant 0 : i32
      %add3A_167 = arith.addi %mul3A_165, %add3A_166 : i32
      %add3A_168 = vector.broadcast %add3A_167 : i32 to vector<16xi32>
      %add3A_169 = arith.addi %add3A_168, %iota3A : vector<16xi32>
      %gather3A = tpu.vector_load_idx %arg7[%add3A_169] : memref<12864xf32, #tpu.memory_space<vmem>>[vector<16xi32>], vector<16xf32>,
      %add3A_170 = arith.constant 16 : i32
      %add3A_171 = arith.addi %mul3A_165, %add3A_170 : i32
      %add3A_172 = vector.broadcast %add3A_171 : i32 to vector<16xi32>
      %add3A_173 = arith.addi %add3A_172, %iota3A : vector<16xi32>
      %gather3A_174 = tpu.vector_load_idx %arg7[%add3A_173] : memref<12864xf32, #tpu.memory_space<vmem>>[vector<16xi32>], vector<16xf32>,
      %add3A_175 = arith.constant 32 : i32
      %add3A_176 = arith.addi %mul3A_165, %add3A_175 : i32
      %add3A_177 = vector.broadcast %add3A_176 : i32 to vector<16xi32>
      %add3A_178 = arith.addi %add3A_177, %iota3A : vector<16xi32>
      %gather3A_179 = tpu.vector_load_idx %arg7[%add3A_178] : memref<12864xf32, #tpu.memory_space<vmem>>[vector<16xi32>], vector<16xf32>,
      %add3A_180 = arith.constant 48 : i32
      %add3A_181 = arith.addi %mul3A_165, %add3A_180 : i32
      %add3A_182 = vector.broadcast %add3A_181 : i32 to vector<16xi32>
      %add3A_183 = arith.addi %add3A_182, %iota3A : vector<16xi32>
      %gather3A_184 = tpu.vector_load_idx %arg7[%add3A_183] : memref<12864xf32, #tpu.memory_space<vmem>>[vector<16xi32>], vector<16xf32>,
      %get3A = arith.constant 0 : index
      %get3A_185 = tpu.vector_load %arg16[%get3A] {strides = array<i32>} : memref<80xi32, #tpu.memory_space<vmem>>, vector<16xi32>,
      %get3A_186 = arith.constant 16 : index
      %get3A_187 = tpu.vector_load %arg16[%get3A_186] {strides = array<i32>} : memref<80xi32, #tpu.memory_space<vmem>>, vector<16xi32>,
      %get3A_188 = arith.constant 32 : index
      %get3A_189 = tpu.vector_load %arg16[%get3A_188] {strides = array<i32>} : memref<80xi32, #tpu.memory_space<vmem>>, vector<16xi32>,
      %get3A_190 = arith.constant 48 : index
      %get3A_191 = tpu.vector_load %arg16[%get3A_190] {strides = array<i32>} : memref<80xi32, #tpu.memory_space<vmem>>, vector<16xi32>,
      %get3A_192 = arith.constant 64 : index
      %get3A_193 = tpu.vector_load %arg16[%get3A_192] {strides = array<i32>} : memref<80xi32, #tpu.memory_space<vmem>>, vector<16xi32>,
      %scan3A_194 = arith.constant 0 : i32
      %scan3A_195 = arith.constant 0 : i32
      %scan3A_196 = arith.constant 8 : i32
      %scan3A_197 = arith.addi %scan3A_195, %scan3A_196 : i32
      %scan3A_198 = arith.constant 1 : i32
      scf.for %scan3A_464 = %scan3A_195 to %scan3A_197 step %scan3A_198  : i32 {
        %mul3A_465 = arith.constant 16 : i32
        %mul3A_466 = arith.muli %scan3A_464, %mul3A_465 : i32
        %add3A_467 = arith.constant 0 : i32
        %add3A_468 = arith.addi %mul3A_466, %add3A_467 : i32
        %add3A_469 = arith.constant 0 : i32
        %add3A_470 = arith.addi %add3A_468, %add3A_469 : i32
        %add3A_471 = arith.constant 0 : i32
        %add3A_472 = arith.addi %mul3A_466, %add3A_471 : i32
        %add3A_473 = arith.constant 1 : i32
        %add3A_474 = arith.addi %add3A_472, %add3A_473 : i32
        %add3A_475 = arith.constant 0 : i32
        %add3A_476 = arith.addi %mul3A_466, %add3A_475 : i32
        %add3A_477 = arith.constant 2 : i32
        %add3A_478 = arith.addi %add3A_476, %add3A_477 : i32
        %add3A_479 = arith.constant 0 : i32
        %add3A_480 = arith.addi %mul3A_466, %add3A_479 : i32
        %add3A_481 = arith.constant 3 : i32
        %add3A_482 = arith.addi %add3A_480, %add3A_481 : i32
        %broadcast_in_dim3A_483 = vector.broadcast %add3A_470 : i32 to vector<16xi32>
        %gather3A_484 = tpu.vector_load_idx %arg6[%broadcast_in_dim3A, %broadcast_in_dim3A_483] : memref<200x128xi32, #tpu.memory_space<vmem>>[vector<16xi32>, vector<16xi32>], vector<16xi32>,
        %broadcast_in_dim3A_485 = vector.broadcast %add3A_474 : i32 to vector<16xi32>
        %gather3A_486 = tpu.vector_load_idx %arg6[%broadcast_in_dim3A, %broadcast_in_dim3A_485] : memref<200x128xi32, #tpu.memory_space<vmem>>[vector<16xi32>, vector<16xi32>], vector<16xi32>,
        %broadcast_in_dim3A_487 = vector.broadcast %add3A_478 : i32 to vector<16xi32>
        %gather3A_488 = tpu.vector_load_idx %arg6[%broadcast_in_dim3A, %broadcast_in_dim3A_487] : memref<200x128xi32, #tpu.memory_space<vmem>>[vector<16xi32>, vector<16xi32>], vector<16xi32>,
        %broadcast_in_dim3A_489 = vector.broadcast %add3A_482 : i32 to vector<16xi32>
        %gather3A_490 = tpu.vector_load_idx %arg6[%broadcast_in_dim3A, %broadcast_in_dim3A_489] : memref<200x128xi32, #tpu.memory_space<vmem>>[vector<16xi32>, vector<16xi32>], vector<16xi32>,
        %gt3A_491 = arith.constant 0 : i32
        %gt3A_492 = vector.broadcast %gt3A_491 : i32 to vector<16xi32>
        %gt3A_493 = arith.cmpi sgt, %gather3A_484, %gt3A_492 : vector<16xi32>
        %jit3A = arith.constant 1.000000e+00 : f32
        %jit3A_494 = arith.constant 0.000000e+00 : f32
        %broadcast_in_dim3A_495 = vector.broadcast %jit3A : f32 to vector<16xf32>
        %broadcast_in_dim3A_496 = vector.broadcast %jit3A_494 : f32 to vector<16xf32>
        %select_n3A = arith.select %gt3A_493, %broadcast_in_dim3A_495, %broadcast_in_dim3A_496 : vector<16xi1>, vector<16xf32>
        %gt3A_497 = arith.constant 0 : i32
        %gt3A_498 = vector.broadcast %gt3A_497 : i32 to vector<16xi32>
        %gt3A_499 = arith.cmpi sgt, %gather3A_486, %gt3A_498 : vector<16xi32>
        %jit3A_500 = arith.constant 1.000000e+00 : f32
        %jit3A_501 = arith.constant 0.000000e+00 : f32
        %broadcast_in_dim3A_502 = vector.broadcast %jit3A_500 : f32 to vector<16xf32>
        %broadcast_in_dim3A_503 = vector.broadcast %jit3A_501 : f32 to vector<16xf32>
        %select_n3A_504 = arith.select %gt3A_499, %broadcast_in_dim3A_502, %broadcast_in_dim3A_503 : vector<16xi1>, vector<16xf32>
        %gt3A_505 = arith.constant 0 : i32
        %gt3A_506 = vector.broadcast %gt3A_505 : i32 to vector<16xi32>
        %gt3A_507 = arith.cmpi sgt, %gather3A_488, %gt3A_506 : vector<16xi32>
        %jit3A_508 = arith.constant 1.000000e+00 : f32
        %jit3A_509 = arith.constant 0.000000e+00 : f32
        %broadcast_in_dim3A_510 = vector.broadcast %jit3A_508 : f32 to vector<16xf32>
        %broadcast_in_dim3A_511 = vector.broadcast %jit3A_509 : f32 to vector<16xf32>
        %select_n3A_512 = arith.select %gt3A_507, %broadcast_in_dim3A_510, %broadcast_in_dim3A_511 : vector<16xi1>, vector<16xf32>
        %gt3A_513 = arith.constant 0 : i32
        %gt3A_514 = vector.broadcast %gt3A_513 : i32 to vector<16xi32>
        %gt3A_515 = arith.cmpi sgt, %gather3A_490, %gt3A_514 : vector<16xi32>
        %jit3A_516 = arith.constant 1.000000e+00 : f32
        %jit3A_517 = arith.constant 0.000000e+00 : f32
        %broadcast_in_dim3A_518 = vector.broadcast %jit3A_516 : f32 to vector<16xf32>
        %broadcast_in_dim3A_519 = vector.broadcast %jit3A_517 : f32 to vector<16xf32>
        %select_n3A_520 = arith.select %gt3A_515, %broadcast_in_dim3A_518, %broadcast_in_dim3A_519 : vector<16xi1>, vector<16xf32>
        %get3A_521 = arith.index_cast %add3A_470 : i32 to index
        %get3A_522 = arith.constant 0 : index
        %get3A_523 = tpu.vector_load %arg8[%get3A_521, %get3A_522] {strides = array<i32>} : memref<128x64xf32, #tpu.memory_space<vmem>>, vector<16xf32>,
        %get3A_524 = arith.index_cast %add3A_470 : i32 to index
        %get3A_525 = arith.constant 16 : index
        %get3A_526 = tpu.vector_load %arg8[%get3A_524, %get3A_525] {strides = array<i32>} : memref<128x64xf32, #tpu.memory_space<vmem>>, vector<16xf32>,
        %get3A_527 = arith.index_cast %add3A_470 : i32 to index
        %get3A_528 = arith.constant 32 : index
        %get3A_529 = tpu.vector_load %arg8[%get3A_527, %get3A_528] {strides = array<i32>} : memref<128x64xf32, #tpu.memory_space<vmem>>, vector<16xf32>,
        %get3A_530 = arith.index_cast %add3A_470 : i32 to index
        %get3A_531 = arith.constant 48 : index
        %get3A_532 = tpu.vector_load %arg8[%get3A_530, %get3A_531] {strides = array<i32>} : memref<128x64xf32, #tpu.memory_space<vmem>>, vector<16xf32>,
        %get3A_533 = arith.index_cast %add3A_474 : i32 to index
        %get3A_534 = arith.constant 0 : index
        %get3A_535 = tpu.vector_load %arg8[%get3A_533, %get3A_534] {strides = array<i32>} : memref<128x64xf32, #tpu.memory_space<vmem>>, vector<16xf32>,
        %get3A_536 = arith.index_cast %add3A_474 : i32 to index
        %get3A_537 = arith.constant 16 : index
        %get3A_538 = tpu.vector_load %arg8[%get3A_536, %get3A_537] {strides = array<i32>} : memref<128x64xf32, #tpu.memory_space<vmem>>, vector<16xf32>,
        %get3A_539 = arith.index_cast %add3A_474 : i32 to index
        %get3A_540 = arith.constant 32 : index
        %get3A_541 = tpu.vector_load %arg8[%get3A_539, %get3A_540] {strides = array<i32>} : memref<128x64xf32, #tpu.memory_space<vmem>>, vector<16xf32>,
        %get3A_542 = arith.index_cast %add3A_474 : i32 to index
        %get3A_543 = arith.constant 48 : index
        %get3A_544 = tpu.vector_load %arg8[%get3A_542, %get3A_543] {strides = array<i32>} : memref<128x64xf32, #tpu.memory_space<vmem>>, vector<16xf32>,
        %get3A_545 = arith.index_cast %add3A_478 : i32 to index
        %get3A_546 = arith.constant 0 : index
        %get3A_547 = tpu.vector_load %arg8[%get3A_545, %get3A_546] {strides = array<i32>} : memref<128x64xf32, #tpu.memory_space<vmem>>, vector<16xf32>,
        %get3A_548 = arith.index_cast %add3A_478 : i32 to index
        %get3A_549 = arith.constant 16 : index
        %get3A_550 = tpu.vector_load %arg8[%get3A_548, %get3A_549] {strides = array<i32>} : memref<128x64xf32, #tpu.memory_space<vmem>>, vector<16xf32>,
        %get3A_551 = arith.index_cast %add3A_478 : i32 to index
        %get3A_552 = arith.constant 32 : index
        %get3A_553 = tpu.vector_load %arg8[%get3A_551, %get3A_552] {strides = array<i32>} : memref<128x64xf32, #tpu.memory_space<vmem>>, vector<16xf32>,
        %get3A_554 = arith.index_cast %add3A_478 : i32 to index
        %get3A_555 = arith.constant 48 : index
        %get3A_556 = tpu.vector_load %arg8[%get3A_554, %get3A_555] {strides = array<i32>} : memref<128x64xf32, #tpu.memory_space<vmem>>, vector<16xf32>,
        %get3A_557 = arith.index_cast %add3A_482 : i32 to index
        %get3A_558 = arith.constant 0 : index
        %get3A_559 = tpu.vector_load %arg8[%get3A_557, %get3A_558] {strides = array<i32>} : memref<128x64xf32, #tpu.memory_space<vmem>>, vector<16xf32>,
        %get3A_560 = arith.index_cast %add3A_482 : i32 to index
        %get3A_561 = arith.constant 16 : index
        %get3A_562 = tpu.vector_load %arg8[%get3A_560, %get3A_561] {strides = array<i32>} : memref<128x64xf32, #tpu.memory_space<vmem>>, vector<16xf32>,
        %get3A_563 = arith.index_cast %add3A_482 : i32 to index
        %get3A_564 = arith.constant 32 : index
        %get3A_565 = tpu.vector_load %arg8[%get3A_563, %get3A_564] {strides = array<i32>} : memref<128x64xf32, #tpu.memory_space<vmem>>, vector<16xf32>,
        %get3A_566 = arith.index_cast %add3A_482 : i32 to index
        %get3A_567 = arith.constant 48 : index
        %get3A_568 = tpu.vector_load %arg8[%get3A_566, %get3A_567] {strides = array<i32>} : memref<128x64xf32, #tpu.memory_space<vmem>>, vector<16xf32>,
        %mul3A_569 = arith.mulf %gather3A, %select_n3A : vector<16xf32>
        %mul3A_570 = arith.mulf %gather3A_174, %select_n3A : vector<16xf32>
        %mul3A_571 = arith.mulf %gather3A_179, %select_n3A : vector<16xf32>
        %mul3A_572 = arith.mulf %gather3A_184, %select_n3A : vector<16xf32>
        %mul3A_573 = arith.mulf %gather3A, %select_n3A_504 : vector<16xf32>
        %mul3A_574 = arith.mulf %gather3A_174, %select_n3A_504 : vector<16xf32>
        %mul3A_575 = arith.mulf %gather3A_179, %select_n3A_504 : vector<16xf32>
        %mul3A_576 = arith.mulf %gather3A_184, %select_n3A_504 : vector<16xf32>
        %mul3A_577 = arith.mulf %gather3A, %select_n3A_512 : vector<16xf32>
        %mul3A_578 = arith.mulf %gather3A_174, %select_n3A_512 : vector<16xf32>
        %mul3A_579 = arith.mulf %gather3A_179, %select_n3A_512 : vector<16xf32>
        %mul3A_580 = arith.mulf %gather3A_184, %select_n3A_512 : vector<16xf32>
        %mul3A_581 = arith.mulf %gather3A, %select_n3A_520 : vector<16xf32>
        %mul3A_582 = arith.mulf %gather3A_174, %select_n3A_520 : vector<16xf32>
        %mul3A_583 = arith.mulf %gather3A_179, %select_n3A_520 : vector<16xf32>
        %mul3A_584 = arith.mulf %gather3A_184, %select_n3A_520 : vector<16xf32>
        %add3A_585 = arith.addf %get3A_523, %mul3A_569 : vector<16xf32>
        %add3A_586 = arith.addf %get3A_526, %mul3A_570 : vector<16xf32>
        %add3A_587 = arith.addf %get3A_529, %mul3A_571 : vector<16xf32>
        %add3A_588 = arith.addf %get3A_532, %mul3A_572 : vector<16xf32>
        %add3A_589 = arith.addf %get3A_535, %mul3A_573 : vector<16xf32>
        %add3A_590 = arith.addf %get3A_538, %mul3A_574 : vector<16xf32>
        %add3A_591 = arith.addf %get3A_541, %mul3A_575 : vector<16xf32>
        %add3A_592 = arith.addf %get3A_544, %mul3A_576 : vector<16xf32>
        %add3A_593 = arith.addf %get3A_547, %mul3A_577 : vector<16xf32>
        %add3A_594 = arith.addf %get3A_550, %mul3A_578 : vector<16xf32>
        %add3A_595 = arith.addf %get3A_553, %mul3A_579 : vector<16xf32>
        %add3A_596 = arith.addf %get3A_556, %mul3A_580 : vector<16xf32>
        %add3A_597 = arith.addf %get3A_559, %mul3A_581 : vector<16xf32>
        %add3A_598 = arith.addf %get3A_562, %mul3A_582 : vector<16xf32>
        %add3A_599 = arith.addf %get3A_565, %mul3A_583 : vector<16xf32>
        %add3A_600 = arith.addf %get3A_568, %mul3A_584 : vector<16xf32>
        %broadcast_in_dim3A_601 = vector.broadcast %add3A_470 : i32 to vector<16xi32>
        tpu.vector_store_idx %arg12[%get3A_185, %get3A_193, %broadcast_in_dim3A_601], %add3A_585 : memref<8x8x129xf32, #tpu.memory_space<vmem>>[vector<16xi32>, vector<16xi32>, vector<16xi32>], vector<16xf32>,
        tpu.vector_store_idx %arg12[%get3A_187, %get3A_193, %broadcast_in_dim3A_601], %add3A_586 : memref<8x8x129xf32, #tpu.memory_space<vmem>>[vector<16xi32>, vector<16xi32>, vector<16xi32>], vector<16xf32>,
        tpu.vector_store_idx %arg12[%get3A_189, %get3A_193, %broadcast_in_dim3A_601], %add3A_587 : memref<8x8x129xf32, #tpu.memory_space<vmem>>[vector<16xi32>, vector<16xi32>, vector<16xi32>], vector<16xf32>,
        tpu.vector_store_idx %arg12[%get3A_191, %get3A_193, %broadcast_in_dim3A_601], %add3A_588 : memref<8x8x129xf32, #tpu.memory_space<vmem>>[vector<16xi32>, vector<16xi32>, vector<16xi32>], vector<16xf32>,
        %broadcast_in_dim3A_602 = vector.broadcast %add3A_474 : i32 to vector<16xi32>
        tpu.vector_store_idx %arg12[%get3A_185, %get3A_193, %broadcast_in_dim3A_602], %add3A_589 : memref<8x8x129xf32, #tpu.memory_space<vmem>>[vector<16xi32>, vector<16xi32>, vector<16xi32>], vector<16xf32>,
        tpu.vector_store_idx %arg12[%get3A_187, %get3A_193, %broadcast_in_dim3A_602], %add3A_590 : memref<8x8x129xf32, #tpu.memory_space<vmem>>[vector<16xi32>, vector<16xi32>, vector<16xi32>], vector<16xf32>,
        tpu.vector_store_idx %arg12[%get3A_189, %get3A_193, %broadcast_in_dim3A_602], %add3A_591 : memref<8x8x129xf32, #tpu.memory_space<vmem>>[vector<16xi32>, vector<16xi32>, vector<16xi32>], vector<16xf32>,
        tpu.vector_store_idx %arg12[%get3A_191, %get3A_193, %broadcast_in_dim3A_602], %add3A_592 : memref<8x8x129xf32, #tpu.memory_space<vmem>>[vector<16xi32>, vector<16xi32>, vector<16xi32>], vector<16xf32>,
        %broadcast_in_dim3A_603 = vector.broadcast %add3A_478 : i32 to vector<16xi32>
        tpu.vector_store_idx %arg12[%get3A_185, %get3A_193, %broadcast_in_dim3A_603], %add3A_593 : memref<8x8x129xf32, #tpu.memory_space<vmem>>[vector<16xi32>, vector<16xi32>, vector<16xi32>], vector<16xf32>,
        tpu.vector_store_idx %arg12[%get3A_187, %get3A_193, %broadcast_in_dim3A_603], %add3A_594 : memref<8x8x129xf32, #tpu.memory_space<vmem>>[vector<16xi32>, vector<16xi32>, vector<16xi32>], vector<16xf32>,
        tpu.vector_store_idx %arg12[%get3A_189, %get3A_193, %broadcast_in_dim3A_603], %add3A_595 : memref<8x8x129xf32, #tpu.memory_space<vmem>>[vector<16xi32>, vector<16xi32>, vector<16xi32>], vector<16xf32>,
        tpu.vector_store_idx %arg12[%get3A_191, %get3A_193, %broadcast_in_dim3A_603], %add3A_596 : memref<8x8x129xf32, #tpu.memory_space<vmem>>[vector<16xi32>, vector<16xi32>, vector<16xi32>], vector<16xf32>,
        %broadcast_in_dim3A_604 = vector.broadcast %add3A_482 : i32 to vector<16xi32>
        tpu.vector_store_idx %arg12[%get3A_185, %get3A_193, %broadcast_in_dim3A_604], %add3A_597 : memref<8x8x129xf32, #tpu.memory_space<vmem>>[vector<16xi32>, vector<16xi32>, vector<16xi32>], vector<16xf32>,
        tpu.vector_store_idx %arg12[%get3A_187, %get3A_193, %broadcast_in_dim3A_604], %add3A_598 : memref<8x8x129xf32, #tpu.memory_space<vmem>>[vector<16xi32>, vector<16xi32>, vector<16xi32>], vector<16xf32>,
        tpu.vector_store_idx %arg12[%get3A_189, %get3A_193, %broadcast_in_dim3A_604], %add3A_599 : memref<8x8x129xf32, #tpu.memory_space<vmem>>[vector<16xi32>, vector<16xi32>, vector<16xi32>], vector<16xf32>,
        tpu.vector_store_idx %arg12[%get3A_191, %get3A_193, %broadcast_in_dim3A_604], %add3A_600 : memref<8x8x129xf32, #tpu.memory_space<vmem>>[vector<16xi32>, vector<16xi32>, vector<16xi32>], vector<16xf32>,
        %add3A_605 = arith.constant 4 : i32
        %add3A_606 = arith.addi %mul3A_466, %add3A_605 : i32
        %add3A_607 = arith.constant 0 : i32
        %add3A_608 = arith.addi %add3A_606, %add3A_607 : i32
        %add3A_609 = arith.constant 4 : i32
        %add3A_610 = arith.addi %mul3A_466, %add3A_609 : i32
        %add3A_611 = arith.constant 1 : i32
        %add3A_612 = arith.addi %add3A_610, %add3A_611 : i32
        %add3A_613 = arith.constant 4 : i32
        %add3A_614 = arith.addi %mul3A_466, %add3A_613 : i32
        %add3A_615 = arith.constant 2 : i32
        %add3A_616 = arith.addi %add3A_614, %add3A_615 : i32
        %add3A_617 = arith.constant 4 : i32
        %add3A_618 = arith.addi %mul3A_466, %add3A_617 : i32
        %add3A_619 = arith.constant 3 : i32
        %add3A_620 = arith.addi %add3A_618, %add3A_619 : i32
        %broadcast_in_dim3A_621 = vector.broadcast %add3A_608 : i32 to vector<16xi32>
        %gather3A_622 = tpu.vector_load_idx %arg6[%broadcast_in_dim3A, %broadcast_in_dim3A_621] : memref<200x128xi32, #tpu.memory_space<vmem>>[vector<16xi32>, vector<16xi32>], vector<16xi32>,
        %broadcast_in_dim3A_623 = vector.broadcast %add3A_612 : i32 to vector<16xi32>
        %gather3A_624 = tpu.vector_load_idx %arg6[%broadcast_in_dim3A, %broadcast_in_dim3A_623] : memref<200x128xi32, #tpu.memory_space<vmem>>[vector<16xi32>, vector<16xi32>], vector<16xi32>,
        %broadcast_in_dim3A_625 = vector.broadcast %add3A_616 : i32 to vector<16xi32>
        %gather3A_626 = tpu.vector_load_idx %arg6[%broadcast_in_dim3A, %broadcast_in_dim3A_625] : memref<200x128xi32, #tpu.memory_space<vmem>>[vector<16xi32>, vector<16xi32>], vector<16xi32>,
        %broadcast_in_dim3A_627 = vector.broadcast %add3A_620 : i32 to vector<16xi32>
        %gather3A_628 = tpu.vector_load_idx %arg6[%broadcast_in_dim3A, %broadcast_in_dim3A_627] : memref<200x128xi32, #tpu.memory_space<vmem>>[vector<16xi32>, vector<16xi32>], vector<16xi32>,
        %gt3A_629 = arith.constant 0 : i32
        %gt3A_630 = vector.broadcast %gt3A_629 : i32 to vector<16xi32>
        %gt3A_631 = arith.cmpi sgt, %gather3A_622, %gt3A_630 : vector<16xi32>
        %jit3A_632 = arith.constant 1.000000e+00 : f32
        %jit3A_633 = arith.constant 0.000000e+00 : f32
        %broadcast_in_dim3A_634 = vector.broadcast %jit3A_632 : f32 to vector<16xf32>
        %broadcast_in_dim3A_635 = vector.broadcast %jit3A_633 : f32 to vector<16xf32>
        %select_n3A_636 = arith.select %gt3A_631, %broadcast_in_dim3A_634, %broadcast_in_dim3A_635 : vector<16xi1>, vector<16xf32>
        %gt3A_637 = arith.constant 0 : i32
        %gt3A_638 = vector.broadcast %gt3A_637 : i32 to vector<16xi32>
        %gt3A_639 = arith.cmpi sgt, %gather3A_624, %gt3A_638 : vector<16xi32>
        %jit3A_640 = arith.constant 1.000000e+00 : f32
        %jit3A_641 = arith.constant 0.000000e+00 : f32
        %broadcast_in_dim3A_642 = vector.broadcast %jit3A_640 : f32 to vector<16xf32>
        %broadcast_in_dim3A_643 = vector.broadcast %jit3A_641 : f32 to vector<16xf32>
        %select_n3A_644 = arith.select %gt3A_639, %broadcast_in_dim3A_642, %broadcast_in_dim3A_643 : vector<16xi1>, vector<16xf32>
        %gt3A_645 = arith.constant 0 : i32
        %gt3A_646 = vector.broadcast %gt3A_645 : i32 to vector<16xi32>
        %gt3A_647 = arith.cmpi sgt, %gather3A_626, %gt3A_646 : vector<16xi32>
        %jit3A_648 = arith.constant 1.000000e+00 : f32
        %jit3A_649 = arith.constant 0.000000e+00 : f32
        %broadcast_in_dim3A_650 = vector.broadcast %jit3A_648 : f32 to vector<16xf32>
        %broadcast_in_dim3A_651 = vector.broadcast %jit3A_649 : f32 to vector<16xf32>
        %select_n3A_652 = arith.select %gt3A_647, %broadcast_in_dim3A_650, %broadcast_in_dim3A_651 : vector<16xi1>, vector<16xf32>
        %gt3A_653 = arith.constant 0 : i32
        %gt3A_654 = vector.broadcast %gt3A_653 : i32 to vector<16xi32>
        %gt3A_655 = arith.cmpi sgt, %gather3A_628, %gt3A_654 : vector<16xi32>
        %jit3A_656 = arith.constant 1.000000e+00 : f32
        %jit3A_657 = arith.constant 0.000000e+00 : f32
        %broadcast_in_dim3A_658 = vector.broadcast %jit3A_656 : f32 to vector<16xf32>
        %broadcast_in_dim3A_659 = vector.broadcast %jit3A_657 : f32 to vector<16xf32>
        %select_n3A_660 = arith.select %gt3A_655, %broadcast_in_dim3A_658, %broadcast_in_dim3A_659 : vector<16xi1>, vector<16xf32>
        %get3A_661 = arith.index_cast %add3A_608 : i32 to index
        %get3A_662 = arith.constant 0 : index
        %get3A_663 = tpu.vector_load %arg8[%get3A_661, %get3A_662] {strides = array<i32>} : memref<128x64xf32, #tpu.memory_space<vmem>>, vector<16xf32>,
        %get3A_664 = arith.index_cast %add3A_608 : i32 to index
        %get3A_665 = arith.constant 16 : index
        %get3A_666 = tpu.vector_load %arg8[%get3A_664, %get3A_665] {strides = array<i32>} : memref<128x64xf32, #tpu.memory_space<vmem>>, vector<16xf32>,
        %get3A_667 = arith.index_cast %add3A_608 : i32 to index
        %get3A_668 = arith.constant 32 : index
        %get3A_669 = tpu.vector_load %arg8[%get3A_667, %get3A_668] {strides = array<i32>} : memref<128x64xf32, #tpu.memory_space<vmem>>, vector<16xf32>,
        %get3A_670 = arith.index_cast %add3A_608 : i32 to index
        %get3A_671 = arith.constant 48 : index
        %get3A_672 = tpu.vector_load %arg8[%get3A_670, %get3A_671] {strides = array<i32>} : memref<128x64xf32, #tpu.memory_space<vmem>>, vector<16xf32>,
        %get3A_673 = arith.index_cast %add3A_612 : i32 to index
        %get3A_674 = arith.constant 0 : index
        %get3A_675 = tpu.vector_load %arg8[%get3A_673, %get3A_674] {strides = array<i32>} : memref<128x64xf32, #tpu.memory_space<vmem>>, vector<16xf32>,
        %get3A_676 = arith.index_cast %add3A_612 : i32 to index
        %get3A_677 = arith.constant 16 : index
        %get3A_678 = tpu.vector_load %arg8[%get3A_676, %get3A_677] {strides = array<i32>} : memref<128x64xf32, #tpu.memory_space<vmem>>, vector<16xf32>,
        %get3A_679 = arith.index_cast %add3A_612 : i32 to index
        %get3A_680 = arith.constant 32 : index
        %get3A_681 = tpu.vector_load %arg8[%get3A_679, %get3A_680] {strides = array<i32>} : memref<128x64xf32, #tpu.memory_space<vmem>>, vector<16xf32>,
        %get3A_682 = arith.index_cast %add3A_612 : i32 to index
        %get3A_683 = arith.constant 48 : index
        %get3A_684 = tpu.vector_load %arg8[%get3A_682, %get3A_683] {strides = array<i32>} : memref<128x64xf32, #tpu.memory_space<vmem>>, vector<16xf32>,
        %get3A_685 = arith.index_cast %add3A_616 : i32 to index
        %get3A_686 = arith.constant 0 : index
        %get3A_687 = tpu.vector_load %arg8[%get3A_685, %get3A_686] {strides = array<i32>} : memref<128x64xf32, #tpu.memory_space<vmem>>, vector<16xf32>,
        %get3A_688 = arith.index_cast %add3A_616 : i32 to index
        %get3A_689 = arith.constant 16 : index
        %get3A_690 = tpu.vector_load %arg8[%get3A_688, %get3A_689] {strides = array<i32>} : memref<128x64xf32, #tpu.memory_space<vmem>>, vector<16xf32>,
        %get3A_691 = arith.index_cast %add3A_616 : i32 to index
        %get3A_692 = arith.constant 32 : index
        %get3A_693 = tpu.vector_load %arg8[%get3A_691, %get3A_692] {strides = array<i32>} : memref<128x64xf32, #tpu.memory_space<vmem>>, vector<16xf32>,
        %get3A_694 = arith.index_cast %add3A_616 : i32 to index
        %get3A_695 = arith.constant 48 : index
        %get3A_696 = tpu.vector_load %arg8[%get3A_694, %get3A_695] {strides = array<i32>} : memref<128x64xf32, #tpu.memory_space<vmem>>, vector<16xf32>,
        %get3A_697 = arith.index_cast %add3A_620 : i32 to index
        %get3A_698 = arith.constant 0 : index
        %get3A_699 = tpu.vector_load %arg8[%get3A_697, %get3A_698] {strides = array<i32>} : memref<128x64xf32, #tpu.memory_space<vmem>>, vector<16xf32>,
        %get3A_700 = arith.index_cast %add3A_620 : i32 to index
        %get3A_701 = arith.constant 16 : index
        %get3A_702 = tpu.vector_load %arg8[%get3A_700, %get3A_701] {strides = array<i32>} : memref<128x64xf32, #tpu.memory_space<vmem>>, vector<16xf32>,
        %get3A_703 = arith.index_cast %add3A_620 : i32 to index
        %get3A_704 = arith.constant 32 : index
        %get3A_705 = tpu.vector_load %arg8[%get3A_703, %get3A_704] {strides = array<i32>} : memref<128x64xf32, #tpu.memory_space<vmem>>, vector<16xf32>,
        %get3A_706 = arith.index_cast %add3A_620 : i32 to index
        %get3A_707 = arith.constant 48 : index
        %get3A_708 = tpu.vector_load %arg8[%get3A_706, %get3A_707] {strides = array<i32>} : memref<128x64xf32, #tpu.memory_space<vmem>>, vector<16xf32>,
        %mul3A_709 = arith.mulf %gather3A, %select_n3A_636 : vector<16xf32>
        %mul3A_710 = arith.mulf %gather3A_174, %select_n3A_636 : vector<16xf32>
        %mul3A_711 = arith.mulf %gather3A_179, %select_n3A_636 : vector<16xf32>
        %mul3A_712 = arith.mulf %gather3A_184, %select_n3A_636 : vector<16xf32>
        %mul3A_713 = arith.mulf %gather3A, %select_n3A_644 : vector<16xf32>
        %mul3A_714 = arith.mulf %gather3A_174, %select_n3A_644 : vector<16xf32>
        %mul3A_715 = arith.mulf %gather3A_179, %select_n3A_644 : vector<16xf32>
        %mul3A_716 = arith.mulf %gather3A_184, %select_n3A_644 : vector<16xf32>
        %mul3A_717 = arith.mulf %gather3A, %select_n3A_652 : vector<16xf32>
        %mul3A_718 = arith.mulf %gather3A_174, %select_n3A_652 : vector<16xf32>
        %mul3A_719 = arith.mulf %gather3A_179, %select_n3A_652 : vector<16xf32>
        %mul3A_720 = arith.mulf %gather3A_184, %select_n3A_652 : vector<16xf32>
        %mul3A_721 = arith.mulf %gather3A, %select_n3A_660 : vector<16xf32>
        %mul3A_722 = arith.mulf %gather3A_174, %select_n3A_660 : vector<16xf32>
        %mul3A_723 = arith.mulf %gather3A_179, %select_n3A_660 : vector<16xf32>
        %mul3A_724 = arith.mulf %gather3A_184, %select_n3A_660 : vector<16xf32>
        %add3A_725 = arith.addf %get3A_663, %mul3A_709 : vector<16xf32>
        %add3A_726 = arith.addf %get3A_666, %mul3A_710 : vector<16xf32>
        %add3A_727 = arith.addf %get3A_669, %mul3A_711 : vector<16xf32>
        %add3A_728 = arith.addf %get3A_672, %mul3A_712 : vector<16xf32>
        %add3A_729 = arith.addf %get3A_675, %mul3A_713 : vector<16xf32>
        %add3A_730 = arith.addf %get3A_678, %mul3A_714 : vector<16xf32>
        %add3A_731 = arith.addf %get3A_681, %mul3A_715 : vector<16xf32>
        %add3A_732 = arith.addf %get3A_684, %mul3A_716 : vector<16xf32>
        %add3A_733 = arith.addf %get3A_687, %mul3A_717 : vector<16xf32>
        %add3A_734 = arith.addf %get3A_690, %mul3A_718 : vector<16xf32>
        %add3A_735 = arith.addf %get3A_693, %mul3A_719 : vector<16xf32>
        %add3A_736 = arith.addf %get3A_696, %mul3A_720 : vector<16xf32>
        %add3A_737 = arith.addf %get3A_699, %mul3A_721 : vector<16xf32>
        %add3A_738 = arith.addf %get3A_702, %mul3A_722 : vector<16xf32>
        %add3A_739 = arith.addf %get3A_705, %mul3A_723 : vector<16xf32>
        %add3A_740 = arith.addf %get3A_708, %mul3A_724 : vector<16xf32>
        %broadcast_in_dim3A_741 = vector.broadcast %add3A_608 : i32 to vector<16xi32>
        tpu.vector_store_idx %arg12[%get3A_185, %get3A_193, %broadcast_in_dim3A_741], %add3A_725 : memref<8x8x129xf32, #tpu.memory_space<vmem>>[vector<16xi32>, vector<16xi32>, vector<16xi32>], vector<16xf32>,
        tpu.vector_store_idx %arg12[%get3A_187, %get3A_193, %broadcast_in_dim3A_741], %add3A_726 : memref<8x8x129xf32, #tpu.memory_space<vmem>>[vector<16xi32>, vector<16xi32>, vector<16xi32>], vector<16xf32>,
        tpu.vector_store_idx %arg12[%get3A_189, %get3A_193, %broadcast_in_dim3A_741], %add3A_727 : memref<8x8x129xf32, #tpu.memory_space<vmem>>[vector<16xi32>, vector<16xi32>, vector<16xi32>], vector<16xf32>,
        tpu.vector_store_idx %arg12[%get3A_191, %get3A_193, %broadcast_in_dim3A_741], %add3A_728 : memref<8x8x129xf32, #tpu.memory_space<vmem>>[vector<16xi32>, vector<16xi32>, vector<16xi32>], vector<16xf32>,
        %broadcast_in_dim3A_742 = vector.broadcast %add3A_612 : i32 to vector<16xi32>
        tpu.vector_store_idx %arg12[%get3A_185, %get3A_193, %broadcast_in_dim3A_742], %add3A_729 : memref<8x8x129xf32, #tpu.memory_space<vmem>>[vector<16xi32>, vector<16xi32>, vector<16xi32>], vector<16xf32>,
        tpu.vector_store_idx %arg12[%get3A_187, %get3A_193, %broadcast_in_dim3A_742], %add3A_730 : memref<8x8x129xf32, #tpu.memory_space<vmem>>[vector<16xi32>, vector<16xi32>, vector<16xi32>], vector<16xf32>,
        tpu.vector_store_idx %arg12[%get3A_189, %get3A_193, %broadcast_in_dim3A_742], %add3A_731 : memref<8x8x129xf32, #tpu.memory_space<vmem>>[vector<16xi32>, vector<16xi32>, vector<16xi32>], vector<16xf32>,
        tpu.vector_store_idx %arg12[%get3A_191, %get3A_193, %broadcast_in_dim3A_742], %add3A_732 : memref<8x8x129xf32, #tpu.memory_space<vmem>>[vector<16xi32>, vector<16xi32>, vector<16xi32>], vector<16xf32>,
        %broadcast_in_dim3A_743 = vector.broadcast %add3A_616 : i32 to vector<16xi32>
        tpu.vector_store_idx %arg12[%get3A_185, %get3A_193, %broadcast_in_dim3A_743], %add3A_733 : memref<8x8x129xf32, #tpu.memory_space<vmem>>[vector<16xi32>, vector<16xi32>, vector<16xi32>], vector<16xf32>,
        tpu.vector_store_idx %arg12[%get3A_187, %get3A_193, %broadcast_in_dim3A_743], %add3A_734 : memref<8x8x129xf32, #tpu.memory_space<vmem>>[vector<16xi32>, vector<16xi32>, vector<16xi32>], vector<16xf32>,
        tpu.vector_store_idx %arg12[%get3A_189, %get3A_193, %broadcast_in_dim3A_743], %add3A_735 : memref<8x8x129xf32, #tpu.memory_space<vmem>>[vector<16xi32>, vector<16xi32>, vector<16xi32>], vector<16xf32>,
        tpu.vector_store_idx %arg12[%get3A_191, %get3A_193, %broadcast_in_dim3A_743], %add3A_736 : memref<8x8x129xf32, #tpu.memory_space<vmem>>[vector<16xi32>, vector<16xi32>, vector<16xi32>], vector<16xf32>,
        %broadcast_in_dim3A_744 = vector.broadcast %add3A_620 : i32 to vector<16xi32>
        tpu.vector_store_idx %arg12[%get3A_185, %get3A_193, %broadcast_in_dim3A_744], %add3A_737 : memref<8x8x129xf32, #tpu.memory_space<vmem>>[vector<16xi32>, vector<16xi32>, vector<16xi32>], vector<16xf32>,
        tpu.vector_store_idx %arg12[%get3A_187, %get3A_193, %broadcast_in_dim3A_744], %add3A_738 : memref<8x8x129xf32, #tpu.memory_space<vmem>>[vector<16xi32>, vector<16xi32>, vector<16xi32>], vector<16xf32>,
        tpu.vector_store_idx %arg12[%get3A_189, %get3A_193, %broadcast_in_dim3A_744], %add3A_739 : memref<8x8x129xf32, #tpu.memory_space<vmem>>[vector<16xi32>, vector<16xi32>, vector<16xi32>], vector<16xf32>,
        tpu.vector_store_idx %arg12[%get3A_191, %get3A_193, %broadcast_in_dim3A_744], %add3A_740 : memref<8x8x129xf32, #tpu.memory_space<vmem>>[vector<16xi32>, vector<16xi32>, vector<16xi32>], vector<16xf32>,
        %add3A_745 = arith.constant 8 : i32
        %add3A_746 = arith.addi %mul3A_466, %add3A_745 : i32
        %add3A_747 = arith.constant 0 : i32
        %add3A_748 = arith.addi %add3A_746, %add3A_747 : i32
        %add3A_749 = arith.constant 8 : i32
        %add3A_750 = arith.addi %mul3A_466, %add3A_749 : i32
        %add3A_751 = arith.constant 1 : i32
        %add3A_752 = arith.addi %add3A_750, %add3A_751 : i32
        %add3A_753 = arith.constant 8 : i32
        %add3A_754 = arith.addi %mul3A_466, %add3A_753 : i32
        %add3A_755 = arith.constant 2 : i32
        %add3A_756 = arith.addi %add3A_754, %add3A_755 : i32
        %add3A_757 = arith.constant 8 : i32
        %add3A_758 = arith.addi %mul3A_466, %add3A_757 : i32
        %add3A_759 = arith.constant 3 : i32
        %add3A_760 = arith.addi %add3A_758, %add3A_759 : i32
        %broadcast_in_dim3A_761 = vector.broadcast %add3A_748 : i32 to vector<16xi32>
        %gather3A_762 = tpu.vector_load_idx %arg6[%broadcast_in_dim3A, %broadcast_in_dim3A_761] : memref<200x128xi32, #tpu.memory_space<vmem>>[vector<16xi32>, vector<16xi32>], vector<16xi32>,
        %broadcast_in_dim3A_763 = vector.broadcast %add3A_752 : i32 to vector<16xi32>
        %gather3A_764 = tpu.vector_load_idx %arg6[%broadcast_in_dim3A, %broadcast_in_dim3A_763] : memref<200x128xi32, #tpu.memory_space<vmem>>[vector<16xi32>, vector<16xi32>], vector<16xi32>,
        %broadcast_in_dim3A_765 = vector.broadcast %add3A_756 : i32 to vector<16xi32>
        %gather3A_766 = tpu.vector_load_idx %arg6[%broadcast_in_dim3A, %broadcast_in_dim3A_765] : memref<200x128xi32, #tpu.memory_space<vmem>>[vector<16xi32>, vector<16xi32>], vector<16xi32>,
        %broadcast_in_dim3A_767 = vector.broadcast %add3A_760 : i32 to vector<16xi32>
        %gather3A_768 = tpu.vector_load_idx %arg6[%broadcast_in_dim3A, %broadcast_in_dim3A_767] : memref<200x128xi32, #tpu.memory_space<vmem>>[vector<16xi32>, vector<16xi32>], vector<16xi32>,
        %gt3A_769 = arith.constant 0 : i32
        %gt3A_770 = vector.broadcast %gt3A_769 : i32 to vector<16xi32>
        %gt3A_771 = arith.cmpi sgt, %gather3A_762, %gt3A_770 : vector<16xi32>
        %jit3A_772 = arith.constant 1.000000e+00 : f32
        %jit3A_773 = arith.constant 0.000000e+00 : f32
        %broadcast_in_dim3A_774 = vector.broadcast %jit3A_772 : f32 to vector<16xf32>
        %broadcast_in_dim3A_775 = vector.broadcast %jit3A_773 : f32 to vector<16xf32>
        %select_n3A_776 = arith.select %gt3A_771, %broadcast_in_dim3A_774, %broadcast_in_dim3A_775 : vector<16xi1>, vector<16xf32>
        %gt3A_777 = arith.constant 0 : i32
        %gt3A_778 = vector.broadcast %gt3A_777 : i32 to vector<16xi32>
        %gt3A_779 = arith.cmpi sgt, %gather3A_764, %gt3A_778 : vector<16xi32>
        %jit3A_780 = arith.constant 1.000000e+00 : f32
        %jit3A_781 = arith.constant 0.000000e+00 : f32
        %broadcast_in_dim3A_782 = vector.broadcast %jit3A_780 : f32 to vector<16xf32>
        %broadcast_in_dim3A_783 = vector.broadcast %jit3A_781 : f32 to vector<16xf32>
        %select_n3A_784 = arith.select %gt3A_779, %broadcast_in_dim3A_782, %broadcast_in_dim3A_783 : vector<16xi1>, vector<16xf32>
        %gt3A_785 = arith.constant 0 : i32
        %gt3A_786 = vector.broadcast %gt3A_785 : i32 to vector<16xi32>
        %gt3A_787 = arith.cmpi sgt, %gather3A_766, %gt3A_786 : vector<16xi32>
        %jit3A_788 = arith.constant 1.000000e+00 : f32
        %jit3A_789 = arith.constant 0.000000e+00 : f32
        %broadcast_in_dim3A_790 = vector.broadcast %jit3A_788 : f32 to vector<16xf32>
        %broadcast_in_dim3A_791 = vector.broadcast %jit3A_789 : f32 to vector<16xf32>
        %select_n3A_792 = arith.select %gt3A_787, %broadcast_in_dim3A_790, %broadcast_in_dim3A_791 : vector<16xi1>, vector<16xf32>
        %gt3A_793 = arith.constant 0 : i32
        %gt3A_794 = vector.broadcast %gt3A_793 : i32 to vector<16xi32>
        %gt3A_795 = arith.cmpi sgt, %gather3A_768, %gt3A_794 : vector<16xi32>
        %jit3A_796 = arith.constant 1.000000e+00 : f32
        %jit3A_797 = arith.constant 0.000000e+00 : f32
        %broadcast_in_dim3A_798 = vector.broadcast %jit3A_796 : f32 to vector<16xf32>
        %broadcast_in_dim3A_799 = vector.broadcast %jit3A_797 : f32 to vector<16xf32>
        %select_n3A_800 = arith.select %gt3A_795, %broadcast_in_dim3A_798, %broadcast_in_dim3A_799 : vector<16xi1>, vector<16xf32>
        %get3A_801 = arith.index_cast %add3A_748 : i32 to index
        %get3A_802 = arith.constant 0 : index
        %get3A_803 = tpu.vector_load %arg8[%get3A_801, %get3A_802] {strides = array<i32>} : memref<128x64xf32, #tpu.memory_space<vmem>>, vector<16xf32>,
        %get3A_804 = arith.index_cast %add3A_748 : i32 to index
        %get3A_805 = arith.constant 16 : index
        %get3A_806 = tpu.vector_load %arg8[%get3A_804, %get3A_805] {strides = array<i32>} : memref<128x64xf32, #tpu.memory_space<vmem>>, vector<16xf32>,
        %get3A_807 = arith.index_cast %add3A_748 : i32 to index
        %get3A_808 = arith.constant 32 : index
        %get3A_809 = tpu.vector_load %arg8[%get3A_807, %get3A_808] {strides = array<i32>} : memref<128x64xf32, #tpu.memory_space<vmem>>, vector<16xf32>,
        %get3A_810 = arith.index_cast %add3A_748 : i32 to index
        %get3A_811 = arith.constant 48 : index
        %get3A_812 = tpu.vector_load %arg8[%get3A_810, %get3A_811] {strides = array<i32>} : memref<128x64xf32, #tpu.memory_space<vmem>>, vector<16xf32>,
        %get3A_813 = arith.index_cast %add3A_752 : i32 to index
        %get3A_814 = arith.constant 0 : index
        %get3A_815 = tpu.vector_load %arg8[%get3A_813, %get3A_814] {strides = array<i32>} : memref<128x64xf32, #tpu.memory_space<vmem>>, vector<16xf32>,
        %get3A_816 = arith.index_cast %add3A_752 : i32 to index
        %get3A_817 = arith.constant 16 : index
        %get3A_818 = tpu.vector_load %arg8[%get3A_816, %get3A_817] {strides = array<i32>} : memref<128x64xf32, #tpu.memory_space<vmem>>, vector<16xf32>,
        %get3A_819 = arith.index_cast %add3A_752 : i32 to index
        %get3A_820 = arith.constant 32 : index
        %get3A_821 = tpu.vector_load %arg8[%get3A_819, %get3A_820] {strides = array<i32>} : memref<128x64xf32, #tpu.memory_space<vmem>>, vector<16xf32>,
        %get3A_822 = arith.index_cast %add3A_752 : i32 to index
        %get3A_823 = arith.constant 48 : index
        %get3A_824 = tpu.vector_load %arg8[%get3A_822, %get3A_823] {strides = array<i32>} : memref<128x64xf32, #tpu.memory_space<vmem>>, vector<16xf32>,
        %get3A_825 = arith.index_cast %add3A_756 : i32 to index
        %get3A_826 = arith.constant 0 : index
        %get3A_827 = tpu.vector_load %arg8[%get3A_825, %get3A_826] {strides = array<i32>} : memref<128x64xf32, #tpu.memory_space<vmem>>, vector<16xf32>,
        %get3A_828 = arith.index_cast %add3A_756 : i32 to index
        %get3A_829 = arith.constant 16 : index
        %get3A_830 = tpu.vector_load %arg8[%get3A_828, %get3A_829] {strides = array<i32>} : memref<128x64xf32, #tpu.memory_space<vmem>>, vector<16xf32>,
        %get3A_831 = arith.index_cast %add3A_756 : i32 to index
        %get3A_832 = arith.constant 32 : index
        %get3A_833 = tpu.vector_load %arg8[%get3A_831, %get3A_832] {strides = array<i32>} : memref<128x64xf32, #tpu.memory_space<vmem>>, vector<16xf32>,
        %get3A_834 = arith.index_cast %add3A_756 : i32 to index
        %get3A_835 = arith.constant 48 : index
        %get3A_836 = tpu.vector_load %arg8[%get3A_834, %get3A_835] {strides = array<i32>} : memref<128x64xf32, #tpu.memory_space<vmem>>, vector<16xf32>,
        %get3A_837 = arith.index_cast %add3A_760 : i32 to index
        %get3A_838 = arith.constant 0 : index
        %get3A_839 = tpu.vector_load %arg8[%get3A_837, %get3A_838] {strides = array<i32>} : memref<128x64xf32, #tpu.memory_space<vmem>>, vector<16xf32>,
        %get3A_840 = arith.index_cast %add3A_760 : i32 to index
        %get3A_841 = arith.constant 16 : index
        %get3A_842 = tpu.vector_load %arg8[%get3A_840, %get3A_841] {strides = array<i32>} : memref<128x64xf32, #tpu.memory_space<vmem>>, vector<16xf32>,
        %get3A_843 = arith.index_cast %add3A_760 : i32 to index
        %get3A_844 = arith.constant 32 : index
        %get3A_845 = tpu.vector_load %arg8[%get3A_843, %get3A_844] {strides = array<i32>} : memref<128x64xf32, #tpu.memory_space<vmem>>, vector<16xf32>,
        %get3A_846 = arith.index_cast %add3A_760 : i32 to index
        %get3A_847 = arith.constant 48 : index
        %get3A_848 = tpu.vector_load %arg8[%get3A_846, %get3A_847] {strides = array<i32>} : memref<128x64xf32, #tpu.memory_space<vmem>>, vector<16xf32>,
        %mul3A_849 = arith.mulf %gather3A, %select_n3A_776 : vector<16xf32>
        %mul3A_850 = arith.mulf %gather3A_174, %select_n3A_776 : vector<16xf32>
        %mul3A_851 = arith.mulf %gather3A_179, %select_n3A_776 : vector<16xf32>
        %mul3A_852 = arith.mulf %gather3A_184, %select_n3A_776 : vector<16xf32>
        %mul3A_853 = arith.mulf %gather3A, %select_n3A_784 : vector<16xf32>
        %mul3A_854 = arith.mulf %gather3A_174, %select_n3A_784 : vector<16xf32>
        %mul3A_855 = arith.mulf %gather3A_179, %select_n3A_784 : vector<16xf32>
        %mul3A_856 = arith.mulf %gather3A_184, %select_n3A_784 : vector<16xf32>
        %mul3A_857 = arith.mulf %gather3A, %select_n3A_792 : vector<16xf32>
        %mul3A_858 = arith.mulf %gather3A_174, %select_n3A_792 : vector<16xf32>
        %mul3A_859 = arith.mulf %gather3A_179, %select_n3A_792 : vector<16xf32>
        %mul3A_860 = arith.mulf %gather3A_184, %select_n3A_792 : vector<16xf32>
        %mul3A_861 = arith.mulf %gather3A, %select_n3A_800 : vector<16xf32>
        %mul3A_862 = arith.mulf %gather3A_174, %select_n3A_800 : vector<16xf32>
        %mul3A_863 = arith.mulf %gather3A_179, %select_n3A_800 : vector<16xf32>
        %mul3A_864 = arith.mulf %gather3A_184, %select_n3A_800 : vector<16xf32>
        %add3A_865 = arith.addf %get3A_803, %mul3A_849 : vector<16xf32>
        %add3A_866 = arith.addf %get3A_806, %mul3A_850 : vector<16xf32>
        %add3A_867 = arith.addf %get3A_809, %mul3A_851 : vector<16xf32>
        %add3A_868 = arith.addf %get3A_812, %mul3A_852 : vector<16xf32>
        %add3A_869 = arith.addf %get3A_815, %mul3A_853 : vector<16xf32>
        %add3A_870 = arith.addf %get3A_818, %mul3A_854 : vector<16xf32>
        %add3A_871 = arith.addf %get3A_821, %mul3A_855 : vector<16xf32>
        %add3A_872 = arith.addf %get3A_824, %mul3A_856 : vector<16xf32>
        %add3A_873 = arith.addf %get3A_827, %mul3A_857 : vector<16xf32>
        %add3A_874 = arith.addf %get3A_830, %mul3A_858 : vector<16xf32>
        %add3A_875 = arith.addf %get3A_833, %mul3A_859 : vector<16xf32>
        %add3A_876 = arith.addf %get3A_836, %mul3A_860 : vector<16xf32>
        %add3A_877 = arith.addf %get3A_839, %mul3A_861 : vector<16xf32>
        %add3A_878 = arith.addf %get3A_842, %mul3A_862 : vector<16xf32>
        %add3A_879 = arith.addf %get3A_845, %mul3A_863 : vector<16xf32>
        %add3A_880 = arith.addf %get3A_848, %mul3A_864 : vector<16xf32>
        %broadcast_in_dim3A_881 = vector.broadcast %add3A_748 : i32 to vector<16xi32>
        tpu.vector_store_idx %arg12[%get3A_185, %get3A_193, %broadcast_in_dim3A_881], %add3A_865 : memref<8x8x129xf32, #tpu.memory_space<vmem>>[vector<16xi32>, vector<16xi32>, vector<16xi32>], vector<16xf32>,
        tpu.vector_store_idx %arg12[%get3A_187, %get3A_193, %broadcast_in_dim3A_881], %add3A_866 : memref<8x8x129xf32, #tpu.memory_space<vmem>>[vector<16xi32>, vector<16xi32>, vector<16xi32>], vector<16xf32>,
        tpu.vector_store_idx %arg12[%get3A_189, %get3A_193, %broadcast_in_dim3A_881], %add3A_867 : memref<8x8x129xf32, #tpu.memory_space<vmem>>[vector<16xi32>, vector<16xi32>, vector<16xi32>], vector<16xf32>,
        tpu.vector_store_idx %arg12[%get3A_191, %get3A_193, %broadcast_in_dim3A_881], %add3A_868 : memref<8x8x129xf32, #tpu.memory_space<vmem>>[vector<16xi32>, vector<16xi32>, vector<16xi32>], vector<16xf32>,
        %broadcast_in_dim3A_882 = vector.broadcast %add3A_752 : i32 to vector<16xi32>
        tpu.vector_store_idx %arg12[%get3A_185, %get3A_193, %broadcast_in_dim3A_882], %add3A_869 : memref<8x8x129xf32, #tpu.memory_space<vmem>>[vector<16xi32>, vector<16xi32>, vector<16xi32>], vector<16xf32>,
        tpu.vector_store_idx %arg12[%get3A_187, %get3A_193, %broadcast_in_dim3A_882], %add3A_870 : memref<8x8x129xf32, #tpu.memory_space<vmem>>[vector<16xi32>, vector<16xi32>, vector<16xi32>], vector<16xf32>,
        tpu.vector_store_idx %arg12[%get3A_189, %get3A_193, %broadcast_in_dim3A_882], %add3A_871 : memref<8x8x129xf32, #tpu.memory_space<vmem>>[vector<16xi32>, vector<16xi32>, vector<16xi32>], vector<16xf32>,
        tpu.vector_store_idx %arg12[%get3A_191, %get3A_193, %broadcast_in_dim3A_882], %add3A_872 : memref<8x8x129xf32, #tpu.memory_space<vmem>>[vector<16xi32>, vector<16xi32>, vector<16xi32>], vector<16xf32>,
        %broadcast_in_dim3A_883 = vector.broadcast %add3A_756 : i32 to vector<16xi32>
        tpu.vector_store_idx %arg12[%get3A_185, %get3A_193, %broadcast_in_dim3A_883], %add3A_873 : memref<8x8x129xf32, #tpu.memory_space<vmem>>[vector<16xi32>, vector<16xi32>, vector<16xi32>], vector<16xf32>,
        tpu.vector_store_idx %arg12[%get3A_187, %get3A_193, %broadcast_in_dim3A_883], %add3A_874 : memref<8x8x129xf32, #tpu.memory_space<vmem>>[vector<16xi32>, vector<16xi32>, vector<16xi32>], vector<16xf32>,
        tpu.vector_store_idx %arg12[%get3A_189, %get3A_193, %broadcast_in_dim3A_883], %add3A_875 : memref<8x8x129xf32, #tpu.memory_space<vmem>>[vector<16xi32>, vector<16xi32>, vector<16xi32>], vector<16xf32>,
        tpu.vector_store_idx %arg12[%get3A_191, %get3A_193, %broadcast_in_dim3A_883], %add3A_876 : memref<8x8x129xf32, #tpu.memory_space<vmem>>[vector<16xi32>, vector<16xi32>, vector<16xi32>], vector<16xf32>,
        %broadcast_in_dim3A_884 = vector.broadcast %add3A_760 : i32 to vector<16xi32>
        tpu.vector_store_idx %arg12[%get3A_185, %get3A_193, %broadcast_in_dim3A_884], %add3A_877 : memref<8x8x129xf32, #tpu.memory_space<vmem>>[vector<16xi32>, vector<16xi32>, vector<16xi32>], vector<16xf32>,
        tpu.vector_store_idx %arg12[%get3A_187, %get3A_193, %broadcast_in_dim3A_884], %add3A_878 : memref<8x8x129xf32, #tpu.memory_space<vmem>>[vector<16xi32>, vector<16xi32>, vector<16xi32>], vector<16xf32>,
        tpu.vector_store_idx %arg12[%get3A_189, %get3A_193, %broadcast_in_dim3A_884], %add3A_879 : memref<8x8x129xf32, #tpu.memory_space<vmem>>[vector<16xi32>, vector<16xi32>, vector<16xi32>], vector<16xf32>,
        tpu.vector_store_idx %arg12[%get3A_191, %get3A_193, %broadcast_in_dim3A_884], %add3A_880 : memref<8x8x129xf32, #tpu.memory_space<vmem>>[vector<16xi32>, vector<16xi32>, vector<16xi32>], vector<16xf32>,
        %add3A_885 = arith.constant 12 : i32
        %add3A_886 = arith.addi %mul3A_466, %add3A_885 : i32
        %add3A_887 = arith.constant 0 : i32
        %add3A_888 = arith.addi %add3A_886, %add3A_887 : i32
        %add3A_889 = arith.constant 12 : i32
        %add3A_890 = arith.addi %mul3A_466, %add3A_889 : i32
        %add3A_891 = arith.constant 1 : i32
        %add3A_892 = arith.addi %add3A_890, %add3A_891 : i32
        %add3A_893 = arith.constant 12 : i32
        %add3A_894 = arith.addi %mul3A_466, %add3A_893 : i32
        %add3A_895 = arith.constant 2 : i32
        %add3A_896 = arith.addi %add3A_894, %add3A_895 : i32
        %add3A_897 = arith.constant 12 : i32
        %add3A_898 = arith.addi %mul3A_466, %add3A_897 : i32
        %add3A_899 = arith.constant 3 : i32
        %add3A_900 = arith.addi %add3A_898, %add3A_899 : i32
        %broadcast_in_dim3A_901 = vector.broadcast %add3A_888 : i32 to vector<16xi32>
        %gather3A_902 = tpu.vector_load_idx %arg6[%broadcast_in_dim3A, %broadcast_in_dim3A_901] : memref<200x128xi32, #tpu.memory_space<vmem>>[vector<16xi32>, vector<16xi32>], vector<16xi32>,
        %broadcast_in_dim3A_903 = vector.broadcast %add3A_892 : i32 to vector<16xi32>
        %gather3A_904 = tpu.vector_load_idx %arg6[%broadcast_in_dim3A, %broadcast_in_dim3A_903] : memref<200x128xi32, #tpu.memory_space<vmem>>[vector<16xi32>, vector<16xi32>], vector<16xi32>,
        %broadcast_in_dim3A_905 = vector.broadcast %add3A_896 : i32 to vector<16xi32>
        %gather3A_906 = tpu.vector_load_idx %arg6[%broadcast_in_dim3A, %broadcast_in_dim3A_905] : memref<200x128xi32, #tpu.memory_space<vmem>>[vector<16xi32>, vector<16xi32>], vector<16xi32>,
        %broadcast_in_dim3A_907 = vector.broadcast %add3A_900 : i32 to vector<16xi32>
        %gather3A_908 = tpu.vector_load_idx %arg6[%broadcast_in_dim3A, %broadcast_in_dim3A_907] : memref<200x128xi32, #tpu.memory_space<vmem>>[vector<16xi32>, vector<16xi32>], vector<16xi32>,
        %gt3A_909 = arith.constant 0 : i32
        %gt3A_910 = vector.broadcast %gt3A_909 : i32 to vector<16xi32>
        %gt3A_911 = arith.cmpi sgt, %gather3A_902, %gt3A_910 : vector<16xi32>
        %jit3A_912 = arith.constant 1.000000e+00 : f32
        %jit3A_913 = arith.constant 0.000000e+00 : f32
        %broadcast_in_dim3A_914 = vector.broadcast %jit3A_912 : f32 to vector<16xf32>
        %broadcast_in_dim3A_915 = vector.broadcast %jit3A_913 : f32 to vector<16xf32>
        %select_n3A_916 = arith.select %gt3A_911, %broadcast_in_dim3A_914, %broadcast_in_dim3A_915 : vector<16xi1>, vector<16xf32>
        %gt3A_917 = arith.constant 0 : i32
        %gt3A_918 = vector.broadcast %gt3A_917 : i32 to vector<16xi32>
        %gt3A_919 = arith.cmpi sgt, %gather3A_904, %gt3A_918 : vector<16xi32>
        %jit3A_920 = arith.constant 1.000000e+00 : f32
        %jit3A_921 = arith.constant 0.000000e+00 : f32
        %broadcast_in_dim3A_922 = vector.broadcast %jit3A_920 : f32 to vector<16xf32>
        %broadcast_in_dim3A_923 = vector.broadcast %jit3A_921 : f32 to vector<16xf32>
        %select_n3A_924 = arith.select %gt3A_919, %broadcast_in_dim3A_922, %broadcast_in_dim3A_923 : vector<16xi1>, vector<16xf32>
        %gt3A_925 = arith.constant 0 : i32
        %gt3A_926 = vector.broadcast %gt3A_925 : i32 to vector<16xi32>
        %gt3A_927 = arith.cmpi sgt, %gather3A_906, %gt3A_926 : vector<16xi32>
        %jit3A_928 = arith.constant 1.000000e+00 : f32
        %jit3A_929 = arith.constant 0.000000e+00 : f32
        %broadcast_in_dim3A_930 = vector.broadcast %jit3A_928 : f32 to vector<16xf32>
        %broadcast_in_dim3A_931 = vector.broadcast %jit3A_929 : f32 to vector<16xf32>
        %select_n3A_932 = arith.select %gt3A_927, %broadcast_in_dim3A_930, %broadcast_in_dim3A_931 : vector<16xi1>, vector<16xf32>
        %gt3A_933 = arith.constant 0 : i32
        %gt3A_934 = vector.broadcast %gt3A_933 : i32 to vector<16xi32>
        %gt3A_935 = arith.cmpi sgt, %gather3A_908, %gt3A_934 : vector<16xi32>
        %jit3A_936 = arith.constant 1.000000e+00 : f32
        %jit3A_937 = arith.constant 0.000000e+00 : f32
        %broadcast_in_dim3A_938 = vector.broadcast %jit3A_936 : f32 to vector<16xf32>
        %broadcast_in_dim3A_939 = vector.broadcast %jit3A_937 : f32 to vector<16xf32>
        %select_n3A_940 = arith.select %gt3A_935, %broadcast_in_dim3A_938, %broadcast_in_dim3A_939 : vector<16xi1>, vector<16xf32>
        %get3A_941 = arith.index_cast %add3A_888 : i32 to index
        %get3A_942 = arith.constant 0 : index
        %get3A_943 = tpu.vector_load %arg8[%get3A_941, %get3A_942] {strides = array<i32>} : memref<128x64xf32, #tpu.memory_space<vmem>>, vector<16xf32>,
        %get3A_944 = arith.index_cast %add3A_888 : i32 to index
        %get3A_945 = arith.constant 16 : index
        %get3A_946 = tpu.vector_load %arg8[%get3A_944, %get3A_945] {strides = array<i32>} : memref<128x64xf32, #tpu.memory_space<vmem>>, vector<16xf32>,
        %get3A_947 = arith.index_cast %add3A_888 : i32 to index
        %get3A_948 = arith.constant 32 : index
        %get3A_949 = tpu.vector_load %arg8[%get3A_947, %get3A_948] {strides = array<i32>} : memref<128x64xf32, #tpu.memory_space<vmem>>, vector<16xf32>,
        %get3A_950 = arith.index_cast %add3A_888 : i32 to index
        %get3A_951 = arith.constant 48 : index
        %get3A_952 = tpu.vector_load %arg8[%get3A_950, %get3A_951] {strides = array<i32>} : memref<128x64xf32, #tpu.memory_space<vmem>>, vector<16xf32>,
        %get3A_953 = arith.index_cast %add3A_892 : i32 to index
        %get3A_954 = arith.constant 0 : index
        %get3A_955 = tpu.vector_load %arg8[%get3A_953, %get3A_954] {strides = array<i32>} : memref<128x64xf32, #tpu.memory_space<vmem>>, vector<16xf32>,
        %get3A_956 = arith.index_cast %add3A_892 : i32 to index
        %get3A_957 = arith.constant 16 : index
        %get3A_958 = tpu.vector_load %arg8[%get3A_956, %get3A_957] {strides = array<i32>} : memref<128x64xf32, #tpu.memory_space<vmem>>, vector<16xf32>,
        %get3A_959 = arith.index_cast %add3A_892 : i32 to index
        %get3A_960 = arith.constant 32 : index
        %get3A_961 = tpu.vector_load %arg8[%get3A_959, %get3A_960] {strides = array<i32>} : memref<128x64xf32, #tpu.memory_space<vmem>>, vector<16xf32>,
        %get3A_962 = arith.index_cast %add3A_892 : i32 to index
        %get3A_963 = arith.constant 48 : index
        %get3A_964 = tpu.vector_load %arg8[%get3A_962, %get3A_963] {strides = array<i32>} : memref<128x64xf32, #tpu.memory_space<vmem>>, vector<16xf32>,
        %get3A_965 = arith.index_cast %add3A_896 : i32 to index
        %get3A_966 = arith.constant 0 : index
        %get3A_967 = tpu.vector_load %arg8[%get3A_965, %get3A_966] {strides = array<i32>} : memref<128x64xf32, #tpu.memory_space<vmem>>, vector<16xf32>,
        %get3A_968 = arith.index_cast %add3A_896 : i32 to index
        %get3A_969 = arith.constant 16 : index
        %get3A_970 = tpu.vector_load %arg8[%get3A_968, %get3A_969] {strides = array<i32>} : memref<128x64xf32, #tpu.memory_space<vmem>>, vector<16xf32>,
        %get3A_971 = arith.index_cast %add3A_896 : i32 to index
        %get3A_972 = arith.constant 32 : index
        %get3A_973 = tpu.vector_load %arg8[%get3A_971, %get3A_972] {strides = array<i32>} : memref<128x64xf32, #tpu.memory_space<vmem>>, vector<16xf32>,
        %get3A_974 = arith.index_cast %add3A_896 : i32 to index
        %get3A_975 = arith.constant 48 : index
        %get3A_976 = tpu.vector_load %arg8[%get3A_974, %get3A_975] {strides = array<i32>} : memref<128x64xf32, #tpu.memory_space<vmem>>, vector<16xf32>,
        %get3A_977 = arith.index_cast %add3A_900 : i32 to index
        %get3A_978 = arith.constant 0 : index
        %get3A_979 = tpu.vector_load %arg8[%get3A_977, %get3A_978] {strides = array<i32>} : memref<128x64xf32, #tpu.memory_space<vmem>>, vector<16xf32>,
        %get3A_980 = arith.index_cast %add3A_900 : i32 to index
        %get3A_981 = arith.constant 16 : index
        %get3A_982 = tpu.vector_load %arg8[%get3A_980, %get3A_981] {strides = array<i32>} : memref<128x64xf32, #tpu.memory_space<vmem>>, vector<16xf32>,
        %get3A_983 = arith.index_cast %add3A_900 : i32 to index
        %get3A_984 = arith.constant 32 : index
        %get3A_985 = tpu.vector_load %arg8[%get3A_983, %get3A_984] {strides = array<i32>} : memref<128x64xf32, #tpu.memory_space<vmem>>, vector<16xf32>,
        %get3A_986 = arith.index_cast %add3A_900 : i32 to index
        %get3A_987 = arith.constant 48 : index
        %get3A_988 = tpu.vector_load %arg8[%get3A_986, %get3A_987] {strides = array<i32>} : memref<128x64xf32, #tpu.memory_space<vmem>>, vector<16xf32>,
        %mul3A_989 = arith.mulf %gather3A, %select_n3A_916 : vector<16xf32>
        %mul3A_990 = arith.mulf %gather3A_174, %select_n3A_916 : vector<16xf32>
        %mul3A_991 = arith.mulf %gather3A_179, %select_n3A_916 : vector<16xf32>
        %mul3A_992 = arith.mulf %gather3A_184, %select_n3A_916 : vector<16xf32>
        %mul3A_993 = arith.mulf %gather3A, %select_n3A_924 : vector<16xf32>
        %mul3A_994 = arith.mulf %gather3A_174, %select_n3A_924 : vector<16xf32>
        %mul3A_995 = arith.mulf %gather3A_179, %select_n3A_924 : vector<16xf32>
        %mul3A_996 = arith.mulf %gather3A_184, %select_n3A_924 : vector<16xf32>
        %mul3A_997 = arith.mulf %gather3A, %select_n3A_932 : vector<16xf32>
        %mul3A_998 = arith.mulf %gather3A_174, %select_n3A_932 : vector<16xf32>
        %mul3A_999 = arith.mulf %gather3A_179, %select_n3A_932 : vector<16xf32>
        %mul3A_1000 = arith.mulf %gather3A_184, %select_n3A_932 : vector<16xf32>
        %mul3A_1001 = arith.mulf %gather3A, %select_n3A_940 : vector<16xf32>
        %mul3A_1002 = arith.mulf %gather3A_174, %select_n3A_940 : vector<16xf32>
        %mul3A_1003 = arith.mulf %gather3A_179, %select_n3A_940 : vector<16xf32>
        %mul3A_1004 = arith.mulf %gather3A_184, %select_n3A_940 : vector<16xf32>
        %add3A_1005 = arith.addf %get3A_943, %mul3A_989 : vector<16xf32>
        %add3A_1006 = arith.addf %get3A_946, %mul3A_990 : vector<16xf32>
        %add3A_1007 = arith.addf %get3A_949, %mul3A_991 : vector<16xf32>
        %add3A_1008 = arith.addf %get3A_952, %mul3A_992 : vector<16xf32>
        %add3A_1009 = arith.addf %get3A_955, %mul3A_993 : vector<16xf32>
        %add3A_1010 = arith.addf %get3A_958, %mul3A_994 : vector<16xf32>
        %add3A_1011 = arith.addf %get3A_961, %mul3A_995 : vector<16xf32>
        %add3A_1012 = arith.addf %get3A_964, %mul3A_996 : vector<16xf32>
        %add3A_1013 = arith.addf %get3A_967, %mul3A_997 : vector<16xf32>
        %add3A_1014 = arith.addf %get3A_970, %mul3A_998 : vector<16xf32>
        %add3A_1015 = arith.addf %get3A_973, %mul3A_999 : vector<16xf32>
        %add3A_1016 = arith.addf %get3A_976, %mul3A_1000 : vector<16xf32>
        %add3A_1017 = arith.addf %get3A_979, %mul3A_1001 : vector<16xf32>
        %add3A_1018 = arith.addf %get3A_982, %mul3A_1002 : vector<16xf32>
        %add3A_1019 = arith.addf %get3A_985, %mul3A_1003 : vector<16xf32>
        %add3A_1020 = arith.addf %get3A_988, %mul3A_1004 : vector<16xf32>
        %broadcast_in_dim3A_1021 = vector.broadcast %add3A_888 : i32 to vector<16xi32>
        tpu.vector_store_idx %arg12[%get3A_185, %get3A_193, %broadcast_in_dim3A_1021], %add3A_1005 : memref<8x8x129xf32, #tpu.memory_space<vmem>>[vector<16xi32>, vector<16xi32>, vector<16xi32>], vector<16xf32>,
        tpu.vector_store_idx %arg12[%get3A_187, %get3A_193, %broadcast_in_dim3A_1021], %add3A_1006 : memref<8x8x129xf32, #tpu.memory_space<vmem>>[vector<16xi32>, vector<16xi32>, vector<16xi32>], vector<16xf32>,
        tpu.vector_store_idx %arg12[%get3A_189, %get3A_193, %broadcast_in_dim3A_1021], %add3A_1007 : memref<8x8x129xf32, #tpu.memory_space<vmem>>[vector<16xi32>, vector<16xi32>, vector<16xi32>], vector<16xf32>,
        tpu.vector_store_idx %arg12[%get3A_191, %get3A_193, %broadcast_in_dim3A_1021], %add3A_1008 : memref<8x8x129xf32, #tpu.memory_space<vmem>>[vector<16xi32>, vector<16xi32>, vector<16xi32>], vector<16xf32>,
        %broadcast_in_dim3A_1022 = vector.broadcast %add3A_892 : i32 to vector<16xi32>
        tpu.vector_store_idx %arg12[%get3A_185, %get3A_193, %broadcast_in_dim3A_1022], %add3A_1009 : memref<8x8x129xf32, #tpu.memory_space<vmem>>[vector<16xi32>, vector<16xi32>, vector<16xi32>], vector<16xf32>,
        tpu.vector_store_idx %arg12[%get3A_187, %get3A_193, %broadcast_in_dim3A_1022], %add3A_1010 : memref<8x8x129xf32, #tpu.memory_space<vmem>>[vector<16xi32>, vector<16xi32>, vector<16xi32>], vector<16xf32>,
        tpu.vector_store_idx %arg12[%get3A_189, %get3A_193, %broadcast_in_dim3A_1022], %add3A_1011 : memref<8x8x129xf32, #tpu.memory_space<vmem>>[vector<16xi32>, vector<16xi32>, vector<16xi32>], vector<16xf32>,
        tpu.vector_store_idx %arg12[%get3A_191, %get3A_193, %broadcast_in_dim3A_1022], %add3A_1012 : memref<8x8x129xf32, #tpu.memory_space<vmem>>[vector<16xi32>, vector<16xi32>, vector<16xi32>], vector<16xf32>,
        %broadcast_in_dim3A_1023 = vector.broadcast %add3A_896 : i32 to vector<16xi32>
        tpu.vector_store_idx %arg12[%get3A_185, %get3A_193, %broadcast_in_dim3A_1023], %add3A_1013 : memref<8x8x129xf32, #tpu.memory_space<vmem>>[vector<16xi32>, vector<16xi32>, vector<16xi32>], vector<16xf32>,
        tpu.vector_store_idx %arg12[%get3A_187, %get3A_193, %broadcast_in_dim3A_1023], %add3A_1014 : memref<8x8x129xf32, #tpu.memory_space<vmem>>[vector<16xi32>, vector<16xi32>, vector<16xi32>], vector<16xf32>,
        tpu.vector_store_idx %arg12[%get3A_189, %get3A_193, %broadcast_in_dim3A_1023], %add3A_1015 : memref<8x8x129xf32, #tpu.memory_space<vmem>>[vector<16xi32>, vector<16xi32>, vector<16xi32>], vector<16xf32>,
        tpu.vector_store_idx %arg12[%get3A_191, %get3A_193, %broadcast_in_dim3A_1023], %add3A_1016 : memref<8x8x129xf32, #tpu.memory_space<vmem>>[vector<16xi32>, vector<16xi32>, vector<16xi32>], vector<16xf32>,
        %broadcast_in_dim3A_1024 = vector.broadcast %add3A_900 : i32 to vector<16xi32>
        tpu.vector_store_idx %arg12[%get3A_185, %get3A_193, %broadcast_in_dim3A_1024], %add3A_1017 : memref<8x8x129xf32, #tpu.memory_space<vmem>>[vector<16xi32>, vector<16xi32>, vector<16xi32>], vector<16xf32>,
        tpu.vector_store_idx %arg12[%get3A_187, %get3A_193, %broadcast_in_dim3A_1024], %add3A_1018 : memref<8x8x129xf32, #tpu.memory_space<vmem>>[vector<16xi32>, vector<16xi32>, vector<16xi32>], vector<16xf32>,
        tpu.vector_store_idx %arg12[%get3A_189, %get3A_193, %broadcast_in_dim3A_1024], %add3A_1019 : memref<8x8x129xf32, #tpu.memory_space<vmem>>[vector<16xi32>, vector<16xi32>, vector<16xi32>], vector<16xf32>,
        tpu.vector_store_idx %arg12[%get3A_191, %get3A_193, %broadcast_in_dim3A_1024], %add3A_1020 : memref<8x8x129xf32, #tpu.memory_space<vmem>>[vector<16xi32>, vector<16xi32>, vector<16xi32>], vector<16xf32>,
      }
      %scan3A_199 = arith.constant 8 : i32
      %add3A_200 = arith.constant 0 : i32
      %add3A_201 = arith.addi %mul3A_150, %add3A_200 : i32
      %dma_start3A_202 = arith.constant 0 : i32
      %dma_start3A_203 = arith.constant 0 : i32
      %dma_start3A_204 = arith.constant 0 : i32
      %dma_start3A_205 = tpu.memref_slice %arg12[%dma_start3A_202, %dma_start3A_203, %dma_start3A_204] : memref<8x8x129xf32, #tpu.memory_space<vmem>> -> memref<8x8x128xf32, #tpu.memory_space<vmem>>
      %dma_start3A_206 = arith.constant 0 : i32
      %dma_start3A_207 = arith.constant 0 : i32
      %dma_start3A_208 = arith.constant 0 : i32
      %dma_start3A_209 = tpu.memref_slice %arg5[%add3A_201, %dma_start3A_206, %add3A, %dma_start3A_207, %dma_start3A_208] : memref<200x8x32x8x128xf32, #tpu.memory_space<hbm>> -> memref<1x8x1x8x128xf32, #tpu.memory_space<hbm>>
      %dma_start3A_210 = tpu.memref_squeeze %dma_start3A_209 : memref<1x8x1x8x128xf32, #tpu.memory_space<hbm>> -> memref<8x8x128xf32, #tpu.memory_space<hbm>>
      %dma_start3A_211 = arith.constant 0 : i32
      %dma_start3A_212 = arith.constant 0 : i32
      %dma_start3A_213 = arith.constant 0 : i32
      %dma_start3A_214 = tpu.memref_slice %arg5[%add3A_201, %dma_start3A_211, %add3A, %dma_start3A_212, %dma_start3A_213] : memref<200x8x32x8x128xf32, #tpu.memory_space<hbm>> -> memref<1x8x1x8x128xf32, #tpu.memory_space<hbm>>
      %dma_start3A_215 = tpu.memref_squeeze %dma_start3A_214 : memref<1x8x1x8x128xf32, #tpu.memory_space<hbm>> -> memref<8x8x128xf32, #tpu.memory_space<hbm>>
      %dma_start3A_216 = arith.constant 0 : i32
      %dma_start3A_217 = arith.constant 0 : i32
      %dma_start3A_218 = arith.constant 0 : i32
      %dma_start3A_219 = tpu.memref_slice %arg12[%dma_start3A_216, %dma_start3A_217, %dma_start3A_218] : memref<8x8x129xf32, #tpu.memory_space<vmem>> -> memref<8x8x128xf32, #tpu.memory_space<vmem>>
      tpu.enqueue_dma source(%dma_start3A_219 : memref<8x8x128xf32, #tpu.memory_space<vmem>>) target(%dma_start3A_215 : memref<8x8x128xf32, #tpu.memory_space<hbm>>) target_semaphore(%arg21 : memref<!tpu.dma_semaphore, #tpu.memory_space<semaphore_mem>>)
      %lt3A = arith.constant 49 : i32
      %lt3A_220 = arith.cmpi slt, %scan3A_148, %lt3A : i32
      %convert_element_type3A_221 = arith.extui %lt3A_220 : i1 to i32
      %cond3A_222 = arith.constant 0 : i32
      %cond3A_223 = arith.cmpi ne, %convert_element_type3A_221, %cond3A_222 : i32
      scf.if %cond3A_223 {
        %add3A_464 = arith.constant 0 : i32
        %add3A_465 = arith.addi %mul3A_150, %add3A_464 : i32
        %add3A_466 = arith.constant 4 : i32
        %add3A_467 = arith.addi %add3A_465, %add3A_466 : i32
        %dma_start3A_468 = arith.constant 0 : i32
        %dma_start3A_469 = tpu.memref_slice %arg6[%add3A_467, %dma_start3A_468] : memref<200x128xi32, #tpu.memory_space<vmem>> -> memref<1x128xi32, #tpu.memory_space<vmem>>
        %dma_start3A_470 = tpu.memref_squeeze %dma_start3A_469 : memref<1x128xi32, #tpu.memory_space<vmem>> -> memref<128xi32, #tpu.memory_space<vmem>>
        %dma_start3A_471 = arith.constant 0 : i32
        %dma_start3A_472 = arith.constant 0 : i32
        %dma_start3A_473 = tpu.memref_slice %arg4[%dma_start3A_471, %dma_start3A_472] : memref<1000000x64xf32, #tpu.memory_space<hbm>> -> memref<1000000x64xf32, #tpu.memory_space<hbm>>
        tpu.enqueue_indirect_dma source(%dma_start3A_473 : memref<1000000x64xf32, #tpu.memory_space<hbm>>) target(%arg8 : memref<128x64xf32, #tpu.memory_space<vmem>>) offsets(%dma_start3A_470 : memref<128xi32, #tpu.memory_space<vmem>>) semaphore(%arg17 : memref<!tpu.dma_semaphore, #tpu.memory_space<semaphore_mem>>)
      } else {
      }
      %gt3A_224 = arith.constant 0 : i32
      %gt3A_225 = arith.cmpi sgt, %scan3A_148, %gt3A_224 : i32
      %convert_element_type3A_226 = arith.extui %gt3A_225 : i1 to i32
      %cond3A_227 = arith.constant 0 : i32
      %cond3A_228 = arith.cmpi ne, %convert_element_type3A_226, %cond3A_227 : i32
      scf.if %cond3A_228 {
        %dma_wait3A_464 = arith.constant 0 : i32
        %dma_wait3A_465 = arith.constant 0 : i32
        %dma_wait3A_466 = arith.constant 0 : i32
        %dma_wait3A_467 = arith.constant 0 : i32
        %dma_wait3A_468 = arith.constant 0 : i32
        %dma_wait3A_469 = tpu.memref_slice %arg13[%dma_wait3A_466, %dma_wait3A_467, %dma_wait3A_468] : memref<8x8x129xf32, #tpu.memory_space<vmem>> -> memref<8x8x128xf32, #tpu.memory_space<vmem>>
        %dma_wait3A_470 = arith.constant 0 : i32
        %dma_wait3A_471 = arith.constant 0 : i32
        %dma_wait3A_472 = arith.constant 0 : i32
        %dma_wait3A_473 = tpu.memref_slice %arg5[%dma_wait3A_464, %dma_wait3A_470, %dma_wait3A_465, %dma_wait3A_471, %dma_wait3A_472] : memref<200x8x32x8x128xf32, #tpu.memory_space<hbm>> -> memref<1x8x1x8x128xf32, #tpu.memory_space<hbm>>
        %dma_wait3A_474 = tpu.memref_squeeze %dma_wait3A_473 : memref<1x8x1x8x128xf32, #tpu.memory_space<hbm>> -> memref<8x8x128xf32, #tpu.memory_space<hbm>>
        %dma_wait3A_475 = arith.constant 0 : i32
        %dma_wait3A_476 = arith.constant 0 : i32
        %dma_wait3A_477 = arith.constant 0 : i32
        %dma_wait3A_478 = tpu.memref_slice %arg5[%dma_wait3A_464, %dma_wait3A_475, %dma_wait3A_465, %dma_wait3A_476, %dma_wait3A_477] : memref<200x8x32x8x128xf32, #tpu.memory_space<hbm>> -> memref<1x8x1x8x128xf32, #tpu.memory_space<hbm>>
        %dma_wait3A_479 = tpu.memref_squeeze %dma_wait3A_478 : memref<1x8x1x8x128xf32, #tpu.memory_space<hbm>> -> memref<8x8x128xf32, #tpu.memory_space<hbm>>
        %dma_wait3A_480 = arith.constant 0 : i32
        %dma_wait3A_481 = arith.constant 0 : i32
        %dma_wait3A_482 = arith.constant 0 : i32
        %dma_wait3A_483 = tpu.memref_slice %arg13[%dma_wait3A_480, %dma_wait3A_481, %dma_wait3A_482] : memref<8x8x129xf32, #tpu.memory_space<vmem>> -> memref<8x8x128xf32, #tpu.memory_space<vmem>>
        tpu.wait_dma2 semaphore(%arg22 : memref<!tpu.dma_semaphore, #tpu.memory_space<semaphore_mem>>) src(%dma_wait3A_483 : memref<8x8x128xf32, #tpu.memory_space<vmem>>) dst(%dma_wait3A_479 : memref<8x8x128xf32, #tpu.memory_space<hbm>>)
      } else {
      }
      %dma_wait3A_229 = arith.constant 0 : i32
      %dma_wait3A_230 = arith.constant 0 : i32
      %dma_wait3A_231 = tpu.memref_slice %arg6[%dma_wait3A_229, %dma_wait3A_230] : memref<200x128xi32, #tpu.memory_space<vmem>> -> memref<1x128xi32, #tpu.memory_space<vmem>>
      %dma_wait3A_232 = tpu.memref_squeeze %dma_wait3A_231 : memref<1x128xi32, #tpu.memory_space<vmem>> -> memref<128xi32, #tpu.memory_space<vmem>>
      %dma_wait3A_233 = arith.constant 0 : i32
      %dma_wait3A_234 = arith.constant 0 : i32
      %dma_wait3A_235 = tpu.memref_slice %arg4[%dma_wait3A_233, %dma_wait3A_234] : memref<1000000x64xf32, #tpu.memory_space<hbm>> -> memref<1000000x64xf32, #tpu.memory_space<hbm>>
      tpu.wait_indirect_dma semaphore(%arg18 : memref<!tpu.dma_semaphore, #tpu.memory_space<semaphore_mem>>) src(%dma_wait3A_235 : memref<1000000x64xf32, #tpu.memory_space<hbm>>) dst(%arg9 : memref<128x64xf32, #tpu.memory_space<vmem>>)
      %add3A_236 = arith.constant 1 : i32
      %add3A_237 = arith.addi %mul3A_150, %add3A_236 : i32
      %broadcast_in_dim3A_238 = vector.broadcast %add3A_237 : i32 to vector<16xi32>
      %add3A_239 = arith.constant 1 : i32
      %add3A_240 = arith.addi %add3A_237, %add3A_239 : i32
      %mul3A_241 = arith.constant 64 : i32
      %mul3A_242 = arith.muli %add3A_240, %mul3A_241 : i32
      %add3A_243 = arith.constant 0 : i32
      %add3A_244 = arith.addi %mul3A_242, %add3A_243 : i32
      %add3A_245 = vector.broadcast %add3A_244 : i32 to vector<16xi32>
      %add3A_246 = arith.addi %add3A_245, %iota3A : vector<16xi32>
      %gather3A_247 = tpu.vector_load_idx %arg7[%add3A_246] : memref<12864xf32, #tpu.memory_space<vmem>>[vector<16xi32>], vector<16xf32>,
      %add3A_248 = arith.constant 16 : i32
      %add3A_249 = arith.addi %mul3A_242, %add3A_248 : i32
      %add3A_250 = vector.broadcast %add3A_249 : i32 to vector<16xi32>
      %add3A_251 = arith.addi %add3A_250, %iota3A : vector<16xi32>
      %gather3A_252 = tpu.vector_load_idx %arg7[%add3A_251] : memref<12864xf32, #tpu.memory_space<vmem>>[vector<16xi32>], vector<16xf32>,
      %add3A_253 = arith.constant 32 : i32
      %add3A_254 = arith.addi %mul3A_242, %add3A_253 : i32
      %add3A_255 = vector.broadcast %add3A_254 : i32 to vector<16xi32>
      %add3A_256 = arith.addi %add3A_255, %iota3A : vector<16xi32>
      %gather3A_257 = tpu.vector_load_idx %arg7[%add3A_256] : memref<12864xf32, #tpu.memory_space<vmem>>[vector<16xi32>], vector<16xf32>,
      %add3A_258 = arith.constant 48 : i32
      %add3A_259 = arith.addi %mul3A_242, %add3A_258 : i32
      %add3A_260 = vector.broadcast %add3A_259 : i32 to vector<16xi32>
      %add3A_261 = arith.addi %add3A_260, %iota3A : vector<16xi32>
      %gather3A_262 = tpu.vector_load_idx %arg7[%add3A_261] : memref<12864xf32, #tpu.memory_space<vmem>>[vector<16xi32>], vector<16xf32>,
      %get3A_263 = arith.constant 0 : index
      %get3A_264 = tpu.vector_load %arg16[%get3A_263] {strides = array<i32>} : memref<80xi32, #tpu.memory_space<vmem>>, vector<16xi32>,
      %get3A_265 = arith.constant 16 : index
      %get3A_266 = tpu.vector_load %arg16[%get3A_265] {strides = array<i32>} : memref<80xi32, #tpu.memory_space<vmem>>, vector<16xi32>,
      %get3A_267 = arith.constant 32 : index
      %get3A_268 = tpu.vector_load %arg16[%get3A_267] {strides = array<i32>} : memref<80xi32, #tpu.memory_space<vmem>>, vector<16xi32>,
      %get3A_269 = arith.constant 48 : index
      %get3A_270 = tpu.vector_load %arg16[%get3A_269] {strides = array<i32>} : memref<80xi32, #tpu.memory_space<vmem>>, vector<16xi32>,
      %get3A_271 = arith.constant 64 : index
      %get3A_272 = tpu.vector_load %arg16[%get3A_271] {strides = array<i32>} : memref<80xi32, #tpu.memory_space<vmem>>, vector<16xi32>,
      %scan3A_273 = arith.constant 0 : i32
      %scan3A_274 = arith.constant 0 : i32
      %scan3A_275 = arith.constant 8 : i32
      %scan3A_276 = arith.addi %scan3A_274, %scan3A_275 : i32
      %scan3A_277 = arith.constant 1 : i32
      scf.for %scan3A_464 = %scan3A_274 to %scan3A_276 step %scan3A_277  : i32 {
        %mul3A_465 = arith.constant 16 : i32
        %mul3A_466 = arith.muli %scan3A_464, %mul3A_465 : i32
        %add3A_467 = arith.constant 0 : i32
        %add3A_468 = arith.addi %mul3A_466, %add3A_467 : i32
        %add3A_469 = arith.constant 0 : i32
        %add3A_470 = arith.addi %add3A_468, %add3A_469 : i32
        %add3A_471 = arith.constant 0 : i32
        %add3A_472 = arith.addi %mul3A_466, %add3A_471 : i32
        %add3A_473 = arith.constant 1 : i32
        %add3A_474 = arith.addi %add3A_472, %add3A_473 : i32
        %add3A_475 = arith.constant 0 : i32
        %add3A_476 = arith.addi %mul3A_466, %add3A_475 : i32
        %add3A_477 = arith.constant 2 : i32
        %add3A_478 = arith.addi %add3A_476, %add3A_477 : i32
        %add3A_479 = arith.constant 0 : i32
        %add3A_480 = arith.addi %mul3A_466, %add3A_479 : i32
        %add3A_481 = arith.constant 3 : i32
        %add3A_482 = arith.addi %add3A_480, %add3A_481 : i32
        %broadcast_in_dim3A_483 = vector.broadcast %add3A_470 : i32 to vector<16xi32>
        %gather3A_484 = tpu.vector_load_idx %arg6[%broadcast_in_dim3A_238, %broadcast_in_dim3A_483] : memref<200x128xi32, #tpu.memory_space<vmem>>[vector<16xi32>, vector<16xi32>], vector<16xi32>,
        %broadcast_in_dim3A_485 = vector.broadcast %add3A_474 : i32 to vector<16xi32>
        %gather3A_486 = tpu.vector_load_idx %arg6[%broadcast_in_dim3A_238, %broadcast_in_dim3A_485] : memref<200x128xi32, #tpu.memory_space<vmem>>[vector<16xi32>, vector<16xi32>], vector<16xi32>,
        %broadcast_in_dim3A_487 = vector.broadcast %add3A_478 : i32 to vector<16xi32>
        %gather3A_488 = tpu.vector_load_idx %arg6[%broadcast_in_dim3A_238, %broadcast_in_dim3A_487] : memref<200x128xi32, #tpu.memory_space<vmem>>[vector<16xi32>, vector<16xi32>], vector<16xi32>,
        %broadcast_in_dim3A_489 = vector.broadcast %add3A_482 : i32 to vector<16xi32>
        %gather3A_490 = tpu.vector_load_idx %arg6[%broadcast_in_dim3A_238, %broadcast_in_dim3A_489] : memref<200x128xi32, #tpu.memory_space<vmem>>[vector<16xi32>, vector<16xi32>], vector<16xi32>,
        %gt3A_491 = arith.constant 0 : i32
        %gt3A_492 = vector.broadcast %gt3A_491 : i32 to vector<16xi32>
        %gt3A_493 = arith.cmpi sgt, %gather3A_484, %gt3A_492 : vector<16xi32>
        %jit3A = arith.constant 1.000000e+00 : f32
        %jit3A_494 = arith.constant 0.000000e+00 : f32
        %broadcast_in_dim3A_495 = vector.broadcast %jit3A : f32 to vector<16xf32>
        %broadcast_in_dim3A_496 = vector.broadcast %jit3A_494 : f32 to vector<16xf32>
        %select_n3A = arith.select %gt3A_493, %broadcast_in_dim3A_495, %broadcast_in_dim3A_496 : vector<16xi1>, vector<16xf32>
        %gt3A_497 = arith.constant 0 : i32
        %gt3A_498 = vector.broadcast %gt3A_497 : i32 to vector<16xi32>
        %gt3A_499 = arith.cmpi sgt, %gather3A_486, %gt3A_498 : vector<16xi32>
        %jit3A_500 = arith.constant 1.000000e+00 : f32
        %jit3A_501 = arith.constant 0.000000e+00 : f32
        %broadcast_in_dim3A_502 = vector.broadcast %jit3A_500 : f32 to vector<16xf32>
        %broadcast_in_dim3A_503 = vector.broadcast %jit3A_501 : f32 to vector<16xf32>
        %select_n3A_504 = arith.select %gt3A_499, %broadcast_in_dim3A_502, %broadcast_in_dim3A_503 : vector<16xi1>, vector<16xf32>
        %gt3A_505 = arith.constant 0 : i32
        %gt3A_506 = vector.broadcast %gt3A_505 : i32 to vector<16xi32>
        %gt3A_507 = arith.cmpi sgt, %gather3A_488, %gt3A_506 : vector<16xi32>
        %jit3A_508 = arith.constant 1.000000e+00 : f32
        %jit3A_509 = arith.constant 0.000000e+00 : f32
        %broadcast_in_dim3A_510 = vector.broadcast %jit3A_508 : f32 to vector<16xf32>
        %broadcast_in_dim3A_511 = vector.broadcast %jit3A_509 : f32 to vector<16xf32>
        %select_n3A_512 = arith.select %gt3A_507, %broadcast_in_dim3A_510, %broadcast_in_dim3A_511 : vector<16xi1>, vector<16xf32>
        %gt3A_513 = arith.constant 0 : i32
        %gt3A_514 = vector.broadcast %gt3A_513 : i32 to vector<16xi32>
        %gt3A_515 = arith.cmpi sgt, %gather3A_490, %gt3A_514 : vector<16xi32>
        %jit3A_516 = arith.constant 1.000000e+00 : f32
        %jit3A_517 = arith.constant 0.000000e+00 : f32
        %broadcast_in_dim3A_518 = vector.broadcast %jit3A_516 : f32 to vector<16xf32>
        %broadcast_in_dim3A_519 = vector.broadcast %jit3A_517 : f32 to vector<16xf32>
        %select_n3A_520 = arith.select %gt3A_515, %broadcast_in_dim3A_518, %broadcast_in_dim3A_519 : vector<16xi1>, vector<16xf32>
        %get3A_521 = arith.index_cast %add3A_470 : i32 to index
        %get3A_522 = arith.constant 0 : index
        %get3A_523 = tpu.vector_load %arg9[%get3A_521, %get3A_522] {strides = array<i32>} : memref<128x64xf32, #tpu.memory_space<vmem>>, vector<16xf32>,
        %get3A_524 = arith.index_cast %add3A_470 : i32 to index
        %get3A_525 = arith.constant 16 : index
        %get3A_526 = tpu.vector_load %arg9[%get3A_524, %get3A_525] {strides = array<i32>} : memref<128x64xf32, #tpu.memory_space<vmem>>, vector<16xf32>,
        %get3A_527 = arith.index_cast %add3A_470 : i32 to index
        %get3A_528 = arith.constant 32 : index
        %get3A_529 = tpu.vector_load %arg9[%get3A_527, %get3A_528] {strides = array<i32>} : memref<128x64xf32, #tpu.memory_space<vmem>>, vector<16xf32>,
        %get3A_530 = arith.index_cast %add3A_470 : i32 to index
        %get3A_531 = arith.constant 48 : index
        %get3A_532 = tpu.vector_load %arg9[%get3A_530, %get3A_531] {strides = array<i32>} : memref<128x64xf32, #tpu.memory_space<vmem>>, vector<16xf32>,
        %get3A_533 = arith.index_cast %add3A_474 : i32 to index
        %get3A_534 = arith.constant 0 : index
        %get3A_535 = tpu.vector_load %arg9[%get3A_533, %get3A_534] {strides = array<i32>} : memref<128x64xf32, #tpu.memory_space<vmem>>, vector<16xf32>,
        %get3A_536 = arith.index_cast %add3A_474 : i32 to index
        %get3A_537 = arith.constant 16 : index
        %get3A_538 = tpu.vector_load %arg9[%get3A_536, %get3A_537] {strides = array<i32>} : memref<128x64xf32, #tpu.memory_space<vmem>>, vector<16xf32>,
        %get3A_539 = arith.index_cast %add3A_474 : i32 to index
        %get3A_540 = arith.constant 32 : index
        %get3A_541 = tpu.vector_load %arg9[%get3A_539, %get3A_540] {strides = array<i32>} : memref<128x64xf32, #tpu.memory_space<vmem>>, vector<16xf32>,
        %get3A_542 = arith.index_cast %add3A_474 : i32 to index
        %get3A_543 = arith.constant 48 : index
        %get3A_544 = tpu.vector_load %arg9[%get3A_542, %get3A_543] {strides = array<i32>} : memref<128x64xf32, #tpu.memory_space<vmem>>, vector<16xf32>,
        %get3A_545 = arith.index_cast %add3A_478 : i32 to index
        %get3A_546 = arith.constant 0 : index
        %get3A_547 = tpu.vector_load %arg9[%get3A_545, %get3A_546] {strides = array<i32>} : memref<128x64xf32, #tpu.memory_space<vmem>>, vector<16xf32>,
        %get3A_548 = arith.index_cast %add3A_478 : i32 to index
        %get3A_549 = arith.constant 16 : index
        %get3A_550 = tpu.vector_load %arg9[%get3A_548, %get3A_549] {strides = array<i32>} : memref<128x64xf32, #tpu.memory_space<vmem>>, vector<16xf32>,
        %get3A_551 = arith.index_cast %add3A_478 : i32 to index
        %get3A_552 = arith.constant 32 : index
        %get3A_553 = tpu.vector_load %arg9[%get3A_551, %get3A_552] {strides = array<i32>} : memref<128x64xf32, #tpu.memory_space<vmem>>, vector<16xf32>,
        %get3A_554 = arith.index_cast %add3A_478 : i32 to index
        %get3A_555 = arith.constant 48 : index
        %get3A_556 = tpu.vector_load %arg9[%get3A_554, %get3A_555] {strides = array<i32>} : memref<128x64xf32, #tpu.memory_space<vmem>>, vector<16xf32>,
        %get3A_557 = arith.index_cast %add3A_482 : i32 to index
        %get3A_558 = arith.constant 0 : index
        %get3A_559 = tpu.vector_load %arg9[%get3A_557, %get3A_558] {strides = array<i32>} : memref<128x64xf32, #tpu.memory_space<vmem>>, vector<16xf32>,
        %get3A_560 = arith.index_cast %add3A_482 : i32 to index
        %get3A_561 = arith.constant 16 : index
        %get3A_562 = tpu.vector_load %arg9[%get3A_560, %get3A_561] {strides = array<i32>} : memref<128x64xf32, #tpu.memory_space<vmem>>, vector<16xf32>,
        %get3A_563 = arith.index_cast %add3A_482 : i32 to index
        %get3A_564 = arith.constant 32 : index
        %get3A_565 = tpu.vector_load %arg9[%get3A_563, %get3A_564] {strides = array<i32>} : memref<128x64xf32, #tpu.memory_space<vmem>>, vector<16xf32>,
        %get3A_566 = arith.index_cast %add3A_482 : i32 to index
        %get3A_567 = arith.constant 48 : index
        %get3A_568 = tpu.vector_load %arg9[%get3A_566, %get3A_567] {strides = array<i32>} : memref<128x64xf32, #tpu.memory_space<vmem>>, vector<16xf32>,
        %mul3A_569 = arith.mulf %gather3A_247, %select_n3A : vector<16xf32>
        %mul3A_570 = arith.mulf %gather3A_252, %select_n3A : vector<16xf32>
        %mul3A_571 = arith.mulf %gather3A_257, %select_n3A : vector<16xf32>
        %mul3A_572 = arith.mulf %gather3A_262, %select_n3A : vector<16xf32>
        %mul3A_573 = arith.mulf %gather3A_247, %select_n3A_504 : vector<16xf32>
        %mul3A_574 = arith.mulf %gather3A_252, %select_n3A_504 : vector<16xf32>
        %mul3A_575 = arith.mulf %gather3A_257, %select_n3A_504 : vector<16xf32>
        %mul3A_576 = arith.mulf %gather3A_262, %select_n3A_504 : vector<16xf32>
        %mul3A_577 = arith.mulf %gather3A_247, %select_n3A_512 : vector<16xf32>
        %mul3A_578 = arith.mulf %gather3A_252, %select_n3A_512 : vector<16xf32>
        %mul3A_579 = arith.mulf %gather3A_257, %select_n3A_512 : vector<16xf32>
        %mul3A_580 = arith.mulf %gather3A_262, %select_n3A_512 : vector<16xf32>
        %mul3A_581 = arith.mulf %gather3A_247, %select_n3A_520 : vector<16xf32>
        %mul3A_582 = arith.mulf %gather3A_252, %select_n3A_520 : vector<16xf32>
        %mul3A_583 = arith.mulf %gather3A_257, %select_n3A_520 : vector<16xf32>
        %mul3A_584 = arith.mulf %gather3A_262, %select_n3A_520 : vector<16xf32>
        %add3A_585 = arith.addf %get3A_523, %mul3A_569 : vector<16xf32>
        %add3A_586 = arith.addf %get3A_526, %mul3A_570 : vector<16xf32>
        %add3A_587 = arith.addf %get3A_529, %mul3A_571 : vector<16xf32>
        %add3A_588 = arith.addf %get3A_532, %mul3A_572 : vector<16xf32>
        %add3A_589 = arith.addf %get3A_535, %mul3A_573 : vector<16xf32>
        %add3A_590 = arith.addf %get3A_538, %mul3A_574 : vector<16xf32>
        %add3A_591 = arith.addf %get3A_541, %mul3A_575 : vector<16xf32>
        %add3A_592 = arith.addf %get3A_544, %mul3A_576 : vector<16xf32>
        %add3A_593 = arith.addf %get3A_547, %mul3A_577 : vector<16xf32>
        %add3A_594 = arith.addf %get3A_550, %mul3A_578 : vector<16xf32>
        %add3A_595 = arith.addf %get3A_553, %mul3A_579 : vector<16xf32>
        %add3A_596 = arith.addf %get3A_556, %mul3A_580 : vector<16xf32>
        %add3A_597 = arith.addf %get3A_559, %mul3A_581 : vector<16xf32>
        %add3A_598 = arith.addf %get3A_562, %mul3A_582 : vector<16xf32>
        %add3A_599 = arith.addf %get3A_565, %mul3A_583 : vector<16xf32>
        %add3A_600 = arith.addf %get3A_568, %mul3A_584 : vector<16xf32>
        %broadcast_in_dim3A_601 = vector.broadcast %add3A_470 : i32 to vector<16xi32>
        tpu.vector_store_idx %arg13[%get3A_264, %get3A_272, %broadcast_in_dim3A_601], %add3A_585 : memref<8x8x129xf32, #tpu.memory_space<vmem>>[vector<16xi32>, vector<16xi32>, vector<16xi32>], vector<16xf32>,
        tpu.vector_store_idx %arg13[%get3A_266, %get3A_272, %broadcast_in_dim3A_601], %add3A_586 : memref<8x8x129xf32, #tpu.memory_space<vmem>>[vector<16xi32>, vector<16xi32>, vector<16xi32>], vector<16xf32>,
        tpu.vector_store_idx %arg13[%get3A_268, %get3A_272, %broadcast_in_dim3A_601], %add3A_587 : memref<8x8x129xf32, #tpu.memory_space<vmem>>[vector<16xi32>, vector<16xi32>, vector<16xi32>], vector<16xf32>,
        tpu.vector_store_idx %arg13[%get3A_270, %get3A_272, %broadcast_in_dim3A_601], %add3A_588 : memref<8x8x129xf32, #tpu.memory_space<vmem>>[vector<16xi32>, vector<16xi32>, vector<16xi32>], vector<16xf32>,
        %broadcast_in_dim3A_602 = vector.broadcast %add3A_474 : i32 to vector<16xi32>
        tpu.vector_store_idx %arg13[%get3A_264, %get3A_272, %broadcast_in_dim3A_602], %add3A_589 : memref<8x8x129xf32, #tpu.memory_space<vmem>>[vector<16xi32>, vector<16xi32>, vector<16xi32>], vector<16xf32>,
        tpu.vector_store_idx %arg13[%get3A_266, %get3A_272, %broadcast_in_dim3A_602], %add3A_590 : memref<8x8x129xf32, #tpu.memory_space<vmem>>[vector<16xi32>, vector<16xi32>, vector<16xi32>], vector<16xf32>,
        tpu.vector_store_idx %arg13[%get3A_268, %get3A_272, %broadcast_in_dim3A_602], %add3A_591 : memref<8x8x129xf32, #tpu.memory_space<vmem>>[vector<16xi32>, vector<16xi32>, vector<16xi32>], vector<16xf32>,
        tpu.vector_store_idx %arg13[%get3A_270, %get3A_272, %broadcast_in_dim3A_602], %add3A_592 : memref<8x8x129xf32, #tpu.memory_space<vmem>>[vector<16xi32>, vector<16xi32>, vector<16xi32>], vector<16xf32>,
        %broadcast_in_dim3A_603 = vector.broadcast %add3A_478 : i32 to vector<16xi32>
        tpu.vector_store_idx %arg13[%get3A_264, %get3A_272, %broadcast_in_dim3A_603], %add3A_593 : memref<8x8x129xf32, #tpu.memory_space<vmem>>[vector<16xi32>, vector<16xi32>, vector<16xi32>], vector<16xf32>,
        tpu.vector_store_idx %arg13[%get3A_266, %get3A_272, %broadcast_in_dim3A_603], %add3A_594 : memref<8x8x129xf32, #tpu.memory_space<vmem>>[vector<16xi32>, vector<16xi32>, vector<16xi32>], vector<16xf32>,
        tpu.vector_store_idx %arg13[%get3A_268, %get3A_272, %broadcast_in_dim3A_603], %add3A_595 : memref<8x8x129xf32, #tpu.memory_space<vmem>>[vector<16xi32>, vector<16xi32>, vector<16xi32>], vector<16xf32>,
        tpu.vector_store_idx %arg13[%get3A_270, %get3A_272, %broadcast_in_dim3A_603], %add3A_596 : memref<8x8x129xf32, #tpu.memory_space<vmem>>[vector<16xi32>, vector<16xi32>, vector<16xi32>], vector<16xf32>,
        %broadcast_in_dim3A_604 = vector.broadcast %add3A_482 : i32 to vector<16xi32>
        tpu.vector_store_idx %arg13[%get3A_264, %get3A_272, %broadcast_in_dim3A_604], %add3A_597 : memref<8x8x129xf32, #tpu.memory_space<vmem>>[vector<16xi32>, vector<16xi32>, vector<16xi32>], vector<16xf32>,
        tpu.vector_store_idx %arg13[%get3A_266, %get3A_272, %broadcast_in_dim3A_604], %add3A_598 : memref<8x8x129xf32, #tpu.memory_space<vmem>>[vector<16xi32>, vector<16xi32>, vector<16xi32>], vector<16xf32>,
        tpu.vector_store_idx %arg13[%get3A_268, %get3A_272, %broadcast_in_dim3A_604], %add3A_599 : memref<8x8x129xf32, #tpu.memory_space<vmem>>[vector<16xi32>, vector<16xi32>, vector<16xi32>], vector<16xf32>,
        tpu.vector_store_idx %arg13[%get3A_270, %get3A_272, %broadcast_in_dim3A_604], %add3A_600 : memref<8x8x129xf32, #tpu.memory_space<vmem>>[vector<16xi32>, vector<16xi32>, vector<16xi32>], vector<16xf32>,
        %add3A_605 = arith.constant 4 : i32
        %add3A_606 = arith.addi %mul3A_466, %add3A_605 : i32
        %add3A_607 = arith.constant 0 : i32
        %add3A_608 = arith.addi %add3A_606, %add3A_607 : i32
        %add3A_609 = arith.constant 4 : i32
        %add3A_610 = arith.addi %mul3A_466, %add3A_609 : i32
        %add3A_611 = arith.constant 1 : i32
        %add3A_612 = arith.addi %add3A_610, %add3A_611 : i32
        %add3A_613 = arith.constant 4 : i32
        %add3A_614 = arith.addi %mul3A_466, %add3A_613 : i32
        %add3A_615 = arith.constant 2 : i32
        %add3A_616 = arith.addi %add3A_614, %add3A_615 : i32
        %add3A_617 = arith.constant 4 : i32
        %add3A_618 = arith.addi %mul3A_466, %add3A_617 : i32
        %add3A_619 = arith.constant 3 : i32
        %add3A_620 = arith.addi %add3A_618, %add3A_619 : i32
        %broadcast_in_dim3A_621 = vector.broadcast %add3A_608 : i32 to vector<16xi32>
        %gather3A_622 = tpu.vector_load_idx %arg6[%broadcast_in_dim3A_238, %broadcast_in_dim3A_621] : memref<200x128xi32, #tpu.memory_space<vmem>>[vector<16xi32>, vector<16xi32>], vector<16xi32>,
        %broadcast_in_dim3A_623 = vector.broadcast %add3A_612 : i32 to vector<16xi32>
        %gather3A_624 = tpu.vector_load_idx %arg6[%broadcast_in_dim3A_238, %broadcast_in_dim3A_623] : memref<200x128xi32, #tpu.memory_space<vmem>>[vector<16xi32>, vector<16xi32>], vector<16xi32>,
        %broadcast_in_dim3A_625 = vector.broadcast %add3A_616 : i32 to vector<16xi32>
        %gather3A_626 = tpu.vector_load_idx %arg6[%broadcast_in_dim3A_238, %broadcast_in_dim3A_625] : memref<200x128xi32, #tpu.memory_space<vmem>>[vector<16xi32>, vector<16xi32>], vector<16xi32>,
        %broadcast_in_dim3A_627 = vector.broadcast %add3A_620 : i32 to vector<16xi32>
        %gather3A_628 = tpu.vector_load_idx %arg6[%broadcast_in_dim3A_238, %broadcast_in_dim3A_627] : memref<200x128xi32, #tpu.memory_space<vmem>>[vector<16xi32>, vector<16xi32>], vector<16xi32>,
        %gt3A_629 = arith.constant 0 : i32
        %gt3A_630 = vector.broadcast %gt3A_629 : i32 to vector<16xi32>
        %gt3A_631 = arith.cmpi sgt, %gather3A_622, %gt3A_630 : vector<16xi32>
        %jit3A_632 = arith.constant 1.000000e+00 : f32
        %jit3A_633 = arith.constant 0.000000e+00 : f32
        %broadcast_in_dim3A_634 = vector.broadcast %jit3A_632 : f32 to vector<16xf32>
        %broadcast_in_dim3A_635 = vector.broadcast %jit3A_633 : f32 to vector<16xf32>
        %select_n3A_636 = arith.select %gt3A_631, %broadcast_in_dim3A_634, %broadcast_in_dim3A_635 : vector<16xi1>, vector<16xf32>
        %gt3A_637 = arith.constant 0 : i32
        %gt3A_638 = vector.broadcast %gt3A_637 : i32 to vector<16xi32>
        %gt3A_639 = arith.cmpi sgt, %gather3A_624, %gt3A_638 : vector<16xi32>
        %jit3A_640 = arith.constant 1.000000e+00 : f32
        %jit3A_641 = arith.constant 0.000000e+00 : f32
        %broadcast_in_dim3A_642 = vector.broadcast %jit3A_640 : f32 to vector<16xf32>
        %broadcast_in_dim3A_643 = vector.broadcast %jit3A_641 : f32 to vector<16xf32>
        %select_n3A_644 = arith.select %gt3A_639, %broadcast_in_dim3A_642, %broadcast_in_dim3A_643 : vector<16xi1>, vector<16xf32>
        %gt3A_645 = arith.constant 0 : i32
        %gt3A_646 = vector.broadcast %gt3A_645 : i32 to vector<16xi32>
        %gt3A_647 = arith.cmpi sgt, %gather3A_626, %gt3A_646 : vector<16xi32>
        %jit3A_648 = arith.constant 1.000000e+00 : f32
        %jit3A_649 = arith.constant 0.000000e+00 : f32
        %broadcast_in_dim3A_650 = vector.broadcast %jit3A_648 : f32 to vector<16xf32>
        %broadcast_in_dim3A_651 = vector.broadcast %jit3A_649 : f32 to vector<16xf32>
        %select_n3A_652 = arith.select %gt3A_647, %broadcast_in_dim3A_650, %broadcast_in_dim3A_651 : vector<16xi1>, vector<16xf32>
        %gt3A_653 = arith.constant 0 : i32
        %gt3A_654 = vector.broadcast %gt3A_653 : i32 to vector<16xi32>
        %gt3A_655 = arith.cmpi sgt, %gather3A_628, %gt3A_654 : vector<16xi32>
        %jit3A_656 = arith.constant 1.000000e+00 : f32
        %jit3A_657 = arith.constant 0.000000e+00 : f32
        %broadcast_in_dim3A_658 = vector.broadcast %jit3A_656 : f32 to vector<16xf32>
        %broadcast_in_dim3A_659 = vector.broadcast %jit3A_657 : f32 to vector<16xf32>
        %select_n3A_660 = arith.select %gt3A_655, %broadcast_in_dim3A_658, %broadcast_in_dim3A_659 : vector<16xi1>, vector<16xf32>
        %get3A_661 = arith.index_cast %add3A_608 : i32 to index
        %get3A_662 = arith.constant 0 : index
        %get3A_663 = tpu.vector_load %arg9[%get3A_661, %get3A_662] {strides = array<i32>} : memref<128x64xf32, #tpu.memory_space<vmem>>, vector<16xf32>,
        %get3A_664 = arith.index_cast %add3A_608 : i32 to index
        %get3A_665 = arith.constant 16 : index
        %get3A_666 = tpu.vector_load %arg9[%get3A_664, %get3A_665] {strides = array<i32>} : memref<128x64xf32, #tpu.memory_space<vmem>>, vector<16xf32>,
        %get3A_667 = arith.index_cast %add3A_608 : i32 to index
        %get3A_668 = arith.constant 32 : index
        %get3A_669 = tpu.vector_load %arg9[%get3A_667, %get3A_668] {strides = array<i32>} : memref<128x64xf32, #tpu.memory_space<vmem>>, vector<16xf32>,
        %get3A_670 = arith.index_cast %add3A_608 : i32 to index
        %get3A_671 = arith.constant 48 : index
        %get3A_672 = tpu.vector_load %arg9[%get3A_670, %get3A_671] {strides = array<i32>} : memref<128x64xf32, #tpu.memory_space<vmem>>, vector<16xf32>,
        %get3A_673 = arith.index_cast %add3A_612 : i32 to index
        %get3A_674 = arith.constant 0 : index
        %get3A_675 = tpu.vector_load %arg9[%get3A_673, %get3A_674] {strides = array<i32>} : memref<128x64xf32, #tpu.memory_space<vmem>>, vector<16xf32>,
        %get3A_676 = arith.index_cast %add3A_612 : i32 to index
        %get3A_677 = arith.constant 16 : index
        %get3A_678 = tpu.vector_load %arg9[%get3A_676, %get3A_677] {strides = array<i32>} : memref<128x64xf32, #tpu.memory_space<vmem>>, vector<16xf32>,
        %get3A_679 = arith.index_cast %add3A_612 : i32 to index
        %get3A_680 = arith.constant 32 : index
        %get3A_681 = tpu.vector_load %arg9[%get3A_679, %get3A_680] {strides = array<i32>} : memref<128x64xf32, #tpu.memory_space<vmem>>, vector<16xf32>,
        %get3A_682 = arith.index_cast %add3A_612 : i32 to index
        %get3A_683 = arith.constant 48 : index
        %get3A_684 = tpu.vector_load %arg9[%get3A_682, %get3A_683] {strides = array<i32>} : memref<128x64xf32, #tpu.memory_space<vmem>>, vector<16xf32>,
        %get3A_685 = arith.index_cast %add3A_616 : i32 to index
        %get3A_686 = arith.constant 0 : index
        %get3A_687 = tpu.vector_load %arg9[%get3A_685, %get3A_686] {strides = array<i32>} : memref<128x64xf32, #tpu.memory_space<vmem>>, vector<16xf32>,
        %get3A_688 = arith.index_cast %add3A_616 : i32 to index
        %get3A_689 = arith.constant 16 : index
        %get3A_690 = tpu.vector_load %arg9[%get3A_688, %get3A_689] {strides = array<i32>} : memref<128x64xf32, #tpu.memory_space<vmem>>, vector<16xf32>,
        %get3A_691 = arith.index_cast %add3A_616 : i32 to index
        %get3A_692 = arith.constant 32 : index
        %get3A_693 = tpu.vector_load %arg9[%get3A_691, %get3A_692] {strides = array<i32>} : memref<128x64xf32, #tpu.memory_space<vmem>>, vector<16xf32>,
        %get3A_694 = arith.index_cast %add3A_616 : i32 to index
        %get3A_695 = arith.constant 48 : index
        %get3A_696 = tpu.vector_load %arg9[%get3A_694, %get3A_695] {strides = array<i32>} : memref<128x64xf32, #tpu.memory_space<vmem>>, vector<16xf32>,
        %get3A_697 = arith.index_cast %add3A_620 : i32 to index
        %get3A_698 = arith.constant 0 : index
        %get3A_699 = tpu.vector_load %arg9[%get3A_697, %get3A_698] {strides = array<i32>} : memref<128x64xf32, #tpu.memory_space<vmem>>, vector<16xf32>,
        %get3A_700 = arith.index_cast %add3A_620 : i32 to index
        %get3A_701 = arith.constant 16 : index
        %get3A_702 = tpu.vector_load %arg9[%get3A_700, %get3A_701] {strides = array<i32>} : memref<128x64xf32, #tpu.memory_space<vmem>>, vector<16xf32>,
        %get3A_703 = arith.index_cast %add3A_620 : i32 to index
        %get3A_704 = arith.constant 32 : index
        %get3A_705 = tpu.vector_load %arg9[%get3A_703, %get3A_704] {strides = array<i32>} : memref<128x64xf32, #tpu.memory_space<vmem>>, vector<16xf32>,
        %get3A_706 = arith.index_cast %add3A_620 : i32 to index
        %get3A_707 = arith.constant 48 : index
        %get3A_708 = tpu.vector_load %arg9[%get3A_706, %get3A_707] {strides = array<i32>} : memref<128x64xf32, #tpu.memory_space<vmem>>, vector<16xf32>,
        %mul3A_709 = arith.mulf %gather3A_247, %select_n3A_636 : vector<16xf32>
        %mul3A_710 = arith.mulf %gather3A_252, %select_n3A_636 : vector<16xf32>
        %mul3A_711 = arith.mulf %gather3A_257, %select_n3A_636 : vector<16xf32>
        %mul3A_712 = arith.mulf %gather3A_262, %select_n3A_636 : vector<16xf32>
        %mul3A_713 = arith.mulf %gather3A_247, %select_n3A_644 : vector<16xf32>
        %mul3A_714 = arith.mulf %gather3A_252, %select_n3A_644 : vector<16xf32>
        %mul3A_715 = arith.mulf %gather3A_257, %select_n3A_644 : vector<16xf32>
        %mul3A_716 = arith.mulf %gather3A_262, %select_n3A_644 : vector<16xf32>
        %mul3A_717 = arith.mulf %gather3A_247, %select_n3A_652 : vector<16xf32>
        %mul3A_718 = arith.mulf %gather3A_252, %select_n3A_652 : vector<16xf32>
        %mul3A_719 = arith.mulf %gather3A_257, %select_n3A_652 : vector<16xf32>
        %mul3A_720 = arith.mulf %gather3A_262, %select_n3A_652 : vector<16xf32>
        %mul3A_721 = arith.mulf %gather3A_247, %select_n3A_660 : vector<16xf32>
        %mul3A_722 = arith.mulf %gather3A_252, %select_n3A_660 : vector<16xf32>
        %mul3A_723 = arith.mulf %gather3A_257, %select_n3A_660 : vector<16xf32>
        %mul3A_724 = arith.mulf %gather3A_262, %select_n3A_660 : vector<16xf32>
        %add3A_725 = arith.addf %get3A_663, %mul3A_709 : vector<16xf32>
        %add3A_726 = arith.addf %get3A_666, %mul3A_710 : vector<16xf32>
        %add3A_727 = arith.addf %get3A_669, %mul3A_711 : vector<16xf32>
        %add3A_728 = arith.addf %get3A_672, %mul3A_712 : vector<16xf32>
        %add3A_729 = arith.addf %get3A_675, %mul3A_713 : vector<16xf32>
        %add3A_730 = arith.addf %get3A_678, %mul3A_714 : vector<16xf32>
        %add3A_731 = arith.addf %get3A_681, %mul3A_715 : vector<16xf32>
        %add3A_732 = arith.addf %get3A_684, %mul3A_716 : vector<16xf32>
        %add3A_733 = arith.addf %get3A_687, %mul3A_717 : vector<16xf32>
        %add3A_734 = arith.addf %get3A_690, %mul3A_718 : vector<16xf32>
        %add3A_735 = arith.addf %get3A_693, %mul3A_719 : vector<16xf32>
        %add3A_736 = arith.addf %get3A_696, %mul3A_720 : vector<16xf32>
        %add3A_737 = arith.addf %get3A_699, %mul3A_721 : vector<16xf32>
        %add3A_738 = arith.addf %get3A_702, %mul3A_722 : vector<16xf32>
        %add3A_739 = arith.addf %get3A_705, %mul3A_723 : vector<16xf32>
        %add3A_740 = arith.addf %get3A_708, %mul3A_724 : vector<16xf32>
        %broadcast_in_dim3A_741 = vector.broadcast %add3A_608 : i32 to vector<16xi32>
        tpu.vector_store_idx %arg13[%get3A_264, %get3A_272, %broadcast_in_dim3A_741], %add3A_725 : memref<8x8x129xf32, #tpu.memory_space<vmem>>[vector<16xi32>, vector<16xi32>, vector<16xi32>], vector<16xf32>,
        tpu.vector_store_idx %arg13[%get3A_266, %get3A_272, %broadcast_in_dim3A_741], %add3A_726 : memref<8x8x129xf32, #tpu.memory_space<vmem>>[vector<16xi32>, vector<16xi32>, vector<16xi32>], vector<16xf32>,
        tpu.vector_store_idx %arg13[%get3A_268, %get3A_272, %broadcast_in_dim3A_741], %add3A_727 : memref<8x8x129xf32, #tpu.memory_space<vmem>>[vector<16xi32>, vector<16xi32>, vector<16xi32>], vector<16xf32>,
        tpu.vector_store_idx %arg13[%get3A_270, %get3A_272, %broadcast_in_dim3A_741], %add3A_728 : memref<8x8x129xf32, #tpu.memory_space<vmem>>[vector<16xi32>, vector<16xi32>, vector<16xi32>], vector<16xf32>,
        %broadcast_in_dim3A_742 = vector.broadcast %add3A_612 : i32 to vector<16xi32>
        tpu.vector_store_idx %arg13[%get3A_264, %get3A_272, %broadcast_in_dim3A_742], %add3A_729 : memref<8x8x129xf32, #tpu.memory_space<vmem>>[vector<16xi32>, vector<16xi32>, vector<16xi32>], vector<16xf32>,
        tpu.vector_store_idx %arg13[%get3A_266, %get3A_272, %broadcast_in_dim3A_742], %add3A_730 : memref<8x8x129xf32, #tpu.memory_space<vmem>>[vector<16xi32>, vector<16xi32>, vector<16xi32>], vector<16xf32>,
        tpu.vector_store_idx %arg13[%get3A_268, %get3A_272, %broadcast_in_dim3A_742], %add3A_731 : memref<8x8x129xf32, #tpu.memory_space<vmem>>[vector<16xi32>, vector<16xi32>, vector<16xi32>], vector<16xf32>,
        tpu.vector_store_idx %arg13[%get3A_270, %get3A_272, %broadcast_in_dim3A_742], %add3A_732 : memref<8x8x129xf32, #tpu.memory_space<vmem>>[vector<16xi32>, vector<16xi32>, vector<16xi32>], vector<16xf32>,
        %broadcast_in_dim3A_743 = vector.broadcast %add3A_616 : i32 to vector<16xi32>
        tpu.vector_store_idx %arg13[%get3A_264, %get3A_272, %broadcast_in_dim3A_743], %add3A_733 : memref<8x8x129xf32, #tpu.memory_space<vmem>>[vector<16xi32>, vector<16xi32>, vector<16xi32>], vector<16xf32>,
        tpu.vector_store_idx %arg13[%get3A_266, %get3A_272, %broadcast_in_dim3A_743], %add3A_734 : memref<8x8x129xf32, #tpu.memory_space<vmem>>[vector<16xi32>, vector<16xi32>, vector<16xi32>], vector<16xf32>,
        tpu.vector_store_idx %arg13[%get3A_268, %get3A_272, %broadcast_in_dim3A_743], %add3A_735 : memref<8x8x129xf32, #tpu.memory_space<vmem>>[vector<16xi32>, vector<16xi32>, vector<16xi32>], vector<16xf32>,
        tpu.vector_store_idx %arg13[%get3A_270, %get3A_272, %broadcast_in_dim3A_743], %add3A_736 : memref<8x8x129xf32, #tpu.memory_space<vmem>>[vector<16xi32>, vector<16xi32>, vector<16xi32>], vector<16xf32>,
        %broadcast_in_dim3A_744 = vector.broadcast %add3A_620 : i32 to vector<16xi32>
        tpu.vector_store_idx %arg13[%get3A_264, %get3A_272, %broadcast_in_dim3A_744], %add3A_737 : memref<8x8x129xf32, #tpu.memory_space<vmem>>[vector<16xi32>, vector<16xi32>, vector<16xi32>], vector<16xf32>,
        tpu.vector_store_idx %arg13[%get3A_266, %get3A_272, %broadcast_in_dim3A_744], %add3A_738 : memref<8x8x129xf32, #tpu.memory_space<vmem>>[vector<16xi32>, vector<16xi32>, vector<16xi32>], vector<16xf32>,
        tpu.vector_store_idx %arg13[%get3A_268, %get3A_272, %broadcast_in_dim3A_744], %add3A_739 : memref<8x8x129xf32, #tpu.memory_space<vmem>>[vector<16xi32>, vector<16xi32>, vector<16xi32>], vector<16xf32>,
        tpu.vector_store_idx %arg13[%get3A_270, %get3A_272, %broadcast_in_dim3A_744], %add3A_740 : memref<8x8x129xf32, #tpu.memory_space<vmem>>[vector<16xi32>, vector<16xi32>, vector<16xi32>], vector<16xf32>,
        %add3A_745 = arith.constant 8 : i32
        %add3A_746 = arith.addi %mul3A_466, %add3A_745 : i32
        %add3A_747 = arith.constant 0 : i32
        %add3A_748 = arith.addi %add3A_746, %add3A_747 : i32
        %add3A_749 = arith.constant 8 : i32
        %add3A_750 = arith.addi %mul3A_466, %add3A_749 : i32
        %add3A_751 = arith.constant 1 : i32
        %add3A_752 = arith.addi %add3A_750, %add3A_751 : i32
        %add3A_753 = arith.constant 8 : i32
        %add3A_754 = arith.addi %mul3A_466, %add3A_753 : i32
        %add3A_755 = arith.constant 2 : i32
        %add3A_756 = arith.addi %add3A_754, %add3A_755 : i32
        %add3A_757 = arith.constant 8 : i32
        %add3A_758 = arith.addi %mul3A_466, %add3A_757 : i32
        %add3A_759 = arith.constant 3 : i32
        %add3A_760 = arith.addi %add3A_758, %add3A_759 : i32
        %broadcast_in_dim3A_761 = vector.broadcast %add3A_748 : i32 to vector<16xi32>
        %gather3A_762 = tpu.vector_load_idx %arg6[%broadcast_in_dim3A_238, %broadcast_in_dim3A_761] : memref<200x128xi32, #tpu.memory_space<vmem>>[vector<16xi32>, vector<16xi32>], vector<16xi32>,
        %broadcast_in_dim3A_763 = vector.broadcast %add3A_752 : i32 to vector<16xi32>
        %gather3A_764 = tpu.vector_load_idx %arg6[%broadcast_in_dim3A_238, %broadcast_in_dim3A_763] : memref<200x128xi32, #tpu.memory_space<vmem>>[vector<16xi32>, vector<16xi32>], vector<16xi32>,
        %broadcast_in_dim3A_765 = vector.broadcast %add3A_756 : i32 to vector<16xi32>
        %gather3A_766 = tpu.vector_load_idx %arg6[%broadcast_in_dim3A_238, %broadcast_in_dim3A_765] : memref<200x128xi32, #tpu.memory_space<vmem>>[vector<16xi32>, vector<16xi32>], vector<16xi32>,
        %broadcast_in_dim3A_767 = vector.broadcast %add3A_760 : i32 to vector<16xi32>
        %gather3A_768 = tpu.vector_load_idx %arg6[%broadcast_in_dim3A_238, %broadcast_in_dim3A_767] : memref<200x128xi32, #tpu.memory_space<vmem>>[vector<16xi32>, vector<16xi32>], vector<16xi32>,
        %gt3A_769 = arith.constant 0 : i32
        %gt3A_770 = vector.broadcast %gt3A_769 : i32 to vector<16xi32>
        %gt3A_771 = arith.cmpi sgt, %gather3A_762, %gt3A_770 : vector<16xi32>
        %jit3A_772 = arith.constant 1.000000e+00 : f32
        %jit3A_773 = arith.constant 0.000000e+00 : f32
        %broadcast_in_dim3A_774 = vector.broadcast %jit3A_772 : f32 to vector<16xf32>
        %broadcast_in_dim3A_775 = vector.broadcast %jit3A_773 : f32 to vector<16xf32>
        %select_n3A_776 = arith.select %gt3A_771, %broadcast_in_dim3A_774, %broadcast_in_dim3A_775 : vector<16xi1>, vector<16xf32>
        %gt3A_777 = arith.constant 0 : i32
        %gt3A_778 = vector.broadcast %gt3A_777 : i32 to vector<16xi32>
        %gt3A_779 = arith.cmpi sgt, %gather3A_764, %gt3A_778 : vector<16xi32>
        %jit3A_780 = arith.constant 1.000000e+00 : f32
        %jit3A_781 = arith.constant 0.000000e+00 : f32
        %broadcast_in_dim3A_782 = vector.broadcast %jit3A_780 : f32 to vector<16xf32>
        %broadcast_in_dim3A_783 = vector.broadcast %jit3A_781 : f32 to vector<16xf32>
        %select_n3A_784 = arith.select %gt3A_779, %broadcast_in_dim3A_782, %broadcast_in_dim3A_783 : vector<16xi1>, vector<16xf32>
        %gt3A_785 = arith.constant 0 : i32
        %gt3A_786 = vector.broadcast %gt3A_785 : i32 to vector<16xi32>
        %gt3A_787 = arith.cmpi sgt, %gather3A_766, %gt3A_786 : vector<16xi32>
        %jit3A_788 = arith.constant 1.000000e+00 : f32
        %jit3A_789 = arith.constant 0.000000e+00 : f32
        %broadcast_in_dim3A_790 = vector.broadcast %jit3A_788 : f32 to vector<16xf32>
        %broadcast_in_dim3A_791 = vector.broadcast %jit3A_789 : f32 to vector<16xf32>
        %select_n3A_792 = arith.select %gt3A_787, %broadcast_in_dim3A_790, %broadcast_in_dim3A_791 : vector<16xi1>, vector<16xf32>
        %gt3A_793 = arith.constant 0 : i32
        %gt3A_794 = vector.broadcast %gt3A_793 : i32 to vector<16xi32>
        %gt3A_795 = arith.cmpi sgt, %gather3A_768, %gt3A_794 : vector<16xi32>
        %jit3A_796 = arith.constant 1.000000e+00 : f32
        %jit3A_797 = arith.constant 0.000000e+00 : f32
        %broadcast_in_dim3A_798 = vector.broadcast %jit3A_796 : f32 to vector<16xf32>
        %broadcast_in_dim3A_799 = vector.broadcast %jit3A_797 : f32 to vector<16xf32>
        %select_n3A_800 = arith.select %gt3A_795, %broadcast_in_dim3A_798, %broadcast_in_dim3A_799 : vector<16xi1>, vector<16xf32>
        %get3A_801 = arith.index_cast %add3A_748 : i32 to index
        %get3A_802 = arith.constant 0 : index
        %get3A_803 = tpu.vector_load %arg9[%get3A_801, %get3A_802] {strides = array<i32>} : memref<128x64xf32, #tpu.memory_space<vmem>>, vector<16xf32>,
        %get3A_804 = arith.index_cast %add3A_748 : i32 to index
        %get3A_805 = arith.constant 16 : index
        %get3A_806 = tpu.vector_load %arg9[%get3A_804, %get3A_805] {strides = array<i32>} : memref<128x64xf32, #tpu.memory_space<vmem>>, vector<16xf32>,
        %get3A_807 = arith.index_cast %add3A_748 : i32 to index
        %get3A_808 = arith.constant 32 : index
        %get3A_809 = tpu.vector_load %arg9[%get3A_807, %get3A_808] {strides = array<i32>} : memref<128x64xf32, #tpu.memory_space<vmem>>, vector<16xf32>,
        %get3A_810 = arith.index_cast %add3A_748 : i32 to index
        %get3A_811 = arith.constant 48 : index
        %get3A_812 = tpu.vector_load %arg9[%get3A_810, %get3A_811] {strides = array<i32>} : memref<128x64xf32, #tpu.memory_space<vmem>>, vector<16xf32>,
        %get3A_813 = arith.index_cast %add3A_752 : i32 to index
        %get3A_814 = arith.constant 0 : index
        %get3A_815 = tpu.vector_load %arg9[%get3A_813, %get3A_814] {strides = array<i32>} : memref<128x64xf32, #tpu.memory_space<vmem>>, vector<16xf32>,
        %get3A_816 = arith.index_cast %add3A_752 : i32 to index
        %get3A_817 = arith.constant 16 : index
        %get3A_818 = tpu.vector_load %arg9[%get3A_816, %get3A_817] {strides = array<i32>} : memref<128x64xf32, #tpu.memory_space<vmem>>, vector<16xf32>,
        %get3A_819 = arith.index_cast %add3A_752 : i32 to index
        %get3A_820 = arith.constant 32 : index
        %get3A_821 = tpu.vector_load %arg9[%get3A_819, %get3A_820] {strides = array<i32>} : memref<128x64xf32, #tpu.memory_space<vmem>>, vector<16xf32>,
        %get3A_822 = arith.index_cast %add3A_752 : i32 to index
        %get3A_823 = arith.constant 48 : index
        %get3A_824 = tpu.vector_load %arg9[%get3A_822, %get3A_823] {strides = array<i32>} : memref<128x64xf32, #tpu.memory_space<vmem>>, vector<16xf32>,
        %get3A_825 = arith.index_cast %add3A_756 : i32 to index
        %get3A_826 = arith.constant 0 : index
        %get3A_827 = tpu.vector_load %arg9[%get3A_825, %get3A_826] {strides = array<i32>} : memref<128x64xf32, #tpu.memory_space<vmem>>, vector<16xf32>,
        %get3A_828 = arith.index_cast %add3A_756 : i32 to index
        %get3A_829 = arith.constant 16 : index
        %get3A_830 = tpu.vector_load %arg9[%get3A_828, %get3A_829] {strides = array<i32>} : memref<128x64xf32, #tpu.memory_space<vmem>>, vector<16xf32>,
        %get3A_831 = arith.index_cast %add3A_756 : i32 to index
        %get3A_832 = arith.constant 32 : index
        %get3A_833 = tpu.vector_load %arg9[%get3A_831, %get3A_832] {strides = array<i32>} : memref<128x64xf32, #tpu.memory_space<vmem>>, vector<16xf32>,
        %get3A_834 = arith.index_cast %add3A_756 : i32 to index
        %get3A_835 = arith.constant 48 : index
        %get3A_836 = tpu.vector_load %arg9[%get3A_834, %get3A_835] {strides = array<i32>} : memref<128x64xf32, #tpu.memory_space<vmem>>, vector<16xf32>,
        %get3A_837 = arith.index_cast %add3A_760 : i32 to index
        %get3A_838 = arith.constant 0 : index
        %get3A_839 = tpu.vector_load %arg9[%get3A_837, %get3A_838] {strides = array<i32>} : memref<128x64xf32, #tpu.memory_space<vmem>>, vector<16xf32>,
        %get3A_840 = arith.index_cast %add3A_760 : i32 to index
        %get3A_841 = arith.constant 16 : index
        %get3A_842 = tpu.vector_load %arg9[%get3A_840, %get3A_841] {strides = array<i32>} : memref<128x64xf32, #tpu.memory_space<vmem>>, vector<16xf32>,
        %get3A_843 = arith.index_cast %add3A_760 : i32 to index
        %get3A_844 = arith.constant 32 : index
        %get3A_845 = tpu.vector_load %arg9[%get3A_843, %get3A_844] {strides = array<i32>} : memref<128x64xf32, #tpu.memory_space<vmem>>, vector<16xf32>,
        %get3A_846 = arith.index_cast %add3A_760 : i32 to index
        %get3A_847 = arith.constant 48 : index
        %get3A_848 = tpu.vector_load %arg9[%get3A_846, %get3A_847] {strides = array<i32>} : memref<128x64xf32, #tpu.memory_space<vmem>>, vector<16xf32>,
        %mul3A_849 = arith.mulf %gather3A_247, %select_n3A_776 : vector<16xf32>
        %mul3A_850 = arith.mulf %gather3A_252, %select_n3A_776 : vector<16xf32>
        %mul3A_851 = arith.mulf %gather3A_257, %select_n3A_776 : vector<16xf32>
        %mul3A_852 = arith.mulf %gather3A_262, %select_n3A_776 : vector<16xf32>
        %mul3A_853 = arith.mulf %gather3A_247, %select_n3A_784 : vector<16xf32>
        %mul3A_854 = arith.mulf %gather3A_252, %select_n3A_784 : vector<16xf32>
        %mul3A_855 = arith.mulf %gather3A_257, %select_n3A_784 : vector<16xf32>
        %mul3A_856 = arith.mulf %gather3A_262, %select_n3A_784 : vector<16xf32>
        %mul3A_857 = arith.mulf %gather3A_247, %select_n3A_792 : vector<16xf32>
        %mul3A_858 = arith.mulf %gather3A_252, %select_n3A_792 : vector<16xf32>
        %mul3A_859 = arith.mulf %gather3A_257, %select_n3A_792 : vector<16xf32>
        %mul3A_860 = arith.mulf %gather3A_262, %select_n3A_792 : vector<16xf32>
        %mul3A_861 = arith.mulf %gather3A_247, %select_n3A_800 : vector<16xf32>
        %mul3A_862 = arith.mulf %gather3A_252, %select_n3A_800 : vector<16xf32>
        %mul3A_863 = arith.mulf %gather3A_257, %select_n3A_800 : vector<16xf32>
        %mul3A_864 = arith.mulf %gather3A_262, %select_n3A_800 : vector<16xf32>
        %add3A_865 = arith.addf %get3A_803, %mul3A_849 : vector<16xf32>
        %add3A_866 = arith.addf %get3A_806, %mul3A_850 : vector<16xf32>
        %add3A_867 = arith.addf %get3A_809, %mul3A_851 : vector<16xf32>
        %add3A_868 = arith.addf %get3A_812, %mul3A_852 : vector<16xf32>
        %add3A_869 = arith.addf %get3A_815, %mul3A_853 : vector<16xf32>
        %add3A_870 = arith.addf %get3A_818, %mul3A_854 : vector<16xf32>
        %add3A_871 = arith.addf %get3A_821, %mul3A_855 : vector<16xf32>
        %add3A_872 = arith.addf %get3A_824, %mul3A_856 : vector<16xf32>
        %add3A_873 = arith.addf %get3A_827, %mul3A_857 : vector<16xf32>
        %add3A_874 = arith.addf %get3A_830, %mul3A_858 : vector<16xf32>
        %add3A_875 = arith.addf %get3A_833, %mul3A_859 : vector<16xf32>
        %add3A_876 = arith.addf %get3A_836, %mul3A_860 : vector<16xf32>
        %add3A_877 = arith.addf %get3A_839, %mul3A_861 : vector<16xf32>
        %add3A_878 = arith.addf %get3A_842, %mul3A_862 : vector<16xf32>
        %add3A_879 = arith.addf %get3A_845, %mul3A_863 : vector<16xf32>
        %add3A_880 = arith.addf %get3A_848, %mul3A_864 : vector<16xf32>
        %broadcast_in_dim3A_881 = vector.broadcast %add3A_748 : i32 to vector<16xi32>
        tpu.vector_store_idx %arg13[%get3A_264, %get3A_272, %broadcast_in_dim3A_881], %add3A_865 : memref<8x8x129xf32, #tpu.memory_space<vmem>>[vector<16xi32>, vector<16xi32>, vector<16xi32>], vector<16xf32>,
        tpu.vector_store_idx %arg13[%get3A_266, %get3A_272, %broadcast_in_dim3A_881], %add3A_866 : memref<8x8x129xf32, #tpu.memory_space<vmem>>[vector<16xi32>, vector<16xi32>, vector<16xi32>], vector<16xf32>,
        tpu.vector_store_idx %arg13[%get3A_268, %get3A_272, %broadcast_in_dim3A_881], %add3A_867 : memref<8x8x129xf32, #tpu.memory_space<vmem>>[vector<16xi32>, vector<16xi32>, vector<16xi32>], vector<16xf32>,
        tpu.vector_store_idx %arg13[%get3A_270, %get3A_272, %broadcast_in_dim3A_881], %add3A_868 : memref<8x8x129xf32, #tpu.memory_space<vmem>>[vector<16xi32>, vector<16xi32>, vector<16xi32>], vector<16xf32>,
        %broadcast_in_dim3A_882 = vector.broadcast %add3A_752 : i32 to vector<16xi32>
        tpu.vector_store_idx %arg13[%get3A_264, %get3A_272, %broadcast_in_dim3A_882], %add3A_869 : memref<8x8x129xf32, #tpu.memory_space<vmem>>[vector<16xi32>, vector<16xi32>, vector<16xi32>], vector<16xf32>,
        tpu.vector_store_idx %arg13[%get3A_266, %get3A_272, %broadcast_in_dim3A_882], %add3A_870 : memref<8x8x129xf32, #tpu.memory_space<vmem>>[vector<16xi32>, vector<16xi32>, vector<16xi32>], vector<16xf32>,
        tpu.vector_store_idx %arg13[%get3A_268, %get3A_272, %broadcast_in_dim3A_882], %add3A_871 : memref<8x8x129xf32, #tpu.memory_space<vmem>>[vector<16xi32>, vector<16xi32>, vector<16xi32>], vector<16xf32>,
        tpu.vector_store_idx %arg13[%get3A_270, %get3A_272, %broadcast_in_dim3A_882], %add3A_872 : memref<8x8x129xf32, #tpu.memory_space<vmem>>[vector<16xi32>, vector<16xi32>, vector<16xi32>], vector<16xf32>,
        %broadcast_in_dim3A_883 = vector.broadcast %add3A_756 : i32 to vector<16xi32>
        tpu.vector_store_idx %arg13[%get3A_264, %get3A_272, %broadcast_in_dim3A_883], %add3A_873 : memref<8x8x129xf32, #tpu.memory_space<vmem>>[vector<16xi32>, vector<16xi32>, vector<16xi32>], vector<16xf32>,
        tpu.vector_store_idx %arg13[%get3A_266, %get3A_272, %broadcast_in_dim3A_883], %add3A_874 : memref<8x8x129xf32, #tpu.memory_space<vmem>>[vector<16xi32>, vector<16xi32>, vector<16xi32>], vector<16xf32>,
        tpu.vector_store_idx %arg13[%get3A_268, %get3A_272, %broadcast_in_dim3A_883], %add3A_875 : memref<8x8x129xf32, #tpu.memory_space<vmem>>[vector<16xi32>, vector<16xi32>, vector<16xi32>], vector<16xf32>,
        tpu.vector_store_idx %arg13[%get3A_270, %get3A_272, %broadcast_in_dim3A_883], %add3A_876 : memref<8x8x129xf32, #tpu.memory_space<vmem>>[vector<16xi32>, vector<16xi32>, vector<16xi32>], vector<16xf32>,
        %broadcast_in_dim3A_884 = vector.broadcast %add3A_760 : i32 to vector<16xi32>
        tpu.vector_store_idx %arg13[%get3A_264, %get3A_272, %broadcast_in_dim3A_884], %add3A_877 : memref<8x8x129xf32, #tpu.memory_space<vmem>>[vector<16xi32>, vector<16xi32>, vector<16xi32>], vector<16xf32>,
        tpu.vector_store_idx %arg13[%get3A_266, %get3A_272, %broadcast_in_dim3A_884], %add3A_878 : memref<8x8x129xf32, #tpu.memory_space<vmem>>[vector<16xi32>, vector<16xi32>, vector<16xi32>], vector<16xf32>,
        tpu.vector_store_idx %arg13[%get3A_268, %get3A_272, %broadcast_in_dim3A_884], %add3A_879 : memref<8x8x129xf32, #tpu.memory_space<vmem>>[vector<16xi32>, vector<16xi32>, vector<16xi32>], vector<16xf32>,
        tpu.vector_store_idx %arg13[%get3A_270, %get3A_272, %broadcast_in_dim3A_884], %add3A_880 : memref<8x8x129xf32, #tpu.memory_space<vmem>>[vector<16xi32>, vector<16xi32>, vector<16xi32>], vector<16xf32>,
        %add3A_885 = arith.constant 12 : i32
        %add3A_886 = arith.addi %mul3A_466, %add3A_885 : i32
        %add3A_887 = arith.constant 0 : i32
        %add3A_888 = arith.addi %add3A_886, %add3A_887 : i32
        %add3A_889 = arith.constant 12 : i32
        %add3A_890 = arith.addi %mul3A_466, %add3A_889 : i32
        %add3A_891 = arith.constant 1 : i32
        %add3A_892 = arith.addi %add3A_890, %add3A_891 : i32
        %add3A_893 = arith.constant 12 : i32
        %add3A_894 = arith.addi %mul3A_466, %add3A_893 : i32
        %add3A_895 = arith.constant 2 : i32
        %add3A_896 = arith.addi %add3A_894, %add3A_895 : i32
        %add3A_897 = arith.constant 12 : i32
        %add3A_898 = arith.addi %mul3A_466, %add3A_897 : i32
        %add3A_899 = arith.constant 3 : i32
        %add3A_900 = arith.addi %add3A_898, %add3A_899 : i32
        %broadcast_in_dim3A_901 = vector.broadcast %add3A_888 : i32 to vector<16xi32>
        %gather3A_902 = tpu.vector_load_idx %arg6[%broadcast_in_dim3A_238, %broadcast_in_dim3A_901] : memref<200x128xi32, #tpu.memory_space<vmem>>[vector<16xi32>, vector<16xi32>], vector<16xi32>,
        %broadcast_in_dim3A_903 = vector.broadcast %add3A_892 : i32 to vector<16xi32>
        %gather3A_904 = tpu.vector_load_idx %arg6[%broadcast_in_dim3A_238, %broadcast_in_dim3A_903] : memref<200x128xi32, #tpu.memory_space<vmem>>[vector<16xi32>, vector<16xi32>], vector<16xi32>,
        %broadcast_in_dim3A_905 = vector.broadcast %add3A_896 : i32 to vector<16xi32>
        %gather3A_906 = tpu.vector_load_idx %arg6[%broadcast_in_dim3A_238, %broadcast_in_dim3A_905] : memref<200x128xi32, #tpu.memory_space<vmem>>[vector<16xi32>, vector<16xi32>], vector<16xi32>,
        %broadcast_in_dim3A_907 = vector.broadcast %add3A_900 : i32 to vector<16xi32>
        %gather3A_908 = tpu.vector_load_idx %arg6[%broadcast_in_dim3A_238, %broadcast_in_dim3A_907] : memref<200x128xi32, #tpu.memory_space<vmem>>[vector<16xi32>, vector<16xi32>], vector<16xi32>,
        %gt3A_909 = arith.constant 0 : i32
        %gt3A_910 = vector.broadcast %gt3A_909 : i32 to vector<16xi32>
        %gt3A_911 = arith.cmpi sgt, %gather3A_902, %gt3A_910 : vector<16xi32>
        %jit3A_912 = arith.constant 1.000000e+00 : f32
        %jit3A_913 = arith.constant 0.000000e+00 : f32
        %broadcast_in_dim3A_914 = vector.broadcast %jit3A_912 : f32 to vector<16xf32>
        %broadcast_in_dim3A_915 = vector.broadcast %jit3A_913 : f32 to vector<16xf32>
        %select_n3A_916 = arith.select %gt3A_911, %broadcast_in_dim3A_914, %broadcast_in_dim3A_915 : vector<16xi1>, vector<16xf32>
        %gt3A_917 = arith.constant 0 : i32
        %gt3A_918 = vector.broadcast %gt3A_917 : i32 to vector<16xi32>
        %gt3A_919 = arith.cmpi sgt, %gather3A_904, %gt3A_918 : vector<16xi32>
        %jit3A_920 = arith.constant 1.000000e+00 : f32
        %jit3A_921 = arith.constant 0.000000e+00 : f32
        %broadcast_in_dim3A_922 = vector.broadcast %jit3A_920 : f32 to vector<16xf32>
        %broadcast_in_dim3A_923 = vector.broadcast %jit3A_921 : f32 to vector<16xf32>
        %select_n3A_924 = arith.select %gt3A_919, %broadcast_in_dim3A_922, %broadcast_in_dim3A_923 : vector<16xi1>, vector<16xf32>
        %gt3A_925 = arith.constant 0 : i32
        %gt3A_926 = vector.broadcast %gt3A_925 : i32 to vector<16xi32>
        %gt3A_927 = arith.cmpi sgt, %gather3A_906, %gt3A_926 : vector<16xi32>
        %jit3A_928 = arith.constant 1.000000e+00 : f32
        %jit3A_929 = arith.constant 0.000000e+00 : f32
        %broadcast_in_dim3A_930 = vector.broadcast %jit3A_928 : f32 to vector<16xf32>
        %broadcast_in_dim3A_931 = vector.broadcast %jit3A_929 : f32 to vector<16xf32>
        %select_n3A_932 = arith.select %gt3A_927, %broadcast_in_dim3A_930, %broadcast_in_dim3A_931 : vector<16xi1>, vector<16xf32>
        %gt3A_933 = arith.constant 0 : i32
        %gt3A_934 = vector.broadcast %gt3A_933 : i32 to vector<16xi32>
        %gt3A_935 = arith.cmpi sgt, %gather3A_908, %gt3A_934 : vector<16xi32>
        %jit3A_936 = arith.constant 1.000000e+00 : f32
        %jit3A_937 = arith.constant 0.000000e+00 : f32
        %broadcast_in_dim3A_938 = vector.broadcast %jit3A_936 : f32 to vector<16xf32>
        %broadcast_in_dim3A_939 = vector.broadcast %jit3A_937 : f32 to vector<16xf32>
        %select_n3A_940 = arith.select %gt3A_935, %broadcast_in_dim3A_938, %broadcast_in_dim3A_939 : vector<16xi1>, vector<16xf32>
        %get3A_941 = arith.index_cast %add3A_888 : i32 to index
        %get3A_942 = arith.constant 0 : index
        %get3A_943 = tpu.vector_load %arg9[%get3A_941, %get3A_942] {strides = array<i32>} : memref<128x64xf32, #tpu.memory_space<vmem>>, vector<16xf32>,
        %get3A_944 = arith.index_cast %add3A_888 : i32 to index
        %get3A_945 = arith.constant 16 : index
        %get3A_946 = tpu.vector_load %arg9[%get3A_944, %get3A_945] {strides = array<i32>} : memref<128x64xf32, #tpu.memory_space<vmem>>, vector<16xf32>,
        %get3A_947 = arith.index_cast %add3A_888 : i32 to index
        %get3A_948 = arith.constant 32 : index
        %get3A_949 = tpu.vector_load %arg9[%get3A_947, %get3A_948] {strides = array<i32>} : memref<128x64xf32, #tpu.memory_space<vmem>>, vector<16xf32>,
        %get3A_950 = arith.index_cast %add3A_888 : i32 to index
        %get3A_951 = arith.constant 48 : index
        %get3A_952 = tpu.vector_load %arg9[%get3A_950, %get3A_951] {strides = array<i32>} : memref<128x64xf32, #tpu.memory_space<vmem>>, vector<16xf32>,
        %get3A_953 = arith.index_cast %add3A_892 : i32 to index
        %get3A_954 = arith.constant 0 : index
        %get3A_955 = tpu.vector_load %arg9[%get3A_953, %get3A_954] {strides = array<i32>} : memref<128x64xf32, #tpu.memory_space<vmem>>, vector<16xf32>,
        %get3A_956 = arith.index_cast %add3A_892 : i32 to index
        %get3A_957 = arith.constant 16 : index
        %get3A_958 = tpu.vector_load %arg9[%get3A_956, %get3A_957] {strides = array<i32>} : memref<128x64xf32, #tpu.memory_space<vmem>>, vector<16xf32>,
        %get3A_959 = arith.index_cast %add3A_892 : i32 to index
        %get3A_960 = arith.constant 32 : index
        %get3A_961 = tpu.vector_load %arg9[%get3A_959, %get3A_960] {strides = array<i32>} : memref<128x64xf32, #tpu.memory_space<vmem>>, vector<16xf32>,
        %get3A_962 = arith.index_cast %add3A_892 : i32 to index
        %get3A_963 = arith.constant 48 : index
        %get3A_964 = tpu.vector_load %arg9[%get3A_962, %get3A_963] {strides = array<i32>} : memref<128x64xf32, #tpu.memory_space<vmem>>, vector<16xf32>,
        %get3A_965 = arith.index_cast %add3A_896 : i32 to index
        %get3A_966 = arith.constant 0 : index
        %get3A_967 = tpu.vector_load %arg9[%get3A_965, %get3A_966] {strides = array<i32>} : memref<128x64xf32, #tpu.memory_space<vmem>>, vector<16xf32>,
        %get3A_968 = arith.index_cast %add3A_896 : i32 to index
        %get3A_969 = arith.constant 16 : index
        %get3A_970 = tpu.vector_load %arg9[%get3A_968, %get3A_969] {strides = array<i32>} : memref<128x64xf32, #tpu.memory_space<vmem>>, vector<16xf32>,
        %get3A_971 = arith.index_cast %add3A_896 : i32 to index
        %get3A_972 = arith.constant 32 : index
        %get3A_973 = tpu.vector_load %arg9[%get3A_971, %get3A_972] {strides = array<i32>} : memref<128x64xf32, #tpu.memory_space<vmem>>, vector<16xf32>,
        %get3A_974 = arith.index_cast %add3A_896 : i32 to index
        %get3A_975 = arith.constant 48 : index
        %get3A_976 = tpu.vector_load %arg9[%get3A_974, %get3A_975] {strides = array<i32>} : memref<128x64xf32, #tpu.memory_space<vmem>>, vector<16xf32>,
        %get3A_977 = arith.index_cast %add3A_900 : i32 to index
        %get3A_978 = arith.constant 0 : index
        %get3A_979 = tpu.vector_load %arg9[%get3A_977, %get3A_978] {strides = array<i32>} : memref<128x64xf32, #tpu.memory_space<vmem>>, vector<16xf32>,
        %get3A_980 = arith.index_cast %add3A_900 : i32 to index
        %get3A_981 = arith.constant 16 : index
        %get3A_982 = tpu.vector_load %arg9[%get3A_980, %get3A_981] {strides = array<i32>} : memref<128x64xf32, #tpu.memory_space<vmem>>, vector<16xf32>,
        %get3A_983 = arith.index_cast %add3A_900 : i32 to index
        %get3A_984 = arith.constant 32 : index
        %get3A_985 = tpu.vector_load %arg9[%get3A_983, %get3A_984] {strides = array<i32>} : memref<128x64xf32, #tpu.memory_space<vmem>>, vector<16xf32>,
        %get3A_986 = arith.index_cast %add3A_900 : i32 to index
        %get3A_987 = arith.constant 48 : index
        %get3A_988 = tpu.vector_load %arg9[%get3A_986, %get3A_987] {strides = array<i32>} : memref<128x64xf32, #tpu.memory_space<vmem>>, vector<16xf32>,
        %mul3A_989 = arith.mulf %gather3A_247, %select_n3A_916 : vector<16xf32>
        %mul3A_990 = arith.mulf %gather3A_252, %select_n3A_916 : vector<16xf32>
        %mul3A_991 = arith.mulf %gather3A_257, %select_n3A_916 : vector<16xf32>
        %mul3A_992 = arith.mulf %gather3A_262, %select_n3A_916 : vector<16xf32>
        %mul3A_993 = arith.mulf %gather3A_247, %select_n3A_924 : vector<16xf32>
        %mul3A_994 = arith.mulf %gather3A_252, %select_n3A_924 : vector<16xf32>
        %mul3A_995 = arith.mulf %gather3A_257, %select_n3A_924 : vector<16xf32>
        %mul3A_996 = arith.mulf %gather3A_262, %select_n3A_924 : vector<16xf32>
        %mul3A_997 = arith.mulf %gather3A_247, %select_n3A_932 : vector<16xf32>
        %mul3A_998 = arith.mulf %gather3A_252, %select_n3A_932 : vector<16xf32>
        %mul3A_999 = arith.mulf %gather3A_257, %select_n3A_932 : vector<16xf32>
        %mul3A_1000 = arith.mulf %gather3A_262, %select_n3A_932 : vector<16xf32>
        %mul3A_1001 = arith.mulf %gather3A_247, %select_n3A_940 : vector<16xf32>
        %mul3A_1002 = arith.mulf %gather3A_252, %select_n3A_940 : vector<16xf32>
        %mul3A_1003 = arith.mulf %gather3A_257, %select_n3A_940 : vector<16xf32>
        %mul3A_1004 = arith.mulf %gather3A_262, %select_n3A_940 : vector<16xf32>
        %add3A_1005 = arith.addf %get3A_943, %mul3A_989 : vector<16xf32>
        %add3A_1006 = arith.addf %get3A_946, %mul3A_990 : vector<16xf32>
        %add3A_1007 = arith.addf %get3A_949, %mul3A_991 : vector<16xf32>
        %add3A_1008 = arith.addf %get3A_952, %mul3A_992 : vector<16xf32>
        %add3A_1009 = arith.addf %get3A_955, %mul3A_993 : vector<16xf32>
        %add3A_1010 = arith.addf %get3A_958, %mul3A_994 : vector<16xf32>
        %add3A_1011 = arith.addf %get3A_961, %mul3A_995 : vector<16xf32>
        %add3A_1012 = arith.addf %get3A_964, %mul3A_996 : vector<16xf32>
        %add3A_1013 = arith.addf %get3A_967, %mul3A_997 : vector<16xf32>
        %add3A_1014 = arith.addf %get3A_970, %mul3A_998 : vector<16xf32>
        %add3A_1015 = arith.addf %get3A_973, %mul3A_999 : vector<16xf32>
        %add3A_1016 = arith.addf %get3A_976, %mul3A_1000 : vector<16xf32>
        %add3A_1017 = arith.addf %get3A_979, %mul3A_1001 : vector<16xf32>
        %add3A_1018 = arith.addf %get3A_982, %mul3A_1002 : vector<16xf32>
        %add3A_1019 = arith.addf %get3A_985, %mul3A_1003 : vector<16xf32>
        %add3A_1020 = arith.addf %get3A_988, %mul3A_1004 : vector<16xf32>
        %broadcast_in_dim3A_1021 = vector.broadcast %add3A_888 : i32 to vector<16xi32>
        tpu.vector_store_idx %arg13[%get3A_264, %get3A_272, %broadcast_in_dim3A_1021], %add3A_1005 : memref<8x8x129xf32, #tpu.memory_space<vmem>>[vector<16xi32>, vector<16xi32>, vector<16xi32>], vector<16xf32>,
        tpu.vector_store_idx %arg13[%get3A_266, %get3A_272, %broadcast_in_dim3A_1021], %add3A_1006 : memref<8x8x129xf32, #tpu.memory_space<vmem>>[vector<16xi32>, vector<16xi32>, vector<16xi32>], vector<16xf32>,
        tpu.vector_store_idx %arg13[%get3A_268, %get3A_272, %broadcast_in_dim3A_1021], %add3A_1007 : memref<8x8x129xf32, #tpu.memory_space<vmem>>[vector<16xi32>, vector<16xi32>, vector<16xi32>], vector<16xf32>,
        tpu.vector_store_idx %arg13[%get3A_270, %get3A_272, %broadcast_in_dim3A_1021], %add3A_1008 : memref<8x8x129xf32, #tpu.memory_space<vmem>>[vector<16xi32>, vector<16xi32>, vector<16xi32>], vector<16xf32>,
        %broadcast_in_dim3A_1022 = vector.broadcast %add3A_892 : i32 to vector<16xi32>
        tpu.vector_store_idx %arg13[%get3A_264, %get3A_272, %broadcast_in_dim3A_1022], %add3A_1009 : memref<8x8x129xf32, #tpu.memory_space<vmem>>[vector<16xi32>, vector<16xi32>, vector<16xi32>], vector<16xf32>,
        tpu.vector_store_idx %arg13[%get3A_266, %get3A_272, %broadcast_in_dim3A_1022], %add3A_1010 : memref<8x8x129xf32, #tpu.memory_space<vmem>>[vector<16xi32>, vector<16xi32>, vector<16xi32>], vector<16xf32>,
        tpu.vector_store_idx %arg13[%get3A_268, %get3A_272, %broadcast_in_dim3A_1022], %add3A_1011 : memref<8x8x129xf32, #tpu.memory_space<vmem>>[vector<16xi32>, vector<16xi32>, vector<16xi32>], vector<16xf32>,
        tpu.vector_store_idx %arg13[%get3A_270, %get3A_272, %broadcast_in_dim3A_1022], %add3A_1012 : memref<8x8x129xf32, #tpu.memory_space<vmem>>[vector<16xi32>, vector<16xi32>, vector<16xi32>], vector<16xf32>,
        %broadcast_in_dim3A_1023 = vector.broadcast %add3A_896 : i32 to vector<16xi32>
        tpu.vector_store_idx %arg13[%get3A_264, %get3A_272, %broadcast_in_dim3A_1023], %add3A_1013 : memref<8x8x129xf32, #tpu.memory_space<vmem>>[vector<16xi32>, vector<16xi32>, vector<16xi32>], vector<16xf32>,
        tpu.vector_store_idx %arg13[%get3A_266, %get3A_272, %broadcast_in_dim3A_1023], %add3A_1014 : memref<8x8x129xf32, #tpu.memory_space<vmem>>[vector<16xi32>, vector<16xi32>, vector<16xi32>], vector<16xf32>,
        tpu.vector_store_idx %arg13[%get3A_268, %get3A_272, %broadcast_in_dim3A_1023], %add3A_1015 : memref<8x8x129xf32, #tpu.memory_space<vmem>>[vector<16xi32>, vector<16xi32>, vector<16xi32>], vector<16xf32>,
        tpu.vector_store_idx %arg13[%get3A_270, %get3A_272, %broadcast_in_dim3A_1023], %add3A_1016 : memref<8x8x129xf32, #tpu.memory_space<vmem>>[vector<16xi32>, vector<16xi32>, vector<16xi32>], vector<16xf32>,
        %broadcast_in_dim3A_1024 = vector.broadcast %add3A_900 : i32 to vector<16xi32>
        tpu.vector_store_idx %arg13[%get3A_264, %get3A_272, %broadcast_in_dim3A_1024], %add3A_1017 : memref<8x8x129xf32, #tpu.memory_space<vmem>>[vector<16xi32>, vector<16xi32>, vector<16xi32>], vector<16xf32>,
        tpu.vector_store_idx %arg13[%get3A_266, %get3A_272, %broadcast_in_dim3A_1024], %add3A_1018 : memref<8x8x129xf32, #tpu.memory_space<vmem>>[vector<16xi32>, vector<16xi32>, vector<16xi32>], vector<16xf32>,
        tpu.vector_store_idx %arg13[%get3A_268, %get3A_272, %broadcast_in_dim3A_1024], %add3A_1019 : memref<8x8x129xf32, #tpu.memory_space<vmem>>[vector<16xi32>, vector<16xi32>, vector<16xi32>], vector<16xf32>,
        tpu.vector_store_idx %arg13[%get3A_270, %get3A_272, %broadcast_in_dim3A_1024], %add3A_1020 : memref<8x8x129xf32, #tpu.memory_space<vmem>>[vector<16xi32>, vector<16xi32>, vector<16xi32>], vector<16xf32>,
      }
      %scan3A_278 = arith.constant 8 : i32
      %add3A_279 = arith.constant 1 : i32
      %add3A_280 = arith.addi %mul3A_150, %add3A_279 : i32
      %dma_start3A_281 = arith.constant 0 : i32
      %dma_start3A_282 = arith.constant 0 : i32
      %dma_start3A_283 = arith.constant 0 : i32
      %dma_start3A_284 = tpu.memref_slice %arg13[%dma_start3A_281, %dma_start3A_282, %dma_start3A_283] : memref<8x8x129xf32, #tpu.memory_space<vmem>> -> memref<8x8x128xf32, #tpu.memory_space<vmem>>
      %dma_start3A_285 = arith.constant 0 : i32
      %dma_start3A_286 = arith.constant 0 : i32
      %dma_start3A_287 = arith.constant 0 : i32
      %dma_start3A_288 = tpu.memref_slice %arg5[%add3A_280, %dma_start3A_285, %add3A, %dma_start3A_286, %dma_start3A_287] : memref<200x8x32x8x128xf32, #tpu.memory_space<hbm>> -> memref<1x8x1x8x128xf32, #tpu.memory_space<hbm>>
      %dma_start3A_289 = tpu.memref_squeeze %dma_start3A_288 : memref<1x8x1x8x128xf32, #tpu.memory_space<hbm>> -> memref<8x8x128xf32, #tpu.memory_space<hbm>>
      %dma_start3A_290 = arith.constant 0 : i32
      %dma_start3A_291 = arith.constant 0 : i32
      %dma_start3A_292 = arith.constant 0 : i32
      %dma_start3A_293 = tpu.memref_slice %arg5[%add3A_280, %dma_start3A_290, %add3A, %dma_start3A_291, %dma_start3A_292] : memref<200x8x32x8x128xf32, #tpu.memory_space<hbm>> -> memref<1x8x1x8x128xf32, #tpu.memory_space<hbm>>
      %dma_start3A_294 = tpu.memref_squeeze %dma_start3A_293 : memref<1x8x1x8x128xf32, #tpu.memory_space<hbm>> -> memref<8x8x128xf32, #tpu.memory_space<hbm>>
      %dma_start3A_295 = arith.constant 0 : i32
      %dma_start3A_296 = arith.constant 0 : i32
      %dma_start3A_297 = arith.constant 0 : i32
      %dma_start3A_298 = tpu.memref_slice %arg13[%dma_start3A_295, %dma_start3A_296, %dma_start3A_297] : memref<8x8x129xf32, #tpu.memory_space<vmem>> -> memref<8x8x128xf32, #tpu.memory_space<vmem>>
      tpu.enqueue_dma source(%dma_start3A_298 : memref<8x8x128xf32, #tpu.memory_space<vmem>>) target(%dma_start3A_294 : memref<8x8x128xf32, #tpu.memory_space<hbm>>) target_semaphore(%arg22 : memref<!tpu.dma_semaphore, #tpu.memory_space<semaphore_mem>>)
      %lt3A_299 = arith.constant 49 : i32
      %lt3A_300 = arith.cmpi slt, %scan3A_148, %lt3A_299 : i32
      %convert_element_type3A_301 = arith.extui %lt3A_300 : i1 to i32
      %cond3A_302 = arith.constant 0 : i32
      %cond3A_303 = arith.cmpi ne, %convert_element_type3A_301, %cond3A_302 : i32
      scf.if %cond3A_303 {
        %add3A_464 = arith.constant 1 : i32
        %add3A_465 = arith.addi %mul3A_150, %add3A_464 : i32
        %add3A_466 = arith.constant 4 : i32
        %add3A_467 = arith.addi %add3A_465, %add3A_466 : i32
        %dma_start3A_468 = arith.constant 0 : i32
        %dma_start3A_469 = tpu.memref_slice %arg6[%add3A_467, %dma_start3A_468] : memref<200x128xi32, #tpu.memory_space<vmem>> -> memref<1x128xi32, #tpu.memory_space<vmem>>
        %dma_start3A_470 = tpu.memref_squeeze %dma_start3A_469 : memref<1x128xi32, #tpu.memory_space<vmem>> -> memref<128xi32, #tpu.memory_space<vmem>>
        %dma_start3A_471 = arith.constant 0 : i32
        %dma_start3A_472 = arith.constant 0 : i32
        %dma_start3A_473 = tpu.memref_slice %arg4[%dma_start3A_471, %dma_start3A_472] : memref<1000000x64xf32, #tpu.memory_space<hbm>> -> memref<1000000x64xf32, #tpu.memory_space<hbm>>
        tpu.enqueue_indirect_dma source(%dma_start3A_473 : memref<1000000x64xf32, #tpu.memory_space<hbm>>) target(%arg9 : memref<128x64xf32, #tpu.memory_space<vmem>>) offsets(%dma_start3A_470 : memref<128xi32, #tpu.memory_space<vmem>>) semaphore(%arg18 : memref<!tpu.dma_semaphore, #tpu.memory_space<semaphore_mem>>)
      } else {
      }
      %gt3A_304 = arith.constant 0 : i32
      %gt3A_305 = arith.cmpi sgt, %scan3A_148, %gt3A_304 : i32
      %convert_element_type3A_306 = arith.extui %gt3A_305 : i1 to i32
      %cond3A_307 = arith.constant 0 : i32
      %cond3A_308 = arith.cmpi ne, %convert_element_type3A_306, %cond3A_307 : i32
      scf.if %cond3A_308 {
        %dma_wait3A_464 = arith.constant 0 : i32
        %dma_wait3A_465 = arith.constant 0 : i32
        %dma_wait3A_466 = arith.constant 0 : i32
        %dma_wait3A_467 = arith.constant 0 : i32
        %dma_wait3A_468 = arith.constant 0 : i32
        %dma_wait3A_469 = tpu.memref_slice %arg14[%dma_wait3A_466, %dma_wait3A_467, %dma_wait3A_468] : memref<8x8x129xf32, #tpu.memory_space<vmem>> -> memref<8x8x128xf32, #tpu.memory_space<vmem>>
        %dma_wait3A_470 = arith.constant 0 : i32
        %dma_wait3A_471 = arith.constant 0 : i32
        %dma_wait3A_472 = arith.constant 0 : i32
        %dma_wait3A_473 = tpu.memref_slice %arg5[%dma_wait3A_464, %dma_wait3A_470, %dma_wait3A_465, %dma_wait3A_471, %dma_wait3A_472] : memref<200x8x32x8x128xf32, #tpu.memory_space<hbm>> -> memref<1x8x1x8x128xf32, #tpu.memory_space<hbm>>
        %dma_wait3A_474 = tpu.memref_squeeze %dma_wait3A_473 : memref<1x8x1x8x128xf32, #tpu.memory_space<hbm>> -> memref<8x8x128xf32, #tpu.memory_space<hbm>>
        %dma_wait3A_475 = arith.constant 0 : i32
        %dma_wait3A_476 = arith.constant 0 : i32
        %dma_wait3A_477 = arith.constant 0 : i32
        %dma_wait3A_478 = tpu.memref_slice %arg5[%dma_wait3A_464, %dma_wait3A_475, %dma_wait3A_465, %dma_wait3A_476, %dma_wait3A_477] : memref<200x8x32x8x128xf32, #tpu.memory_space<hbm>> -> memref<1x8x1x8x128xf32, #tpu.memory_space<hbm>>
        %dma_wait3A_479 = tpu.memref_squeeze %dma_wait3A_478 : memref<1x8x1x8x128xf32, #tpu.memory_space<hbm>> -> memref<8x8x128xf32, #tpu.memory_space<hbm>>
        %dma_wait3A_480 = arith.constant 0 : i32
        %dma_wait3A_481 = arith.constant 0 : i32
        %dma_wait3A_482 = arith.constant 0 : i32
        %dma_wait3A_483 = tpu.memref_slice %arg14[%dma_wait3A_480, %dma_wait3A_481, %dma_wait3A_482] : memref<8x8x129xf32, #tpu.memory_space<vmem>> -> memref<8x8x128xf32, #tpu.memory_space<vmem>>
        tpu.wait_dma2 semaphore(%arg23 : memref<!tpu.dma_semaphore, #tpu.memory_space<semaphore_mem>>) src(%dma_wait3A_483 : memref<8x8x128xf32, #tpu.memory_space<vmem>>) dst(%dma_wait3A_479 : memref<8x8x128xf32, #tpu.memory_space<hbm>>)
      } else {
      }
      %dma_wait3A_309 = arith.constant 0 : i32
      %dma_wait3A_310 = arith.constant 0 : i32
      %dma_wait3A_311 = tpu.memref_slice %arg6[%dma_wait3A_309, %dma_wait3A_310] : memref<200x128xi32, #tpu.memory_space<vmem>> -> memref<1x128xi32, #tpu.memory_space<vmem>>
      %dma_wait3A_312 = tpu.memref_squeeze %dma_wait3A_311 : memref<1x128xi32, #tpu.memory_space<vmem>> -> memref<128xi32, #tpu.memory_space<vmem>>
      %dma_wait3A_313 = arith.constant 0 : i32
      %dma_wait3A_314 = arith.constant 0 : i32
      %dma_wait3A_315 = tpu.memref_slice %arg4[%dma_wait3A_313, %dma_wait3A_314] : memref<1000000x64xf32, #tpu.memory_space<hbm>> -> memref<1000000x64xf32, #tpu.memory_space<hbm>>
      tpu.wait_indirect_dma semaphore(%arg19 : memref<!tpu.dma_semaphore, #tpu.memory_space<semaphore_mem>>) src(%dma_wait3A_315 : memref<1000000x64xf32, #tpu.memory_space<hbm>>) dst(%arg10 : memref<128x64xf32, #tpu.memory_space<vmem>>)
      %add3A_316 = arith.constant 2 : i32
      %add3A_317 = arith.addi %mul3A_150, %add3A_316 : i32
      %broadcast_in_dim3A_318 = vector.broadcast %add3A_317 : i32 to vector<16xi32>
      %add3A_319 = arith.constant 1 : i32
      %add3A_320 = arith.addi %add3A_317, %add3A_319 : i32
      %mul3A_321 = arith.constant 64 : i32
      %mul3A_322 = arith.muli %add3A_320, %mul3A_321 : i32
      %add3A_323 = arith.constant 0 : i32
      %add3A_324 = arith.addi %mul3A_322, %add3A_323 : i32
      %add3A_325 = vector.broadcast %add3A_324 : i32 to vector<16xi32>
      %add3A_326 = arith.addi %add3A_325, %iota3A : vector<16xi32>
      %gather3A_327 = tpu.vector_load_idx %arg7[%add3A_326] : memref<12864xf32, #tpu.memory_space<vmem>>[vector<16xi32>], vector<16xf32>,
      %add3A_328 = arith.constant 16 : i32
      %add3A_329 = arith.addi %mul3A_322, %add3A_328 : i32
      %add3A_330 = vector.broadcast %add3A_329 : i32 to vector<16xi32>
      %add3A_331 = arith.addi %add3A_330, %iota3A : vector<16xi32>
      %gather3A_332 = tpu.vector_load_idx %arg7[%add3A_331] : memref<12864xf32, #tpu.memory_space<vmem>>[vector<16xi32>], vector<16xf32>,
      %add3A_333 = arith.constant 32 : i32
      %add3A_334 = arith.addi %mul3A_322, %add3A_333 : i32
      %add3A_335 = vector.broadcast %add3A_334 : i32 to vector<16xi32>
      %add3A_336 = arith.addi %add3A_335, %iota3A : vector<16xi32>
      %gather3A_337 = tpu.vector_load_idx %arg7[%add3A_336] : memref<12864xf32, #tpu.memory_space<vmem>>[vector<16xi32>], vector<16xf32>,
      %add3A_338 = arith.constant 48 : i32
      %add3A_339 = arith.addi %mul3A_322, %add3A_338 : i32
      %add3A_340 = vector.broadcast %add3A_339 : i32 to vector<16xi32>
      %add3A_341 = arith.addi %add3A_340, %iota3A : vector<16xi32>
      %gather3A_342 = tpu.vector_load_idx %arg7[%add3A_341] : memref<12864xf32, #tpu.memory_space<vmem>>[vector<16xi32>], vector<16xf32>,
      %get3A_343 = arith.constant 0 : index
      %get3A_344 = tpu.vector_load %arg16[%get3A_343] {strides = array<i32>} : memref<80xi32, #tpu.memory_space<vmem>>, vector<16xi32>,
      %get3A_345 = arith.constant 16 : index
      %get3A_346 = tpu.vector_load %arg16[%get3A_345] {strides = array<i32>} : memref<80xi32, #tpu.memory_space<vmem>>, vector<16xi32>,
      %get3A_347 = arith.constant 32 : index
      %get3A_348 = tpu.vector_load %arg16[%get3A_347] {strides = array<i32>} : memref<80xi32, #tpu.memory_space<vmem>>, vector<16xi32>,
      %get3A_349 = arith.constant 48 : index
      %get3A_350 = tpu.vector_load %arg16[%get3A_349] {strides = array<i32>} : memref<80xi32, #tpu.memory_space<vmem>>, vector<16xi32>,
      %get3A_351 = arith.constant 64 : index
      %get3A_352 = tpu.vector_load %arg16[%get3A_351] {strides = array<i32>} : memref<80xi32, #tpu.memory_space<vmem>>, vector<16xi32>,
      %scan3A_353 = arith.constant 0 : i32
      %scan3A_354 = arith.constant 0 : i32
      %scan3A_355 = arith.constant 8 : i32
      %scan3A_356 = arith.addi %scan3A_354, %scan3A_355 : i32
      %scan3A_357 = arith.constant 1 : i32
      scf.for %scan3A_464 = %scan3A_354 to %scan3A_356 step %scan3A_357  : i32 {
        %mul3A_465 = arith.constant 16 : i32
        %mul3A_466 = arith.muli %scan3A_464, %mul3A_465 : i32
        %add3A_467 = arith.constant 0 : i32
        %add3A_468 = arith.addi %mul3A_466, %add3A_467 : i32
        %add3A_469 = arith.constant 0 : i32
        %add3A_470 = arith.addi %add3A_468, %add3A_469 : i32
        %add3A_471 = arith.constant 0 : i32
        %add3A_472 = arith.addi %mul3A_466, %add3A_471 : i32
        %add3A_473 = arith.constant 1 : i32
        %add3A_474 = arith.addi %add3A_472, %add3A_473 : i32
        %add3A_475 = arith.constant 0 : i32
        %add3A_476 = arith.addi %mul3A_466, %add3A_475 : i32
        %add3A_477 = arith.constant 2 : i32
        %add3A_478 = arith.addi %add3A_476, %add3A_477 : i32
        %add3A_479 = arith.constant 0 : i32
        %add3A_480 = arith.addi %mul3A_466, %add3A_479 : i32
        %add3A_481 = arith.constant 3 : i32
        %add3A_482 = arith.addi %add3A_480, %add3A_481 : i32
        %broadcast_in_dim3A_483 = vector.broadcast %add3A_470 : i32 to vector<16xi32>
        %gather3A_484 = tpu.vector_load_idx %arg6[%broadcast_in_dim3A_318, %broadcast_in_dim3A_483] : memref<200x128xi32, #tpu.memory_space<vmem>>[vector<16xi32>, vector<16xi32>], vector<16xi32>,
        %broadcast_in_dim3A_485 = vector.broadcast %add3A_474 : i32 to vector<16xi32>
        %gather3A_486 = tpu.vector_load_idx %arg6[%broadcast_in_dim3A_318, %broadcast_in_dim3A_485] : memref<200x128xi32, #tpu.memory_space<vmem>>[vector<16xi32>, vector<16xi32>], vector<16xi32>,
        %broadcast_in_dim3A_487 = vector.broadcast %add3A_478 : i32 to vector<16xi32>
        %gather3A_488 = tpu.vector_load_idx %arg6[%broadcast_in_dim3A_318, %broadcast_in_dim3A_487] : memref<200x128xi32, #tpu.memory_space<vmem>>[vector<16xi32>, vector<16xi32>], vector<16xi32>,
        %broadcast_in_dim3A_489 = vector.broadcast %add3A_482 : i32 to vector<16xi32>
        %gather3A_490 = tpu.vector_load_idx %arg6[%broadcast_in_dim3A_318, %broadcast_in_dim3A_489] : memref<200x128xi32, #tpu.memory_space<vmem>>[vector<16xi32>, vector<16xi32>], vector<16xi32>,
        %gt3A_491 = arith.constant 0 : i32
        %gt3A_492 = vector.broadcast %gt3A_491 : i32 to vector<16xi32>
        %gt3A_493 = arith.cmpi sgt, %gather3A_484, %gt3A_492 : vector<16xi32>
        %jit3A = arith.constant 1.000000e+00 : f32
        %jit3A_494 = arith.constant 0.000000e+00 : f32
        %broadcast_in_dim3A_495 = vector.broadcast %jit3A : f32 to vector<16xf32>
        %broadcast_in_dim3A_496 = vector.broadcast %jit3A_494 : f32 to vector<16xf32>
        %select_n3A = arith.select %gt3A_493, %broadcast_in_dim3A_495, %broadcast_in_dim3A_496 : vector<16xi1>, vector<16xf32>
        %gt3A_497 = arith.constant 0 : i32
        %gt3A_498 = vector.broadcast %gt3A_497 : i32 to vector<16xi32>
        %gt3A_499 = arith.cmpi sgt, %gather3A_486, %gt3A_498 : vector<16xi32>
        %jit3A_500 = arith.constant 1.000000e+00 : f32
        %jit3A_501 = arith.constant 0.000000e+00 : f32
        %broadcast_in_dim3A_502 = vector.broadcast %jit3A_500 : f32 to vector<16xf32>
        %broadcast_in_dim3A_503 = vector.broadcast %jit3A_501 : f32 to vector<16xf32>
        %select_n3A_504 = arith.select %gt3A_499, %broadcast_in_dim3A_502, %broadcast_in_dim3A_503 : vector<16xi1>, vector<16xf32>
        %gt3A_505 = arith.constant 0 : i32
        %gt3A_506 = vector.broadcast %gt3A_505 : i32 to vector<16xi32>
        %gt3A_507 = arith.cmpi sgt, %gather3A_488, %gt3A_506 : vector<16xi32>
        %jit3A_508 = arith.constant 1.000000e+00 : f32
        %jit3A_509 = arith.constant 0.000000e+00 : f32
        %broadcast_in_dim3A_510 = vector.broadcast %jit3A_508 : f32 to vector<16xf32>
        %broadcast_in_dim3A_511 = vector.broadcast %jit3A_509 : f32 to vector<16xf32>
        %select_n3A_512 = arith.select %gt3A_507, %broadcast_in_dim3A_510, %broadcast_in_dim3A_511 : vector<16xi1>, vector<16xf32>
        %gt3A_513 = arith.constant 0 : i32
        %gt3A_514 = vector.broadcast %gt3A_513 : i32 to vector<16xi32>
        %gt3A_515 = arith.cmpi sgt, %gather3A_490, %gt3A_514 : vector<16xi32>
        %jit3A_516 = arith.constant 1.000000e+00 : f32
        %jit3A_517 = arith.constant 0.000000e+00 : f32
        %broadcast_in_dim3A_518 = vector.broadcast %jit3A_516 : f32 to vector<16xf32>
        %broadcast_in_dim3A_519 = vector.broadcast %jit3A_517 : f32 to vector<16xf32>
        %select_n3A_520 = arith.select %gt3A_515, %broadcast_in_dim3A_518, %broadcast_in_dim3A_519 : vector<16xi1>, vector<16xf32>
        %get3A_521 = arith.index_cast %add3A_470 : i32 to index
        %get3A_522 = arith.constant 0 : index
        %get3A_523 = tpu.vector_load %arg10[%get3A_521, %get3A_522] {strides = array<i32>} : memref<128x64xf32, #tpu.memory_space<vmem>>, vector<16xf32>,
        %get3A_524 = arith.index_cast %add3A_470 : i32 to index
        %get3A_525 = arith.constant 16 : index
        %get3A_526 = tpu.vector_load %arg10[%get3A_524, %get3A_525] {strides = array<i32>} : memref<128x64xf32, #tpu.memory_space<vmem>>, vector<16xf32>,
        %get3A_527 = arith.index_cast %add3A_470 : i32 to index
        %get3A_528 = arith.constant 32 : index
        %get3A_529 = tpu.vector_load %arg10[%get3A_527, %get3A_528] {strides = array<i32>} : memref<128x64xf32, #tpu.memory_space<vmem>>, vector<16xf32>,
        %get3A_530 = arith.index_cast %add3A_470 : i32 to index
        %get3A_531 = arith.constant 48 : index
        %get3A_532 = tpu.vector_load %arg10[%get3A_530, %get3A_531] {strides = array<i32>} : memref<128x64xf32, #tpu.memory_space<vmem>>, vector<16xf32>,
        %get3A_533 = arith.index_cast %add3A_474 : i32 to index
        %get3A_534 = arith.constant 0 : index
        %get3A_535 = tpu.vector_load %arg10[%get3A_533, %get3A_534] {strides = array<i32>} : memref<128x64xf32, #tpu.memory_space<vmem>>, vector<16xf32>,
        %get3A_536 = arith.index_cast %add3A_474 : i32 to index
        %get3A_537 = arith.constant 16 : index
        %get3A_538 = tpu.vector_load %arg10[%get3A_536, %get3A_537] {strides = array<i32>} : memref<128x64xf32, #tpu.memory_space<vmem>>, vector<16xf32>,
        %get3A_539 = arith.index_cast %add3A_474 : i32 to index
        %get3A_540 = arith.constant 32 : index
        %get3A_541 = tpu.vector_load %arg10[%get3A_539, %get3A_540] {strides = array<i32>} : memref<128x64xf32, #tpu.memory_space<vmem>>, vector<16xf32>,
        %get3A_542 = arith.index_cast %add3A_474 : i32 to index
        %get3A_543 = arith.constant 48 : index
        %get3A_544 = tpu.vector_load %arg10[%get3A_542, %get3A_543] {strides = array<i32>} : memref<128x64xf32, #tpu.memory_space<vmem>>, vector<16xf32>,
        %get3A_545 = arith.index_cast %add3A_478 : i32 to index
        %get3A_546 = arith.constant 0 : index
        %get3A_547 = tpu.vector_load %arg10[%get3A_545, %get3A_546] {strides = array<i32>} : memref<128x64xf32, #tpu.memory_space<vmem>>, vector<16xf32>,
        %get3A_548 = arith.index_cast %add3A_478 : i32 to index
        %get3A_549 = arith.constant 16 : index
        %get3A_550 = tpu.vector_load %arg10[%get3A_548, %get3A_549] {strides = array<i32>} : memref<128x64xf32, #tpu.memory_space<vmem>>, vector<16xf32>,
        %get3A_551 = arith.index_cast %add3A_478 : i32 to index
        %get3A_552 = arith.constant 32 : index
        %get3A_553 = tpu.vector_load %arg10[%get3A_551, %get3A_552] {strides = array<i32>} : memref<128x64xf32, #tpu.memory_space<vmem>>, vector<16xf32>,
        %get3A_554 = arith.index_cast %add3A_478 : i32 to index
        %get3A_555 = arith.constant 48 : index
        %get3A_556 = tpu.vector_load %arg10[%get3A_554, %get3A_555] {strides = array<i32>} : memref<128x64xf32, #tpu.memory_space<vmem>>, vector<16xf32>,
        %get3A_557 = arith.index_cast %add3A_482 : i32 to index
        %get3A_558 = arith.constant 0 : index
        %get3A_559 = tpu.vector_load %arg10[%get3A_557, %get3A_558] {strides = array<i32>} : memref<128x64xf32, #tpu.memory_space<vmem>>, vector<16xf32>,
        %get3A_560 = arith.index_cast %add3A_482 : i32 to index
        %get3A_561 = arith.constant 16 : index
        %get3A_562 = tpu.vector_load %arg10[%get3A_560, %get3A_561] {strides = array<i32>} : memref<128x64xf32, #tpu.memory_space<vmem>>, vector<16xf32>,
        %get3A_563 = arith.index_cast %add3A_482 : i32 to index
        %get3A_564 = arith.constant 32 : index
        %get3A_565 = tpu.vector_load %arg10[%get3A_563, %get3A_564] {strides = array<i32>} : memref<128x64xf32, #tpu.memory_space<vmem>>, vector<16xf32>,
        %get3A_566 = arith.index_cast %add3A_482 : i32 to index
        %get3A_567 = arith.constant 48 : index
        %get3A_568 = tpu.vector_load %arg10[%get3A_566, %get3A_567] {strides = array<i32>} : memref<128x64xf32, #tpu.memory_space<vmem>>, vector<16xf32>,
        %mul3A_569 = arith.mulf %gather3A_327, %select_n3A : vector<16xf32>
        %mul3A_570 = arith.mulf %gather3A_332, %select_n3A : vector<16xf32>
        %mul3A_571 = arith.mulf %gather3A_337, %select_n3A : vector<16xf32>
        %mul3A_572 = arith.mulf %gather3A_342, %select_n3A : vector<16xf32>
        %mul3A_573 = arith.mulf %gather3A_327, %select_n3A_504 : vector<16xf32>
        %mul3A_574 = arith.mulf %gather3A_332, %select_n3A_504 : vector<16xf32>
        %mul3A_575 = arith.mulf %gather3A_337, %select_n3A_504 : vector<16xf32>
        %mul3A_576 = arith.mulf %gather3A_342, %select_n3A_504 : vector<16xf32>
        %mul3A_577 = arith.mulf %gather3A_327, %select_n3A_512 : vector<16xf32>
        %mul3A_578 = arith.mulf %gather3A_332, %select_n3A_512 : vector<16xf32>
        %mul3A_579 = arith.mulf %gather3A_337, %select_n3A_512 : vector<16xf32>
        %mul3A_580 = arith.mulf %gather3A_342, %select_n3A_512 : vector<16xf32>
        %mul3A_581 = arith.mulf %gather3A_327, %select_n3A_520 : vector<16xf32>
        %mul3A_582 = arith.mulf %gather3A_332, %select_n3A_520 : vector<16xf32>
        %mul3A_583 = arith.mulf %gather3A_337, %select_n3A_520 : vector<16xf32>
        %mul3A_584 = arith.mulf %gather3A_342, %select_n3A_520 : vector<16xf32>
        %add3A_585 = arith.addf %get3A_523, %mul3A_569 : vector<16xf32>
        %add3A_586 = arith.addf %get3A_526, %mul3A_570 : vector<16xf32>
        %add3A_587 = arith.addf %get3A_529, %mul3A_571 : vector<16xf32>
        %add3A_588 = arith.addf %get3A_532, %mul3A_572 : vector<16xf32>
        %add3A_589 = arith.addf %get3A_535, %mul3A_573 : vector<16xf32>
        %add3A_590 = arith.addf %get3A_538, %mul3A_574 : vector<16xf32>
        %add3A_591 = arith.addf %get3A_541, %mul3A_575 : vector<16xf32>
        %add3A_592 = arith.addf %get3A_544, %mul3A_576 : vector<16xf32>
        %add3A_593 = arith.addf %get3A_547, %mul3A_577 : vector<16xf32>
        %add3A_594 = arith.addf %get3A_550, %mul3A_578 : vector<16xf32>
        %add3A_595 = arith.addf %get3A_553, %mul3A_579 : vector<16xf32>
        %add3A_596 = arith.addf %get3A_556, %mul3A_580 : vector<16xf32>
        %add3A_597 = arith.addf %get3A_559, %mul3A_581 : vector<16xf32>
        %add3A_598 = arith.addf %get3A_562, %mul3A_582 : vector<16xf32>
        %add3A_599 = arith.addf %get3A_565, %mul3A_583 : vector<16xf32>
        %add3A_600 = arith.addf %get3A_568, %mul3A_584 : vector<16xf32>
        %broadcast_in_dim3A_601 = vector.broadcast %add3A_470 : i32 to vector<16xi32>
        tpu.vector_store_idx %arg14[%get3A_344, %get3A_352, %broadcast_in_dim3A_601], %add3A_585 : memref<8x8x129xf32, #tpu.memory_space<vmem>>[vector<16xi32>, vector<16xi32>, vector<16xi32>], vector<16xf32>,
        tpu.vector_store_idx %arg14[%get3A_346, %get3A_352, %broadcast_in_dim3A_601], %add3A_586 : memref<8x8x129xf32, #tpu.memory_space<vmem>>[vector<16xi32>, vector<16xi32>, vector<16xi32>], vector<16xf32>,
        tpu.vector_store_idx %arg14[%get3A_348, %get3A_352, %broadcast_in_dim3A_601], %add3A_587 : memref<8x8x129xf32, #tpu.memory_space<vmem>>[vector<16xi32>, vector<16xi32>, vector<16xi32>], vector<16xf32>,
        tpu.vector_store_idx %arg14[%get3A_350, %get3A_352, %broadcast_in_dim3A_601], %add3A_588 : memref<8x8x129xf32, #tpu.memory_space<vmem>>[vector<16xi32>, vector<16xi32>, vector<16xi32>], vector<16xf32>,
        %broadcast_in_dim3A_602 = vector.broadcast %add3A_474 : i32 to vector<16xi32>
        tpu.vector_store_idx %arg14[%get3A_344, %get3A_352, %broadcast_in_dim3A_602], %add3A_589 : memref<8x8x129xf32, #tpu.memory_space<vmem>>[vector<16xi32>, vector<16xi32>, vector<16xi32>], vector<16xf32>,
        tpu.vector_store_idx %arg14[%get3A_346, %get3A_352, %broadcast_in_dim3A_602], %add3A_590 : memref<8x8x129xf32, #tpu.memory_space<vmem>>[vector<16xi32>, vector<16xi32>, vector<16xi32>], vector<16xf32>,
        tpu.vector_store_idx %arg14[%get3A_348, %get3A_352, %broadcast_in_dim3A_602], %add3A_591 : memref<8x8x129xf32, #tpu.memory_space<vmem>>[vector<16xi32>, vector<16xi32>, vector<16xi32>], vector<16xf32>,
        tpu.vector_store_idx %arg14[%get3A_350, %get3A_352, %broadcast_in_dim3A_602], %add3A_592 : memref<8x8x129xf32, #tpu.memory_space<vmem>>[vector<16xi32>, vector<16xi32>, vector<16xi32>], vector<16xf32>,
        %broadcast_in_dim3A_603 = vector.broadcast %add3A_478 : i32 to vector<16xi32>
        tpu.vector_store_idx %arg14[%get3A_344, %get3A_352, %broadcast_in_dim3A_603], %add3A_593 : memref<8x8x129xf32, #tpu.memory_space<vmem>>[vector<16xi32>, vector<16xi32>, vector<16xi32>], vector<16xf32>,
        tpu.vector_store_idx %arg14[%get3A_346, %get3A_352, %broadcast_in_dim3A_603], %add3A_594 : memref<8x8x129xf32, #tpu.memory_space<vmem>>[vector<16xi32>, vector<16xi32>, vector<16xi32>], vector<16xf32>,
        tpu.vector_store_idx %arg14[%get3A_348, %get3A_352, %broadcast_in_dim3A_603], %add3A_595 : memref<8x8x129xf32, #tpu.memory_space<vmem>>[vector<16xi32>, vector<16xi32>, vector<16xi32>], vector<16xf32>,
        tpu.vector_store_idx %arg14[%get3A_350, %get3A_352, %broadcast_in_dim3A_603], %add3A_596 : memref<8x8x129xf32, #tpu.memory_space<vmem>>[vector<16xi32>, vector<16xi32>, vector<16xi32>], vector<16xf32>,
        %broadcast_in_dim3A_604 = vector.broadcast %add3A_482 : i32 to vector<16xi32>
        tpu.vector_store_idx %arg14[%get3A_344, %get3A_352, %broadcast_in_dim3A_604], %add3A_597 : memref<8x8x129xf32, #tpu.memory_space<vmem>>[vector<16xi32>, vector<16xi32>, vector<16xi32>], vector<16xf32>,
        tpu.vector_store_idx %arg14[%get3A_346, %get3A_352, %broadcast_in_dim3A_604], %add3A_598 : memref<8x8x129xf32, #tpu.memory_space<vmem>>[vector<16xi32>, vector<16xi32>, vector<16xi32>], vector<16xf32>,
        tpu.vector_store_idx %arg14[%get3A_348, %get3A_352, %broadcast_in_dim3A_604], %add3A_599 : memref<8x8x129xf32, #tpu.memory_space<vmem>>[vector<16xi32>, vector<16xi32>, vector<16xi32>], vector<16xf32>,
        tpu.vector_store_idx %arg14[%get3A_350, %get3A_352, %broadcast_in_dim3A_604], %add3A_600 : memref<8x8x129xf32, #tpu.memory_space<vmem>>[vector<16xi32>, vector<16xi32>, vector<16xi32>], vector<16xf32>,
        %add3A_605 = arith.constant 4 : i32
        %add3A_606 = arith.addi %mul3A_466, %add3A_605 : i32
        %add3A_607 = arith.constant 0 : i32
        %add3A_608 = arith.addi %add3A_606, %add3A_607 : i32
        %add3A_609 = arith.constant 4 : i32
        %add3A_610 = arith.addi %mul3A_466, %add3A_609 : i32
        %add3A_611 = arith.constant 1 : i32
        %add3A_612 = arith.addi %add3A_610, %add3A_611 : i32
        %add3A_613 = arith.constant 4 : i32
        %add3A_614 = arith.addi %mul3A_466, %add3A_613 : i32
        %add3A_615 = arith.constant 2 : i32
        %add3A_616 = arith.addi %add3A_614, %add3A_615 : i32
        %add3A_617 = arith.constant 4 : i32
        %add3A_618 = arith.addi %mul3A_466, %add3A_617 : i32
        %add3A_619 = arith.constant 3 : i32
        %add3A_620 = arith.addi %add3A_618, %add3A_619 : i32
        %broadcast_in_dim3A_621 = vector.broadcast %add3A_608 : i32 to vector<16xi32>
        %gather3A_622 = tpu.vector_load_idx %arg6[%broadcast_in_dim3A_318, %broadcast_in_dim3A_621] : memref<200x128xi32, #tpu.memory_space<vmem>>[vector<16xi32>, vector<16xi32>], vector<16xi32>,
        %broadcast_in_dim3A_623 = vector.broadcast %add3A_612 : i32 to vector<16xi32>
        %gather3A_624 = tpu.vector_load_idx %arg6[%broadcast_in_dim3A_318, %broadcast_in_dim3A_623] : memref<200x128xi32, #tpu.memory_space<vmem>>[vector<16xi32>, vector<16xi32>], vector<16xi32>,
        %broadcast_in_dim3A_625 = vector.broadcast %add3A_616 : i32 to vector<16xi32>
        %gather3A_626 = tpu.vector_load_idx %arg6[%broadcast_in_dim3A_318, %broadcast_in_dim3A_625] : memref<200x128xi32, #tpu.memory_space<vmem>>[vector<16xi32>, vector<16xi32>], vector<16xi32>,
        %broadcast_in_dim3A_627 = vector.broadcast %add3A_620 : i32 to vector<16xi32>
        %gather3A_628 = tpu.vector_load_idx %arg6[%broadcast_in_dim3A_318, %broadcast_in_dim3A_627] : memref<200x128xi32, #tpu.memory_space<vmem>>[vector<16xi32>, vector<16xi32>], vector<16xi32>,
        %gt3A_629 = arith.constant 0 : i32
        %gt3A_630 = vector.broadcast %gt3A_629 : i32 to vector<16xi32>
        %gt3A_631 = arith.cmpi sgt, %gather3A_622, %gt3A_630 : vector<16xi32>
        %jit3A_632 = arith.constant 1.000000e+00 : f32
        %jit3A_633 = arith.constant 0.000000e+00 : f32
        %broadcast_in_dim3A_634 = vector.broadcast %jit3A_632 : f32 to vector<16xf32>
        %broadcast_in_dim3A_635 = vector.broadcast %jit3A_633 : f32 to vector<16xf32>
        %select_n3A_636 = arith.select %gt3A_631, %broadcast_in_dim3A_634, %broadcast_in_dim3A_635 : vector<16xi1>, vector<16xf32>
        %gt3A_637 = arith.constant 0 : i32
        %gt3A_638 = vector.broadcast %gt3A_637 : i32 to vector<16xi32>
        %gt3A_639 = arith.cmpi sgt, %gather3A_624, %gt3A_638 : vector<16xi32>
        %jit3A_640 = arith.constant 1.000000e+00 : f32
        %jit3A_641 = arith.constant 0.000000e+00 : f32
        %broadcast_in_dim3A_642 = vector.broadcast %jit3A_640 : f32 to vector<16xf32>
        %broadcast_in_dim3A_643 = vector.broadcast %jit3A_641 : f32 to vector<16xf32>
        %select_n3A_644 = arith.select %gt3A_639, %broadcast_in_dim3A_642, %broadcast_in_dim3A_643 : vector<16xi1>, vector<16xf32>
        %gt3A_645 = arith.constant 0 : i32
        %gt3A_646 = vector.broadcast %gt3A_645 : i32 to vector<16xi32>
        %gt3A_647 = arith.cmpi sgt, %gather3A_626, %gt3A_646 : vector<16xi32>
        %jit3A_648 = arith.constant 1.000000e+00 : f32
        %jit3A_649 = arith.constant 0.000000e+00 : f32
        %broadcast_in_dim3A_650 = vector.broadcast %jit3A_648 : f32 to vector<16xf32>
        %broadcast_in_dim3A_651 = vector.broadcast %jit3A_649 : f32 to vector<16xf32>
        %select_n3A_652 = arith.select %gt3A_647, %broadcast_in_dim3A_650, %broadcast_in_dim3A_651 : vector<16xi1>, vector<16xf32>
        %gt3A_653 = arith.constant 0 : i32
        %gt3A_654 = vector.broadcast %gt3A_653 : i32 to vector<16xi32>
        %gt3A_655 = arith.cmpi sgt, %gather3A_628, %gt3A_654 : vector<16xi32>
        %jit3A_656 = arith.constant 1.000000e+00 : f32
        %jit3A_657 = arith.constant 0.000000e+00 : f32
        %broadcast_in_dim3A_658 = vector.broadcast %jit3A_656 : f32 to vector<16xf32>
        %broadcast_in_dim3A_659 = vector.broadcast %jit3A_657 : f32 to vector<16xf32>
        %select_n3A_660 = arith.select %gt3A_655, %broadcast_in_dim3A_658, %broadcast_in_dim3A_659 : vector<16xi1>, vector<16xf32>
        %get3A_661 = arith.index_cast %add3A_608 : i32 to index
        %get3A_662 = arith.constant 0 : index
        %get3A_663 = tpu.vector_load %arg10[%get3A_661, %get3A_662] {strides = array<i32>} : memref<128x64xf32, #tpu.memory_space<vmem>>, vector<16xf32>,
        %get3A_664 = arith.index_cast %add3A_608 : i32 to index
        %get3A_665 = arith.constant 16 : index
        %get3A_666 = tpu.vector_load %arg10[%get3A_664, %get3A_665] {strides = array<i32>} : memref<128x64xf32, #tpu.memory_space<vmem>>, vector<16xf32>,
        %get3A_667 = arith.index_cast %add3A_608 : i32 to index
        %get3A_668 = arith.constant 32 : index
        %get3A_669 = tpu.vector_load %arg10[%get3A_667, %get3A_668] {strides = array<i32>} : memref<128x64xf32, #tpu.memory_space<vmem>>, vector<16xf32>,
        %get3A_670 = arith.index_cast %add3A_608 : i32 to index
        %get3A_671 = arith.constant 48 : index
        %get3A_672 = tpu.vector_load %arg10[%get3A_670, %get3A_671] {strides = array<i32>} : memref<128x64xf32, #tpu.memory_space<vmem>>, vector<16xf32>,
        %get3A_673 = arith.index_cast %add3A_612 : i32 to index
        %get3A_674 = arith.constant 0 : index
        %get3A_675 = tpu.vector_load %arg10[%get3A_673, %get3A_674] {strides = array<i32>} : memref<128x64xf32, #tpu.memory_space<vmem>>, vector<16xf32>,
        %get3A_676 = arith.index_cast %add3A_612 : i32 to index
        %get3A_677 = arith.constant 16 : index
        %get3A_678 = tpu.vector_load %arg10[%get3A_676, %get3A_677] {strides = array<i32>} : memref<128x64xf32, #tpu.memory_space<vmem>>, vector<16xf32>,
        %get3A_679 = arith.index_cast %add3A_612 : i32 to index
        %get3A_680 = arith.constant 32 : index
        %get3A_681 = tpu.vector_load %arg10[%get3A_679, %get3A_680] {strides = array<i32>} : memref<128x64xf32, #tpu.memory_space<vmem>>, vector<16xf32>,
        %get3A_682 = arith.index_cast %add3A_612 : i32 to index
        %get3A_683 = arith.constant 48 : index
        %get3A_684 = tpu.vector_load %arg10[%get3A_682, %get3A_683] {strides = array<i32>} : memref<128x64xf32, #tpu.memory_space<vmem>>, vector<16xf32>,
        %get3A_685 = arith.index_cast %add3A_616 : i32 to index
        %get3A_686 = arith.constant 0 : index
        %get3A_687 = tpu.vector_load %arg10[%get3A_685, %get3A_686] {strides = array<i32>} : memref<128x64xf32, #tpu.memory_space<vmem>>, vector<16xf32>,
        %get3A_688 = arith.index_cast %add3A_616 : i32 to index
        %get3A_689 = arith.constant 16 : index
        %get3A_690 = tpu.vector_load %arg10[%get3A_688, %get3A_689] {strides = array<i32>} : memref<128x64xf32, #tpu.memory_space<vmem>>, vector<16xf32>,
        %get3A_691 = arith.index_cast %add3A_616 : i32 to index
        %get3A_692 = arith.constant 32 : index
        %get3A_693 = tpu.vector_load %arg10[%get3A_691, %get3A_692] {strides = array<i32>} : memref<128x64xf32, #tpu.memory_space<vmem>>, vector<16xf32>,
        %get3A_694 = arith.index_cast %add3A_616 : i32 to index
        %get3A_695 = arith.constant 48 : index
        %get3A_696 = tpu.vector_load %arg10[%get3A_694, %get3A_695] {strides = array<i32>} : memref<128x64xf32, #tpu.memory_space<vmem>>, vector<16xf32>,
        %get3A_697 = arith.index_cast %add3A_620 : i32 to index
        %get3A_698 = arith.constant 0 : index
        %get3A_699 = tpu.vector_load %arg10[%get3A_697, %get3A_698] {strides = array<i32>} : memref<128x64xf32, #tpu.memory_space<vmem>>, vector<16xf32>,
        %get3A_700 = arith.index_cast %add3A_620 : i32 to index
        %get3A_701 = arith.constant 16 : index
        %get3A_702 = tpu.vector_load %arg10[%get3A_700, %get3A_701] {strides = array<i32>} : memref<128x64xf32, #tpu.memory_space<vmem>>, vector<16xf32>,
        %get3A_703 = arith.index_cast %add3A_620 : i32 to index
        %get3A_704 = arith.constant 32 : index
        %get3A_705 = tpu.vector_load %arg10[%get3A_703, %get3A_704] {strides = array<i32>} : memref<128x64xf32, #tpu.memory_space<vmem>>, vector<16xf32>,
        %get3A_706 = arith.index_cast %add3A_620 : i32 to index
        %get3A_707 = arith.constant 48 : index
        %get3A_708 = tpu.vector_load %arg10[%get3A_706, %get3A_707] {strides = array<i32>} : memref<128x64xf32, #tpu.memory_space<vmem>>, vector<16xf32>,
        %mul3A_709 = arith.mulf %gather3A_327, %select_n3A_636 : vector<16xf32>
        %mul3A_710 = arith.mulf %gather3A_332, %select_n3A_636 : vector<16xf32>
        %mul3A_711 = arith.mulf %gather3A_337, %select_n3A_636 : vector<16xf32>
        %mul3A_712 = arith.mulf %gather3A_342, %select_n3A_636 : vector<16xf32>
        %mul3A_713 = arith.mulf %gather3A_327, %select_n3A_644 : vector<16xf32>
        %mul3A_714 = arith.mulf %gather3A_332, %select_n3A_644 : vector<16xf32>
        %mul3A_715 = arith.mulf %gather3A_337, %select_n3A_644 : vector<16xf32>
        %mul3A_716 = arith.mulf %gather3A_342, %select_n3A_644 : vector<16xf32>
        %mul3A_717 = arith.mulf %gather3A_327, %select_n3A_652 : vector<16xf32>
        %mul3A_718 = arith.mulf %gather3A_332, %select_n3A_652 : vector<16xf32>
        %mul3A_719 = arith.mulf %gather3A_337, %select_n3A_652 : vector<16xf32>
        %mul3A_720 = arith.mulf %gather3A_342, %select_n3A_652 : vector<16xf32>
        %mul3A_721 = arith.mulf %gather3A_327, %select_n3A_660 : vector<16xf32>
        %mul3A_722 = arith.mulf %gather3A_332, %select_n3A_660 : vector<16xf32>
        %mul3A_723 = arith.mulf %gather3A_337, %select_n3A_660 : vector<16xf32>
        %mul3A_724 = arith.mulf %gather3A_342, %select_n3A_660 : vector<16xf32>
        %add3A_725 = arith.addf %get3A_663, %mul3A_709 : vector<16xf32>
        %add3A_726 = arith.addf %get3A_666, %mul3A_710 : vector<16xf32>
        %add3A_727 = arith.addf %get3A_669, %mul3A_711 : vector<16xf32>
        %add3A_728 = arith.addf %get3A_672, %mul3A_712 : vector<16xf32>
        %add3A_729 = arith.addf %get3A_675, %mul3A_713 : vector<16xf32>
        %add3A_730 = arith.addf %get3A_678, %mul3A_714 : vector<16xf32>
        %add3A_731 = arith.addf %get3A_681, %mul3A_715 : vector<16xf32>
        %add3A_732 = arith.addf %get3A_684, %mul3A_716 : vector<16xf32>
        %add3A_733 = arith.addf %get3A_687, %mul3A_717 : vector<16xf32>
        %add3A_734 = arith.addf %get3A_690, %mul3A_718 : vector<16xf32>
        %add3A_735 = arith.addf %get3A_693, %mul3A_719 : vector<16xf32>
        %add3A_736 = arith.addf %get3A_696, %mul3A_720 : vector<16xf32>
        %add3A_737 = arith.addf %get3A_699, %mul3A_721 : vector<16xf32>
        %add3A_738 = arith.addf %get3A_702, %mul3A_722 : vector<16xf32>
        %add3A_739 = arith.addf %get3A_705, %mul3A_723 : vector<16xf32>
        %add3A_740 = arith.addf %get3A_708, %mul3A_724 : vector<16xf32>
        %broadcast_in_dim3A_741 = vector.broadcast %add3A_608 : i32 to vector<16xi32>
        tpu.vector_store_idx %arg14[%get3A_344, %get3A_352, %broadcast_in_dim3A_741], %add3A_725 : memref<8x8x129xf32, #tpu.memory_space<vmem>>[vector<16xi32>, vector<16xi32>, vector<16xi32>], vector<16xf32>,
        tpu.vector_store_idx %arg14[%get3A_346, %get3A_352, %broadcast_in_dim3A_741], %add3A_726 : memref<8x8x129xf32, #tpu.memory_space<vmem>>[vector<16xi32>, vector<16xi32>, vector<16xi32>], vector<16xf32>,
        tpu.vector_store_idx %arg14[%get3A_348, %get3A_352, %broadcast_in_dim3A_741], %add3A_727 : memref<8x8x129xf32, #tpu.memory_space<vmem>>[vector<16xi32>, vector<16xi32>, vector<16xi32>], vector<16xf32>,
        tpu.vector_store_idx %arg14[%get3A_350, %get3A_352, %broadcast_in_dim3A_741], %add3A_728 : memref<8x8x129xf32, #tpu.memory_space<vmem>>[vector<16xi32>, vector<16xi32>, vector<16xi32>], vector<16xf32>,
        %broadcast_in_dim3A_742 = vector.broadcast %add3A_612 : i32 to vector<16xi32>
        tpu.vector_store_idx %arg14[%get3A_344, %get3A_352, %broadcast_in_dim3A_742], %add3A_729 : memref<8x8x129xf32, #tpu.memory_space<vmem>>[vector<16xi32>, vector<16xi32>, vector<16xi32>], vector<16xf32>,
        tpu.vector_store_idx %arg14[%get3A_346, %get3A_352, %broadcast_in_dim3A_742], %add3A_730 : memref<8x8x129xf32, #tpu.memory_space<vmem>>[vector<16xi32>, vector<16xi32>, vector<16xi32>], vector<16xf32>,
        tpu.vector_store_idx %arg14[%get3A_348, %get3A_352, %broadcast_in_dim3A_742], %add3A_731 : memref<8x8x129xf32, #tpu.memory_space<vmem>>[vector<16xi32>, vector<16xi32>, vector<16xi32>], vector<16xf32>,
        tpu.vector_store_idx %arg14[%get3A_350, %get3A_352, %broadcast_in_dim3A_742], %add3A_732 : memref<8x8x129xf32, #tpu.memory_space<vmem>>[vector<16xi32>, vector<16xi32>, vector<16xi32>], vector<16xf32>,
        %broadcast_in_dim3A_743 = vector.broadcast %add3A_616 : i32 to vector<16xi32>
        tpu.vector_store_idx %arg14[%get3A_344, %get3A_352, %broadcast_in_dim3A_743], %add3A_733 : memref<8x8x129xf32, #tpu.memory_space<vmem>>[vector<16xi32>, vector<16xi32>, vector<16xi32>], vector<16xf32>,
        tpu.vector_store_idx %arg14[%get3A_346, %get3A_352, %broadcast_in_dim3A_743], %add3A_734 : memref<8x8x129xf32, #tpu.memory_space<vmem>>[vector<16xi32>, vector<16xi32>, vector<16xi32>], vector<16xf32>,
        tpu.vector_store_idx %arg14[%get3A_348, %get3A_352, %broadcast_in_dim3A_743], %add3A_735 : memref<8x8x129xf32, #tpu.memory_space<vmem>>[vector<16xi32>, vector<16xi32>, vector<16xi32>], vector<16xf32>,
        tpu.vector_store_idx %arg14[%get3A_350, %get3A_352, %broadcast_in_dim3A_743], %add3A_736 : memref<8x8x129xf32, #tpu.memory_space<vmem>>[vector<16xi32>, vector<16xi32>, vector<16xi32>], vector<16xf32>,
        %broadcast_in_dim3A_744 = vector.broadcast %add3A_620 : i32 to vector<16xi32>
        tpu.vector_store_idx %arg14[%get3A_344, %get3A_352, %broadcast_in_dim3A_744], %add3A_737 : memref<8x8x129xf32, #tpu.memory_space<vmem>>[vector<16xi32>, vector<16xi32>, vector<16xi32>], vector<16xf32>,
        tpu.vector_store_idx %arg14[%get3A_346, %get3A_352, %broadcast_in_dim3A_744], %add3A_738 : memref<8x8x129xf32, #tpu.memory_space<vmem>>[vector<16xi32>, vector<16xi32>, vector<16xi32>], vector<16xf32>,
        tpu.vector_store_idx %arg14[%get3A_348, %get3A_352, %broadcast_in_dim3A_744], %add3A_739 : memref<8x8x129xf32, #tpu.memory_space<vmem>>[vector<16xi32>, vector<16xi32>, vector<16xi32>], vector<16xf32>,
        tpu.vector_store_idx %arg14[%get3A_350, %get3A_352, %broadcast_in_dim3A_744], %add3A_740 : memref<8x8x129xf32, #tpu.memory_space<vmem>>[vector<16xi32>, vector<16xi32>, vector<16xi32>], vector<16xf32>,
        %add3A_745 = arith.constant 8 : i32
        %add3A_746 = arith.addi %mul3A_466, %add3A_745 : i32
        %add3A_747 = arith.constant 0 : i32
        %add3A_748 = arith.addi %add3A_746, %add3A_747 : i32
        %add3A_749 = arith.constant 8 : i32
        %add3A_750 = arith.addi %mul3A_466, %add3A_749 : i32
        %add3A_751 = arith.constant 1 : i32
        %add3A_752 = arith.addi %add3A_750, %add3A_751 : i32
        %add3A_753 = arith.constant 8 : i32
        %add3A_754 = arith.addi %mul3A_466, %add3A_753 : i32
        %add3A_755 = arith.constant 2 : i32
        %add3A_756 = arith.addi %add3A_754, %add3A_755 : i32
        %add3A_757 = arith.constant 8 : i32
        %add3A_758 = arith.addi %mul3A_466, %add3A_757 : i32
        %add3A_759 = arith.constant 3 : i32
        %add3A_760 = arith.addi %add3A_758, %add3A_759 : i32
        %broadcast_in_dim3A_761 = vector.broadcast %add3A_748 : i32 to vector<16xi32>
        %gather3A_762 = tpu.vector_load_idx %arg6[%broadcast_in_dim3A_318, %broadcast_in_dim3A_761] : memref<200x128xi32, #tpu.memory_space<vmem>>[vector<16xi32>, vector<16xi32>], vector<16xi32>,
        %broadcast_in_dim3A_763 = vector.broadcast %add3A_752 : i32 to vector<16xi32>
        %gather3A_764 = tpu.vector_load_idx %arg6[%broadcast_in_dim3A_318, %broadcast_in_dim3A_763] : memref<200x128xi32, #tpu.memory_space<vmem>>[vector<16xi32>, vector<16xi32>], vector<16xi32>,
        %broadcast_in_dim3A_765 = vector.broadcast %add3A_756 : i32 to vector<16xi32>
        %gather3A_766 = tpu.vector_load_idx %arg6[%broadcast_in_dim3A_318, %broadcast_in_dim3A_765] : memref<200x128xi32, #tpu.memory_space<vmem>>[vector<16xi32>, vector<16xi32>], vector<16xi32>,
        %broadcast_in_dim3A_767 = vector.broadcast %add3A_760 : i32 to vector<16xi32>
        %gather3A_768 = tpu.vector_load_idx %arg6[%broadcast_in_dim3A_318, %broadcast_in_dim3A_767] : memref<200x128xi32, #tpu.memory_space<vmem>>[vector<16xi32>, vector<16xi32>], vector<16xi32>,
        %gt3A_769 = arith.constant 0 : i32
        %gt3A_770 = vector.broadcast %gt3A_769 : i32 to vector<16xi32>
        %gt3A_771 = arith.cmpi sgt, %gather3A_762, %gt3A_770 : vector<16xi32>
        %jit3A_772 = arith.constant 1.000000e+00 : f32
        %jit3A_773 = arith.constant 0.000000e+00 : f32
        %broadcast_in_dim3A_774 = vector.broadcast %jit3A_772 : f32 to vector<16xf32>
        %broadcast_in_dim3A_775 = vector.broadcast %jit3A_773 : f32 to vector<16xf32>
        %select_n3A_776 = arith.select %gt3A_771, %broadcast_in_dim3A_774, %broadcast_in_dim3A_775 : vector<16xi1>, vector<16xf32>
        %gt3A_777 = arith.constant 0 : i32
        %gt3A_778 = vector.broadcast %gt3A_777 : i32 to vector<16xi32>
        %gt3A_779 = arith.cmpi sgt, %gather3A_764, %gt3A_778 : vector<16xi32>
        %jit3A_780 = arith.constant 1.000000e+00 : f32
        %jit3A_781 = arith.constant 0.000000e+00 : f32
        %broadcast_in_dim3A_782 = vector.broadcast %jit3A_780 : f32 to vector<16xf32>
        %broadcast_in_dim3A_783 = vector.broadcast %jit3A_781 : f32 to vector<16xf32>
        %select_n3A_784 = arith.select %gt3A_779, %broadcast_in_dim3A_782, %broadcast_in_dim3A_783 : vector<16xi1>, vector<16xf32>
        %gt3A_785 = arith.constant 0 : i32
        %gt3A_786 = vector.broadcast %gt3A_785 : i32 to vector<16xi32>
        %gt3A_787 = arith.cmpi sgt, %gather3A_766, %gt3A_786 : vector<16xi32>
        %jit3A_788 = arith.constant 1.000000e+00 : f32
        %jit3A_789 = arith.constant 0.000000e+00 : f32
        %broadcast_in_dim3A_790 = vector.broadcast %jit3A_788 : f32 to vector<16xf32>
        %broadcast_in_dim3A_791 = vector.broadcast %jit3A_789 : f32 to vector<16xf32>
        %select_n3A_792 = arith.select %gt3A_787, %broadcast_in_dim3A_790, %broadcast_in_dim3A_791 : vector<16xi1>, vector<16xf32>
        %gt3A_793 = arith.constant 0 : i32
        %gt3A_794 = vector.broadcast %gt3A_793 : i32 to vector<16xi32>
        %gt3A_795 = arith.cmpi sgt, %gather3A_768, %gt3A_794 : vector<16xi32>
        %jit3A_796 = arith.constant 1.000000e+00 : f32
        %jit3A_797 = arith.constant 0.000000e+00 : f32
        %broadcast_in_dim3A_798 = vector.broadcast %jit3A_796 : f32 to vector<16xf32>
        %broadcast_in_dim3A_799 = vector.broadcast %jit3A_797 : f32 to vector<16xf32>
        %select_n3A_800 = arith.select %gt3A_795, %broadcast_in_dim3A_798, %broadcast_in_dim3A_799 : vector<16xi1>, vector<16xf32>
        %get3A_801 = arith.index_cast %add3A_748 : i32 to index
        %get3A_802 = arith.constant 0 : index
        %get3A_803 = tpu.vector_load %arg10[%get3A_801, %get3A_802] {strides = array<i32>} : memref<128x64xf32, #tpu.memory_space<vmem>>, vector<16xf32>,
        %get3A_804 = arith.index_cast %add3A_748 : i32 to index
        %get3A_805 = arith.constant 16 : index
        %get3A_806 = tpu.vector_load %arg10[%get3A_804, %get3A_805] {strides = array<i32>} : memref<128x64xf32, #tpu.memory_space<vmem>>, vector<16xf32>,
        %get3A_807 = arith.index_cast %add3A_748 : i32 to index
        %get3A_808 = arith.constant 32 : index
        %get3A_809 = tpu.vector_load %arg10[%get3A_807, %get3A_808] {strides = array<i32>} : memref<128x64xf32, #tpu.memory_space<vmem>>, vector<16xf32>,
        %get3A_810 = arith.index_cast %add3A_748 : i32 to index
        %get3A_811 = arith.constant 48 : index
        %get3A_812 = tpu.vector_load %arg10[%get3A_810, %get3A_811] {strides = array<i32>} : memref<128x64xf32, #tpu.memory_space<vmem>>, vector<16xf32>,
        %get3A_813 = arith.index_cast %add3A_752 : i32 to index
        %get3A_814 = arith.constant 0 : index
        %get3A_815 = tpu.vector_load %arg10[%get3A_813, %get3A_814] {strides = array<i32>} : memref<128x64xf32, #tpu.memory_space<vmem>>, vector<16xf32>,
        %get3A_816 = arith.index_cast %add3A_752 : i32 to index
        %get3A_817 = arith.constant 16 : index
        %get3A_818 = tpu.vector_load %arg10[%get3A_816, %get3A_817] {strides = array<i32>} : memref<128x64xf32, #tpu.memory_space<vmem>>, vector<16xf32>,
        %get3A_819 = arith.index_cast %add3A_752 : i32 to index
        %get3A_820 = arith.constant 32 : index
        %get3A_821 = tpu.vector_load %arg10[%get3A_819, %get3A_820] {strides = array<i32>} : memref<128x64xf32, #tpu.memory_space<vmem>>, vector<16xf32>,
        %get3A_822 = arith.index_cast %add3A_752 : i32 to index
        %get3A_823 = arith.constant 48 : index
        %get3A_824 = tpu.vector_load %arg10[%get3A_822, %get3A_823] {strides = array<i32>} : memref<128x64xf32, #tpu.memory_space<vmem>>, vector<16xf32>,
        %get3A_825 = arith.index_cast %add3A_756 : i32 to index
        %get3A_826 = arith.constant 0 : index
        %get3A_827 = tpu.vector_load %arg10[%get3A_825, %get3A_826] {strides = array<i32>} : memref<128x64xf32, #tpu.memory_space<vmem>>, vector<16xf32>,
        %get3A_828 = arith.index_cast %add3A_756 : i32 to index
        %get3A_829 = arith.constant 16 : index
        %get3A_830 = tpu.vector_load %arg10[%get3A_828, %get3A_829] {strides = array<i32>} : memref<128x64xf32, #tpu.memory_space<vmem>>, vector<16xf32>,
        %get3A_831 = arith.index_cast %add3A_756 : i32 to index
        %get3A_832 = arith.constant 32 : index
        %get3A_833 = tpu.vector_load %arg10[%get3A_831, %get3A_832] {strides = array<i32>} : memref<128x64xf32, #tpu.memory_space<vmem>>, vector<16xf32>,
        %get3A_834 = arith.index_cast %add3A_756 : i32 to index
        %get3A_835 = arith.constant 48 : index
        %get3A_836 = tpu.vector_load %arg10[%get3A_834, %get3A_835] {strides = array<i32>} : memref<128x64xf32, #tpu.memory_space<vmem>>, vector<16xf32>,
        %get3A_837 = arith.index_cast %add3A_760 : i32 to index
        %get3A_838 = arith.constant 0 : index
        %get3A_839 = tpu.vector_load %arg10[%get3A_837, %get3A_838] {strides = array<i32>} : memref<128x64xf32, #tpu.memory_space<vmem>>, vector<16xf32>,
        %get3A_840 = arith.index_cast %add3A_760 : i32 to index
        %get3A_841 = arith.constant 16 : index
        %get3A_842 = tpu.vector_load %arg10[%get3A_840, %get3A_841] {strides = array<i32>} : memref<128x64xf32, #tpu.memory_space<vmem>>, vector<16xf32>,
        %get3A_843 = arith.index_cast %add3A_760 : i32 to index
        %get3A_844 = arith.constant 32 : index
        %get3A_845 = tpu.vector_load %arg10[%get3A_843, %get3A_844] {strides = array<i32>} : memref<128x64xf32, #tpu.memory_space<vmem>>, vector<16xf32>,
        %get3A_846 = arith.index_cast %add3A_760 : i32 to index
        %get3A_847 = arith.constant 48 : index
        %get3A_848 = tpu.vector_load %arg10[%get3A_846, %get3A_847] {strides = array<i32>} : memref<128x64xf32, #tpu.memory_space<vmem>>, vector<16xf32>,
        %mul3A_849 = arith.mulf %gather3A_327, %select_n3A_776 : vector<16xf32>
        %mul3A_850 = arith.mulf %gather3A_332, %select_n3A_776 : vector<16xf32>
        %mul3A_851 = arith.mulf %gather3A_337, %select_n3A_776 : vector<16xf32>
        %mul3A_852 = arith.mulf %gather3A_342, %select_n3A_776 : vector<16xf32>
        %mul3A_853 = arith.mulf %gather3A_327, %select_n3A_784 : vector<16xf32>
        %mul3A_854 = arith.mulf %gather3A_332, %select_n3A_784 : vector<16xf32>
        %mul3A_855 = arith.mulf %gather3A_337, %select_n3A_784 : vector<16xf32>
        %mul3A_856 = arith.mulf %gather3A_342, %select_n3A_784 : vector<16xf32>
        %mul3A_857 = arith.mulf %gather3A_327, %select_n3A_792 : vector<16xf32>
        %mul3A_858 = arith.mulf %gather3A_332, %select_n3A_792 : vector<16xf32>
        %mul3A_859 = arith.mulf %gather3A_337, %select_n3A_792 : vector<16xf32>
        %mul3A_860 = arith.mulf %gather3A_342, %select_n3A_792 : vector<16xf32>
        %mul3A_861 = arith.mulf %gather3A_327, %select_n3A_800 : vector<16xf32>
        %mul3A_862 = arith.mulf %gather3A_332, %select_n3A_800 : vector<16xf32>
        %mul3A_863 = arith.mulf %gather3A_337, %select_n3A_800 : vector<16xf32>
        %mul3A_864 = arith.mulf %gather3A_342, %select_n3A_800 : vector<16xf32>
        %add3A_865 = arith.addf %get3A_803, %mul3A_849 : vector<16xf32>
        %add3A_866 = arith.addf %get3A_806, %mul3A_850 : vector<16xf32>
        %add3A_867 = arith.addf %get3A_809, %mul3A_851 : vector<16xf32>
        %add3A_868 = arith.addf %get3A_812, %mul3A_852 : vector<16xf32>
        %add3A_869 = arith.addf %get3A_815, %mul3A_853 : vector<16xf32>
        %add3A_870 = arith.addf %get3A_818, %mul3A_854 : vector<16xf32>
        %add3A_871 = arith.addf %get3A_821, %mul3A_855 : vector<16xf32>
        %add3A_872 = arith.addf %get3A_824, %mul3A_856 : vector<16xf32>
        %add3A_873 = arith.addf %get3A_827, %mul3A_857 : vector<16xf32>
        %add3A_874 = arith.addf %get3A_830, %mul3A_858 : vector<16xf32>
        %add3A_875 = arith.addf %get3A_833, %mul3A_859 : vector<16xf32>
        %add3A_876 = arith.addf %get3A_836, %mul3A_860 : vector<16xf32>
        %add3A_877 = arith.addf %get3A_839, %mul3A_861 : vector<16xf32>
        %add3A_878 = arith.addf %get3A_842, %mul3A_862 : vector<16xf32>
        %add3A_879 = arith.addf %get3A_845, %mul3A_863 : vector<16xf32>
        %add3A_880 = arith.addf %get3A_848, %mul3A_864 : vector<16xf32>
        %broadcast_in_dim3A_881 = vector.broadcast %add3A_748 : i32 to vector<16xi32>
        tpu.vector_store_idx %arg14[%get3A_344, %get3A_352, %broadcast_in_dim3A_881], %add3A_865 : memref<8x8x129xf32, #tpu.memory_space<vmem>>[vector<16xi32>, vector<16xi32>, vector<16xi32>], vector<16xf32>,
        tpu.vector_store_idx %arg14[%get3A_346, %get3A_352, %broadcast_in_dim3A_881], %add3A_866 : memref<8x8x129xf32, #tpu.memory_space<vmem>>[vector<16xi32>, vector<16xi32>, vector<16xi32>], vector<16xf32>,
        tpu.vector_store_idx %arg14[%get3A_348, %get3A_352, %broadcast_in_dim3A_881], %add3A_867 : memref<8x8x129xf32, #tpu.memory_space<vmem>>[vector<16xi32>, vector<16xi32>, vector<16xi32>], vector<16xf32>,
        tpu.vector_store_idx %arg14[%get3A_350, %get3A_352, %broadcast_in_dim3A_881], %add3A_868 : memref<8x8x129xf32, #tpu.memory_space<vmem>>[vector<16xi32>, vector<16xi32>, vector<16xi32>], vector<16xf32>,
        %broadcast_in_dim3A_882 = vector.broadcast %add3A_752 : i32 to vector<16xi32>
        tpu.vector_store_idx %arg14[%get3A_344, %get3A_352, %broadcast_in_dim3A_882], %add3A_869 : memref<8x8x129xf32, #tpu.memory_space<vmem>>[vector<16xi32>, vector<16xi32>, vector<16xi32>], vector<16xf32>,
        tpu.vector_store_idx %arg14[%get3A_346, %get3A_352, %broadcast_in_dim3A_882], %add3A_870 : memref<8x8x129xf32, #tpu.memory_space<vmem>>[vector<16xi32>, vector<16xi32>, vector<16xi32>], vector<16xf32>,
        tpu.vector_store_idx %arg14[%get3A_348, %get3A_352, %broadcast_in_dim3A_882], %add3A_871 : memref<8x8x129xf32, #tpu.memory_space<vmem>>[vector<16xi32>, vector<16xi32>, vector<16xi32>], vector<16xf32>,
        tpu.vector_store_idx %arg14[%get3A_350, %get3A_352, %broadcast_in_dim3A_882], %add3A_872 : memref<8x8x129xf32, #tpu.memory_space<vmem>>[vector<16xi32>, vector<16xi32>, vector<16xi32>], vector<16xf32>,
        %broadcast_in_dim3A_883 = vector.broadcast %add3A_756 : i32 to vector<16xi32>
        tpu.vector_store_idx %arg14[%get3A_344, %get3A_352, %broadcast_in_dim3A_883], %add3A_873 : memref<8x8x129xf32, #tpu.memory_space<vmem>>[vector<16xi32>, vector<16xi32>, vector<16xi32>], vector<16xf32>,
        tpu.vector_store_idx %arg14[%get3A_346, %get3A_352, %broadcast_in_dim3A_883], %add3A_874 : memref<8x8x129xf32, #tpu.memory_space<vmem>>[vector<16xi32>, vector<16xi32>, vector<16xi32>], vector<16xf32>,
        tpu.vector_store_idx %arg14[%get3A_348, %get3A_352, %broadcast_in_dim3A_883], %add3A_875 : memref<8x8x129xf32, #tpu.memory_space<vmem>>[vector<16xi32>, vector<16xi32>, vector<16xi32>], vector<16xf32>,
        tpu.vector_store_idx %arg14[%get3A_350, %get3A_352, %broadcast_in_dim3A_883], %add3A_876 : memref<8x8x129xf32, #tpu.memory_space<vmem>>[vector<16xi32>, vector<16xi32>, vector<16xi32>], vector<16xf32>,
        %broadcast_in_dim3A_884 = vector.broadcast %add3A_760 : i32 to vector<16xi32>
        tpu.vector_store_idx %arg14[%get3A_344, %get3A_352, %broadcast_in_dim3A_884], %add3A_877 : memref<8x8x129xf32, #tpu.memory_space<vmem>>[vector<16xi32>, vector<16xi32>, vector<16xi32>], vector<16xf32>,
        tpu.vector_store_idx %arg14[%get3A_346, %get3A_352, %broadcast_in_dim3A_884], %add3A_878 : memref<8x8x129xf32, #tpu.memory_space<vmem>>[vector<16xi32>, vector<16xi32>, vector<16xi32>], vector<16xf32>,
        tpu.vector_store_idx %arg14[%get3A_348, %get3A_352, %broadcast_in_dim3A_884], %add3A_879 : memref<8x8x129xf32, #tpu.memory_space<vmem>>[vector<16xi32>, vector<16xi32>, vector<16xi32>], vector<16xf32>,
        tpu.vector_store_idx %arg14[%get3A_350, %get3A_352, %broadcast_in_dim3A_884], %add3A_880 : memref<8x8x129xf32, #tpu.memory_space<vmem>>[vector<16xi32>, vector<16xi32>, vector<16xi32>], vector<16xf32>,
        %add3A_885 = arith.constant 12 : i32
        %add3A_886 = arith.addi %mul3A_466, %add3A_885 : i32
        %add3A_887 = arith.constant 0 : i32
        %add3A_888 = arith.addi %add3A_886, %add3A_887 : i32
        %add3A_889 = arith.constant 12 : i32
        %add3A_890 = arith.addi %mul3A_466, %add3A_889 : i32
        %add3A_891 = arith.constant 1 : i32
        %add3A_892 = arith.addi %add3A_890, %add3A_891 : i32
        %add3A_893 = arith.constant 12 : i32
        %add3A_894 = arith.addi %mul3A_466, %add3A_893 : i32
        %add3A_895 = arith.constant 2 : i32
        %add3A_896 = arith.addi %add3A_894, %add3A_895 : i32
        %add3A_897 = arith.constant 12 : i32
        %add3A_898 = arith.addi %mul3A_466, %add3A_897 : i32
        %add3A_899 = arith.constant 3 : i32
        %add3A_900 = arith.addi %add3A_898, %add3A_899 : i32
        %broadcast_in_dim3A_901 = vector.broadcast %add3A_888 : i32 to vector<16xi32>
        %gather3A_902 = tpu.vector_load_idx %arg6[%broadcast_in_dim3A_318, %broadcast_in_dim3A_901] : memref<200x128xi32, #tpu.memory_space<vmem>>[vector<16xi32>, vector<16xi32>], vector<16xi32>,
        %broadcast_in_dim3A_903 = vector.broadcast %add3A_892 : i32 to vector<16xi32>
        %gather3A_904 = tpu.vector_load_idx %arg6[%broadcast_in_dim3A_318, %broadcast_in_dim3A_903] : memref<200x128xi32, #tpu.memory_space<vmem>>[vector<16xi32>, vector<16xi32>], vector<16xi32>,
        %broadcast_in_dim3A_905 = vector.broadcast %add3A_896 : i32 to vector<16xi32>
        %gather3A_906 = tpu.vector_load_idx %arg6[%broadcast_in_dim3A_318, %broadcast_in_dim3A_905] : memref<200x128xi32, #tpu.memory_space<vmem>>[vector<16xi32>, vector<16xi32>], vector<16xi32>,
        %broadcast_in_dim3A_907 = vector.broadcast %add3A_900 : i32 to vector<16xi32>
        %gather3A_908 = tpu.vector_load_idx %arg6[%broadcast_in_dim3A_318, %broadcast_in_dim3A_907] : memref<200x128xi32, #tpu.memory_space<vmem>>[vector<16xi32>, vector<16xi32>], vector<16xi32>,
        %gt3A_909 = arith.constant 0 : i32
        %gt3A_910 = vector.broadcast %gt3A_909 : i32 to vector<16xi32>
        %gt3A_911 = arith.cmpi sgt, %gather3A_902, %gt3A_910 : vector<16xi32>
        %jit3A_912 = arith.constant 1.000000e+00 : f32
        %jit3A_913 = arith.constant 0.000000e+00 : f32
        %broadcast_in_dim3A_914 = vector.broadcast %jit3A_912 : f32 to vector<16xf32>
        %broadcast_in_dim3A_915 = vector.broadcast %jit3A_913 : f32 to vector<16xf32>
        %select_n3A_916 = arith.select %gt3A_911, %broadcast_in_dim3A_914, %broadcast_in_dim3A_915 : vector<16xi1>, vector<16xf32>
        %gt3A_917 = arith.constant 0 : i32
        %gt3A_918 = vector.broadcast %gt3A_917 : i32 to vector<16xi32>
        %gt3A_919 = arith.cmpi sgt, %gather3A_904, %gt3A_918 : vector<16xi32>
        %jit3A_920 = arith.constant 1.000000e+00 : f32
        %jit3A_921 = arith.constant 0.000000e+00 : f32
        %broadcast_in_dim3A_922 = vector.broadcast %jit3A_920 : f32 to vector<16xf32>
        %broadcast_in_dim3A_923 = vector.broadcast %jit3A_921 : f32 to vector<16xf32>
        %select_n3A_924 = arith.select %gt3A_919, %broadcast_in_dim3A_922, %broadcast_in_dim3A_923 : vector<16xi1>, vector<16xf32>
        %gt3A_925 = arith.constant 0 : i32
        %gt3A_926 = vector.broadcast %gt3A_925 : i32 to vector<16xi32>
        %gt3A_927 = arith.cmpi sgt, %gather3A_906, %gt3A_926 : vector<16xi32>
        %jit3A_928 = arith.constant 1.000000e+00 : f32
        %jit3A_929 = arith.constant 0.000000e+00 : f32
        %broadcast_in_dim3A_930 = vector.broadcast %jit3A_928 : f32 to vector<16xf32>
        %broadcast_in_dim3A_931 = vector.broadcast %jit3A_929 : f32 to vector<16xf32>
        %select_n3A_932 = arith.select %gt3A_927, %broadcast_in_dim3A_930, %broadcast_in_dim3A_931 : vector<16xi1>, vector<16xf32>
        %gt3A_933 = arith.constant 0 : i32
        %gt3A_934 = vector.broadcast %gt3A_933 : i32 to vector<16xi32>
        %gt3A_935 = arith.cmpi sgt, %gather3A_908, %gt3A_934 : vector<16xi32>
        %jit3A_936 = arith.constant 1.000000e+00 : f32
        %jit3A_937 = arith.constant 0.000000e+00 : f32
        %broadcast_in_dim3A_938 = vector.broadcast %jit3A_936 : f32 to vector<16xf32>
        %broadcast_in_dim3A_939 = vector.broadcast %jit3A_937 : f32 to vector<16xf32>
        %select_n3A_940 = arith.select %gt3A_935, %broadcast_in_dim3A_938, %broadcast_in_dim3A_939 : vector<16xi1>, vector<16xf32>
        %get3A_941 = arith.index_cast %add3A_888 : i32 to index
        %get3A_942 = arith.constant 0 : index
        %get3A_943 = tpu.vector_load %arg10[%get3A_941, %get3A_942] {strides = array<i32>} : memref<128x64xf32, #tpu.memory_space<vmem>>, vector<16xf32>,
        %get3A_944 = arith.index_cast %add3A_888 : i32 to index
        %get3A_945 = arith.constant 16 : index
        %get3A_946 = tpu.vector_load %arg10[%get3A_944, %get3A_945] {strides = array<i32>} : memref<128x64xf32, #tpu.memory_space<vmem>>, vector<16xf32>,
        %get3A_947 = arith.index_cast %add3A_888 : i32 to index
        %get3A_948 = arith.constant 32 : index
        %get3A_949 = tpu.vector_load %arg10[%get3A_947, %get3A_948] {strides = array<i32>} : memref<128x64xf32, #tpu.memory_space<vmem>>, vector<16xf32>,
        %get3A_950 = arith.index_cast %add3A_888 : i32 to index
        %get3A_951 = arith.constant 48 : index
        %get3A_952 = tpu.vector_load %arg10[%get3A_950, %get3A_951] {strides = array<i32>} : memref<128x64xf32, #tpu.memory_space<vmem>>, vector<16xf32>,
        %get3A_953 = arith.index_cast %add3A_892 : i32 to index
        %get3A_954 = arith.constant 0 : index
        %get3A_955 = tpu.vector_load %arg10[%get3A_953, %get3A_954] {strides = array<i32>} : memref<128x64xf32, #tpu.memory_space<vmem>>, vector<16xf32>,
        %get3A_956 = arith.index_cast %add3A_892 : i32 to index
        %get3A_957 = arith.constant 16 : index
        %get3A_958 = tpu.vector_load %arg10[%get3A_956, %get3A_957] {strides = array<i32>} : memref<128x64xf32, #tpu.memory_space<vmem>>, vector<16xf32>,
        %get3A_959 = arith.index_cast %add3A_892 : i32 to index
        %get3A_960 = arith.constant 32 : index
        %get3A_961 = tpu.vector_load %arg10[%get3A_959, %get3A_960] {strides = array<i32>} : memref<128x64xf32, #tpu.memory_space<vmem>>, vector<16xf32>,
        %get3A_962 = arith.index_cast %add3A_892 : i32 to index
        %get3A_963 = arith.constant 48 : index
        %get3A_964 = tpu.vector_load %arg10[%get3A_962, %get3A_963] {strides = array<i32>} : memref<128x64xf32, #tpu.memory_space<vmem>>, vector<16xf32>,
        %get3A_965 = arith.index_cast %add3A_896 : i32 to index
        %get3A_966 = arith.constant 0 : index
        %get3A_967 = tpu.vector_load %arg10[%get3A_965, %get3A_966] {strides = array<i32>} : memref<128x64xf32, #tpu.memory_space<vmem>>, vector<16xf32>,
        %get3A_968 = arith.index_cast %add3A_896 : i32 to index
        %get3A_969 = arith.constant 16 : index
        %get3A_970 = tpu.vector_load %arg10[%get3A_968, %get3A_969] {strides = array<i32>} : memref<128x64xf32, #tpu.memory_space<vmem>>, vector<16xf32>,
        %get3A_971 = arith.index_cast %add3A_896 : i32 to index
        %get3A_972 = arith.constant 32 : index
        %get3A_973 = tpu.vector_load %arg10[%get3A_971, %get3A_972] {strides = array<i32>} : memref<128x64xf32, #tpu.memory_space<vmem>>, vector<16xf32>,
        %get3A_974 = arith.index_cast %add3A_896 : i32 to index
        %get3A_975 = arith.constant 48 : index
        %get3A_976 = tpu.vector_load %arg10[%get3A_974, %get3A_975] {strides = array<i32>} : memref<128x64xf32, #tpu.memory_space<vmem>>, vector<16xf32>,
        %get3A_977 = arith.index_cast %add3A_900 : i32 to index
        %get3A_978 = arith.constant 0 : index
        %get3A_979 = tpu.vector_load %arg10[%get3A_977, %get3A_978] {strides = array<i32>} : memref<128x64xf32, #tpu.memory_space<vmem>>, vector<16xf32>,
        %get3A_980 = arith.index_cast %add3A_900 : i32 to index
        %get3A_981 = arith.constant 16 : index
        %get3A_982 = tpu.vector_load %arg10[%get3A_980, %get3A_981] {strides = array<i32>} : memref<128x64xf32, #tpu.memory_space<vmem>>, vector<16xf32>,
        %get3A_983 = arith.index_cast %add3A_900 : i32 to index
        %get3A_984 = arith.constant 32 : index
        %get3A_985 = tpu.vector_load %arg10[%get3A_983, %get3A_984] {strides = array<i32>} : memref<128x64xf32, #tpu.memory_space<vmem>>, vector<16xf32>,
        %get3A_986 = arith.index_cast %add3A_900 : i32 to index
        %get3A_987 = arith.constant 48 : index
        %get3A_988 = tpu.vector_load %arg10[%get3A_986, %get3A_987] {strides = array<i32>} : memref<128x64xf32, #tpu.memory_space<vmem>>, vector<16xf32>,
        %mul3A_989 = arith.mulf %gather3A_327, %select_n3A_916 : vector<16xf32>
        %mul3A_990 = arith.mulf %gather3A_332, %select_n3A_916 : vector<16xf32>
        %mul3A_991 = arith.mulf %gather3A_337, %select_n3A_916 : vector<16xf32>
        %mul3A_992 = arith.mulf %gather3A_342, %select_n3A_916 : vector<16xf32>
        %mul3A_993 = arith.mulf %gather3A_327, %select_n3A_924 : vector<16xf32>
        %mul3A_994 = arith.mulf %gather3A_332, %select_n3A_924 : vector<16xf32>
        %mul3A_995 = arith.mulf %gather3A_337, %select_n3A_924 : vector<16xf32>
        %mul3A_996 = arith.mulf %gather3A_342, %select_n3A_924 : vector<16xf32>
        %mul3A_997 = arith.mulf %gather3A_327, %select_n3A_932 : vector<16xf32>
        %mul3A_998 = arith.mulf %gather3A_332, %select_n3A_932 : vector<16xf32>
        %mul3A_999 = arith.mulf %gather3A_337, %select_n3A_932 : vector<16xf32>
        %mul3A_1000 = arith.mulf %gather3A_342, %select_n3A_932 : vector<16xf32>
        %mul3A_1001 = arith.mulf %gather3A_327, %select_n3A_940 : vector<16xf32>
        %mul3A_1002 = arith.mulf %gather3A_332, %select_n3A_940 : vector<16xf32>
        %mul3A_1003 = arith.mulf %gather3A_337, %select_n3A_940 : vector<16xf32>
        %mul3A_1004 = arith.mulf %gather3A_342, %select_n3A_940 : vector<16xf32>
        %add3A_1005 = arith.addf %get3A_943, %mul3A_989 : vector<16xf32>
        %add3A_1006 = arith.addf %get3A_946, %mul3A_990 : vector<16xf32>
        %add3A_1007 = arith.addf %get3A_949, %mul3A_991 : vector<16xf32>
        %add3A_1008 = arith.addf %get3A_952, %mul3A_992 : vector<16xf32>
        %add3A_1009 = arith.addf %get3A_955, %mul3A_993 : vector<16xf32>
        %add3A_1010 = arith.addf %get3A_958, %mul3A_994 : vector<16xf32>
        %add3A_1011 = arith.addf %get3A_961, %mul3A_995 : vector<16xf32>
        %add3A_1012 = arith.addf %get3A_964, %mul3A_996 : vector<16xf32>
        %add3A_1013 = arith.addf %get3A_967, %mul3A_997 : vector<16xf32>
        %add3A_1014 = arith.addf %get3A_970, %mul3A_998 : vector<16xf32>
        %add3A_1015 = arith.addf %get3A_973, %mul3A_999 : vector<16xf32>
        %add3A_1016 = arith.addf %get3A_976, %mul3A_1000 : vector<16xf32>
        %add3A_1017 = arith.addf %get3A_979, %mul3A_1001 : vector<16xf32>
        %add3A_1018 = arith.addf %get3A_982, %mul3A_1002 : vector<16xf32>
        %add3A_1019 = arith.addf %get3A_985, %mul3A_1003 : vector<16xf32>
        %add3A_1020 = arith.addf %get3A_988, %mul3A_1004 : vector<16xf32>
        %broadcast_in_dim3A_1021 = vector.broadcast %add3A_888 : i32 to vector<16xi32>
        tpu.vector_store_idx %arg14[%get3A_344, %get3A_352, %broadcast_in_dim3A_1021], %add3A_1005 : memref<8x8x129xf32, #tpu.memory_space<vmem>>[vector<16xi32>, vector<16xi32>, vector<16xi32>], vector<16xf32>,
        tpu.vector_store_idx %arg14[%get3A_346, %get3A_352, %broadcast_in_dim3A_1021], %add3A_1006 : memref<8x8x129xf32, #tpu.memory_space<vmem>>[vector<16xi32>, vector<16xi32>, vector<16xi32>], vector<16xf32>,
        tpu.vector_store_idx %arg14[%get3A_348, %get3A_352, %broadcast_in_dim3A_1021], %add3A_1007 : memref<8x8x129xf32, #tpu.memory_space<vmem>>[vector<16xi32>, vector<16xi32>, vector<16xi32>], vector<16xf32>,
        tpu.vector_store_idx %arg14[%get3A_350, %get3A_352, %broadcast_in_dim3A_1021], %add3A_1008 : memref<8x8x129xf32, #tpu.memory_space<vmem>>[vector<16xi32>, vector<16xi32>, vector<16xi32>], vector<16xf32>,
        %broadcast_in_dim3A_1022 = vector.broadcast %add3A_892 : i32 to vector<16xi32>
        tpu.vector_store_idx %arg14[%get3A_344, %get3A_352, %broadcast_in_dim3A_1022], %add3A_1009 : memref<8x8x129xf32, #tpu.memory_space<vmem>>[vector<16xi32>, vector<16xi32>, vector<16xi32>], vector<16xf32>,
        tpu.vector_store_idx %arg14[%get3A_346, %get3A_352, %broadcast_in_dim3A_1022], %add3A_1010 : memref<8x8x129xf32, #tpu.memory_space<vmem>>[vector<16xi32>, vector<16xi32>, vector<16xi32>], vector<16xf32>,
        tpu.vector_store_idx %arg14[%get3A_348, %get3A_352, %broadcast_in_dim3A_1022], %add3A_1011 : memref<8x8x129xf32, #tpu.memory_space<vmem>>[vector<16xi32>, vector<16xi32>, vector<16xi32>], vector<16xf32>,
        tpu.vector_store_idx %arg14[%get3A_350, %get3A_352, %broadcast_in_dim3A_1022], %add3A_1012 : memref<8x8x129xf32, #tpu.memory_space<vmem>>[vector<16xi32>, vector<16xi32>, vector<16xi32>], vector<16xf32>,
        %broadcast_in_dim3A_1023 = vector.broadcast %add3A_896 : i32 to vector<16xi32>
        tpu.vector_store_idx %arg14[%get3A_344, %get3A_352, %broadcast_in_dim3A_1023], %add3A_1013 : memref<8x8x129xf32, #tpu.memory_space<vmem>>[vector<16xi32>, vector<16xi32>, vector<16xi32>], vector<16xf32>,
        tpu.vector_store_idx %arg14[%get3A_346, %get3A_352, %broadcast_in_dim3A_1023], %add3A_1014 : memref<8x8x129xf32, #tpu.memory_space<vmem>>[vector<16xi32>, vector<16xi32>, vector<16xi32>], vector<16xf32>,
        tpu.vector_store_idx %arg14[%get3A_348, %get3A_352, %broadcast_in_dim3A_1023], %add3A_1015 : memref<8x8x129xf32, #tpu.memory_space<vmem>>[vector<16xi32>, vector<16xi32>, vector<16xi32>], vector<16xf32>,
        tpu.vector_store_idx %arg14[%get3A_350, %get3A_352, %broadcast_in_dim3A_1023], %add3A_1016 : memref<8x8x129xf32, #tpu.memory_space<vmem>>[vector<16xi32>, vector<16xi32>, vector<16xi32>], vector<16xf32>,
        %broadcast_in_dim3A_1024 = vector.broadcast %add3A_900 : i32 to vector<16xi32>
        tpu.vector_store_idx %arg14[%get3A_344, %get3A_352, %broadcast_in_dim3A_1024], %add3A_1017 : memref<8x8x129xf32, #tpu.memory_space<vmem>>[vector<16xi32>, vector<16xi32>, vector<16xi32>], vector<16xf32>,
        tpu.vector_store_idx %arg14[%get3A_346, %get3A_352, %broadcast_in_dim3A_1024], %add3A_1018 : memref<8x8x129xf32, #tpu.memory_space<vmem>>[vector<16xi32>, vector<16xi32>, vector<16xi32>], vector<16xf32>,
        tpu.vector_store_idx %arg14[%get3A_348, %get3A_352, %broadcast_in_dim3A_1024], %add3A_1019 : memref<8x8x129xf32, #tpu.memory_space<vmem>>[vector<16xi32>, vector<16xi32>, vector<16xi32>], vector<16xf32>,
        tpu.vector_store_idx %arg14[%get3A_350, %get3A_352, %broadcast_in_dim3A_1024], %add3A_1020 : memref<8x8x129xf32, #tpu.memory_space<vmem>>[vector<16xi32>, vector<16xi32>, vector<16xi32>], vector<16xf32>,
      }
      %scan3A_358 = arith.constant 8 : i32
      %add3A_359 = arith.constant 2 : i32
      %add3A_360 = arith.addi %mul3A_150, %add3A_359 : i32
      %dma_start3A_361 = arith.constant 0 : i32
      %dma_start3A_362 = arith.constant 0 : i32
      %dma_start3A_363 = arith.constant 0 : i32
      %dma_start3A_364 = tpu.memref_slice %arg14[%dma_start3A_361, %dma_start3A_362, %dma_start3A_363] : memref<8x8x129xf32, #tpu.memory_space<vmem>> -> memref<8x8x128xf32, #tpu.memory_space<vmem>>
      %dma_start3A_365 = arith.constant 0 : i32
      %dma_start3A_366 = arith.constant 0 : i32
      %dma_start3A_367 = arith.constant 0 : i32
      %dma_start3A_368 = tpu.memref_slice %arg5[%add3A_360, %dma_start3A_365, %add3A, %dma_start3A_366, %dma_start3A_367] : memref<200x8x32x8x128xf32, #tpu.memory_space<hbm>> -> memref<1x8x1x8x128xf32, #tpu.memory_space<hbm>>
      %dma_start3A_369 = tpu.memref_squeeze %dma_start3A_368 : memref<1x8x1x8x128xf32, #tpu.memory_space<hbm>> -> memref<8x8x128xf32, #tpu.memory_space<hbm>>
      %dma_start3A_370 = arith.constant 0 : i32
      %dma_start3A_371 = arith.constant 0 : i32
      %dma_start3A_372 = arith.constant 0 : i32
      %dma_start3A_373 = tpu.memref_slice %arg5[%add3A_360, %dma_start3A_370, %add3A, %dma_start3A_371, %dma_start3A_372] : memref<200x8x32x8x128xf32, #tpu.memory_space<hbm>> -> memref<1x8x1x8x128xf32, #tpu.memory_space<hbm>>
      %dma_start3A_374 = tpu.memref_squeeze %dma_start3A_373 : memref<1x8x1x8x128xf32, #tpu.memory_space<hbm>> -> memref<8x8x128xf32, #tpu.memory_space<hbm>>
      %dma_start3A_375 = arith.constant 0 : i32
      %dma_start3A_376 = arith.constant 0 : i32
      %dma_start3A_377 = arith.constant 0 : i32
      %dma_start3A_378 = tpu.memref_slice %arg14[%dma_start3A_375, %dma_start3A_376, %dma_start3A_377] : memref<8x8x129xf32, #tpu.memory_space<vmem>> -> memref<8x8x128xf32, #tpu.memory_space<vmem>>
      tpu.enqueue_dma source(%dma_start3A_378 : memref<8x8x128xf32, #tpu.memory_space<vmem>>) target(%dma_start3A_374 : memref<8x8x128xf32, #tpu.memory_space<hbm>>) target_semaphore(%arg23 : memref<!tpu.dma_semaphore, #tpu.memory_space<semaphore_mem>>)
      %lt3A_379 = arith.constant 49 : i32
      %lt3A_380 = arith.cmpi slt, %scan3A_148, %lt3A_379 : i32
      %convert_element_type3A_381 = arith.extui %lt3A_380 : i1 to i32
      %cond3A_382 = arith.constant 0 : i32
      %cond3A_383 = arith.cmpi ne, %convert_element_type3A_381, %cond3A_382 : i32
      scf.if %cond3A_383 {
        %add3A_464 = arith.constant 2 : i32
        %add3A_465 = arith.addi %mul3A_150, %add3A_464 : i32
        %add3A_466 = arith.constant 4 : i32
        %add3A_467 = arith.addi %add3A_465, %add3A_466 : i32
        %dma_start3A_468 = arith.constant 0 : i32
        %dma_start3A_469 = tpu.memref_slice %arg6[%add3A_467, %dma_start3A_468] : memref<200x128xi32, #tpu.memory_space<vmem>> -> memref<1x128xi32, #tpu.memory_space<vmem>>
        %dma_start3A_470 = tpu.memref_squeeze %dma_start3A_469 : memref<1x128xi32, #tpu.memory_space<vmem>> -> memref<128xi32, #tpu.memory_space<vmem>>
        %dma_start3A_471 = arith.constant 0 : i32
        %dma_start3A_472 = arith.constant 0 : i32
        %dma_start3A_473 = tpu.memref_slice %arg4[%dma_start3A_471, %dma_start3A_472] : memref<1000000x64xf32, #tpu.memory_space<hbm>> -> memref<1000000x64xf32, #tpu.memory_space<hbm>>
        tpu.enqueue_indirect_dma source(%dma_start3A_473 : memref<1000000x64xf32, #tpu.memory_space<hbm>>) target(%arg10 : memref<128x64xf32, #tpu.memory_space<vmem>>) offsets(%dma_start3A_470 : memref<128xi32, #tpu.memory_space<vmem>>) semaphore(%arg19 : memref<!tpu.dma_semaphore, #tpu.memory_space<semaphore_mem>>)
      } else {
      }
      %gt3A_384 = arith.constant 0 : i32
      %gt3A_385 = arith.cmpi sgt, %scan3A_148, %gt3A_384 : i32
      %convert_element_type3A_386 = arith.extui %gt3A_385 : i1 to i32
      %cond3A_387 = arith.constant 0 : i32
      %cond3A_388 = arith.cmpi ne, %convert_element_type3A_386, %cond3A_387 : i32
      scf.if %cond3A_388 {
        %dma_wait3A_464 = arith.constant 0 : i32
        %dma_wait3A_465 = arith.constant 0 : i32
        %dma_wait3A_466 = arith.constant 0 : i32
        %dma_wait3A_467 = arith.constant 0 : i32
        %dma_wait3A_468 = arith.constant 0 : i32
        %dma_wait3A_469 = tpu.memref_slice %arg15[%dma_wait3A_466, %dma_wait3A_467, %dma_wait3A_468] : memref<8x8x129xf32, #tpu.memory_space<vmem>> -> memref<8x8x128xf32, #tpu.memory_space<vmem>>
        %dma_wait3A_470 = arith.constant 0 : i32
        %dma_wait3A_471 = arith.constant 0 : i32
        %dma_wait3A_472 = arith.constant 0 : i32
        %dma_wait3A_473 = tpu.memref_slice %arg5[%dma_wait3A_464, %dma_wait3A_470, %dma_wait3A_465, %dma_wait3A_471, %dma_wait3A_472] : memref<200x8x32x8x128xf32, #tpu.memory_space<hbm>> -> memref<1x8x1x8x128xf32, #tpu.memory_space<hbm>>
        %dma_wait3A_474 = tpu.memref_squeeze %dma_wait3A_473 : memref<1x8x1x8x128xf32, #tpu.memory_space<hbm>> -> memref<8x8x128xf32, #tpu.memory_space<hbm>>
        %dma_wait3A_475 = arith.constant 0 : i32
        %dma_wait3A_476 = arith.constant 0 : i32
        %dma_wait3A_477 = arith.constant 0 : i32
        %dma_wait3A_478 = tpu.memref_slice %arg5[%dma_wait3A_464, %dma_wait3A_475, %dma_wait3A_465, %dma_wait3A_476, %dma_wait3A_477] : memref<200x8x32x8x128xf32, #tpu.memory_space<hbm>> -> memref<1x8x1x8x128xf32, #tpu.memory_space<hbm>>
        %dma_wait3A_479 = tpu.memref_squeeze %dma_wait3A_478 : memref<1x8x1x8x128xf32, #tpu.memory_space<hbm>> -> memref<8x8x128xf32, #tpu.memory_space<hbm>>
        %dma_wait3A_480 = arith.constant 0 : i32
        %dma_wait3A_481 = arith.constant 0 : i32
        %dma_wait3A_482 = arith.constant 0 : i32
        %dma_wait3A_483 = tpu.memref_slice %arg15[%dma_wait3A_480, %dma_wait3A_481, %dma_wait3A_482] : memref<8x8x129xf32, #tpu.memory_space<vmem>> -> memref<8x8x128xf32, #tpu.memory_space<vmem>>
        tpu.wait_dma2 semaphore(%arg24 : memref<!tpu.dma_semaphore, #tpu.memory_space<semaphore_mem>>) src(%dma_wait3A_483 : memref<8x8x128xf32, #tpu.memory_space<vmem>>) dst(%dma_wait3A_479 : memref<8x8x128xf32, #tpu.memory_space<hbm>>)
      } else {
      }
      %dma_wait3A_389 = arith.constant 0 : i32
      %dma_wait3A_390 = arith.constant 0 : i32
      %dma_wait3A_391 = tpu.memref_slice %arg6[%dma_wait3A_389, %dma_wait3A_390] : memref<200x128xi32, #tpu.memory_space<vmem>> -> memref<1x128xi32, #tpu.memory_space<vmem>>
      %dma_wait3A_392 = tpu.memref_squeeze %dma_wait3A_391 : memref<1x128xi32, #tpu.memory_space<vmem>> -> memref<128xi32, #tpu.memory_space<vmem>>
      %dma_wait3A_393 = arith.constant 0 : i32
      %dma_wait3A_394 = arith.constant 0 : i32
      %dma_wait3A_395 = tpu.memref_slice %arg4[%dma_wait3A_393, %dma_wait3A_394] : memref<1000000x64xf32, #tpu.memory_space<hbm>> -> memref<1000000x64xf32, #tpu.memory_space<hbm>>
      tpu.wait_indirect_dma semaphore(%arg20 : memref<!tpu.dma_semaphore, #tpu.memory_space<semaphore_mem>>) src(%dma_wait3A_395 : memref<1000000x64xf32, #tpu.memory_space<hbm>>) dst(%arg11 : memref<128x64xf32, #tpu.memory_space<vmem>>)
      %add3A_396 = arith.constant 3 : i32
      %add3A_397 = arith.addi %mul3A_150, %add3A_396 : i32
      %broadcast_in_dim3A_398 = vector.broadcast %add3A_397 : i32 to vector<16xi32>
      %add3A_399 = arith.constant 1 : i32
      %add3A_400 = arith.addi %add3A_397, %add3A_399 : i32
      %mul3A_401 = arith.constant 64 : i32
      %mul3A_402 = arith.muli %add3A_400, %mul3A_401 : i32
      %add3A_403 = arith.constant 0 : i32
      %add3A_404 = arith.addi %mul3A_402, %add3A_403 : i32
      %add3A_405 = vector.broadcast %add3A_404 : i32 to vector<16xi32>
      %add3A_406 = arith.addi %add3A_405, %iota3A : vector<16xi32>
      %gather3A_407 = tpu.vector_load_idx %arg7[%add3A_406] : memref<12864xf32, #tpu.memory_space<vmem>>[vector<16xi32>], vector<16xf32>,
      %add3A_408 = arith.constant 16 : i32
      %add3A_409 = arith.addi %mul3A_402, %add3A_408 : i32
      %add3A_410 = vector.broadcast %add3A_409 : i32 to vector<16xi32>
      %add3A_411 = arith.addi %add3A_410, %iota3A : vector<16xi32>
      %gather3A_412 = tpu.vector_load_idx %arg7[%add3A_411] : memref<12864xf32, #tpu.memory_space<vmem>>[vector<16xi32>], vector<16xf32>,
      %add3A_413 = arith.constant 32 : i32
      %add3A_414 = arith.addi %mul3A_402, %add3A_413 : i32
      %add3A_415 = vector.broadcast %add3A_414 : i32 to vector<16xi32>
      %add3A_416 = arith.addi %add3A_415, %iota3A : vector<16xi32>
      %gather3A_417 = tpu.vector_load_idx %arg7[%add3A_416] : memref<12864xf32, #tpu.memory_space<vmem>>[vector<16xi32>], vector<16xf32>,
      %add3A_418 = arith.constant 48 : i32
      %add3A_419 = arith.addi %mul3A_402, %add3A_418 : i32
      %add3A_420 = vector.broadcast %add3A_419 : i32 to vector<16xi32>
      %add3A_421 = arith.addi %add3A_420, %iota3A : vector<16xi32>
      %gather3A_422 = tpu.vector_load_idx %arg7[%add3A_421] : memref<12864xf32, #tpu.memory_space<vmem>>[vector<16xi32>], vector<16xf32>,
      %get3A_423 = arith.constant 0 : index
      %get3A_424 = tpu.vector_load %arg16[%get3A_423] {strides = array<i32>} : memref<80xi32, #tpu.memory_space<vmem>>, vector<16xi32>,
      %get3A_425 = arith.constant 16 : index
      %get3A_426 = tpu.vector_load %arg16[%get3A_425] {strides = array<i32>} : memref<80xi32, #tpu.memory_space<vmem>>, vector<16xi32>,
      %get3A_427 = arith.constant 32 : index
      %get3A_428 = tpu.vector_load %arg16[%get3A_427] {strides = array<i32>} : memref<80xi32, #tpu.memory_space<vmem>>, vector<16xi32>,
      %get3A_429 = arith.constant 48 : index
      %get3A_430 = tpu.vector_load %arg16[%get3A_429] {strides = array<i32>} : memref<80xi32, #tpu.memory_space<vmem>>, vector<16xi32>,
      %get3A_431 = arith.constant 64 : index
      %get3A_432 = tpu.vector_load %arg16[%get3A_431] {strides = array<i32>} : memref<80xi32, #tpu.memory_space<vmem>>, vector<16xi32>,
      %scan3A_433 = arith.constant 0 : i32
      %scan3A_434 = arith.constant 0 : i32
      %scan3A_435 = arith.constant 8 : i32
      %scan3A_436 = arith.addi %scan3A_434, %scan3A_435 : i32
      %scan3A_437 = arith.constant 1 : i32
      scf.for %scan3A_464 = %scan3A_434 to %scan3A_436 step %scan3A_437  : i32 {
        %mul3A_465 = arith.constant 16 : i32
        %mul3A_466 = arith.muli %scan3A_464, %mul3A_465 : i32
        %add3A_467 = arith.constant 0 : i32
        %add3A_468 = arith.addi %mul3A_466, %add3A_467 : i32
        %add3A_469 = arith.constant 0 : i32
        %add3A_470 = arith.addi %add3A_468, %add3A_469 : i32
        %add3A_471 = arith.constant 0 : i32
        %add3A_472 = arith.addi %mul3A_466, %add3A_471 : i32
        %add3A_473 = arith.constant 1 : i32
        %add3A_474 = arith.addi %add3A_472, %add3A_473 : i32
        %add3A_475 = arith.constant 0 : i32
        %add3A_476 = arith.addi %mul3A_466, %add3A_475 : i32
        %add3A_477 = arith.constant 2 : i32
        %add3A_478 = arith.addi %add3A_476, %add3A_477 : i32
        %add3A_479 = arith.constant 0 : i32
        %add3A_480 = arith.addi %mul3A_466, %add3A_479 : i32
        %add3A_481 = arith.constant 3 : i32
        %add3A_482 = arith.addi %add3A_480, %add3A_481 : i32
        %broadcast_in_dim3A_483 = vector.broadcast %add3A_470 : i32 to vector<16xi32>
        %gather3A_484 = tpu.vector_load_idx %arg6[%broadcast_in_dim3A_398, %broadcast_in_dim3A_483] : memref<200x128xi32, #tpu.memory_space<vmem>>[vector<16xi32>, vector<16xi32>], vector<16xi32>,
        %broadcast_in_dim3A_485 = vector.broadcast %add3A_474 : i32 to vector<16xi32>
        %gather3A_486 = tpu.vector_load_idx %arg6[%broadcast_in_dim3A_398, %broadcast_in_dim3A_485] : memref<200x128xi32, #tpu.memory_space<vmem>>[vector<16xi32>, vector<16xi32>], vector<16xi32>,
        %broadcast_in_dim3A_487 = vector.broadcast %add3A_478 : i32 to vector<16xi32>
        %gather3A_488 = tpu.vector_load_idx %arg6[%broadcast_in_dim3A_398, %broadcast_in_dim3A_487] : memref<200x128xi32, #tpu.memory_space<vmem>>[vector<16xi32>, vector<16xi32>], vector<16xi32>,
        %broadcast_in_dim3A_489 = vector.broadcast %add3A_482 : i32 to vector<16xi32>
        %gather3A_490 = tpu.vector_load_idx %arg6[%broadcast_in_dim3A_398, %broadcast_in_dim3A_489] : memref<200x128xi32, #tpu.memory_space<vmem>>[vector<16xi32>, vector<16xi32>], vector<16xi32>,
        %gt3A_491 = arith.constant 0 : i32
        %gt3A_492 = vector.broadcast %gt3A_491 : i32 to vector<16xi32>
        %gt3A_493 = arith.cmpi sgt, %gather3A_484, %gt3A_492 : vector<16xi32>
        %jit3A = arith.constant 1.000000e+00 : f32
        %jit3A_494 = arith.constant 0.000000e+00 : f32
        %broadcast_in_dim3A_495 = vector.broadcast %jit3A : f32 to vector<16xf32>
        %broadcast_in_dim3A_496 = vector.broadcast %jit3A_494 : f32 to vector<16xf32>
        %select_n3A = arith.select %gt3A_493, %broadcast_in_dim3A_495, %broadcast_in_dim3A_496 : vector<16xi1>, vector<16xf32>
        %gt3A_497 = arith.constant 0 : i32
        %gt3A_498 = vector.broadcast %gt3A_497 : i32 to vector<16xi32>
        %gt3A_499 = arith.cmpi sgt, %gather3A_486, %gt3A_498 : vector<16xi32>
        %jit3A_500 = arith.constant 1.000000e+00 : f32
        %jit3A_501 = arith.constant 0.000000e+00 : f32
        %broadcast_in_dim3A_502 = vector.broadcast %jit3A_500 : f32 to vector<16xf32>
        %broadcast_in_dim3A_503 = vector.broadcast %jit3A_501 : f32 to vector<16xf32>
        %select_n3A_504 = arith.select %gt3A_499, %broadcast_in_dim3A_502, %broadcast_in_dim3A_503 : vector<16xi1>, vector<16xf32>
        %gt3A_505 = arith.constant 0 : i32
        %gt3A_506 = vector.broadcast %gt3A_505 : i32 to vector<16xi32>
        %gt3A_507 = arith.cmpi sgt, %gather3A_488, %gt3A_506 : vector<16xi32>
        %jit3A_508 = arith.constant 1.000000e+00 : f32
        %jit3A_509 = arith.constant 0.000000e+00 : f32
        %broadcast_in_dim3A_510 = vector.broadcast %jit3A_508 : f32 to vector<16xf32>
        %broadcast_in_dim3A_511 = vector.broadcast %jit3A_509 : f32 to vector<16xf32>
        %select_n3A_512 = arith.select %gt3A_507, %broadcast_in_dim3A_510, %broadcast_in_dim3A_511 : vector<16xi1>, vector<16xf32>
        %gt3A_513 = arith.constant 0 : i32
        %gt3A_514 = vector.broadcast %gt3A_513 : i32 to vector<16xi32>
        %gt3A_515 = arith.cmpi sgt, %gather3A_490, %gt3A_514 : vector<16xi32>
        %jit3A_516 = arith.constant 1.000000e+00 : f32
        %jit3A_517 = arith.constant 0.000000e+00 : f32
        %broadcast_in_dim3A_518 = vector.broadcast %jit3A_516 : f32 to vector<16xf32>
        %broadcast_in_dim3A_519 = vector.broadcast %jit3A_517 : f32 to vector<16xf32>
        %select_n3A_520 = arith.select %gt3A_515, %broadcast_in_dim3A_518, %broadcast_in_dim3A_519 : vector<16xi1>, vector<16xf32>
        %get3A_521 = arith.index_cast %add3A_470 : i32 to index
        %get3A_522 = arith.constant 0 : index
        %get3A_523 = tpu.vector_load %arg11[%get3A_521, %get3A_522] {strides = array<i32>} : memref<128x64xf32, #tpu.memory_space<vmem>>, vector<16xf32>,
        %get3A_524 = arith.index_cast %add3A_470 : i32 to index
        %get3A_525 = arith.constant 16 : index
        %get3A_526 = tpu.vector_load %arg11[%get3A_524, %get3A_525] {strides = array<i32>} : memref<128x64xf32, #tpu.memory_space<vmem>>, vector<16xf32>,
        %get3A_527 = arith.index_cast %add3A_470 : i32 to index
        %get3A_528 = arith.constant 32 : index
        %get3A_529 = tpu.vector_load %arg11[%get3A_527, %get3A_528] {strides = array<i32>} : memref<128x64xf32, #tpu.memory_space<vmem>>, vector<16xf32>,
        %get3A_530 = arith.index_cast %add3A_470 : i32 to index
        %get3A_531 = arith.constant 48 : index
        %get3A_532 = tpu.vector_load %arg11[%get3A_530, %get3A_531] {strides = array<i32>} : memref<128x64xf32, #tpu.memory_space<vmem>>, vector<16xf32>,
        %get3A_533 = arith.index_cast %add3A_474 : i32 to index
        %get3A_534 = arith.constant 0 : index
        %get3A_535 = tpu.vector_load %arg11[%get3A_533, %get3A_534] {strides = array<i32>} : memref<128x64xf32, #tpu.memory_space<vmem>>, vector<16xf32>,
        %get3A_536 = arith.index_cast %add3A_474 : i32 to index
        %get3A_537 = arith.constant 16 : index
        %get3A_538 = tpu.vector_load %arg11[%get3A_536, %get3A_537] {strides = array<i32>} : memref<128x64xf32, #tpu.memory_space<vmem>>, vector<16xf32>,
        %get3A_539 = arith.index_cast %add3A_474 : i32 to index
        %get3A_540 = arith.constant 32 : index
        %get3A_541 = tpu.vector_load %arg11[%get3A_539, %get3A_540] {strides = array<i32>} : memref<128x64xf32, #tpu.memory_space<vmem>>, vector<16xf32>,
        %get3A_542 = arith.index_cast %add3A_474 : i32 to index
        %get3A_543 = arith.constant 48 : index
        %get3A_544 = tpu.vector_load %arg11[%get3A_542, %get3A_543] {strides = array<i32>} : memref<128x64xf32, #tpu.memory_space<vmem>>, vector<16xf32>,
        %get3A_545 = arith.index_cast %add3A_478 : i32 to index
        %get3A_546 = arith.constant 0 : index
        %get3A_547 = tpu.vector_load %arg11[%get3A_545, %get3A_546] {strides = array<i32>} : memref<128x64xf32, #tpu.memory_space<vmem>>, vector<16xf32>,
        %get3A_548 = arith.index_cast %add3A_478 : i32 to index
        %get3A_549 = arith.constant 16 : index
        %get3A_550 = tpu.vector_load %arg11[%get3A_548, %get3A_549] {strides = array<i32>} : memref<128x64xf32, #tpu.memory_space<vmem>>, vector<16xf32>,
        %get3A_551 = arith.index_cast %add3A_478 : i32 to index
        %get3A_552 = arith.constant 32 : index
        %get3A_553 = tpu.vector_load %arg11[%get3A_551, %get3A_552] {strides = array<i32>} : memref<128x64xf32, #tpu.memory_space<vmem>>, vector<16xf32>,
        %get3A_554 = arith.index_cast %add3A_478 : i32 to index
        %get3A_555 = arith.constant 48 : index
        %get3A_556 = tpu.vector_load %arg11[%get3A_554, %get3A_555] {strides = array<i32>} : memref<128x64xf32, #tpu.memory_space<vmem>>, vector<16xf32>,
        %get3A_557 = arith.index_cast %add3A_482 : i32 to index
        %get3A_558 = arith.constant 0 : index
        %get3A_559 = tpu.vector_load %arg11[%get3A_557, %get3A_558] {strides = array<i32>} : memref<128x64xf32, #tpu.memory_space<vmem>>, vector<16xf32>,
        %get3A_560 = arith.index_cast %add3A_482 : i32 to index
        %get3A_561 = arith.constant 16 : index
        %get3A_562 = tpu.vector_load %arg11[%get3A_560, %get3A_561] {strides = array<i32>} : memref<128x64xf32, #tpu.memory_space<vmem>>, vector<16xf32>,
        %get3A_563 = arith.index_cast %add3A_482 : i32 to index
        %get3A_564 = arith.constant 32 : index
        %get3A_565 = tpu.vector_load %arg11[%get3A_563, %get3A_564] {strides = array<i32>} : memref<128x64xf32, #tpu.memory_space<vmem>>, vector<16xf32>,
        %get3A_566 = arith.index_cast %add3A_482 : i32 to index
        %get3A_567 = arith.constant 48 : index
        %get3A_568 = tpu.vector_load %arg11[%get3A_566, %get3A_567] {strides = array<i32>} : memref<128x64xf32, #tpu.memory_space<vmem>>, vector<16xf32>,
        %mul3A_569 = arith.mulf %gather3A_407, %select_n3A : vector<16xf32>
        %mul3A_570 = arith.mulf %gather3A_412, %select_n3A : vector<16xf32>
        %mul3A_571 = arith.mulf %gather3A_417, %select_n3A : vector<16xf32>
        %mul3A_572 = arith.mulf %gather3A_422, %select_n3A : vector<16xf32>
        %mul3A_573 = arith.mulf %gather3A_407, %select_n3A_504 : vector<16xf32>
        %mul3A_574 = arith.mulf %gather3A_412, %select_n3A_504 : vector<16xf32>
        %mul3A_575 = arith.mulf %gather3A_417, %select_n3A_504 : vector<16xf32>
        %mul3A_576 = arith.mulf %gather3A_422, %select_n3A_504 : vector<16xf32>
        %mul3A_577 = arith.mulf %gather3A_407, %select_n3A_512 : vector<16xf32>
        %mul3A_578 = arith.mulf %gather3A_412, %select_n3A_512 : vector<16xf32>
        %mul3A_579 = arith.mulf %gather3A_417, %select_n3A_512 : vector<16xf32>
        %mul3A_580 = arith.mulf %gather3A_422, %select_n3A_512 : vector<16xf32>
        %mul3A_581 = arith.mulf %gather3A_407, %select_n3A_520 : vector<16xf32>
        %mul3A_582 = arith.mulf %gather3A_412, %select_n3A_520 : vector<16xf32>
        %mul3A_583 = arith.mulf %gather3A_417, %select_n3A_520 : vector<16xf32>
        %mul3A_584 = arith.mulf %gather3A_422, %select_n3A_520 : vector<16xf32>
        %add3A_585 = arith.addf %get3A_523, %mul3A_569 : vector<16xf32>
        %add3A_586 = arith.addf %get3A_526, %mul3A_570 : vector<16xf32>
        %add3A_587 = arith.addf %get3A_529, %mul3A_571 : vector<16xf32>
        %add3A_588 = arith.addf %get3A_532, %mul3A_572 : vector<16xf32>
        %add3A_589 = arith.addf %get3A_535, %mul3A_573 : vector<16xf32>
        %add3A_590 = arith.addf %get3A_538, %mul3A_574 : vector<16xf32>
        %add3A_591 = arith.addf %get3A_541, %mul3A_575 : vector<16xf32>
        %add3A_592 = arith.addf %get3A_544, %mul3A_576 : vector<16xf32>
        %add3A_593 = arith.addf %get3A_547, %mul3A_577 : vector<16xf32>
        %add3A_594 = arith.addf %get3A_550, %mul3A_578 : vector<16xf32>
        %add3A_595 = arith.addf %get3A_553, %mul3A_579 : vector<16xf32>
        %add3A_596 = arith.addf %get3A_556, %mul3A_580 : vector<16xf32>
        %add3A_597 = arith.addf %get3A_559, %mul3A_581 : vector<16xf32>
        %add3A_598 = arith.addf %get3A_562, %mul3A_582 : vector<16xf32>
        %add3A_599 = arith.addf %get3A_565, %mul3A_583 : vector<16xf32>
        %add3A_600 = arith.addf %get3A_568, %mul3A_584 : vector<16xf32>
        %broadcast_in_dim3A_601 = vector.broadcast %add3A_470 : i32 to vector<16xi32>
        tpu.vector_store_idx %arg15[%get3A_424, %get3A_432, %broadcast_in_dim3A_601], %add3A_585 : memref<8x8x129xf32, #tpu.memory_space<vmem>>[vector<16xi32>, vector<16xi32>, vector<16xi32>], vector<16xf32>,
        tpu.vector_store_idx %arg15[%get3A_426, %get3A_432, %broadcast_in_dim3A_601], %add3A_586 : memref<8x8x129xf32, #tpu.memory_space<vmem>>[vector<16xi32>, vector<16xi32>, vector<16xi32>], vector<16xf32>,
        tpu.vector_store_idx %arg15[%get3A_428, %get3A_432, %broadcast_in_dim3A_601], %add3A_587 : memref<8x8x129xf32, #tpu.memory_space<vmem>>[vector<16xi32>, vector<16xi32>, vector<16xi32>], vector<16xf32>,
        tpu.vector_store_idx %arg15[%get3A_430, %get3A_432, %broadcast_in_dim3A_601], %add3A_588 : memref<8x8x129xf32, #tpu.memory_space<vmem>>[vector<16xi32>, vector<16xi32>, vector<16xi32>], vector<16xf32>,
        %broadcast_in_dim3A_602 = vector.broadcast %add3A_474 : i32 to vector<16xi32>
        tpu.vector_store_idx %arg15[%get3A_424, %get3A_432, %broadcast_in_dim3A_602], %add3A_589 : memref<8x8x129xf32, #tpu.memory_space<vmem>>[vector<16xi32>, vector<16xi32>, vector<16xi32>], vector<16xf32>,
        tpu.vector_store_idx %arg15[%get3A_426, %get3A_432, %broadcast_in_dim3A_602], %add3A_590 : memref<8x8x129xf32, #tpu.memory_space<vmem>>[vector<16xi32>, vector<16xi32>, vector<16xi32>], vector<16xf32>,
        tpu.vector_store_idx %arg15[%get3A_428, %get3A_432, %broadcast_in_dim3A_602], %add3A_591 : memref<8x8x129xf32, #tpu.memory_space<vmem>>[vector<16xi32>, vector<16xi32>, vector<16xi32>], vector<16xf32>,
        tpu.vector_store_idx %arg15[%get3A_430, %get3A_432, %broadcast_in_dim3A_602], %add3A_592 : memref<8x8x129xf32, #tpu.memory_space<vmem>>[vector<16xi32>, vector<16xi32>, vector<16xi32>], vector<16xf32>,
        %broadcast_in_dim3A_603 = vector.broadcast %add3A_478 : i32 to vector<16xi32>
        tpu.vector_store_idx %arg15[%get3A_424, %get3A_432, %broadcast_in_dim3A_603], %add3A_593 : memref<8x8x129xf32, #tpu.memory_space<vmem>>[vector<16xi32>, vector<16xi32>, vector<16xi32>], vector<16xf32>,
        tpu.vector_store_idx %arg15[%get3A_426, %get3A_432, %broadcast_in_dim3A_603], %add3A_594 : memref<8x8x129xf32, #tpu.memory_space<vmem>>[vector<16xi32>, vector<16xi32>, vector<16xi32>], vector<16xf32>,
        tpu.vector_store_idx %arg15[%get3A_428, %get3A_432, %broadcast_in_dim3A_603], %add3A_595 : memref<8x8x129xf32, #tpu.memory_space<vmem>>[vector<16xi32>, vector<16xi32>, vector<16xi32>], vector<16xf32>,
        tpu.vector_store_idx %arg15[%get3A_430, %get3A_432, %broadcast_in_dim3A_603], %add3A_596 : memref<8x8x129xf32, #tpu.memory_space<vmem>>[vector<16xi32>, vector<16xi32>, vector<16xi32>], vector<16xf32>,
        %broadcast_in_dim3A_604 = vector.broadcast %add3A_482 : i32 to vector<16xi32>
        tpu.vector_store_idx %arg15[%get3A_424, %get3A_432, %broadcast_in_dim3A_604], %add3A_597 : memref<8x8x129xf32, #tpu.memory_space<vmem>>[vector<16xi32>, vector<16xi32>, vector<16xi32>], vector<16xf32>,
        tpu.vector_store_idx %arg15[%get3A_426, %get3A_432, %broadcast_in_dim3A_604], %add3A_598 : memref<8x8x129xf32, #tpu.memory_space<vmem>>[vector<16xi32>, vector<16xi32>, vector<16xi32>], vector<16xf32>,
        tpu.vector_store_idx %arg15[%get3A_428, %get3A_432, %broadcast_in_dim3A_604], %add3A_599 : memref<8x8x129xf32, #tpu.memory_space<vmem>>[vector<16xi32>, vector<16xi32>, vector<16xi32>], vector<16xf32>,
        tpu.vector_store_idx %arg15[%get3A_430, %get3A_432, %broadcast_in_dim3A_604], %add3A_600 : memref<8x8x129xf32, #tpu.memory_space<vmem>>[vector<16xi32>, vector<16xi32>, vector<16xi32>], vector<16xf32>,
        %add3A_605 = arith.constant 4 : i32
        %add3A_606 = arith.addi %mul3A_466, %add3A_605 : i32
        %add3A_607 = arith.constant 0 : i32
        %add3A_608 = arith.addi %add3A_606, %add3A_607 : i32
        %add3A_609 = arith.constant 4 : i32
        %add3A_610 = arith.addi %mul3A_466, %add3A_609 : i32
        %add3A_611 = arith.constant 1 : i32
        %add3A_612 = arith.addi %add3A_610, %add3A_611 : i32
        %add3A_613 = arith.constant 4 : i32
        %add3A_614 = arith.addi %mul3A_466, %add3A_613 : i32
        %add3A_615 = arith.constant 2 : i32
        %add3A_616 = arith.addi %add3A_614, %add3A_615 : i32
        %add3A_617 = arith.constant 4 : i32
        %add3A_618 = arith.addi %mul3A_466, %add3A_617 : i32
        %add3A_619 = arith.constant 3 : i32
        %add3A_620 = arith.addi %add3A_618, %add3A_619 : i32
        %broadcast_in_dim3A_621 = vector.broadcast %add3A_608 : i32 to vector<16xi32>
        %gather3A_622 = tpu.vector_load_idx %arg6[%broadcast_in_dim3A_398, %broadcast_in_dim3A_621] : memref<200x128xi32, #tpu.memory_space<vmem>>[vector<16xi32>, vector<16xi32>], vector<16xi32>,
        %broadcast_in_dim3A_623 = vector.broadcast %add3A_612 : i32 to vector<16xi32>
        %gather3A_624 = tpu.vector_load_idx %arg6[%broadcast_in_dim3A_398, %broadcast_in_dim3A_623] : memref<200x128xi32, #tpu.memory_space<vmem>>[vector<16xi32>, vector<16xi32>], vector<16xi32>,
        %broadcast_in_dim3A_625 = vector.broadcast %add3A_616 : i32 to vector<16xi32>
        %gather3A_626 = tpu.vector_load_idx %arg6[%broadcast_in_dim3A_398, %broadcast_in_dim3A_625] : memref<200x128xi32, #tpu.memory_space<vmem>>[vector<16xi32>, vector<16xi32>], vector<16xi32>,
        %broadcast_in_dim3A_627 = vector.broadcast %add3A_620 : i32 to vector<16xi32>
        %gather3A_628 = tpu.vector_load_idx %arg6[%broadcast_in_dim3A_398, %broadcast_in_dim3A_627] : memref<200x128xi32, #tpu.memory_space<vmem>>[vector<16xi32>, vector<16xi32>], vector<16xi32>,
        %gt3A_629 = arith.constant 0 : i32
        %gt3A_630 = vector.broadcast %gt3A_629 : i32 to vector<16xi32>
        %gt3A_631 = arith.cmpi sgt, %gather3A_622, %gt3A_630 : vector<16xi32>
        %jit3A_632 = arith.constant 1.000000e+00 : f32
        %jit3A_633 = arith.constant 0.000000e+00 : f32
        %broadcast_in_dim3A_634 = vector.broadcast %jit3A_632 : f32 to vector<16xf32>
        %broadcast_in_dim3A_635 = vector.broadcast %jit3A_633 : f32 to vector<16xf32>
        %select_n3A_636 = arith.select %gt3A_631, %broadcast_in_dim3A_634, %broadcast_in_dim3A_635 : vector<16xi1>, vector<16xf32>
        %gt3A_637 = arith.constant 0 : i32
        %gt3A_638 = vector.broadcast %gt3A_637 : i32 to vector<16xi32>
        %gt3A_639 = arith.cmpi sgt, %gather3A_624, %gt3A_638 : vector<16xi32>
        %jit3A_640 = arith.constant 1.000000e+00 : f32
        %jit3A_641 = arith.constant 0.000000e+00 : f32
        %broadcast_in_dim3A_642 = vector.broadcast %jit3A_640 : f32 to vector<16xf32>
        %broadcast_in_dim3A_643 = vector.broadcast %jit3A_641 : f32 to vector<16xf32>
        %select_n3A_644 = arith.select %gt3A_639, %broadcast_in_dim3A_642, %broadcast_in_dim3A_643 : vector<16xi1>, vector<16xf32>
        %gt3A_645 = arith.constant 0 : i32
        %gt3A_646 = vector.broadcast %gt3A_645 : i32 to vector<16xi32>
        %gt3A_647 = arith.cmpi sgt, %gather3A_626, %gt3A_646 : vector<16xi32>
        %jit3A_648 = arith.constant 1.000000e+00 : f32
        %jit3A_649 = arith.constant 0.000000e+00 : f32
        %broadcast_in_dim3A_650 = vector.broadcast %jit3A_648 : f32 to vector<16xf32>
        %broadcast_in_dim3A_651 = vector.broadcast %jit3A_649 : f32 to vector<16xf32>
        %select_n3A_652 = arith.select %gt3A_647, %broadcast_in_dim3A_650, %broadcast_in_dim3A_651 : vector<16xi1>, vector<16xf32>
        %gt3A_653 = arith.constant 0 : i32
        %gt3A_654 = vector.broadcast %gt3A_653 : i32 to vector<16xi32>
        %gt3A_655 = arith.cmpi sgt, %gather3A_628, %gt3A_654 : vector<16xi32>
        %jit3A_656 = arith.constant 1.000000e+00 : f32
        %jit3A_657 = arith.constant 0.000000e+00 : f32
        %broadcast_in_dim3A_658 = vector.broadcast %jit3A_656 : f32 to vector<16xf32>
        %broadcast_in_dim3A_659 = vector.broadcast %jit3A_657 : f32 to vector<16xf32>
        %select_n3A_660 = arith.select %gt3A_655, %broadcast_in_dim3A_658, %broadcast_in_dim3A_659 : vector<16xi1>, vector<16xf32>
        %get3A_661 = arith.index_cast %add3A_608 : i32 to index
        %get3A_662 = arith.constant 0 : index
        %get3A_663 = tpu.vector_load %arg11[%get3A_661, %get3A_662] {strides = array<i32>} : memref<128x64xf32, #tpu.memory_space<vmem>>, vector<16xf32>,
        %get3A_664 = arith.index_cast %add3A_608 : i32 to index
        %get3A_665 = arith.constant 16 : index
        %get3A_666 = tpu.vector_load %arg11[%get3A_664, %get3A_665] {strides = array<i32>} : memref<128x64xf32, #tpu.memory_space<vmem>>, vector<16xf32>,
        %get3A_667 = arith.index_cast %add3A_608 : i32 to index
        %get3A_668 = arith.constant 32 : index
        %get3A_669 = tpu.vector_load %arg11[%get3A_667, %get3A_668] {strides = array<i32>} : memref<128x64xf32, #tpu.memory_space<vmem>>, vector<16xf32>,
        %get3A_670 = arith.index_cast %add3A_608 : i32 to index
        %get3A_671 = arith.constant 48 : index
        %get3A_672 = tpu.vector_load %arg11[%get3A_670, %get3A_671] {strides = array<i32>} : memref<128x64xf32, #tpu.memory_space<vmem>>, vector<16xf32>,
        %get3A_673 = arith.index_cast %add3A_612 : i32 to index
        %get3A_674 = arith.constant 0 : index
        %get3A_675 = tpu.vector_load %arg11[%get3A_673, %get3A_674] {strides = array<i32>} : memref<128x64xf32, #tpu.memory_space<vmem>>, vector<16xf32>,
        %get3A_676 = arith.index_cast %add3A_612 : i32 to index
        %get3A_677 = arith.constant 16 : index
        %get3A_678 = tpu.vector_load %arg11[%get3A_676, %get3A_677] {strides = array<i32>} : memref<128x64xf32, #tpu.memory_space<vmem>>, vector<16xf32>,
        %get3A_679 = arith.index_cast %add3A_612 : i32 to index
        %get3A_680 = arith.constant 32 : index
        %get3A_681 = tpu.vector_load %arg11[%get3A_679, %get3A_680] {strides = array<i32>} : memref<128x64xf32, #tpu.memory_space<vmem>>, vector<16xf32>,
        %get3A_682 = arith.index_cast %add3A_612 : i32 to index
        %get3A_683 = arith.constant 48 : index
        %get3A_684 = tpu.vector_load %arg11[%get3A_682, %get3A_683] {strides = array<i32>} : memref<128x64xf32, #tpu.memory_space<vmem>>, vector<16xf32>,
        %get3A_685 = arith.index_cast %add3A_616 : i32 to index
        %get3A_686 = arith.constant 0 : index
        %get3A_687 = tpu.vector_load %arg11[%get3A_685, %get3A_686] {strides = array<i32>} : memref<128x64xf32, #tpu.memory_space<vmem>>, vector<16xf32>,
        %get3A_688 = arith.index_cast %add3A_616 : i32 to index
        %get3A_689 = arith.constant 16 : index
        %get3A_690 = tpu.vector_load %arg11[%get3A_688, %get3A_689] {strides = array<i32>} : memref<128x64xf32, #tpu.memory_space<vmem>>, vector<16xf32>,
        %get3A_691 = arith.index_cast %add3A_616 : i32 to index
        %get3A_692 = arith.constant 32 : index
        %get3A_693 = tpu.vector_load %arg11[%get3A_691, %get3A_692] {strides = array<i32>} : memref<128x64xf32, #tpu.memory_space<vmem>>, vector<16xf32>,
        %get3A_694 = arith.index_cast %add3A_616 : i32 to index
        %get3A_695 = arith.constant 48 : index
        %get3A_696 = tpu.vector_load %arg11[%get3A_694, %get3A_695] {strides = array<i32>} : memref<128x64xf32, #tpu.memory_space<vmem>>, vector<16xf32>,
        %get3A_697 = arith.index_cast %add3A_620 : i32 to index
        %get3A_698 = arith.constant 0 : index
        %get3A_699 = tpu.vector_load %arg11[%get3A_697, %get3A_698] {strides = array<i32>} : memref<128x64xf32, #tpu.memory_space<vmem>>, vector<16xf32>,
        %get3A_700 = arith.index_cast %add3A_620 : i32 to index
        %get3A_701 = arith.constant 16 : index
        %get3A_702 = tpu.vector_load %arg11[%get3A_700, %get3A_701] {strides = array<i32>} : memref<128x64xf32, #tpu.memory_space<vmem>>, vector<16xf32>,
        %get3A_703 = arith.index_cast %add3A_620 : i32 to index
        %get3A_704 = arith.constant 32 : index
        %get3A_705 = tpu.vector_load %arg11[%get3A_703, %get3A_704] {strides = array<i32>} : memref<128x64xf32, #tpu.memory_space<vmem>>, vector<16xf32>,
        %get3A_706 = arith.index_cast %add3A_620 : i32 to index
        %get3A_707 = arith.constant 48 : index
        %get3A_708 = tpu.vector_load %arg11[%get3A_706, %get3A_707] {strides = array<i32>} : memref<128x64xf32, #tpu.memory_space<vmem>>, vector<16xf32>,
        %mul3A_709 = arith.mulf %gather3A_407, %select_n3A_636 : vector<16xf32>
        %mul3A_710 = arith.mulf %gather3A_412, %select_n3A_636 : vector<16xf32>
        %mul3A_711 = arith.mulf %gather3A_417, %select_n3A_636 : vector<16xf32>
        %mul3A_712 = arith.mulf %gather3A_422, %select_n3A_636 : vector<16xf32>
        %mul3A_713 = arith.mulf %gather3A_407, %select_n3A_644 : vector<16xf32>
        %mul3A_714 = arith.mulf %gather3A_412, %select_n3A_644 : vector<16xf32>
        %mul3A_715 = arith.mulf %gather3A_417, %select_n3A_644 : vector<16xf32>
        %mul3A_716 = arith.mulf %gather3A_422, %select_n3A_644 : vector<16xf32>
        %mul3A_717 = arith.mulf %gather3A_407, %select_n3A_652 : vector<16xf32>
        %mul3A_718 = arith.mulf %gather3A_412, %select_n3A_652 : vector<16xf32>
        %mul3A_719 = arith.mulf %gather3A_417, %select_n3A_652 : vector<16xf32>
        %mul3A_720 = arith.mulf %gather3A_422, %select_n3A_652 : vector<16xf32>
        %mul3A_721 = arith.mulf %gather3A_407, %select_n3A_660 : vector<16xf32>
        %mul3A_722 = arith.mulf %gather3A_412, %select_n3A_660 : vector<16xf32>
        %mul3A_723 = arith.mulf %gather3A_417, %select_n3A_660 : vector<16xf32>
        %mul3A_724 = arith.mulf %gather3A_422, %select_n3A_660 : vector<16xf32>
        %add3A_725 = arith.addf %get3A_663, %mul3A_709 : vector<16xf32>
        %add3A_726 = arith.addf %get3A_666, %mul3A_710 : vector<16xf32>
        %add3A_727 = arith.addf %get3A_669, %mul3A_711 : vector<16xf32>
        %add3A_728 = arith.addf %get3A_672, %mul3A_712 : vector<16xf32>
        %add3A_729 = arith.addf %get3A_675, %mul3A_713 : vector<16xf32>
        %add3A_730 = arith.addf %get3A_678, %mul3A_714 : vector<16xf32>
        %add3A_731 = arith.addf %get3A_681, %mul3A_715 : vector<16xf32>
        %add3A_732 = arith.addf %get3A_684, %mul3A_716 : vector<16xf32>
        %add3A_733 = arith.addf %get3A_687, %mul3A_717 : vector<16xf32>
        %add3A_734 = arith.addf %get3A_690, %mul3A_718 : vector<16xf32>
        %add3A_735 = arith.addf %get3A_693, %mul3A_719 : vector<16xf32>
        %add3A_736 = arith.addf %get3A_696, %mul3A_720 : vector<16xf32>
        %add3A_737 = arith.addf %get3A_699, %mul3A_721 : vector<16xf32>
        %add3A_738 = arith.addf %get3A_702, %mul3A_722 : vector<16xf32>
        %add3A_739 = arith.addf %get3A_705, %mul3A_723 : vector<16xf32>
        %add3A_740 = arith.addf %get3A_708, %mul3A_724 : vector<16xf32>
        %broadcast_in_dim3A_741 = vector.broadcast %add3A_608 : i32 to vector<16xi32>
        tpu.vector_store_idx %arg15[%get3A_424, %get3A_432, %broadcast_in_dim3A_741], %add3A_725 : memref<8x8x129xf32, #tpu.memory_space<vmem>>[vector<16xi32>, vector<16xi32>, vector<16xi32>], vector<16xf32>,
        tpu.vector_store_idx %arg15[%get3A_426, %get3A_432, %broadcast_in_dim3A_741], %add3A_726 : memref<8x8x129xf32, #tpu.memory_space<vmem>>[vector<16xi32>, vector<16xi32>, vector<16xi32>], vector<16xf32>,
        tpu.vector_store_idx %arg15[%get3A_428, %get3A_432, %broadcast_in_dim3A_741], %add3A_727 : memref<8x8x129xf32, #tpu.memory_space<vmem>>[vector<16xi32>, vector<16xi32>, vector<16xi32>], vector<16xf32>,
        tpu.vector_store_idx %arg15[%get3A_430, %get3A_432, %broadcast_in_dim3A_741], %add3A_728 : memref<8x8x129xf32, #tpu.memory_space<vmem>>[vector<16xi32>, vector<16xi32>, vector<16xi32>], vector<16xf32>,
        %broadcast_in_dim3A_742 = vector.broadcast %add3A_612 : i32 to vector<16xi32>
        tpu.vector_store_idx %arg15[%get3A_424, %get3A_432, %broadcast_in_dim3A_742], %add3A_729 : memref<8x8x129xf32, #tpu.memory_space<vmem>>[vector<16xi32>, vector<16xi32>, vector<16xi32>], vector<16xf32>,
        tpu.vector_store_idx %arg15[%get3A_426, %get3A_432, %broadcast_in_dim3A_742], %add3A_730 : memref<8x8x129xf32, #tpu.memory_space<vmem>>[vector<16xi32>, vector<16xi32>, vector<16xi32>], vector<16xf32>,
        tpu.vector_store_idx %arg15[%get3A_428, %get3A_432, %broadcast_in_dim3A_742], %add3A_731 : memref<8x8x129xf32, #tpu.memory_space<vmem>>[vector<16xi32>, vector<16xi32>, vector<16xi32>], vector<16xf32>,
        tpu.vector_store_idx %arg15[%get3A_430, %get3A_432, %broadcast_in_dim3A_742], %add3A_732 : memref<8x8x129xf32, #tpu.memory_space<vmem>>[vector<16xi32>, vector<16xi32>, vector<16xi32>], vector<16xf32>,
        %broadcast_in_dim3A_743 = vector.broadcast %add3A_616 : i32 to vector<16xi32>
        tpu.vector_store_idx %arg15[%get3A_424, %get3A_432, %broadcast_in_dim3A_743], %add3A_733 : memref<8x8x129xf32, #tpu.memory_space<vmem>>[vector<16xi32>, vector<16xi32>, vector<16xi32>], vector<16xf32>,
        tpu.vector_store_idx %arg15[%get3A_426, %get3A_432, %broadcast_in_dim3A_743], %add3A_734 : memref<8x8x129xf32, #tpu.memory_space<vmem>>[vector<16xi32>, vector<16xi32>, vector<16xi32>], vector<16xf32>,
        tpu.vector_store_idx %arg15[%get3A_428, %get3A_432, %broadcast_in_dim3A_743], %add3A_735 : memref<8x8x129xf32, #tpu.memory_space<vmem>>[vector<16xi32>, vector<16xi32>, vector<16xi32>], vector<16xf32>,
        tpu.vector_store_idx %arg15[%get3A_430, %get3A_432, %broadcast_in_dim3A_743], %add3A_736 : memref<8x8x129xf32, #tpu.memory_space<vmem>>[vector<16xi32>, vector<16xi32>, vector<16xi32>], vector<16xf32>,
        %broadcast_in_dim3A_744 = vector.broadcast %add3A_620 : i32 to vector<16xi32>
        tpu.vector_store_idx %arg15[%get3A_424, %get3A_432, %broadcast_in_dim3A_744], %add3A_737 : memref<8x8x129xf32, #tpu.memory_space<vmem>>[vector<16xi32>, vector<16xi32>, vector<16xi32>], vector<16xf32>,
        tpu.vector_store_idx %arg15[%get3A_426, %get3A_432, %broadcast_in_dim3A_744], %add3A_738 : memref<8x8x129xf32, #tpu.memory_space<vmem>>[vector<16xi32>, vector<16xi32>, vector<16xi32>], vector<16xf32>,
        tpu.vector_store_idx %arg15[%get3A_428, %get3A_432, %broadcast_in_dim3A_744], %add3A_739 : memref<8x8x129xf32, #tpu.memory_space<vmem>>[vector<16xi32>, vector<16xi32>, vector<16xi32>], vector<16xf32>,
        tpu.vector_store_idx %arg15[%get3A_430, %get3A_432, %broadcast_in_dim3A_744], %add3A_740 : memref<8x8x129xf32, #tpu.memory_space<vmem>>[vector<16xi32>, vector<16xi32>, vector<16xi32>], vector<16xf32>,
        %add3A_745 = arith.constant 8 : i32
        %add3A_746 = arith.addi %mul3A_466, %add3A_745 : i32
        %add3A_747 = arith.constant 0 : i32
        %add3A_748 = arith.addi %add3A_746, %add3A_747 : i32
        %add3A_749 = arith.constant 8 : i32
        %add3A_750 = arith.addi %mul3A_466, %add3A_749 : i32
        %add3A_751 = arith.constant 1 : i32
        %add3A_752 = arith.addi %add3A_750, %add3A_751 : i32
        %add3A_753 = arith.constant 8 : i32
        %add3A_754 = arith.addi %mul3A_466, %add3A_753 : i32
        %add3A_755 = arith.constant 2 : i32
        %add3A_756 = arith.addi %add3A_754, %add3A_755 : i32
        %add3A_757 = arith.constant 8 : i32
        %add3A_758 = arith.addi %mul3A_466, %add3A_757 : i32
        %add3A_759 = arith.constant 3 : i32
        %add3A_760 = arith.addi %add3A_758, %add3A_759 : i32
        %broadcast_in_dim3A_761 = vector.broadcast %add3A_748 : i32 to vector<16xi32>
        %gather3A_762 = tpu.vector_load_idx %arg6[%broadcast_in_dim3A_398, %broadcast_in_dim3A_761] : memref<200x128xi32, #tpu.memory_space<vmem>>[vector<16xi32>, vector<16xi32>], vector<16xi32>,
        %broadcast_in_dim3A_763 = vector.broadcast %add3A_752 : i32 to vector<16xi32>
        %gather3A_764 = tpu.vector_load_idx %arg6[%broadcast_in_dim3A_398, %broadcast_in_dim3A_763] : memref<200x128xi32, #tpu.memory_space<vmem>>[vector<16xi32>, vector<16xi32>], vector<16xi32>,
        %broadcast_in_dim3A_765 = vector.broadcast %add3A_756 : i32 to vector<16xi32>
        %gather3A_766 = tpu.vector_load_idx %arg6[%broadcast_in_dim3A_398, %broadcast_in_dim3A_765] : memref<200x128xi32, #tpu.memory_space<vmem>>[vector<16xi32>, vector<16xi32>], vector<16xi32>,
        %broadcast_in_dim3A_767 = vector.broadcast %add3A_760 : i32 to vector<16xi32>
        %gather3A_768 = tpu.vector_load_idx %arg6[%broadcast_in_dim3A_398, %broadcast_in_dim3A_767] : memref<200x128xi32, #tpu.memory_space<vmem>>[vector<16xi32>, vector<16xi32>], vector<16xi32>,
        %gt3A_769 = arith.constant 0 : i32
        %gt3A_770 = vector.broadcast %gt3A_769 : i32 to vector<16xi32>
        %gt3A_771 = arith.cmpi sgt, %gather3A_762, %gt3A_770 : vector<16xi32>
        %jit3A_772 = arith.constant 1.000000e+00 : f32
        %jit3A_773 = arith.constant 0.000000e+00 : f32
        %broadcast_in_dim3A_774 = vector.broadcast %jit3A_772 : f32 to vector<16xf32>
        %broadcast_in_dim3A_775 = vector.broadcast %jit3A_773 : f32 to vector<16xf32>
        %select_n3A_776 = arith.select %gt3A_771, %broadcast_in_dim3A_774, %broadcast_in_dim3A_775 : vector<16xi1>, vector<16xf32>
        %gt3A_777 = arith.constant 0 : i32
        %gt3A_778 = vector.broadcast %gt3A_777 : i32 to vector<16xi32>
        %gt3A_779 = arith.cmpi sgt, %gather3A_764, %gt3A_778 : vector<16xi32>
        %jit3A_780 = arith.constant 1.000000e+00 : f32
        %jit3A_781 = arith.constant 0.000000e+00 : f32
        %broadcast_in_dim3A_782 = vector.broadcast %jit3A_780 : f32 to vector<16xf32>
        %broadcast_in_dim3A_783 = vector.broadcast %jit3A_781 : f32 to vector<16xf32>
        %select_n3A_784 = arith.select %gt3A_779, %broadcast_in_dim3A_782, %broadcast_in_dim3A_783 : vector<16xi1>, vector<16xf32>
        %gt3A_785 = arith.constant 0 : i32
        %gt3A_786 = vector.broadcast %gt3A_785 : i32 to vector<16xi32>
        %gt3A_787 = arith.cmpi sgt, %gather3A_766, %gt3A_786 : vector<16xi32>
        %jit3A_788 = arith.constant 1.000000e+00 : f32
        %jit3A_789 = arith.constant 0.000000e+00 : f32
        %broadcast_in_dim3A_790 = vector.broadcast %jit3A_788 : f32 to vector<16xf32>
        %broadcast_in_dim3A_791 = vector.broadcast %jit3A_789 : f32 to vector<16xf32>
        %select_n3A_792 = arith.select %gt3A_787, %broadcast_in_dim3A_790, %broadcast_in_dim3A_791 : vector<16xi1>, vector<16xf32>
        %gt3A_793 = arith.constant 0 : i32
        %gt3A_794 = vector.broadcast %gt3A_793 : i32 to vector<16xi32>
        %gt3A_795 = arith.cmpi sgt, %gather3A_768, %gt3A_794 : vector<16xi32>
        %jit3A_796 = arith.constant 1.000000e+00 : f32
        %jit3A_797 = arith.constant 0.000000e+00 : f32
        %broadcast_in_dim3A_798 = vector.broadcast %jit3A_796 : f32 to vector<16xf32>
        %broadcast_in_dim3A_799 = vector.broadcast %jit3A_797 : f32 to vector<16xf32>
        %select_n3A_800 = arith.select %gt3A_795, %broadcast_in_dim3A_798, %broadcast_in_dim3A_799 : vector<16xi1>, vector<16xf32>
        %get3A_801 = arith.index_cast %add3A_748 : i32 to index
        %get3A_802 = arith.constant 0 : index
        %get3A_803 = tpu.vector_load %arg11[%get3A_801, %get3A_802] {strides = array<i32>} : memref<128x64xf32, #tpu.memory_space<vmem>>, vector<16xf32>,
        %get3A_804 = arith.index_cast %add3A_748 : i32 to index
        %get3A_805 = arith.constant 16 : index
        %get3A_806 = tpu.vector_load %arg11[%get3A_804, %get3A_805] {strides = array<i32>} : memref<128x64xf32, #tpu.memory_space<vmem>>, vector<16xf32>,
        %get3A_807 = arith.index_cast %add3A_748 : i32 to index
        %get3A_808 = arith.constant 32 : index
        %get3A_809 = tpu.vector_load %arg11[%get3A_807, %get3A_808] {strides = array<i32>} : memref<128x64xf32, #tpu.memory_space<vmem>>, vector<16xf32>,
        %get3A_810 = arith.index_cast %add3A_748 : i32 to index
        %get3A_811 = arith.constant 48 : index
        %get3A_812 = tpu.vector_load %arg11[%get3A_810, %get3A_811] {strides = array<i32>} : memref<128x64xf32, #tpu.memory_space<vmem>>, vector<16xf32>,
        %get3A_813 = arith.index_cast %add3A_752 : i32 to index
        %get3A_814 = arith.constant 0 : index
        %get3A_815 = tpu.vector_load %arg11[%get3A_813, %get3A_814] {strides = array<i32>} : memref<128x64xf32, #tpu.memory_space<vmem>>, vector<16xf32>,
        %get3A_816 = arith.index_cast %add3A_752 : i32 to index
        %get3A_817 = arith.constant 16 : index
        %get3A_818 = tpu.vector_load %arg11[%get3A_816, %get3A_817] {strides = array<i32>} : memref<128x64xf32, #tpu.memory_space<vmem>>, vector<16xf32>,
        %get3A_819 = arith.index_cast %add3A_752 : i32 to index
        %get3A_820 = arith.constant 32 : index
        %get3A_821 = tpu.vector_load %arg11[%get3A_819, %get3A_820] {strides = array<i32>} : memref<128x64xf32, #tpu.memory_space<vmem>>, vector<16xf32>,
        %get3A_822 = arith.index_cast %add3A_752 : i32 to index
        %get3A_823 = arith.constant 48 : index
        %get3A_824 = tpu.vector_load %arg11[%get3A_822, %get3A_823] {strides = array<i32>} : memref<128x64xf32, #tpu.memory_space<vmem>>, vector<16xf32>,
        %get3A_825 = arith.index_cast %add3A_756 : i32 to index
        %get3A_826 = arith.constant 0 : index
        %get3A_827 = tpu.vector_load %arg11[%get3A_825, %get3A_826] {strides = array<i32>} : memref<128x64xf32, #tpu.memory_space<vmem>>, vector<16xf32>,
        %get3A_828 = arith.index_cast %add3A_756 : i32 to index
        %get3A_829 = arith.constant 16 : index
        %get3A_830 = tpu.vector_load %arg11[%get3A_828, %get3A_829] {strides = array<i32>} : memref<128x64xf32, #tpu.memory_space<vmem>>, vector<16xf32>,
        %get3A_831 = arith.index_cast %add3A_756 : i32 to index
        %get3A_832 = arith.constant 32 : index
        %get3A_833 = tpu.vector_load %arg11[%get3A_831, %get3A_832] {strides = array<i32>} : memref<128x64xf32, #tpu.memory_space<vmem>>, vector<16xf32>,
        %get3A_834 = arith.index_cast %add3A_756 : i32 to index
        %get3A_835 = arith.constant 48 : index
        %get3A_836 = tpu.vector_load %arg11[%get3A_834, %get3A_835] {strides = array<i32>} : memref<128x64xf32, #tpu.memory_space<vmem>>, vector<16xf32>,
        %get3A_837 = arith.index_cast %add3A_760 : i32 to index
        %get3A_838 = arith.constant 0 : index
        %get3A_839 = tpu.vector_load %arg11[%get3A_837, %get3A_838] {strides = array<i32>} : memref<128x64xf32, #tpu.memory_space<vmem>>, vector<16xf32>,
        %get3A_840 = arith.index_cast %add3A_760 : i32 to index
        %get3A_841 = arith.constant 16 : index
        %get3A_842 = tpu.vector_load %arg11[%get3A_840, %get3A_841] {strides = array<i32>} : memref<128x64xf32, #tpu.memory_space<vmem>>, vector<16xf32>,
        %get3A_843 = arith.index_cast %add3A_760 : i32 to index
        %get3A_844 = arith.constant 32 : index
        %get3A_845 = tpu.vector_load %arg11[%get3A_843, %get3A_844] {strides = array<i32>} : memref<128x64xf32, #tpu.memory_space<vmem>>, vector<16xf32>,
        %get3A_846 = arith.index_cast %add3A_760 : i32 to index
        %get3A_847 = arith.constant 48 : index
        %get3A_848 = tpu.vector_load %arg11[%get3A_846, %get3A_847] {strides = array<i32>} : memref<128x64xf32, #tpu.memory_space<vmem>>, vector<16xf32>,
        %mul3A_849 = arith.mulf %gather3A_407, %select_n3A_776 : vector<16xf32>
        %mul3A_850 = arith.mulf %gather3A_412, %select_n3A_776 : vector<16xf32>
        %mul3A_851 = arith.mulf %gather3A_417, %select_n3A_776 : vector<16xf32>
        %mul3A_852 = arith.mulf %gather3A_422, %select_n3A_776 : vector<16xf32>
        %mul3A_853 = arith.mulf %gather3A_407, %select_n3A_784 : vector<16xf32>
        %mul3A_854 = arith.mulf %gather3A_412, %select_n3A_784 : vector<16xf32>
        %mul3A_855 = arith.mulf %gather3A_417, %select_n3A_784 : vector<16xf32>
        %mul3A_856 = arith.mulf %gather3A_422, %select_n3A_784 : vector<16xf32>
        %mul3A_857 = arith.mulf %gather3A_407, %select_n3A_792 : vector<16xf32>
        %mul3A_858 = arith.mulf %gather3A_412, %select_n3A_792 : vector<16xf32>
        %mul3A_859 = arith.mulf %gather3A_417, %select_n3A_792 : vector<16xf32>
        %mul3A_860 = arith.mulf %gather3A_422, %select_n3A_792 : vector<16xf32>
        %mul3A_861 = arith.mulf %gather3A_407, %select_n3A_800 : vector<16xf32>
        %mul3A_862 = arith.mulf %gather3A_412, %select_n3A_800 : vector<16xf32>
        %mul3A_863 = arith.mulf %gather3A_417, %select_n3A_800 : vector<16xf32>
        %mul3A_864 = arith.mulf %gather3A_422, %select_n3A_800 : vector<16xf32>
        %add3A_865 = arith.addf %get3A_803, %mul3A_849 : vector<16xf32>
        %add3A_866 = arith.addf %get3A_806, %mul3A_850 : vector<16xf32>
        %add3A_867 = arith.addf %get3A_809, %mul3A_851 : vector<16xf32>
        %add3A_868 = arith.addf %get3A_812, %mul3A_852 : vector<16xf32>
        %add3A_869 = arith.addf %get3A_815, %mul3A_853 : vector<16xf32>
        %add3A_870 = arith.addf %get3A_818, %mul3A_854 : vector<16xf32>
        %add3A_871 = arith.addf %get3A_821, %mul3A_855 : vector<16xf32>
        %add3A_872 = arith.addf %get3A_824, %mul3A_856 : vector<16xf32>
        %add3A_873 = arith.addf %get3A_827, %mul3A_857 : vector<16xf32>
        %add3A_874 = arith.addf %get3A_830, %mul3A_858 : vector<16xf32>
        %add3A_875 = arith.addf %get3A_833, %mul3A_859 : vector<16xf32>
        %add3A_876 = arith.addf %get3A_836, %mul3A_860 : vector<16xf32>
        %add3A_877 = arith.addf %get3A_839, %mul3A_861 : vector<16xf32>
        %add3A_878 = arith.addf %get3A_842, %mul3A_862 : vector<16xf32>
        %add3A_879 = arith.addf %get3A_845, %mul3A_863 : vector<16xf32>
        %add3A_880 = arith.addf %get3A_848, %mul3A_864 : vector<16xf32>
        %broadcast_in_dim3A_881 = vector.broadcast %add3A_748 : i32 to vector<16xi32>
        tpu.vector_store_idx %arg15[%get3A_424, %get3A_432, %broadcast_in_dim3A_881], %add3A_865 : memref<8x8x129xf32, #tpu.memory_space<vmem>>[vector<16xi32>, vector<16xi32>, vector<16xi32>], vector<16xf32>,
        tpu.vector_store_idx %arg15[%get3A_426, %get3A_432, %broadcast_in_dim3A_881], %add3A_866 : memref<8x8x129xf32, #tpu.memory_space<vmem>>[vector<16xi32>, vector<16xi32>, vector<16xi32>], vector<16xf32>,
        tpu.vector_store_idx %arg15[%get3A_428, %get3A_432, %broadcast_in_dim3A_881], %add3A_867 : memref<8x8x129xf32, #tpu.memory_space<vmem>>[vector<16xi32>, vector<16xi32>, vector<16xi32>], vector<16xf32>,
        tpu.vector_store_idx %arg15[%get3A_430, %get3A_432, %broadcast_in_dim3A_881], %add3A_868 : memref<8x8x129xf32, #tpu.memory_space<vmem>>[vector<16xi32>, vector<16xi32>, vector<16xi32>], vector<16xf32>,
        %broadcast_in_dim3A_882 = vector.broadcast %add3A_752 : i32 to vector<16xi32>
        tpu.vector_store_idx %arg15[%get3A_424, %get3A_432, %broadcast_in_dim3A_882], %add3A_869 : memref<8x8x129xf32, #tpu.memory_space<vmem>>[vector<16xi32>, vector<16xi32>, vector<16xi32>], vector<16xf32>,
        tpu.vector_store_idx %arg15[%get3A_426, %get3A_432, %broadcast_in_dim3A_882], %add3A_870 : memref<8x8x129xf32, #tpu.memory_space<vmem>>[vector<16xi32>, vector<16xi32>, vector<16xi32>], vector<16xf32>,
        tpu.vector_store_idx %arg15[%get3A_428, %get3A_432, %broadcast_in_dim3A_882], %add3A_871 : memref<8x8x129xf32, #tpu.memory_space<vmem>>[vector<16xi32>, vector<16xi32>, vector<16xi32>], vector<16xf32>,
        tpu.vector_store_idx %arg15[%get3A_430, %get3A_432, %broadcast_in_dim3A_882], %add3A_872 : memref<8x8x129xf32, #tpu.memory_space<vmem>>[vector<16xi32>, vector<16xi32>, vector<16xi32>], vector<16xf32>,
        %broadcast_in_dim3A_883 = vector.broadcast %add3A_756 : i32 to vector<16xi32>
        tpu.vector_store_idx %arg15[%get3A_424, %get3A_432, %broadcast_in_dim3A_883], %add3A_873 : memref<8x8x129xf32, #tpu.memory_space<vmem>>[vector<16xi32>, vector<16xi32>, vector<16xi32>], vector<16xf32>,
        tpu.vector_store_idx %arg15[%get3A_426, %get3A_432, %broadcast_in_dim3A_883], %add3A_874 : memref<8x8x129xf32, #tpu.memory_space<vmem>>[vector<16xi32>, vector<16xi32>, vector<16xi32>], vector<16xf32>,
        tpu.vector_store_idx %arg15[%get3A_428, %get3A_432, %broadcast_in_dim3A_883], %add3A_875 : memref<8x8x129xf32, #tpu.memory_space<vmem>>[vector<16xi32>, vector<16xi32>, vector<16xi32>], vector<16xf32>,
        tpu.vector_store_idx %arg15[%get3A_430, %get3A_432, %broadcast_in_dim3A_883], %add3A_876 : memref<8x8x129xf32, #tpu.memory_space<vmem>>[vector<16xi32>, vector<16xi32>, vector<16xi32>], vector<16xf32>,
        %broadcast_in_dim3A_884 = vector.broadcast %add3A_760 : i32 to vector<16xi32>
        tpu.vector_store_idx %arg15[%get3A_424, %get3A_432, %broadcast_in_dim3A_884], %add3A_877 : memref<8x8x129xf32, #tpu.memory_space<vmem>>[vector<16xi32>, vector<16xi32>, vector<16xi32>], vector<16xf32>,
        tpu.vector_store_idx %arg15[%get3A_426, %get3A_432, %broadcast_in_dim3A_884], %add3A_878 : memref<8x8x129xf32, #tpu.memory_space<vmem>>[vector<16xi32>, vector<16xi32>, vector<16xi32>], vector<16xf32>,
        tpu.vector_store_idx %arg15[%get3A_428, %get3A_432, %broadcast_in_dim3A_884], %add3A_879 : memref<8x8x129xf32, #tpu.memory_space<vmem>>[vector<16xi32>, vector<16xi32>, vector<16xi32>], vector<16xf32>,
        tpu.vector_store_idx %arg15[%get3A_430, %get3A_432, %broadcast_in_dim3A_884], %add3A_880 : memref<8x8x129xf32, #tpu.memory_space<vmem>>[vector<16xi32>, vector<16xi32>, vector<16xi32>], vector<16xf32>,
        %add3A_885 = arith.constant 12 : i32
        %add3A_886 = arith.addi %mul3A_466, %add3A_885 : i32
        %add3A_887 = arith.constant 0 : i32
        %add3A_888 = arith.addi %add3A_886, %add3A_887 : i32
        %add3A_889 = arith.constant 12 : i32
        %add3A_890 = arith.addi %mul3A_466, %add3A_889 : i32
        %add3A_891 = arith.constant 1 : i32
        %add3A_892 = arith.addi %add3A_890, %add3A_891 : i32
        %add3A_893 = arith.constant 12 : i32
        %add3A_894 = arith.addi %mul3A_466, %add3A_893 : i32
        %add3A_895 = arith.constant 2 : i32
        %add3A_896 = arith.addi %add3A_894, %add3A_895 : i32
        %add3A_897 = arith.constant 12 : i32
        %add3A_898 = arith.addi %mul3A_466, %add3A_897 : i32
        %add3A_899 = arith.constant 3 : i32
        %add3A_900 = arith.addi %add3A_898, %add3A_899 : i32
        %broadcast_in_dim3A_901 = vector.broadcast %add3A_888 : i32 to vector<16xi32>
        %gather3A_902 = tpu.vector_load_idx %arg6[%broadcast_in_dim3A_398, %broadcast_in_dim3A_901] : memref<200x128xi32, #tpu.memory_space<vmem>>[vector<16xi32>, vector<16xi32>], vector<16xi32>,
        %broadcast_in_dim3A_903 = vector.broadcast %add3A_892 : i32 to vector<16xi32>
        %gather3A_904 = tpu.vector_load_idx %arg6[%broadcast_in_dim3A_398, %broadcast_in_dim3A_903] : memref<200x128xi32, #tpu.memory_space<vmem>>[vector<16xi32>, vector<16xi32>], vector<16xi32>,
        %broadcast_in_dim3A_905 = vector.broadcast %add3A_896 : i32 to vector<16xi32>
        %gather3A_906 = tpu.vector_load_idx %arg6[%broadcast_in_dim3A_398, %broadcast_in_dim3A_905] : memref<200x128xi32, #tpu.memory_space<vmem>>[vector<16xi32>, vector<16xi32>], vector<16xi32>,
        %broadcast_in_dim3A_907 = vector.broadcast %add3A_900 : i32 to vector<16xi32>
        %gather3A_908 = tpu.vector_load_idx %arg6[%broadcast_in_dim3A_398, %broadcast_in_dim3A_907] : memref<200x128xi32, #tpu.memory_space<vmem>>[vector<16xi32>, vector<16xi32>], vector<16xi32>,
        %gt3A_909 = arith.constant 0 : i32
        %gt3A_910 = vector.broadcast %gt3A_909 : i32 to vector<16xi32>
        %gt3A_911 = arith.cmpi sgt, %gather3A_902, %gt3A_910 : vector<16xi32>
        %jit3A_912 = arith.constant 1.000000e+00 : f32
        %jit3A_913 = arith.constant 0.000000e+00 : f32
        %broadcast_in_dim3A_914 = vector.broadcast %jit3A_912 : f32 to vector<16xf32>
        %broadcast_in_dim3A_915 = vector.broadcast %jit3A_913 : f32 to vector<16xf32>
        %select_n3A_916 = arith.select %gt3A_911, %broadcast_in_dim3A_914, %broadcast_in_dim3A_915 : vector<16xi1>, vector<16xf32>
        %gt3A_917 = arith.constant 0 : i32
        %gt3A_918 = vector.broadcast %gt3A_917 : i32 to vector<16xi32>
        %gt3A_919 = arith.cmpi sgt, %gather3A_904, %gt3A_918 : vector<16xi32>
        %jit3A_920 = arith.constant 1.000000e+00 : f32
        %jit3A_921 = arith.constant 0.000000e+00 : f32
        %broadcast_in_dim3A_922 = vector.broadcast %jit3A_920 : f32 to vector<16xf32>
        %broadcast_in_dim3A_923 = vector.broadcast %jit3A_921 : f32 to vector<16xf32>
        %select_n3A_924 = arith.select %gt3A_919, %broadcast_in_dim3A_922, %broadcast_in_dim3A_923 : vector<16xi1>, vector<16xf32>
        %gt3A_925 = arith.constant 0 : i32
        %gt3A_926 = vector.broadcast %gt3A_925 : i32 to vector<16xi32>
        %gt3A_927 = arith.cmpi sgt, %gather3A_906, %gt3A_926 : vector<16xi32>
        %jit3A_928 = arith.constant 1.000000e+00 : f32
        %jit3A_929 = arith.constant 0.000000e+00 : f32
        %broadcast_in_dim3A_930 = vector.broadcast %jit3A_928 : f32 to vector<16xf32>
        %broadcast_in_dim3A_931 = vector.broadcast %jit3A_929 : f32 to vector<16xf32>
        %select_n3A_932 = arith.select %gt3A_927, %broadcast_in_dim3A_930, %broadcast_in_dim3A_931 : vector<16xi1>, vector<16xf32>
        %gt3A_933 = arith.constant 0 : i32
        %gt3A_934 = vector.broadcast %gt3A_933 : i32 to vector<16xi32>
        %gt3A_935 = arith.cmpi sgt, %gather3A_908, %gt3A_934 : vector<16xi32>
        %jit3A_936 = arith.constant 1.000000e+00 : f32
        %jit3A_937 = arith.constant 0.000000e+00 : f32
        %broadcast_in_dim3A_938 = vector.broadcast %jit3A_936 : f32 to vector<16xf32>
        %broadcast_in_dim3A_939 = vector.broadcast %jit3A_937 : f32 to vector<16xf32>
        %select_n3A_940 = arith.select %gt3A_935, %broadcast_in_dim3A_938, %broadcast_in_dim3A_939 : vector<16xi1>, vector<16xf32>
        %get3A_941 = arith.index_cast %add3A_888 : i32 to index
        %get3A_942 = arith.constant 0 : index
        %get3A_943 = tpu.vector_load %arg11[%get3A_941, %get3A_942] {strides = array<i32>} : memref<128x64xf32, #tpu.memory_space<vmem>>, vector<16xf32>,
        %get3A_944 = arith.index_cast %add3A_888 : i32 to index
        %get3A_945 = arith.constant 16 : index
        %get3A_946 = tpu.vector_load %arg11[%get3A_944, %get3A_945] {strides = array<i32>} : memref<128x64xf32, #tpu.memory_space<vmem>>, vector<16xf32>,
        %get3A_947 = arith.index_cast %add3A_888 : i32 to index
        %get3A_948 = arith.constant 32 : index
        %get3A_949 = tpu.vector_load %arg11[%get3A_947, %get3A_948] {strides = array<i32>} : memref<128x64xf32, #tpu.memory_space<vmem>>, vector<16xf32>,
        %get3A_950 = arith.index_cast %add3A_888 : i32 to index
        %get3A_951 = arith.constant 48 : index
        %get3A_952 = tpu.vector_load %arg11[%get3A_950, %get3A_951] {strides = array<i32>} : memref<128x64xf32, #tpu.memory_space<vmem>>, vector<16xf32>,
        %get3A_953 = arith.index_cast %add3A_892 : i32 to index
        %get3A_954 = arith.constant 0 : index
        %get3A_955 = tpu.vector_load %arg11[%get3A_953, %get3A_954] {strides = array<i32>} : memref<128x64xf32, #tpu.memory_space<vmem>>, vector<16xf32>,
        %get3A_956 = arith.index_cast %add3A_892 : i32 to index
        %get3A_957 = arith.constant 16 : index
        %get3A_958 = tpu.vector_load %arg11[%get3A_956, %get3A_957] {strides = array<i32>} : memref<128x64xf32, #tpu.memory_space<vmem>>, vector<16xf32>,
        %get3A_959 = arith.index_cast %add3A_892 : i32 to index
        %get3A_960 = arith.constant 32 : index
        %get3A_961 = tpu.vector_load %arg11[%get3A_959, %get3A_960] {strides = array<i32>} : memref<128x64xf32, #tpu.memory_space<vmem>>, vector<16xf32>,
        %get3A_962 = arith.index_cast %add3A_892 : i32 to index
        %get3A_963 = arith.constant 48 : index
        %get3A_964 = tpu.vector_load %arg11[%get3A_962, %get3A_963] {strides = array<i32>} : memref<128x64xf32, #tpu.memory_space<vmem>>, vector<16xf32>,
        %get3A_965 = arith.index_cast %add3A_896 : i32 to index
        %get3A_966 = arith.constant 0 : index
        %get3A_967 = tpu.vector_load %arg11[%get3A_965, %get3A_966] {strides = array<i32>} : memref<128x64xf32, #tpu.memory_space<vmem>>, vector<16xf32>,
        %get3A_968 = arith.index_cast %add3A_896 : i32 to index
        %get3A_969 = arith.constant 16 : index
        %get3A_970 = tpu.vector_load %arg11[%get3A_968, %get3A_969] {strides = array<i32>} : memref<128x64xf32, #tpu.memory_space<vmem>>, vector<16xf32>,
        %get3A_971 = arith.index_cast %add3A_896 : i32 to index
        %get3A_972 = arith.constant 32 : index
        %get3A_973 = tpu.vector_load %arg11[%get3A_971, %get3A_972] {strides = array<i32>} : memref<128x64xf32, #tpu.memory_space<vmem>>, vector<16xf32>,
        %get3A_974 = arith.index_cast %add3A_896 : i32 to index
        %get3A_975 = arith.constant 48 : index
        %get3A_976 = tpu.vector_load %arg11[%get3A_974, %get3A_975] {strides = array<i32>} : memref<128x64xf32, #tpu.memory_space<vmem>>, vector<16xf32>,
        %get3A_977 = arith.index_cast %add3A_900 : i32 to index
        %get3A_978 = arith.constant 0 : index
        %get3A_979 = tpu.vector_load %arg11[%get3A_977, %get3A_978] {strides = array<i32>} : memref<128x64xf32, #tpu.memory_space<vmem>>, vector<16xf32>,
        %get3A_980 = arith.index_cast %add3A_900 : i32 to index
        %get3A_981 = arith.constant 16 : index
        %get3A_982 = tpu.vector_load %arg11[%get3A_980, %get3A_981] {strides = array<i32>} : memref<128x64xf32, #tpu.memory_space<vmem>>, vector<16xf32>,
        %get3A_983 = arith.index_cast %add3A_900 : i32 to index
        %get3A_984 = arith.constant 32 : index
        %get3A_985 = tpu.vector_load %arg11[%get3A_983, %get3A_984] {strides = array<i32>} : memref<128x64xf32, #tpu.memory_space<vmem>>, vector<16xf32>,
        %get3A_986 = arith.index_cast %add3A_900 : i32 to index
        %get3A_987 = arith.constant 48 : index
        %get3A_988 = tpu.vector_load %arg11[%get3A_986, %get3A_987] {strides = array<i32>} : memref<128x64xf32, #tpu.memory_space<vmem>>, vector<16xf32>,
        %mul3A_989 = arith.mulf %gather3A_407, %select_n3A_916 : vector<16xf32>
        %mul3A_990 = arith.mulf %gather3A_412, %select_n3A_916 : vector<16xf32>
        %mul3A_991 = arith.mulf %gather3A_417, %select_n3A_916 : vector<16xf32>
        %mul3A_992 = arith.mulf %gather3A_422, %select_n3A_916 : vector<16xf32>
        %mul3A_993 = arith.mulf %gather3A_407, %select_n3A_924 : vector<16xf32>
        %mul3A_994 = arith.mulf %gather3A_412, %select_n3A_924 : vector<16xf32>
        %mul3A_995 = arith.mulf %gather3A_417, %select_n3A_924 : vector<16xf32>
        %mul3A_996 = arith.mulf %gather3A_422, %select_n3A_924 : vector<16xf32>
        %mul3A_997 = arith.mulf %gather3A_407, %select_n3A_932 : vector<16xf32>
        %mul3A_998 = arith.mulf %gather3A_412, %select_n3A_932 : vector<16xf32>
        %mul3A_999 = arith.mulf %gather3A_417, %select_n3A_932 : vector<16xf32>
        %mul3A_1000 = arith.mulf %gather3A_422, %select_n3A_932 : vector<16xf32>
        %mul3A_1001 = arith.mulf %gather3A_407, %select_n3A_940 : vector<16xf32>
        %mul3A_1002 = arith.mulf %gather3A_412, %select_n3A_940 : vector<16xf32>
        %mul3A_1003 = arith.mulf %gather3A_417, %select_n3A_940 : vector<16xf32>
        %mul3A_1004 = arith.mulf %gather3A_422, %select_n3A_940 : vector<16xf32>
        %add3A_1005 = arith.addf %get3A_943, %mul3A_989 : vector<16xf32>
        %add3A_1006 = arith.addf %get3A_946, %mul3A_990 : vector<16xf32>
        %add3A_1007 = arith.addf %get3A_949, %mul3A_991 : vector<16xf32>
        %add3A_1008 = arith.addf %get3A_952, %mul3A_992 : vector<16xf32>
        %add3A_1009 = arith.addf %get3A_955, %mul3A_993 : vector<16xf32>
        %add3A_1010 = arith.addf %get3A_958, %mul3A_994 : vector<16xf32>
        %add3A_1011 = arith.addf %get3A_961, %mul3A_995 : vector<16xf32>
        %add3A_1012 = arith.addf %get3A_964, %mul3A_996 : vector<16xf32>
        %add3A_1013 = arith.addf %get3A_967, %mul3A_997 : vector<16xf32>
        %add3A_1014 = arith.addf %get3A_970, %mul3A_998 : vector<16xf32>
        %add3A_1015 = arith.addf %get3A_973, %mul3A_999 : vector<16xf32>
        %add3A_1016 = arith.addf %get3A_976, %mul3A_1000 : vector<16xf32>
        %add3A_1017 = arith.addf %get3A_979, %mul3A_1001 : vector<16xf32>
        %add3A_1018 = arith.addf %get3A_982, %mul3A_1002 : vector<16xf32>
        %add3A_1019 = arith.addf %get3A_985, %mul3A_1003 : vector<16xf32>
        %add3A_1020 = arith.addf %get3A_988, %mul3A_1004 : vector<16xf32>
        %broadcast_in_dim3A_1021 = vector.broadcast %add3A_888 : i32 to vector<16xi32>
        tpu.vector_store_idx %arg15[%get3A_424, %get3A_432, %broadcast_in_dim3A_1021], %add3A_1005 : memref<8x8x129xf32, #tpu.memory_space<vmem>>[vector<16xi32>, vector<16xi32>, vector<16xi32>], vector<16xf32>,
        tpu.vector_store_idx %arg15[%get3A_426, %get3A_432, %broadcast_in_dim3A_1021], %add3A_1006 : memref<8x8x129xf32, #tpu.memory_space<vmem>>[vector<16xi32>, vector<16xi32>, vector<16xi32>], vector<16xf32>,
        tpu.vector_store_idx %arg15[%get3A_428, %get3A_432, %broadcast_in_dim3A_1021], %add3A_1007 : memref<8x8x129xf32, #tpu.memory_space<vmem>>[vector<16xi32>, vector<16xi32>, vector<16xi32>], vector<16xf32>,
        tpu.vector_store_idx %arg15[%get3A_430, %get3A_432, %broadcast_in_dim3A_1021], %add3A_1008 : memref<8x8x129xf32, #tpu.memory_space<vmem>>[vector<16xi32>, vector<16xi32>, vector<16xi32>], vector<16xf32>,
        %broadcast_in_dim3A_1022 = vector.broadcast %add3A_892 : i32 to vector<16xi32>
        tpu.vector_store_idx %arg15[%get3A_424, %get3A_432, %broadcast_in_dim3A_1022], %add3A_1009 : memref<8x8x129xf32, #tpu.memory_space<vmem>>[vector<16xi32>, vector<16xi32>, vector<16xi32>], vector<16xf32>,
        tpu.vector_store_idx %arg15[%get3A_426, %get3A_432, %broadcast_in_dim3A_1022], %add3A_1010 : memref<8x8x129xf32, #tpu.memory_space<vmem>>[vector<16xi32>, vector<16xi32>, vector<16xi32>], vector<16xf32>,
        tpu.vector_store_idx %arg15[%get3A_428, %get3A_432, %broadcast_in_dim3A_1022], %add3A_1011 : memref<8x8x129xf32, #tpu.memory_space<vmem>>[vector<16xi32>, vector<16xi32>, vector<16xi32>], vector<16xf32>,
        tpu.vector_store_idx %arg15[%get3A_430, %get3A_432, %broadcast_in_dim3A_1022], %add3A_1012 : memref<8x8x129xf32, #tpu.memory_space<vmem>>[vector<16xi32>, vector<16xi32>, vector<16xi32>], vector<16xf32>,
        %broadcast_in_dim3A_1023 = vector.broadcast %add3A_896 : i32 to vector<16xi32>
        tpu.vector_store_idx %arg15[%get3A_424, %get3A_432, %broadcast_in_dim3A_1023], %add3A_1013 : memref<8x8x129xf32, #tpu.memory_space<vmem>>[vector<16xi32>, vector<16xi32>, vector<16xi32>], vector<16xf32>,
        tpu.vector_store_idx %arg15[%get3A_426, %get3A_432, %broadcast_in_dim3A_1023], %add3A_1014 : memref<8x8x129xf32, #tpu.memory_space<vmem>>[vector<16xi32>, vector<16xi32>, vector<16xi32>], vector<16xf32>,
        tpu.vector_store_idx %arg15[%get3A_428, %get3A_432, %broadcast_in_dim3A_1023], %add3A_1015 : memref<8x8x129xf32, #tpu.memory_space<vmem>>[vector<16xi32>, vector<16xi32>, vector<16xi32>], vector<16xf32>,
        tpu.vector_store_idx %arg15[%get3A_430, %get3A_432, %broadcast_in_dim3A_1023], %add3A_1016 : memref<8x8x129xf32, #tpu.memory_space<vmem>>[vector<16xi32>, vector<16xi32>, vector<16xi32>], vector<16xf32>,
        %broadcast_in_dim3A_1024 = vector.broadcast %add3A_900 : i32 to vector<16xi32>
        tpu.vector_store_idx %arg15[%get3A_424, %get3A_432, %broadcast_in_dim3A_1024], %add3A_1017 : memref<8x8x129xf32, #tpu.memory_space<vmem>>[vector<16xi32>, vector<16xi32>, vector<16xi32>], vector<16xf32>,
        tpu.vector_store_idx %arg15[%get3A_426, %get3A_432, %broadcast_in_dim3A_1024], %add3A_1018 : memref<8x8x129xf32, #tpu.memory_space<vmem>>[vector<16xi32>, vector<16xi32>, vector<16xi32>], vector<16xf32>,
        tpu.vector_store_idx %arg15[%get3A_428, %get3A_432, %broadcast_in_dim3A_1024], %add3A_1019 : memref<8x8x129xf32, #tpu.memory_space<vmem>>[vector<16xi32>, vector<16xi32>, vector<16xi32>], vector<16xf32>,
        tpu.vector_store_idx %arg15[%get3A_430, %get3A_432, %broadcast_in_dim3A_1024], %add3A_1020 : memref<8x8x129xf32, #tpu.memory_space<vmem>>[vector<16xi32>, vector<16xi32>, vector<16xi32>], vector<16xf32>,
      }
      %scan3A_438 = arith.constant 8 : i32
      %add3A_439 = arith.constant 3 : i32
      %add3A_440 = arith.addi %mul3A_150, %add3A_439 : i32
      %dma_start3A_441 = arith.constant 0 : i32
      %dma_start3A_442 = arith.constant 0 : i32
      %dma_start3A_443 = arith.constant 0 : i32
      %dma_start3A_444 = tpu.memref_slice %arg15[%dma_start3A_441, %dma_start3A_442, %dma_start3A_443] : memref<8x8x129xf32, #tpu.memory_space<vmem>> -> memref<8x8x128xf32, #tpu.memory_space<vmem>>
      %dma_start3A_445 = arith.constant 0 : i32
      %dma_start3A_446 = arith.constant 0 : i32
      %dma_start3A_447 = arith.constant 0 : i32
      %dma_start3A_448 = tpu.memref_slice %arg5[%add3A_440, %dma_start3A_445, %add3A, %dma_start3A_446, %dma_start3A_447] : memref<200x8x32x8x128xf32, #tpu.memory_space<hbm>> -> memref<1x8x1x8x128xf32, #tpu.memory_space<hbm>>
      %dma_start3A_449 = tpu.memref_squeeze %dma_start3A_448 : memref<1x8x1x8x128xf32, #tpu.memory_space<hbm>> -> memref<8x8x128xf32, #tpu.memory_space<hbm>>
      %dma_start3A_450 = arith.constant 0 : i32
      %dma_start3A_451 = arith.constant 0 : i32
      %dma_start3A_452 = arith.constant 0 : i32
      %dma_start3A_453 = tpu.memref_slice %arg5[%add3A_440, %dma_start3A_450, %add3A, %dma_start3A_451, %dma_start3A_452] : memref<200x8x32x8x128xf32, #tpu.memory_space<hbm>> -> memref<1x8x1x8x128xf32, #tpu.memory_space<hbm>>
      %dma_start3A_454 = tpu.memref_squeeze %dma_start3A_453 : memref<1x8x1x8x128xf32, #tpu.memory_space<hbm>> -> memref<8x8x128xf32, #tpu.memory_space<hbm>>
      %dma_start3A_455 = arith.constant 0 : i32
      %dma_start3A_456 = arith.constant 0 : i32
      %dma_start3A_457 = arith.constant 0 : i32
      %dma_start3A_458 = tpu.memref_slice %arg15[%dma_start3A_455, %dma_start3A_456, %dma_start3A_457] : memref<8x8x129xf32, #tpu.memory_space<vmem>> -> memref<8x8x128xf32, #tpu.memory_space<vmem>>
      tpu.enqueue_dma source(%dma_start3A_458 : memref<8x8x128xf32, #tpu.memory_space<vmem>>) target(%dma_start3A_454 : memref<8x8x128xf32, #tpu.memory_space<hbm>>) target_semaphore(%arg24 : memref<!tpu.dma_semaphore, #tpu.memory_space<semaphore_mem>>)
      %lt3A_459 = arith.constant 49 : i32
      %lt3A_460 = arith.cmpi slt, %scan3A_148, %lt3A_459 : i32
      %convert_element_type3A_461 = arith.extui %lt3A_460 : i1 to i32
      %cond3A_462 = arith.constant 0 : i32
      %cond3A_463 = arith.cmpi ne, %convert_element_type3A_461, %cond3A_462 : i32
      scf.if %cond3A_463 {
        %add3A_464 = arith.constant 3 : i32
        %add3A_465 = arith.addi %mul3A_150, %add3A_464 : i32
        %add3A_466 = arith.constant 4 : i32
        %add3A_467 = arith.addi %add3A_465, %add3A_466 : i32
        %dma_start3A_468 = arith.constant 0 : i32
        %dma_start3A_469 = tpu.memref_slice %arg6[%add3A_467, %dma_start3A_468] : memref<200x128xi32, #tpu.memory_space<vmem>> -> memref<1x128xi32, #tpu.memory_space<vmem>>
        %dma_start3A_470 = tpu.memref_squeeze %dma_start3A_469 : memref<1x128xi32, #tpu.memory_space<vmem>> -> memref<128xi32, #tpu.memory_space<vmem>>
        %dma_start3A_471 = arith.constant 0 : i32
        %dma_start3A_472 = arith.constant 0 : i32
        %dma_start3A_473 = tpu.memref_slice %arg4[%dma_start3A_471, %dma_start3A_472] : memref<1000000x64xf32, #tpu.memory_space<hbm>> -> memref<1000000x64xf32, #tpu.memory_space<hbm>>
        tpu.enqueue_indirect_dma source(%dma_start3A_473 : memref<1000000x64xf32, #tpu.memory_space<hbm>>) target(%arg11 : memref<128x64xf32, #tpu.memory_space<vmem>>) offsets(%dma_start3A_470 : memref<128xi32, #tpu.memory_space<vmem>>) semaphore(%arg20 : memref<!tpu.dma_semaphore, #tpu.memory_space<semaphore_mem>>)
      } else {
      }
    }
    %scan3A_68 = arith.constant 50 : i32
    %dma_wait3A = arith.constant 0 : i32
    %dma_wait3A_69 = arith.constant 0 : i32
    %dma_wait3A_70 = arith.constant 0 : i32
    %dma_wait3A_71 = arith.constant 0 : i32
    %dma_wait3A_72 = arith.constant 0 : i32
    %dma_wait3A_73 = tpu.memref_slice %arg12[%dma_wait3A_70, %dma_wait3A_71, %dma_wait3A_72] : memref<8x8x129xf32, #tpu.memory_space<vmem>> -> memref<8x8x128xf32, #tpu.memory_space<vmem>>
    %dma_wait3A_74 = arith.constant 0 : i32
    %dma_wait3A_75 = arith.constant 0 : i32
    %dma_wait3A_76 = arith.constant 0 : i32
    %dma_wait3A_77 = tpu.memref_slice %arg5[%dma_wait3A, %dma_wait3A_74, %dma_wait3A_69, %dma_wait3A_75, %dma_wait3A_76] : memref<200x8x32x8x128xf32, #tpu.memory_space<hbm>> -> memref<1x8x1x8x128xf32, #tpu.memory_space<hbm>>
    %dma_wait3A_78 = tpu.memref_squeeze %dma_wait3A_77 : memref<1x8x1x8x128xf32, #tpu.memory_space<hbm>> -> memref<8x8x128xf32, #tpu.memory_space<hbm>>
    %dma_wait3A_79 = arith.constant 0 : i32
    %dma_wait3A_80 = arith.constant 0 : i32
    %dma_wait3A_81 = arith.constant 0 : i32
    %dma_wait3A_82 = tpu.memref_slice %arg5[%dma_wait3A, %dma_wait3A_79, %dma_wait3A_69, %dma_wait3A_80, %dma_wait3A_81] : memref<200x8x32x8x128xf32, #tpu.memory_space<hbm>> -> memref<1x8x1x8x128xf32, #tpu.memory_space<hbm>>
    %dma_wait3A_83 = tpu.memref_squeeze %dma_wait3A_82 : memref<1x8x1x8x128xf32, #tpu.memory_space<hbm>> -> memref<8x8x128xf32, #tpu.memory_space<hbm>>
    %dma_wait3A_84 = arith.constant 0 : i32
    %dma_wait3A_85 = arith.constant 0 : i32
    %dma_wait3A_86 = arith.constant 0 : i32
    %dma_wait3A_87 = tpu.memref_slice %arg12[%dma_wait3A_84, %dma_wait3A_85, %dma_wait3A_86] : memref<8x8x129xf32, #tpu.memory_space<vmem>> -> memref<8x8x128xf32, #tpu.memory_space<vmem>>
    tpu.wait_dma2 semaphore(%arg21 : memref<!tpu.dma_semaphore, #tpu.memory_space<semaphore_mem>>) src(%dma_wait3A_87 : memref<8x8x128xf32, #tpu.memory_space<vmem>>) dst(%dma_wait3A_83 : memref<8x8x128xf32, #tpu.memory_space<hbm>>)
    %dma_wait3A_88 = arith.constant 0 : i32
    %dma_wait3A_89 = arith.constant 0 : i32
    %dma_wait3A_90 = arith.constant 0 : i32
    %dma_wait3A_91 = arith.constant 0 : i32
    %dma_wait3A_92 = arith.constant 0 : i32
    %dma_wait3A_93 = tpu.memref_slice %arg13[%dma_wait3A_90, %dma_wait3A_91, %dma_wait3A_92] : memref<8x8x129xf32, #tpu.memory_space<vmem>> -> memref<8x8x128xf32, #tpu.memory_space<vmem>>
    %dma_wait3A_94 = arith.constant 0 : i32
    %dma_wait3A_95 = arith.constant 0 : i32
    %dma_wait3A_96 = arith.constant 0 : i32
    %dma_wait3A_97 = tpu.memref_slice %arg5[%dma_wait3A_88, %dma_wait3A_94, %dma_wait3A_89, %dma_wait3A_95, %dma_wait3A_96] : memref<200x8x32x8x128xf32, #tpu.memory_space<hbm>> -> memref<1x8x1x8x128xf32, #tpu.memory_space<hbm>>
    %dma_wait3A_98 = tpu.memref_squeeze %dma_wait3A_97 : memref<1x8x1x8x128xf32, #tpu.memory_space<hbm>> -> memref<8x8x128xf32, #tpu.memory_space<hbm>>
    %dma_wait3A_99 = arith.constant 0 : i32
    %dma_wait3A_100 = arith.constant 0 : i32
    %dma_wait3A_101 = arith.constant 0 : i32
    %dma_wait3A_102 = tpu.memref_slice %arg5[%dma_wait3A_88, %dma_wait3A_99, %dma_wait3A_89, %dma_wait3A_100, %dma_wait3A_101] : memref<200x8x32x8x128xf32, #tpu.memory_space<hbm>> -> memref<1x8x1x8x128xf32, #tpu.memory_space<hbm>>
    %dma_wait3A_103 = tpu.memref_squeeze %dma_wait3A_102 : memref<1x8x1x8x128xf32, #tpu.memory_space<hbm>> -> memref<8x8x128xf32, #tpu.memory_space<hbm>>
    %dma_wait3A_104 = arith.constant 0 : i32
    %dma_wait3A_105 = arith.constant 0 : i32
    %dma_wait3A_106 = arith.constant 0 : i32
    %dma_wait3A_107 = tpu.memref_slice %arg13[%dma_wait3A_104, %dma_wait3A_105, %dma_wait3A_106] : memref<8x8x129xf32, #tpu.memory_space<vmem>> -> memref<8x8x128xf32, #tpu.memory_space<vmem>>
    tpu.wait_dma2 semaphore(%arg22 : memref<!tpu.dma_semaphore, #tpu.memory_space<semaphore_mem>>) src(%dma_wait3A_107 : memref<8x8x128xf32, #tpu.memory_space<vmem>>) dst(%dma_wait3A_103 : memref<8x8x128xf32, #tpu.memory_space<hbm>>)
    %dma_wait3A_108 = arith.constant 0 : i32
    %dma_wait3A_109 = arith.constant 0 : i32
    %dma_wait3A_110 = arith.constant 0 : i32
    %dma_wait3A_111 = arith.constant 0 : i32
    %dma_wait3A_112 = arith.constant 0 : i32
    %dma_wait3A_113 = tpu.memref_slice %arg14[%dma_wait3A_110, %dma_wait3A_111, %dma_wait3A_112] : memref<8x8x129xf32, #tpu.memory_space<vmem>> -> memref<8x8x128xf32, #tpu.memory_space<vmem>>
    %dma_wait3A_114 = arith.constant 0 : i32
    %dma_wait3A_115 = arith.constant 0 : i32
    %dma_wait3A_116 = arith.constant 0 : i32
    %dma_wait3A_117 = tpu.memref_slice %arg5[%dma_wait3A_108, %dma_wait3A_114, %dma_wait3A_109, %dma_wait3A_115, %dma_wait3A_116] : memref<200x8x32x8x128xf32, #tpu.memory_space<hbm>> -> memref<1x8x1x8x128xf32, #tpu.memory_space<hbm>>
    %dma_wait3A_118 = tpu.memref_squeeze %dma_wait3A_117 : memref<1x8x1x8x128xf32, #tpu.memory_space<hbm>> -> memref<8x8x128xf32, #tpu.memory_space<hbm>>
    %dma_wait3A_119 = arith.constant 0 : i32
    %dma_wait3A_120 = arith.constant 0 : i32
    %dma_wait3A_121 = arith.constant 0 : i32
    %dma_wait3A_122 = tpu.memref_slice %arg5[%dma_wait3A_108, %dma_wait3A_119, %dma_wait3A_109, %dma_wait3A_120, %dma_wait3A_121] : memref<200x8x32x8x128xf32, #tpu.memory_space<hbm>> -> memref<1x8x1x8x128xf32, #tpu.memory_space<hbm>>
    %dma_wait3A_123 = tpu.memref_squeeze %dma_wait3A_122 : memref<1x8x1x8x128xf32, #tpu.memory_space<hbm>> -> memref<8x8x128xf32, #tpu.memory_space<hbm>>
    %dma_wait3A_124 = arith.constant 0 : i32
    %dma_wait3A_125 = arith.constant 0 : i32
    %dma_wait3A_126 = arith.constant 0 : i32
    %dma_wait3A_127 = tpu.memref_slice %arg14[%dma_wait3A_124, %dma_wait3A_125, %dma_wait3A_126] : memref<8x8x129xf32, #tpu.memory_space<vmem>> -> memref<8x8x128xf32, #tpu.memory_space<vmem>>
    tpu.wait_dma2 semaphore(%arg23 : memref<!tpu.dma_semaphore, #tpu.memory_space<semaphore_mem>>) src(%dma_wait3A_127 : memref<8x8x128xf32, #tpu.memory_space<vmem>>) dst(%dma_wait3A_123 : memref<8x8x128xf32, #tpu.memory_space<hbm>>)
    %dma_wait3A_128 = arith.constant 0 : i32
    %dma_wait3A_129 = arith.constant 0 : i32
    %dma_wait3A_130 = arith.constant 0 : i32
    %dma_wait3A_131 = arith.constant 0 : i32
    %dma_wait3A_132 = arith.constant 0 : i32
    %dma_wait3A_133 = tpu.memref_slice %arg15[%dma_wait3A_130, %dma_wait3A_131, %dma_wait3A_132] : memref<8x8x129xf32, #tpu.memory_space<vmem>> -> memref<8x8x128xf32, #tpu.memory_space<vmem>>
    %dma_wait3A_134 = arith.constant 0 : i32
    %dma_wait3A_135 = arith.constant 0 : i32
    %dma_wait3A_136 = arith.constant 0 : i32
    %dma_wait3A_137 = tpu.memref_slice %arg5[%dma_wait3A_128, %dma_wait3A_134, %dma_wait3A_129, %dma_wait3A_135, %dma_wait3A_136] : memref<200x8x32x8x128xf32, #tpu.memory_space<hbm>> -> memref<1x8x1x8x128xf32, #tpu.memory_space<hbm>>
    %dma_wait3A_138 = tpu.memref_squeeze %dma_wait3A_137 : memref<1x8x1x8x128xf32, #tpu.memory_space<hbm>> -> memref<8x8x128xf32, #tpu.memory_space<hbm>>
    %dma_wait3A_139 = arith.constant 0 : i32
    %dma_wait3A_140 = arith.constant 0 : i32
    %dma_wait3A_141 = arith.constant 0 : i32
    %dma_wait3A_142 = tpu.memref_slice %arg5[%dma_wait3A_128, %dma_wait3A_139, %dma_wait3A_129, %dma_wait3A_140, %dma_wait3A_141] : memref<200x8x32x8x128xf32, #tpu.memory_space<hbm>> -> memref<1x8x1x8x128xf32, #tpu.memory_space<hbm>>
    %dma_wait3A_143 = tpu.memref_squeeze %dma_wait3A_142 : memref<1x8x1x8x128xf32, #tpu.memory_space<hbm>> -> memref<8x8x128xf32, #tpu.memory_space<hbm>>
    %dma_wait3A_144 = arith.constant 0 : i32
    %dma_wait3A_145 = arith.constant 0 : i32
    %dma_wait3A_146 = arith.constant 0 : i32
    %dma_wait3A_147 = tpu.memref_slice %arg15[%dma_wait3A_144, %dma_wait3A_145, %dma_wait3A_146] : memref<8x8x129xf32, #tpu.memory_space<vmem>> -> memref<8x8x128xf32, #tpu.memory_space<vmem>>
    tpu.wait_dma2 semaphore(%arg24 : memref<!tpu.dma_semaphore, #tpu.memory_space<semaphore_mem>>) src(%dma_wait3A_147 : memref<8x8x128xf32, #tpu.memory_space<vmem>>) dst(%dma_wait3A_143 : memref<8x8x128xf32, #tpu.memory_space<hbm>>)
    return
  }
}

</mosaic_0001>

<sc_bundles>
// kernel: kernel.3.cloned.1.call-start
scs
__scs_entry_jumppad:
0x0: {  	(pc) =	sbr.rel $0x88, $3  }
0x1: {  	(tag) =	ssettag $0x0;
	lr =	simm.s32 $0x1  }
0x2: {  	[smem:$0x3F9E] =	sst lr;
	_ =	strace $0xD0000000  }
0x3: {  	_ = 	snop  }
0x4: {  	_ = 	snop  }
0x5: {  	_ = 	snop  }
0x6: {  	_ = 	snop  }
0x7: {  	_ = 	snop  }
__scs_overlays_trampoline_lowered:
0x8: {  	[smem:$0x3FAD] =	sst s0  }
0x9: {  	[smem:$0x3FAE] =	sst s1  }
0xa: {  	[smem:$0x3FAF] =	sst s2  }
0xb: {  	[smem:$0x3FB0] =	sst s3  }
0xc: {  	[smem:$0x3FB1] =	sst s4  }
0xd: {  	[smem:$0x3FB2] =	sst s5  }
0xe: {  	[smem:$0x3FB3] =	sst s6  }
0xf: {  	[smem:$0x3FB4] =	sst s7  }
0x10: {  	[smem:$0x3FB5] =	sst s8  }
0x11: {  	[smem:$0x3FB6] =	sst s9;
	s0 =	simm.s32 @!p0 $0x0  }
0x12: {  	s1 =	sld [smem:$0x3F9C];
	s0 =	simm.s32 @p0 $0x1  }
0x13: {  	[smem:$0x3FB7] =	sst s0;
	s0 =	simm.s32 @!p1 $0x0  }
0x14: {  	s2 =	sld [smem:$0x3F9B];
	s0 =	simm.s32 @p1 $0x1  }
0x15: {  	[smem:$0x3FB8] =	sst s0;
	s0 =	simm.s32 @!p2 $0x0  }
0x16: {  	s3 =	sld [smem:$0x3FDB];
	s0 =	simm.s32 @p2 $0x1  }
0x17: {  	s4 =	simm.s32 $0x1BF5;
	[smem:$0x3FBA] =	sst s0  }
0x18: {  	s0 =	sld [smem:$0x3F9D];
	_ =	swait.ge [sflag:s4], $0x0  }
0x19: {  	s7 =	sld [smem:$0x3F9E]  }
0x1a: {  	s8 =	sadd.s32 $0xFFFFE003, lr  }
0x1b: {  	s9 =	sadd.s32 $0xFFFFFEF7, lr;
	s5 =	simm.s32 $0xFFFFFFFF;
	p2 =	slt.u32 s8, $0xFFFFF086  }
0x1c: {  	p1 =	slt.u32 s9, $0xF7A;
	s5 =	simm.s32 @!p2 $0x0  }
0x1d: {  	s5 =	simm.s32 @p1 $0x1;
	p0 =	seq.s32 s7, s2  }
0x1e: {  	s7 =	smul.u32 @!p0 $0xF7A, s2;
	p2 =	seq.s32 @!p0 s5, $0x0  }
0x1f: {  	s9 =	smul.u32 $0xF7A, s1;
	s8 =	simm.s32 @!p0 $0x1BF5;
	p2 =	por !p2, p0  }
0x20: {  	[sflag:s8] =	ssyncset.s32 @!p0 $0xFFFFF086;
	s6 =	sadd.s32 @!p0 s3, s7;
	s7 =	simm.s32 @!p0 $0x108  }
0x21: {  	s3 =	sadd.s32 s3, s9;
	s6 =	sadd.s32 @!p0 $0x88, s6;
	s7 =	simm.s32 @p2 $0x1082  }
0x22: {  	[simem:s7], [sflag:s8] =	dma.local @!p0 [hbm:s6], $0xF7A  }
0x23: {  	s9 =	sor.u32 $0xD0000000, s2;
	s6 =	simm.s32 $0x108;
	_ =	swait.ge @!p0 [sflag:s8], $0x0  }
0x24: {  	s3 =	sadd.s32 $0x88, s3;
	s6 =	simm.s32 @!p1 $0x1082;
	[sflag:s4] =	ssyncset.s32 $0xFFFFF086  }
0x25: {  	[simem:s6], [sflag:s4] =	dma.local [hbm:s3], $0xF7A  }
0x26: {  	[smem:$0x3F9E] =	sst s1;
	(tag) =	ssettag s2;
	_ =	strace s9  }
0x27: {  	s1 =	sld [smem:$0x3FAE]  }
0x28: {  	s2 =	sld [smem:$0x3FAF]  }
0x29: {  	s4 =	sld [smem:$0x3FB1]  }
0x2a: {  	p0 =	seq.s32 s5, $0x0;
	s5 =	sld [smem:$0x3FB2]  }
0x2b: {  	s6 =	sld [smem:$0x3FB3]  }
0x2c: {  	s7 =	sld [smem:$0x3FB4]  }
0x2d: {  	s3 =	simm.s32 $0x108;
	s8 =	sld [smem:$0x3FB5]  }
0x2e: {  	s3 =	simm.s32 @!p0 $0x1082;
	s9 =	sld [smem:$0x3FB6]  }
0x2f: {  	lr =	sadd.s32 s0, s3;
	s0 =	sld [smem:$0x3FAD]  }
0x30: {  	s3 =	sld [smem:$0x3FB0]  }
0x31: {  	[smem:$0x3FB9] =	sst s10  }
0x32: {  	s10 =	sld [smem:$0x3FB7];
	_ =	sdelay $0x3  }
0x33: {  	p0 =	seq.s32 s10, $0x1;
	s10 =	sld [smem:$0x3FB9];
	_ =	sdelay $0x3  }
0x34: {  	[smem:$0x3FB9] =	sst s10  }
0x35: {  	s10 =	sld [smem:$0x3FB8];
	_ =	sdelay $0x3  }
0x36: {  	p1 =	seq.s32 s10, $0x1;
	s10 =	sld [smem:$0x3FB9];
	_ =	sdelay $0x3  }
0x37: {  	[smem:$0x3FB9] =	sst s10  }
0x38: {  	s10 =	sld [smem:$0x3FBA]  }
0x39: {  	_ = 	snop;
	(pc) =	sbr.ind lr, $3  }
0x3a: {  	_ = 	snop  }
0x3b: {  	_ = 	snop  }
0x3c: {  	p2 =	seq.s32 s10, $0x1;
	s10 =	sld [smem:$0x3FB9]  }
0x3d: {  	_ =	shalt  }
0x3e: {  	_ =	shalt  }
0x3f: {  	_ =	shalt  }
0x40: {  	_ =	shalt  }
0x41: {  	_ =	shalt  }
0x42: {  	_ =	shalt  }
0x43: {  	_ =	shalt  }
0x44: {  	_ =	shalt  }
0x45: {  	_ =	shalt  }
0x46: {  	_ =	shalt  }
0x47: {  	_ =	shalt  }
0x48: {  	_ =	shalt  }
0x49: {  	_ =	shalt  }
0x4a: {  	_ =	shalt  }
0x4b: {  	_ =	shalt  }
0x4c: {  	_ =	shalt  }
0x4d: {  	_ =	shalt  }
0x4e: {  	_ =	shalt  }
0x4f: {  	_ =	shalt  }
0x50: {  	_ =	shalt  }
0x51: {  	_ =	shalt  }
0x52: {  	_ =	shalt  }
0x53: {  	_ =	shalt  }
0x54: {  	_ =	shalt  }
0x55: {  	_ =	shalt  }
0x56: {  	_ =	shalt  }
0x57: {  	_ =	shalt  }
0x58: {  	_ =	shalt  }
0x59: {  	_ =	shalt  }
0x5a: {  	_ =	shalt  }
0x5b: {  	_ =	shalt  }
0x5c: {  	_ =	shalt  }
0x5d: {  	_ =	shalt  }
0x5e: {  	_ =	shalt  }
0x5f: {  	_ =	shalt  }
0x60: {  	_ =	shalt  }
0x61: {  	_ =	shalt  }
0x62: {  	_ =	shalt  }
0x63: {  	_ =	shalt  }
0x64: {  	_ =	shalt  }
0x65: {  	_ =	shalt  }
0x66: {  	_ =	shalt  }
0x67: {  	_ =	shalt  }
0x68: {  	_ =	shalt  }
0x69: {  	_ =	shalt  }
0x6a: {  	_ =	shalt  }
0x6b: {  	_ =	shalt  }
0x6c: {  	_ =	shalt  }
0x6d: {  	_ =	shalt  }
0x6e: {  	_ =	shalt  }
0x6f: {  	_ =	shalt  }
0x70: {  	_ =	shalt  }
0x71: {  	_ =	shalt  }
0x72: {  	_ =	shalt  }
0x73: {  	_ =	shalt  }
0x74: {  	_ =	shalt  }
0x75: {  	_ =	shalt  }
0x76: {  	_ =	shalt  }
0x77: {  	_ =	shalt  }
0x78: {  	_ =	shalt  }
0x79: {  	_ =	shalt  }
0x7a: {  	_ =	shalt  }
0x7b: {  	_ =	shalt  }
0x7c: {  	_ =	shalt  }
0x7d: {  	_ =	shalt  }
0x7e: {  	_ =	shalt  }
0x7f: {  	_ =	shalt  }
0x80: {  	_ =	shalt  }
0x81: {  	_ =	shalt  }
0x82: {  	_ =	shalt  }
0x83: {  	_ =	shalt  }
0x84: {  	_ =	shalt  }
0x85: {  	_ =	shalt  }
0x86: {  	_ =	shalt  }
0x87: {  	_ =	shalt  }
.Lfunc_end0:
.L_simem_size_0:
called_computation_lowered:
.L_overlay_start_0:
0x88: {  	s2 =	sld [smem:$0x3FD9]  }
0x89: {  	s3 =	sld [smem:$0x3FFE];
	_ =	sdelay $0x1  }
0x8a: {  	s1 =	srdreg.scid  }
0x8b: {  	s0 =	sand.u32 $0x1, s1  }
0x8c: {  	s17 =	sshll.u32 s0, $0xA;
	s2 =	sadd.s32 s3, s2  }
0x8d: {  	s2 =	sadd.s32 s2, s17  }
0x8e: {  	[smem:$0x3FC5] =	sst s2  }
0x8f: {  	_ = 	snop  }
0x90: {  	s2 =	sld [smem:$0x3FD0];
	(tm) =	ssettm $0x1  }
0x91: {  	s18 =	sld [smem:$0x3FFB];
	_ =	sdelay $0x3  }
0x92: {  	_ =	strace s18  }
0x93: {  	s3 =	sld [smem:$0x3FFC];
	_ =	sdelay $0x3  }
0x94: {  	_ =	strace s3  }
0x95: {  	s3 =	sld [smem:$0x3FFD];
	_ =	sdelay $0x3  }
0x96: {  	_ =	strace s3  }
0x97: {  	_ =	strace $0x8FFFFFFF  }
0x98: {  	s19 =	sld [smem:$0x3FDB];
	_ =	sdelay $0x1  }
0x99: {  	s4 =	simm.s32 $_scs_section_size  }
0x9a: {  	s5 =	simm.s32 $_size__tile_overlayer_lowered;
	s6 =	simm.s32 $_tile_overlayer_lowered  }
0x9b: {  	s22 =	simm.s32 $0x1BFF;
	s21 =	sshll.u32 s6, $0x1;
	s3 =	sadd.s32 s4, s19  }
0x9c: {  	s7 =	simm.s32 $0x0;
	s20 =	sshll.u32 s5, $0x1;
	s5 =	sadd.s32 s21, s3  }
0x9d: {  	[timem:s7], [sflag:s22] =	dma.local [hbm:s5], s20  }
0x9e: {  	_ =	swait.ge [sflag:s22], s20  }
0x9f: {  	s4 =	ssub.s32 $0x0, s20;
	[sflag:s22] =	ssyncset.done $0x0  }
0xa0: {  	[sflag:s22] =	ssyncadd.s32 s4;
	_ =	sdelay $0x1  }
0xa1: {  	s23 =	simm.s32 $0x1B8B  }
0xa2: {  	_ =	swait.ge [sflag:s23], $0x1  }
0xa3: {  	[sflag:s23] =	ssyncset.done $0x0  }
0xa4: {  	s25 =	simm.s32 $0x1B8E;
	s24 =	sld [smem:$0x3FFE];
	[sflag:s23] =	ssyncadd.s32 $0xFFFFFFFF  }
0xa5: {  	s26 =	simm.s32 $execute0_lowered;
	[smem:$0x3FD2] =	sst s25  }
0xa6: {  	s5 =	sshll.u32 s26, $0x1;
	_ =	strace $0x80000046;
	[dreg:$0x1] =	wrdreg $0xFFFFFFFF  }
0xa7: {  	s28 =	simm.s32 $_size_execute0_lowered;
	s3 =	sadd.s32 s3, s5;
	[dreg:$0x0] =	wrdreg $0x0  }
0xa8: {  	s5 =	sshll.u32 s28, $0x1;
	[dreg:$0x2] =	wrdreg s3  }
0xa9: {  	[dreg:$0x3] =	wrdreg s5  }
0xaa: {  	[dreg:$0x4] =	wrdreg $0xC0  }
0xab: {  	_ =	task [dreg:s7], $0x5FFFF  }
0xac: {  	[dreg:$0x1] =	wrdreg $0xFFFFFFFF  }
0xad: {  	[dreg:$0x0] =	wrdreg $0x60  }
0xae: {  	[dreg:$0x2] =	wrdreg s24  }
0xaf: {  	[dreg:$0x3] =	wrdreg s2  }
0xb0: {  	[dreg:$0x4] =	wrdreg $0x9  }
0xb1: {  	_ =	task.clear_ibuf [dreg:s7], $0x5FFFF;
	_ =	strace $0x90000046  }
0xb2: {  	s29 =	simm.s32 $0x9;
	_ =	strace $0x80000048  }
0xb3: {  	_ =	swait.ge [sflag:s29], $0x1  }
0xb4: {  	[sflag:s29] =	ssyncadd.s32 $0xFFFFFFFF  }
0xb5: {  	_ =	strace $0x90000048  }
0xb6: {  	_ =	sfence  }
0xb7: {  	s30 =	sld [smem:$0x0];
	_ =	sdelay $0x2  }
0xb8: {  	s31 =	sshll.u32 s1, $0xD;
	s1 =	sshrl.u32 s1, $0x2  }
0xb9: {  	s3 =	sand.u32 $0x4000, s31;
	s1 =	sadd.s32 s1, s30  }
0xba: {  	s0 =	sor.u32 s3, s0;
	s1 =	sshll.u32 s1, $0x11  }
0xbb: {  	s0 =	sor.u32 s1, s0  }
0xbc: {  	s0 =	sadd.s32 $0x8F2B, s0  }
0xbd: {  	[sflag:s0] =	ssyncadd.remote.s32 $0x1  }
0xbe: {  	_ =	sfence.sel $0xFFFF  }
0xbf: {  	[dreg:$0x0] =	wrdreg $0xFFFFFFFF;
	(pc) =	sbr.abs _section_cstart, $3  }
0xc0: {  	[dreg:$0x1] =	wrdreg $0xFFFFFFFF  }
0xc1: {  	_ =	task.clear_ibuf [dreg:s7], $0x2FFFF;
	_ =	strace $0x9FFFFFFF  }
0xc2: {  	(tm) =	ssettm $0x7FFFFFFF  }
0xc3: {  	_ =	shalt  }
tec
execute0_lowered:
.L_overlay_start_1:
0x0: {  	(tag) =	ssettag $0x1  }
0x1: {  	s0 =	rddreg [dreg:$0x0];
	s1 =	srdreg.scid  }
0x2: {  	s3 =	stileid.u32;
	s2 =	rddreg [dreg:$0x1];
	s9 =	simm.s32 $0x80  }
0x3: {  	s11 =	simm.s32 $0x9;
	s12 =	simm.s32 $0x6400;
	s18 =	simm.s32 $0xF640  }
0x4: {  	s19 =	simm.s32 $0x1;
	s20 =	simm.s32 $0x11640;
	s21 =	simm.s32 $0x2  }
0x5: {  	s22 =	simm.s32 $0x13840;
	s23 =	simm.s32 $0x3;
	s28 =	simm.s32 $0x5  }
0x6: {  	s29 =	simm.s32 $0x6;
	s30 =	simm.s32 $0x7;
	s31 =	simm.s32 $0x8  }
0x7: {  	v0 =	vlaneseq.u32;
	s1 =	sand.u32 $0x1, s1;
	s4 =	sshll.u32 s3, $0x1;
	s3 =	simm.s32 $0x0  }
0x8: {  	s24 =	sadd.s32 $0x19800, s0;
	v1 =	vshrl.u32 v0, $0x3;
	s4 =	sor.u32 s1, s4;
	[smem:$0x7FF] =	sst s3  }
0x9: {  	s1 =	ssub.s32 $0x2, s1;
	v2 =	vor.u32 $0x2, v1;
	s5 =	sshll.u32 s4, $0x4;
	_ =	strace $0x80000047  }
.Ltmp0:
0xa: {  	v63 =	vor.u32 $0x4, v1;
	[dreg:$0x3] =	wrdreg s24;
	s25 =	sshrl.u32 s1, $0x1;
	[tilespmem:$0x1FFB0] =	vst v2;
	(pc) =	sbr.rel .LBB2_1-.Ltmp0, $4  }
0xb: {  	s7 =	sshll.u32 s4, $0xA;
	[tilespmem:$0x1FFC0] =	vst v63;
	s24 =	simm.s32 $0x15A40;
	s6 =	sadd.s32 s5, s0  }
0xc: {  	v0 =	vand.u32 $0x7, v0;
	[tilespmem:$0x1FFD0] =	vst v1;
	s5 =	sadd.s32 $0xF42C00, s0;
	s0 =	ssub.s32 s1, s25;
	s26 =	sadd.s32 $0x800, s6  }
0xd: {  	vm0 =	vcmask $0x300;
	v6 =	vimm.s32 $0x0;
	v1 =	vor.u32 $0x6, v1;
	[tilespmem:$0x1FFF0] =	vst v0;
	s25 =	simm.s32 $0x4;
	s0 =	smax.u32 s0, $0x1;
	[dreg:$0x4] =	wrdreg s26  }
0xe: {  	v26 =	vimm.f32 $0.0e+00;
	v6 =	vsel vm0, $0x3, v6;
	[tilespmem:$0x1FFE0] =	vst v1;
	s1 =	simm.s32 $0x0;
	[dreg:$0x5] =	wrdreg s0;
	s26 =	simm.s32 $0x17C40  }
.LBB2_20:
0xf: {  	_ =	swait.ge [sflag:s28], $0x2000  }
0x10: {  	[sflag:s28] =	ssyncset.done $0x0  }
0x11: {  	[sflag:s28] =	ssyncadd.s32 $0xFFFFE000  }
0x12: {  	_ =	swait.ge [sflag:s29], $0x2000  }
0x13: {  	[sflag:s29] =	ssyncset.done $0x0  }
0x14: {  	[sflag:s29] =	ssyncadd.s32 $0xFFFFE000  }
0x15: {  	_ =	swait.ge [sflag:s30], $0x2000  }
0x16: {  	[sflag:s30] =	ssyncset.done $0x0  }
0x17: {  	[sflag:s30] =	ssyncadd.s32 $0xFFFFE000  }
0x18: {  	_ =	swait.ge [sflag:s31], $0x2000  }
0x19: {  	s1 =	sadd.s32 $0x1, s1;
	s0 =	rddreg [dreg:$0x5]  }
0x1a: {  	p0 =	sne.s32 s1, s0  }
.Ltmp1:
0x1b: {  	_ = 	snop;
	(pc) =	sbr.rel @!p0 .LBB2_21-.Ltmp1, $3  }
0x1c: {  	_ =	sdelay $0x1  }
0x1d: {  	[sflag:s31] =	ssyncset.done $0x0  }
0x1e: {  	[sflag:s31] =	ssyncadd.s32 $0xFFFFE000  }
.LBB2_1:
0x1f: {  	s0 =	rddreg [dreg:$0x4];
	s4 =	simm.s32 $0x1000  }
0x20: {  	[tilespmem:s3], [sflag:$0x9] =	stream.strided.gather [hbm4b:s0+s9], $0x6400, s4, s9, $0x38;
	[tilespmem:$0x19E90] =	vst v63  }
0x21: {  	_ =	swait.ge [sflag:s11], $0x6400  }
0x22: {  	[sflag:s11] =	ssyncset.done $0x0  }
0x23: {  	s10 =	rddreg [dreg:$0x3];
	[sflag:s11] =	ssyncadd.s32 $0xFFFF9C00  }
0x24: {  	[tilespmem:s12], [sflag:$0x9] =	stream.linear.gather [hbm4b:s10+s3], $0x3240, $0x38;
	[tilespmem:$0x19E90] =	vst v63  }
0x25: {  	_ =	swait.ge [sflag:s11], $0x3240  }
0x26: {  	v0 =	vld [tilespmem:$0x1FFD0]  }
0x27: {  	v60 =	vld [tilespmem:$0x1FFB0]  }
0x28: {  	v61 =	vld [tilespmem:$0x1FFC0]  }
0x29: {  	[sflag:s11] =	ssyncset.done $0x0;
	v62 =	vld [tilespmem:$0x1FFE0]  }
0x2a: {  	v63 =	vld [tilespmem:$0x1FFF0];
	[sflag:s11] =	ssyncadd.s32 $0xFFFFCDC0  }
0x2b: {  	[tilespmem:$0x19E40] =	vst v0  }
0x2c: {  	[tilespmem:$0x19E50] =	vst v60  }
0x2d: {  	[tilespmem:$0x19E60] =	vst v61  }
0x2e: {  	[tilespmem:$0x19E70] =	vst v62  }
0x2f: {  	s13 =	simm.s32 $0x9640;
	[tilespmem:$0x19E80] =	vst v63  }
0x30: {  	[tilespmem:s13], [sflag:$0x1] =	stream.indirect.gather [hbm4b:s5+s9], $0x40, s3, s9, $0xb8;
	[tilespmem:$0x19E90] =	vst v63  }
0x31: {  	s14 =	simm.s32 $0xB640  }
0x32: {  	[tilespmem:s14], [sflag:$0x2] =	stream.indirect.gather [hbm4b:s5+s9], $0x40, s9, s9, $0xb8;
	[tilespmem:$0x19E90] =	vst v63  }
0x33: {  	s15 =	simm.s32 $0x100;
	s16 =	simm.s32 $0xD640  }
0x34: {  	[tilespmem:s16], [sflag:$0x3] =	stream.indirect.gather [hbm4b:s5+s9], $0x40, s15, s9, $0xb8;
	[tilespmem:$0x19E90] =	vst v63  }
0x35: {  	s17 =	simm.s32 $0x180;
	s0 =	simm.s32 $0x0  }
0x36: {  	[tilespmem:s18], [sflag:$0x4] =	stream.indirect.gather [hbm4b:s5+s9], $0x40, s17, s9, $0xb8;
	[tilespmem:$0x19E90] =	vst v63  }
.LBB2_2:
0x37: {  	p0 =	seq.s32 s0, $0x0  }
0x38: {  	s4 =	simm.s32 @!p0 $0x5  }
0x39: {  	_ =	swait.ge @!p0 [sflag:s4], $0x2000  }
0x3a: {  	[sflag:s4] =	ssyncset.done @!p0 $0x0  }
0x3b: {  	[sflag:s4] =	ssyncadd.s32 @!p0 $0xFFFFE000  }
0x3c: {  	s10 =	sshll.u32 s0, $0x2;
	_ =	swait.ge [sflag:s19], $0x2000  }
0x3d: {  	s13 =	sshll.u32 s10, $0x7;
	[sflag:s19] =	ssyncset.done $0x0  }
0x3e: {  	v1 =	vmov s13;
	[sflag:s19] =	ssyncadd.s32 $0xFFFFE000  }
0x3f: {  	v11 =	vor.u32 $0x1, v1;
	v14 =	vld [tilespmem:$0x19E40]  }
0x40: {  	v12 =	vor.u32 $0x2, v1;
	[tilespmem:$0x1FD30] =	vst v11;
	v2 =	vld [tilespmem:$0x19E80]  }
0x41: {  	v13 =	vor.u32 $0x3, v1;
	[tilespmem:$0x1FD40] =	vst v12;
	v15 =	vld [tilespmem:$0x19E50]  }
0x42: {  	v17 =	vor.u32 $0x4, v1;
	[tilespmem:$0x1FD50] =	vst v13;
	v16 =	vld [tilespmem:$0x19E60]  }
0x43: {  	v18 =	vor.u32 $0x5, v1;
	[tilespmem:$0x1FD60] =	vst v17;
	v3 =	vld [tilespmem:$0x19E70]  }
0x44: {  	v28 =	vor.u32 $0x6, v1;
	[tilespmem:$0x1FD70] =	vst v18  }
0x45: {  	[tilespmem:$0x1FD80] =	vst v28;
	v4 =	vmul.u32 $0x440, v14;
	v20 =	vmul.u32 $0x88, v2  }
0x46: {  	v29 =	vor.u32 $0x7, v1;
	[tilespmem:$0x1FD90] =	vst v1;
	v19 =	vmul.u32 $0x440, v15  }
0x47: {  	[tilespmem:$0x1FDA0] =	vst v29;
	v21 =	vmul.u32 $0x440, v16;
	v30 =	vadd.s32 v4, v20  }
0x48: {  	v22 =	vmul.u32 $0x440, v3;
	v2 =	vadd.s32 v19, v20;
	[tilespmem:$0x1FF30] =	vst v30  }
0x49: {  	v31 =	vadd.s32 v21, v20;
	[tilespmem:$0x1FF50] =	vst v2  }
0x4a: {  	v4 =	vadd.s32 v22, v20;
	[tilespmem:$0x1FF70] =	vst v31  }
0x4b: {  	v32 =	vor.u32 $0x1, v30;
	[tilespmem:$0x1FF90] =	vst v4  }
0x4c: {  	v33 =	vor.u32 $0x1, v2;
	[tilespmem:$0x1FDB0] =	vst v32  }
0x4d: {  	v34 =	vor.u32 $0x1, v31;
	[tilespmem:$0x1FDC0] =	vst v33  }
0x4e: {  	v35 =	vor.u32 $0x1, v4;
	[tilespmem:$0x1FDD0] =	vst v34  }
0x4f: {  	v37 =	vor.u32 $0x2, v30;
	[tilespmem:$0x1FDE0] =	vst v35  }
0x50: {  	v38 =	vor.u32 $0x2, v2;
	[tilespmem:$0x1FDF0] =	vst v37  }
0x51: {  	v39 =	vor.u32 $0x2, v31;
	[tilespmem:$0x1FE00] =	vst v38  }
0x52: {  	v41 =	vor.u32 $0x2, v4;
	[tilespmem:$0x1FE10] =	vst v39  }
0x53: {  	v42 =	vor.u32 $0x3, v30;
	[tilespmem:$0x1FE20] =	vst v41  }
0x54: {  	v43 =	vor.u32 $0x3, v2;
	[tilespmem:$0x1FE30] =	vst v42  }
0x55: {  	v45 =	vor.u32 $0x3, v31;
	[tilespmem:$0x1FE40] =	vst v43  }
0x56: {  	v46 =	vor.u32 $0x3, v4;
	[tilespmem:$0x1FE50] =	vst v45  }
0x57: {  	v47 =	vor.u32 $0x4, v30;
	[tilespmem:$0x1FE60] =	vst v46  }
0x58: {  	v49 =	vor.u32 $0x4, v2;
	[tilespmem:$0x1FE70] =	vst v47  }
0x59: {  	v50 =	vor.u32 $0x4, v31;
	[tilespmem:$0x1FE80] =	vst v49  }
0x5a: {  	v51 =	vor.u32 $0x4, v4;
	[tilespmem:$0x1FE90] =	vst v50  }
0x5b: {  	v52 =	vor.u32 $0x5, v30;
	[tilespmem:$0x1FEA0] =	vst v51  }
0x5c: {  	v53 =	vor.u32 $0x5, v2;
	[tilespmem:$0x1FEB0] =	vst v52  }
0x5d: {  	s14 =	sor.u32 $0x1, s10;
	v54 =	vor.u32 $0x5, v31;
	[tilespmem:$0x1FEC0] =	vst v53  }
0x5e: {  	v0 =	vlaneseq.u32;
	s16 =	sshll.u32 s14, $0x6;
	v55 =	vor.u32 $0x5, v4;
	[tilespmem:$0x1FED0] =	vst v54  }
0x5f: {  	s6 =	sor.u32 $0x10, s16;
	v36 =	vor.u32 s16, v0;
	v56 =	vor.u32 $0x6, v30;
	[tilespmem:$0x1FEE0] =	vst v55  }
0x60: {  	s17 =	sor.u32 $0x20, s16;
	v40 =	vor.u32 s6, v0;
	v57 =	vor.u32 $0x6, v2;
	[tilespmem:$0x1FEF0] =	vst v56  }
0x61: {  	v44 =	vor.u32 s17, v0;
	s4 =	sor.u32 $0x30, s16;
	v58 =	vor.u32 $0x6, v31;
	[tilespmem:$0x1FF00] =	vst v57  }
0x62: {  	v48 =	vor.u32 s4, v0;
	v59 =	vor.u32 $0x6, v4;
	[tilespmem:$0x1FF10] =	vst v58  }
0x63: {  	v60 =	vor.u32 $0x7, v30;
	[tilespmem:$0x1FF20] =	vst v59  }
0x64: {  	v36 =	vld.idx.msk [tilespmem:v36+s12+$0x0], $0xffff;
	v61 =	vor.u32 $0x7, v2;
	[tilespmem:$0x1FF40] =	vst v60  }
0x65: {  	v40 =	vld.idx.msk [tilespmem:v40+s12+$0x0], $0xffff;
	v62 =	vor.u32 $0x7, v31;
	[tilespmem:$0x1FF60] =	vst v61  }
0x66: {  	v44 =	vld.idx.msk [tilespmem:v44+s12+$0x0], $0xffff;
	v63 =	vor.u32 $0x7, v4;
	[tilespmem:$0x1FF80] =	vst v62  }
0x67: {  	s15 =	simm.s32 $0x9840;
	s13 =	simm.s32 $0xF;
	v48 =	vld.idx.msk [tilespmem:v48+s12+$0x0], $0xffff;
	[tilespmem:$0x1FFA0] =	vst v63  }
.LBB2_3:
0x68: {  	v16 =	vld [tilespmem:$0x1FD90]  }
0x69: {  	v23 =	vld [tilespmem:$0x1FD30]  }
0x6a: {  	v27 =	vld [tilespmem:$0x1FD40]  }
0x6b: {  	v43 =	vld [tilespmem:$0x1FD50]  }
0x6c: {  	v60 =	vld [tilespmem:s15+$0xFFFFFE00]  }
0x6d: {  	v61 =	vld [tilespmem:s15+$0xFFFFFE10]  }
0x6e: {  	s4 =	sadd.s32 $0xFFFFFFF1, s13;
	v62 =	vld [tilespmem:s15+$0xFFFFFE20]  }
0x6f: {  	s16 =	sadd.s32 $0xFFFFFFF2, s13;
	v63 =	vld [tilespmem:s15+$0xFFFFFE30];
	v52 =	vmov s4  }
0x70: {  	v2 =	vld [tilespmem:s15+$0xFFFFFE40];
	v53 =	vmov s16;
	v52 =	vshrl.u32 v52, $0x3  }
0x71: {  	v50 =	vld [tilespmem:s15+$0xFFFFFE50];
	v53 =	vshrl.u32 v53, $0x3;
	v52 =	vshll.u32 v52, v6  }
0x72: {  	v7 =	vld [tilespmem:$0x1FF30];
	v53 =	vshll.u32 v53, v6;
	v52 =	vbroadcast v52, $0x0  }
0x73: {  	v51 =	vld [tilespmem:s15+$0xFFFFFE60];
	v53 =	vbroadcast v53, $0x0  }
0x74: {  	s6 =	sadd.s32 $0xFFFFFFF3, s13;
	v28 =	vld [tilespmem:s15+$0xFFFFFE70];
	v56 =	vor.u32 v16, v52  }
0x75: {  	s17 =	sadd.s32 $0xFFFFFFF4, s13;
	v0 =	vld [tilespmem:s15+$0xFFFFFE80];
	v54 =	vmov s6;
	v57 =	vadd.s32 v23, v53  }
0x76: {  	v29 =	vld [tilespmem:s15+$0xFFFFFE90];
	v55 =	vmov s17;
	v54 =	vshrl.u32 v54, $0x3  }
0x77: {  	v55 =	vshrl.u32 v55, $0x3;
	v54 =	vshll.u32 v54, v6;
	v30 =	vadd.s32 v7, v52;
	v7 =	vld [tilespmem:$0x1FF50]  }
0x78: {  	v13 =	vld [tilespmem:s15+$0xFFFFFEA0];
	v55 =	vshll.u32 v55, v6;
	v54 =	vbroadcast v54, $0x0  }
0x79: {  	v55 =	vbroadcast v55, $0x0;
	v56 =	vld.idx.msk [tilespmem:v56+s3+$0x0], $0xffff  }
0x7a: {  	v58 =	vadd.s32 v27, v54;
	v57 =	vld.idx.msk [tilespmem:v57+s3+$0x0], $0xffff  }
0x7b: {  	v20 =	vld [tilespmem:s15+$0xFFFFFEB0];
	v59 =	vadd.s32 v43, v55  }
0x7c: {  	v34 =	vadd.s32 v7, v52;
	v7 =	vld [tilespmem:$0x1FF90]  }
0x7d: {  	v21 =	vld [tilespmem:s15+$0xFFFFFEC0]  }
0x7e: {  	v31 =	vld [tilespmem:s15+$0xFFFFFED0];
	vm0 =	vgt.s32 v56, $0x0  }
0x7f: {  	v58 =	vld.idx.msk [tilespmem:v58+s3+$0x0], $0xffff;
	vm13 =	vgt.s32 v57, $0x0;
	v3 =	vsel vm0, $0x3F800000, v26  }
0x80: {  	v59 =	vld.idx.msk [tilespmem:v59+s3+$0x0], $0xffff;
	v4 =	vsel vm13, $0x3F800000, v26;
	v5 =	vmul.f32 v3, v36  }
0x81: {  	v38 =	vadd.s32 v7, v52;
	v7 =	vld [tilespmem:$0x1FDB0];
	v11 =	vmul.f32 v4, v36  }
0x82: {  	v56 =	vld [tilespmem:s15+$0xFFFFFEF0];
	v5 =	vadd.f32 v60, v5  }
0x83: {  	v2 =	vadd.f32 v2, v11;
	v11 =	vld [tilespmem:s15+$0xFFFFFEE0]  }
0x84: {  	[tilespmem:v30+s20+$0x0] =	vst.idx.msk $0xffff, v5;
	v5 =	vld [tilespmem:$0x1FF70];
	_ =	sdelay $0x1  }
0x85: {  	v39 =	vadd.s32 v7, v53;
	v7 =	vld [tilespmem:$0x1FDC0];
	_ =	sdelay $0x2  }
0x86: {  	vm14 =	vgt.s32 v58, $0x0;
	v9 =	vmul.f32 v3, v40;
	v5 =	vadd.s32 v5, v52  }
0x87: {  	v1 =	vsel vm14, $0x3F800000, v26;
	v10 =	vmul.f32 v3, v44  }
0x88: {  	v33 =	vmul.f32 v1, v44;
	v9 =	vadd.f32 v61, v9;
	v41 =	vadd.s32 v7, v53;
	v7 =	vld [tilespmem:$0x1FDD0]  }
0x89: {  	v10 =	vadd.f32 v62, v10  }
0x8a: {  	v13 =	vadd.f32 v13, v33;
	v33 =	vld [tilespmem:$0x1FDF0];
	[tilespmem:v34+s20+$0x0] =	vst.idx.msk $0xffff, v9  }
0x8b: {  	vm15 =	vgt.s32 v59, $0x0;
	v3 =	vmul.f32 v3, v48;
	v14 =	vmul.f32 v4, v40;
	[tilespmem:v5+s20+$0x0] =	vst.idx.msk $0xffff, v10;
	v5 =	vld [tilespmem:$0x1FDE0]  }
0x8c: {  	v12 =	vsel vm15, $0x3F800000, v26;
	v15 =	vmul.f32 v4, v44;
	v4 =	vmul.f32 v4, v48;
	v34 =	vld [tilespmem:$0x1FE00]  }
0x8d: {  	v22 =	vmul.f32 v1, v36;
	v37 =	vmul.f32 v12, v40;
	v42 =	vadd.s32 v7, v53;
	v7 =	vld [tilespmem:$0x1FE10]  }
0x8e: {  	v32 =	vmul.f32 v1, v40;
	v1 =	vmul.f32 v1, v48;
	v3 =	vadd.f32 v63, v3  }
0x8f: {  	v35 =	vmul.f32 v12, v36;
	v14 =	vadd.f32 v50, v14;
	v45 =	vadd.f32 v31, v37;
	v37 =	vld [tilespmem:$0x1FE20]  }
0x90: {  	v15 =	vadd.f32 v51, v15;
	[tilespmem:v38+s20+$0x0] =	vst.idx.msk $0xffff, v3;
	v38 =	vld [tilespmem:$0x1FE30];
	v5 =	vadd.s32 v5, v53  }
0x91: {  	v4 =	vadd.f32 v28, v4;
	v46 =	vadd.s32 v33, v54;
	[tilespmem:v39+s20+$0x0] =	vst.idx.msk $0xffff, v2;
	v39 =	vld [tilespmem:$0x1FE40]  }
0x92: {  	s6 =	sadd.s32 $0xFFFFFFF5, s13;
	v47 =	vadd.s32 v34, v54;
	[tilespmem:v41+s20+$0x0] =	vst.idx.msk $0xffff, v14;
	v49 =	vadd.s32 v7, v54;
	v7 =	vld [tilespmem:$0x1FE50]  }
0x93: {  	v58 =	vmov s6;
	v0 =	vadd.f32 v0, v22;
	v59 =	vadd.f32 v29, v32;
	[tilespmem:v42+s20+$0x0] =	vst.idx.msk $0xffff, v15;
	v42 =	vld [tilespmem:$0x1FE60]  }
0x94: {  	s8 =	sadd.s32 $0xFFFFFFF6, s13;
	v1 =	vadd.f32 v20, v1;
	v20 =	vadd.f32 v21, v35;
	v30 =	vld [tilespmem:$0x1FD60];
	v50 =	vadd.s32 v37, v54  }
0x95: {  	v62 =	vmov s8;
	v32 =	vld [tilespmem:$0x1FD70];
	v53 =	vshrl.u32 v58, $0x3;
	v57 =	vadd.s32 v38, v55;
	[tilespmem:v5+s20+$0x0] =	vst.idx.msk $0xffff, v4  }
0x96: {  	v63 =	vshrl.u32 v62, $0x3;
	v60 =	vadd.s32 v39, v55;
	v5 =	vshll.u32 v53, v6;
	[tilespmem:v46+s20+$0x0] =	vst.idx.msk $0xffff, v0  }
0x97: {  	v17 =	vshll.u32 v63, v6;
	v61 =	vadd.s32 v7, v55;
	v0 =	vbroadcast v5, $0x0;
	[tilespmem:v47+s20+$0x0] =	vst.idx.msk $0xffff, v59  }
0x98: {  	v52 =	vmul.f32 v12, v44;
	v2 =	vbroadcast v17, $0x0;
	v4 =	vadd.s32 v42, v55;
	[tilespmem:v49+s20+$0x0] =	vst.idx.msk $0xffff, v13  }
0x99: {  	v12 =	vmul.f32 v12, v48;
	v19 =	vadd.s32 v30, v0;
	[tilespmem:v50+s20+$0x0] =	vst.idx.msk $0xffff, v1  }
0x9a: {  	v28 =	vld [tilespmem:$0x1FD80];
	v11 =	vadd.f32 v11, v52;
	v21 =	vadd.s32 v32, v2;
	[tilespmem:v57+s20+$0x0] =	vst.idx.msk $0xffff, v20  }
0x9b: {  	v29 =	vld [tilespmem:$0x1FDA0];
	v12 =	vadd.f32 v56, v12;
	[tilespmem:v60+s20+$0x0] =	vst.idx.msk $0xffff, v45  }
0x9c: {  	v46 =	vld [tilespmem:$0x1FE80];
	[tilespmem:v61+s20+$0x0] =	vst.idx.msk $0xffff, v11  }
0x9d: {  	s16 =	sadd.s32 $0xFFFFFFF7, s13;
	v45 =	vld [tilespmem:$0x1FE70];
	[tilespmem:v4+s20+$0x0] =	vst.idx.msk $0xffff, v12  }
0x9e: {  	v5 =	vmov s16;
	v1 =	vld.idx.msk [tilespmem:v19+s3+$0x0], $0xffff  }
0x9f: {  	v18 =	vshrl.u32 v5, $0x3;
	v4 =	vld.idx.msk [tilespmem:v21+s3+$0x0], $0xffff  }
0xa0: {  	s17 =	sadd.s32 $0xFFFFFFF8, s13;
	v3 =	vshll.u32 v18, v6;
	v11 =	vld [tilespmem:s15+$0xFFFFFF00]  }
0xa1: {  	v5 =	vmov s17;
	v3 =	vbroadcast v3, $0x0;
	v12 =	vld [tilespmem:s15+$0xFFFFFF10]  }
0xa2: {  	v5 =	vshrl.u32 v5, $0x3;
	v41 =	vld [tilespmem:s15+$0xFFFFFF20]  }
0xa3: {  	v5 =	vshll.u32 v5, v6;
	v22 =	vadd.s32 v28, v3;
	v14 =	vld [tilespmem:s15+$0xFFFFFF30]  }
0xa4: {  	v5 =	vbroadcast v5, $0x0;
	v15 =	vld [tilespmem:s15+$0xFFFFFF40]  }
0xa5: {  	v53 =	vld [tilespmem:s15+$0xFFFFFF80]  }
0xa6: {  	v35 =	vadd.s32 v29, v5;
	v58 =	vld [tilespmem:s15+$0xFFFFFFA0]  }
0xa7: {  	v61 =	vld [tilespmem:s15+$0xFFFFFFB0]  }
0xa8: {  	v9 =	vld.idx.msk [tilespmem:v22+s3+$0x0], $0xffff  }
0xa9: {  	v62 =	vld [tilespmem:s15+$0xFFFFFFC0]  }
0xaa: {  	v54 =	vld [tilespmem:s15+$0xFFFFFFD0];
	vm4 =	vgt.s32 v1, $0x0  }
0xab: {  	v10 =	vld.idx.msk [tilespmem:v35+s3+$0x0], $0xffff;
	vm5 =	vgt.s32 v4, $0x0;
	v47 =	vsel vm4, $0x3F800000, v26  }
0xac: {  	v1 =	vld [tilespmem:s15+$0xFFFFFF50];
	v49 =	vsel vm5, $0x3F800000, v26;
	v50 =	vmul.f32 v47, v36;
	v51 =	vmul.f32 v47, v40  }
0xad: {  	v4 =	vld [tilespmem:s15+$0xFFFFFF60];
	vm6 =	vgt.s32 v9, $0x0;
	v19 =	vmul.f32 v49, v36;
	v59 =	vmul.f32 v49, v40  }
0xae: {  	v9 =	vld [tilespmem:s15+$0xFFFFFF70];
	v31 =	vmul.f32 v49, v44;
	v21 =	vmul.f32 v49, v48;
	v49 =	vadd.s32 v45, v0  }
0xaf: {  	v17 =	vmul.f32 v47, v44;
	v20 =	vmul.f32 v47, v48;
	v47 =	vld [tilespmem:$0x1FE90]  }
0xb0: {  	vm7 =	vgt.s32 v10, $0x0;
	v10 =	vld [tilespmem:s15+$0xFFFFFF90]  }
0xb1: {  	v52 =	vsel vm6, $0x3F800000, v26;
	v11 =	vadd.f32 v11, v50;
	v14 =	vadd.f32 v14, v20;
	v20 =	vld [tilespmem:s15+$0xFFFFFFE0]  }
0xb2: {  	v50 =	vmul.f32 v52, v36;
	v1 =	vadd.f32 v1, v59;
	v59 =	vld [tilespmem:s15+$0xFFFFFFF0]  }
0xb3: {  	[tilespmem:v49+s20+$0x0] =	vst.idx.msk $0xffff, v11;
	v49 =	vld [tilespmem:$0x1FEA0]  }
0xb4: {  	v53 =	vadd.f32 v53, v50;
	v50 =	vld [tilespmem:$0x1FEB0]  }
0xb5: {  	v12 =	vadd.f32 v12, v51;
	v51 =	vld [tilespmem:$0x1FEC0]  }
0xb6: {  	v57 =	vsel vm7, $0x3F800000, v26;
	v13 =	vadd.f32 v41, v17;
	v17 =	vadd.s32 v46, v0  }
0xb7: {  	v35 =	vmul.f32 v52, v40;
	v15 =	vadd.f32 v15, v19;
	v19 =	vadd.s32 v47, v0  }
0xb8: {  	v8 =	vld [tilespmem:$0x1FED0];
	v41 =	vmul.f32 v52, v44;
	v4 =	vadd.f32 v4, v31;
	v0 =	vadd.s32 v49, v0  }
0xb9: {  	v24 =	vld [tilespmem:$0x1FFA0];
	v31 =	vmul.f32 v57, v40;
	v10 =	vadd.f32 v10, v35;
	v35 =	vadd.s32 v50, v2  }
0xba: {  	v7 =	vld [tilespmem:$0x1FEE0];
	v56 =	vadd.f32 v58, v41;
	v41 =	vadd.s32 v51, v2  }
0xbb: {  	v18 =	vmul.f32 v57, v36;
	v11 =	vadd.f32 v54, v31;
	v31 =	vld [tilespmem:$0x1FF00];
	[tilespmem:v17+s20+$0x0] =	vst.idx.msk $0xffff, v12  }
0xbc: {  	v52 =	vmul.f32 v52, v48;
	v17 =	vld [tilespmem:$0x1FEF0];
	[tilespmem:v19+s20+$0x0] =	vst.idx.msk $0xffff, v13  }
0xbd: {  	v9 =	vadd.f32 v9, v21;
	v21 =	vadd.f32 v62, v18;
	v18 =	vld [tilespmem:$0x1FF40];
	[tilespmem:v0+s20+$0x0] =	vst.idx.msk $0xffff, v14  }
0xbe: {  	[tilespmem:v35+s20+$0x0] =	vst.idx.msk $0xffff, v15;
	v35 =	vld [tilespmem:$0x1FF10]  }
0xbf: {  	v52 =	vadd.f32 v61, v52;
	v61 =	vadd.s32 v8, v2;
	[tilespmem:v41+s20+$0x0] =	vst.idx.msk $0xffff, v1;
	v41 =	vld [tilespmem:$0x1FF20]  }
0xc0: {  	v2 =	vadd.s32 v7, v2;
	v19 =	vld [tilespmem:$0x1FF60]  }
0xc1: {  	v25 =	vld [tilespmem:$0x1FF80];
	v0 =	vadd.s32 v17, v3  }
0xc2: {  	v54 =	vadd.s32 v31, v3  }
0xc3: {  	s6 =	sadd.s32 $0xFFFFFFF9, s13;
	v14 =	vadd.s32 v35, v3  }
0xc4: {  	v60 =	vmov s6;
	v62 =	vadd.s32 v24, v5;
	[tilespmem:v61+s20+$0x0] =	vst.idx.msk $0xffff, v4;
	v55 =	vadd.s32 v41, v3  }
0xc5: {  	v58 =	vadd.s32 v18, v5;
	v15 =	vshrl.u32 v60, $0x3;
	v4 =	vadd.s32 v19, v5;
	[tilespmem:v2+s20+$0x0] =	vst.idx.msk $0xffff, v9  }
0xc6: {  	v61 =	vadd.s32 v25, v5;
	v5 =	vshll.u32 v15, v6;
	[tilespmem:v0+s20+$0x0] =	vst.idx.msk $0xffff, v53  }
0xc7: {  	s8 =	sadd.s32 $0xFFFFFFFA, s13;
	v0 =	vbroadcast v5, $0x0;
	[tilespmem:v54+s20+$0x0] =	vst.idx.msk $0xffff, v10  }
0xc8: {  	v22 =	vmov s8;
	v63 =	vmul.f32 v57, v44;
	[tilespmem:v14+s20+$0x0] =	vst.idx.msk $0xffff, v56  }
0xc9: {  	v57 =	vmul.f32 v57, v48;
	v5 =	vshrl.u32 v22, $0x3;
	[tilespmem:v55+s20+$0x0] =	vst.idx.msk $0xffff, v52;
	v55 =	vadd.s32 v16, v0  }
0xca: {  	v5 =	vshll.u32 v5, v6;
	v56 =	vadd.f32 v20, v63;
	[tilespmem:v58+s20+$0x0] =	vst.idx.msk $0xffff, v21  }
0xcb: {  	v60 =	vadd.f32 v59, v57;
	v5 =	vbroadcast v5, $0x0;
	[tilespmem:v4+s20+$0x0] =	vst.idx.msk $0xffff, v11  }
0xcc: {  	[tilespmem:v61+s20+$0x0] =	vst.idx.msk $0xffff, v56  }
0xcd: {  	v58 =	vadd.s32 v23, v5;
	v23 =	vld [tilespmem:$0x1FF30];
	[tilespmem:v62+s20+$0x0] =	vst.idx.msk $0xffff, v60  }
0xce: {  	s16 =	sadd.s32 $0xFFFFFFFB, s13;
	v1 =	vld.idx.msk [tilespmem:v55+s3+$0x0], $0xffff  }
0xcf: {  	s17 =	sadd.s32 $0xFFFFFFFC, s13;
	v53 =	vmov s16;
	v11 =	vld [tilespmem:s15+$0x0]  }
0xd0: {  	v9 =	vshrl.u32 v53, $0x3;
	v54 =	vmov s17;
	v12 =	vld [tilespmem:s15+$0x10]  }
0xd1: {  	v9 =	vshll.u32 v9, v6;
	v10 =	vshrl.u32 v54, $0x3;
	v13 =	vld [tilespmem:s15+$0x20]  }
0xd2: {  	v9 =	vbroadcast v9, $0x0;
	v10 =	vshll.u32 v10, v6;
	v14 =	vld [tilespmem:s15+$0x30]  }
0xd3: {  	v10 =	vbroadcast v10, $0x0;
	v15 =	vld [tilespmem:s15+$0x40]  }
0xd4: {  	v4 =	vadd.s32 v27, v9;
	v3 =	vld [tilespmem:s15+$0x70]  }
0xd5: {  	v61 =	vadd.s32 v43, v10;
	v53 =	vld [tilespmem:s15+$0x80]  }
0xd6: {  	v2 =	vld.idx.msk [tilespmem:v58+s3+$0x0], $0xffff  }
0xd7: {  	v58 =	vld [tilespmem:s15+$0xA0]  }
0xd8: {  	v22 =	vadd.s32 v23, v0;
	v23 =	vld [tilespmem:$0x1FF70]  }
0xd9: {  	v62 =	vld.idx.msk [tilespmem:v4+s3+$0x0], $0xffff  }
0xda: {  	v4 =	vld.idx.msk [tilespmem:v61+s3+$0x0], $0xffff  }
0xdb: {  	v61 =	vld [tilespmem:s15+$0xB0];
	vm8 =	vgt.s32 v1, $0x0  }
0xdc: {  	v1 =	vld [tilespmem:s15+$0x50];
	v63 =	vsel vm8, $0x3F800000, v26;
	vm9 =	vgt.s32 v2, $0x0  }
0xdd: {  	v2 =	vld [tilespmem:s15+$0x60];
	v43 =	vsel vm9, $0x3F800000, v26;
	v16 =	vmul.f32 v63, v36  }
0xde: {  	vm10 =	vgt.s32 v62, $0x0;
	v54 =	vmul.f32 v63, v40;
	v55 =	vmul.f32 v63, v44;
	v62 =	vld [tilespmem:s15+$0xC0]  }
0xdf: {  	v20 =	vmul.f32 v63, v48;
	v52 =	vsel vm10, $0x3F800000, v26;
	vm11 =	vgt.s32 v4, $0x0;
	v4 =	vld [tilespmem:s15+$0x90]  }
0xe0: {  	v56 =	vmul.f32 v43, v36;
	v21 =	vmul.f32 v43, v48;
	v12 =	vadd.f32 v12, v54;
	v54 =	vld [tilespmem:s15+$0xD0]  }
0xe1: {  	v59 =	vmul.f32 v43, v40;
	v60 =	vmul.f32 v43, v44;
	v14 =	vadd.f32 v14, v20;
	v20 =	vld [tilespmem:s15+$0xE0]  }
0xe2: {  	v11 =	vadd.f32 v11, v16;
	v43 =	vmul.f32 v52, v36;
	v3 =	vadd.f32 v3, v21;
	v21 =	vld [tilespmem:$0x1FF50]  }
0xe3: {  	v13 =	vadd.f32 v13, v55;
	v55 =	vmul.f32 v52, v40;
	v1 =	vadd.f32 v1, v59;
	v59 =	vld [tilespmem:s15+$0xF0]  }
0xe4: {  	v15 =	vadd.f32 v15, v56;
	v53 =	vadd.f32 v53, v43;
	v43 =	vld [tilespmem:$0x1FF90]  }
0xe5: {  	v56 =	vmul.f32 v52, v44;
	v52 =	vmul.f32 v52, v48;
	v4 =	vadd.f32 v4, v55;
	v55 =	vld [tilespmem:$0x1FDB0]  }
0xe6: {  	[tilespmem:v22+s20+$0x0] =	vst.idx.msk $0xffff, v11;
	v11 =	vadd.s32 v23, v0;
	v23 =	vld [tilespmem:$0x1FDC0]  }
0xe7: {  	v52 =	vadd.f32 v61, v52;
	v61 =	vld [tilespmem:$0x1FDD0];
	v21 =	vadd.s32 v21, v0  }
0xe8: {  	v16 =	vld [tilespmem:$0x1FDE0]  }
0xe9: {  	v0 =	vadd.s32 v43, v0  }
0xea: {  	v55 =	vadd.s32 v55, v5  }
0xeb: {  	v43 =	vadd.s32 v23, v5;
	v23 =	vadd.s32 v33, v9;
	v33 =	vadd.s32 v34, v9;
	v34 =	vld [tilespmem:$0x1FE10]  }
0xec: {  	[tilespmem:v21+s20+$0x0] =	vst.idx.msk $0xffff, v12;
	v12 =	vadd.s32 v61, v5  }
0xed: {  	v5 =	vadd.s32 v16, v5;
	[tilespmem:v11+s20+$0x0] =	vst.idx.msk $0xffff, v13  }
0xee: {  	v57 =	vsel vm11, $0x3F800000, v26;
	v2 =	vadd.f32 v2, v60;
	[tilespmem:v0+s20+$0x0] =	vst.idx.msk $0xffff, v14  }
0xef: {  	v22 =	vmul.f32 v57, v40;
	v56 =	vadd.f32 v58, v56;
	v58 =	vld [tilespmem:$0x1FE50];
	[tilespmem:v55+s20+$0x0] =	vst.idx.msk $0xffff, v15  }
0xf0: {  	s8 =	sadd.s32 $0xFFFFFFFD, s13;
	v14 =	vadd.s32 v34, v9;
	[tilespmem:v43+s20+$0x0] =	vst.idx.msk $0xffff, v1  }
0xf1: {  	v37 =	vadd.s32 v37, v9;
	v11 =	vadd.f32 v54, v22;
	v54 =	vmov s8;
	[tilespmem:v12+s20+$0x0] =	vst.idx.msk $0xffff, v2  }
0xf2: {  	v60 =	vmul.f32 v57, v36;
	v15 =	vshrl.u32 v54, $0x3;
	v43 =	vadd.s32 v38, v10;
	[tilespmem:v5+s20+$0x0] =	vst.idx.msk $0xffff, v3  }
0xf3: {  	v55 =	vadd.s32 v39, v10;
	v5 =	vshll.u32 v15, v6;
	[tilespmem:v23+s20+$0x0] =	vst.idx.msk $0xffff, v53  }
0xf4: {  	v63 =	vmul.f32 v57, v44;
	v12 =	vadd.s32 v58, v10;
	v0 =	vbroadcast v5, $0x0;
	[tilespmem:v33+s20+$0x0] =	vst.idx.msk $0xffff, v4  }
0xf5: {  	v21 =	vadd.f32 v62, v60;
	v60 =	vadd.s32 v42, v10;
	[tilespmem:v14+s20+$0x0] =	vst.idx.msk $0xffff, v56  }
0xf6: {  	s16 =	sadd.s32 $0xFFFFFFFE, s13;
	v57 =	vmul.f32 v57, v48;
	v16 =	vadd.s32 v30, v0;
	[tilespmem:v37+s20+$0x0] =	vst.idx.msk $0xffff, v52  }
0xf7: {  	v20 =	vadd.f32 v20, v63;
	v61 =	vmov s16;
	[tilespmem:v43+s20+$0x0] =	vst.idx.msk $0xffff, v21  }
0xf8: {  	v5 =	vshrl.u32 v61, $0x3;
	v23 =	vadd.f32 v59, v57;
	[tilespmem:v55+s20+$0x0] =	vst.idx.msk $0xffff, v11  }
0xf9: {  	v4 =	vshll.u32 v5, v6;
	[tilespmem:v12+s20+$0x0] =	vst.idx.msk $0xffff, v20  }
0xfa: {  	v4 =	vbroadcast v4, $0x0;
	[tilespmem:v60+s20+$0x0] =	vst.idx.msk $0xffff, v23  }
0xfb: {  	v1 =	vld.idx.msk [tilespmem:v16+s3+$0x0], $0xffff  }
0xfc: {  	v22 =	vadd.s32 v32, v4;
	v32 =	vld [tilespmem:s15+$0x100]  }
0xfd: {  	v12 =	vld [tilespmem:s15+$0x110]  }
0xfe: {  	s17 =	sadd.s32 $0xFFFFFFFF, s13;
	v13 =	vld [tilespmem:s15+$0x120]  }
0xff: {  	v62 =	vmov s17;
	v14 =	vld [tilespmem:s15+$0x130]  }
0x100: {  	v5 =	vshrl.u32 v62, $0x3;
	v33 =	vld [tilespmem:s15+$0x140]  }
0x101: {  	v15 =	vmov s13;
	v5 =	vshll.u32 v5, v6;
	v16 =	vld [tilespmem:s15+$0x150]  }
0x102: {  	v10 =	vshrl.u32 v15, $0x3;
	v5 =	vbroadcast v5, $0x0;
	v21 =	vld [tilespmem:s15+$0x160]  }
0x103: {  	v10 =	vshll.u32 v10, v6;
	v52 =	vld [tilespmem:s15+$0x180]  }
0x104: {  	v10 =	vbroadcast v10, $0x0;
	v28 =	vadd.s32 v28, v5;
	v53 =	vld [tilespmem:s15+$0x190]  }
0x105: {  	v3 =	vld.idx.msk [tilespmem:v22+s3+$0x0], $0xffff  }
0x106: {  	v39 =	vadd.s32 v46, v0;
	v37 =	vadd.s32 v45, v0;
	v30 =	vadd.s32 v29, v10;
	v55 =	vld [tilespmem:s15+$0x1B0]  }
0x107: {  	v43 =	vadd.s32 v47, v0;
	v0 =	vadd.s32 v49, v0;
	v61 =	vadd.s32 v50, v4;
	v57 =	vld [tilespmem:s15+$0x1C0]  }
0x108: {  	v54 =	vadd.s32 v19, v10;
	v58 =	vadd.s32 v25, v10;
	v60 =	vld [tilespmem:s15+$0x1D0];
	vm12 =	vgt.s32 v1, $0x0  }
0x109: {  	v2 =	vld.idx.msk [tilespmem:v28+s3+$0x0], $0xffff;
	v28 =	vadd.s32 v51, v4;
	v51 =	vadd.s32 v41, v5;
	v34 =	vsel vm12, $0x3F800000, v26  }
0x10a: {  	v62 =	vld [tilespmem:s15+$0x1E0];
	vm13 =	vgt.s32 v3, $0x0;
	v38 =	vmul.f32 v34, v36;
	v42 =	vmul.f32 v34, v40  }
0x10b: {  	v63 =	vld [tilespmem:s15+$0x1F0];
	v45 =	vmul.f32 v34, v44;
	v46 =	vmul.f32 v34, v48;
	v49 =	vsel vm13, $0x3F800000, v26  }
0x10c: {  	v9 =	vld.idx.msk [tilespmem:v30+s3+$0x0], $0xffff;
	v23 =	vmul.f32 v49, v36;
	v29 =	vmul.f32 v49, v40;
	v11 =	vadd.f32 v32, v38  }
0x10d: {  	v22 =	vld [tilespmem:s15+$0x170];
	v30 =	vmul.f32 v49, v44;
	v12 =	vadd.f32 v12, v42;
	v47 =	vadd.f32 v13, v45  }
0x10e: {  	v1 =	vld [tilespmem:s15+$0x1A0];
	v3 =	vadd.f32 v14, v46;
	v13 =	vmul.f32 v49, v48;
	[tilespmem:v37+s20+$0x0] =	vst.idx.msk $0xffff, v11  }
0x10f: {  	vm14 =	vgt.s32 v2, $0x0;
	v32 =	vadd.f32 v33, v23;
	v33 =	vadd.s32 v8, v4;
	[tilespmem:v39+s20+$0x0] =	vst.idx.msk $0xffff, v12  }
0x110: {  	v38 =	vsel vm14, $0x3F800000, v26;
	v34 =	vadd.f32 v16, v29;
	v4 =	vadd.s32 v7, v4;
	[tilespmem:v43+s20+$0x0] =	vst.idx.msk $0xffff, v47  }
0x111: {  	v42 =	vmul.f32 v38, v36;
	v39 =	vadd.s32 v17, v5;
	[tilespmem:v0+s20+$0x0] =	vst.idx.msk $0xffff, v3  }
0x112: {  	v37 =	vadd.f32 v21, v30;
	v43 =	vadd.s32 v31, v5;
	[tilespmem:v61+s20+$0x0] =	vst.idx.msk $0xffff, v32  }
0x113: {  	v45 =	vmul.f32 v38, v40;
	v13 =	vadd.f32 v22, v13;
	[tilespmem:v28+s20+$0x0] =	vst.idx.msk $0xffff, v34  }
0x114: {  	v46 =	vadd.s32 v35, v5;
	v47 =	vadd.f32 v52, v42;
	[tilespmem:v33+s20+$0x0] =	vst.idx.msk $0xffff, v37  }
0x115: {  	vm15 =	vgt.s32 v9, $0x0;
	v49 =	vmul.f32 v38, v44;
	[tilespmem:v4+s20+$0x0] =	vst.idx.msk $0xffff, v13;
	v4 =	vadd.f32 v53, v45  }
0x116: {  	v52 =	vsel vm15, $0x3F800000, v26;
	v5 =	vmul.f32 v38, v48;
	v53 =	vadd.s32 v18, v10;
	[tilespmem:v39+s20+$0x0] =	vst.idx.msk $0xffff, v47  }
0x117: {  	v50 =	vadd.f32 v1, v49;
	[tilespmem:v43+s20+$0x0] =	vst.idx.msk $0xffff, v4;
	v4 =	vmul.f32 v52, v36  }
0x118: {  	v56 =	vmul.f32 v52, v40;
	v59 =	vmul.f32 v52, v44;
	v5 =	vadd.f32 v55, v5  }
0x119: {  	p0 =	sne.s32 s13, $0x7F;
	v10 =	vadd.s32 v24, v10;
	[tilespmem:v46+s20+$0x0] =	vst.idx.msk $0xffff, v50;
	v4 =	vadd.f32 v57, v4  }
.Ltmp2:
0x11a: {  	v2 =	vmul.f32 v52, v48;
	v61 =	vadd.f32 v60, v56;
	[tilespmem:v51+s20+$0x0] =	vst.idx.msk $0xffff, v5;
	(pc) =	sbr.rel @p0 .LBB2_3-.Ltmp2, $4  }
0x11b: {  	v62 =	vadd.f32 v62, v59;
	[tilespmem:v53+s20+$0x0] =	vst.idx.msk $0xffff, v4  }
0x11c: {  	v63 =	vadd.f32 v63, v2;
	[tilespmem:v54+s20+$0x0] =	vst.idx.msk $0xffff, v61  }
0x11d: {  	[tilespmem:v58+s20+$0x0] =	vst.idx.msk $0xffff, v62  }
0x11e: {  	s13 =	sadd.s32 $0x10, s13;
	s15 =	sadd.s32 $0x400, s15;
	[tilespmem:v10+s20+$0x0] =	vst.idx.msk $0xffff, v63  }
0x11f: {  	s4 =	sshll.u32 s0, $0x14  }
0x120: {  	s4 =	sor.u32 s7, s4  }
0x121: {  	s4 =	sshrl.u32 s4, $0x3  }
0x122: {  	s15 =	simm.s32 $0x11640;
	s6 =	sadd.s32 s2, s4  }
0x123: {  	[hbm4b:s6+s3] =	stream.linear.scatter [tilespmem:s15], [sflag:$0x5], $0x80, $0x38;
	[tilespmem:$0x19E90] =	vst v63  }
0x124: {  	s16 =	simm.s32 $0x116C8;
	s13 =	sadd.s32 $0x10, s6  }
0x125: {  	[hbm4b:s13+s3] =	stream.linear.scatter [tilespmem:s16], [sflag:$0x5], $0x80, $0x38;
	[tilespmem:$0x19E90] =	vst v63  }
0x126: {  	s17 =	simm.s32 $0x11750;
	s8 =	sadd.s32 $0x20, s6  }
0x127: {  	[hbm4b:s8+s3] =	stream.linear.scatter [tilespmem:s17], [sflag:$0x5], $0x80, $0x38;
	[tilespmem:$0x19E90] =	vst v63  }
0x128: {  	s15 =	simm.s32 $0x117D8;
	s16 =	sadd.s32 $0x30, s6  }
0x129: {  	[hbm4b:s16+s3] =	stream.linear.scatter [tilespmem:s15], [sflag:$0x5], $0x80, $0x38;
	[tilespmem:$0x19E90] =	vst v63  }
0x12a: {  	s17 =	simm.s32 $0x11860;
	s8 =	sadd.s32 $0x40, s6  }
0x12b: {  	[hbm4b:s8+s3] =	stream.linear.scatter [tilespmem:s17], [sflag:$0x5], $0x80, $0x38;
	[tilespmem:$0x19E90] =	vst v63  }
0x12c: {  	s4 =	sadd.s32 $0x70, s6;
	s13 =	simm.s32 $0x118E8;
	s15 =	sadd.s32 $0x50, s6  }
0x12d: {  	[hbm4b:s15+s3] =	stream.linear.scatter [tilespmem:s13], [sflag:$0x5], $0x80, $0x38;
	[tilespmem:$0x19E90] =	vst v63  }
0x12e: {  	s16 =	simm.s32 $0x11970;
	s17 =	sadd.s32 $0x60, s6;
	s13 =	simm.s32 $0x440  }
0x12f: {  	[hbm4b:s17+s3] =	stream.linear.scatter [tilespmem:s16], [sflag:$0x5], $0x80, $0x38;
	[tilespmem:$0x19E90] =	vst v63  }
0x130: {  	s15 =	sadd.s32 $0x1000, s6;
	s16 =	simm.s32 $0x2200;
	s17 =	simm.s32 $0x119F8  }
.LBB2_5:
0x131: {  	[hbm4b:s4+s3] =	stream.linear.scatter [tilespmem:s17], [sflag:$0x5], $0x80, $0x38;
	[tilespmem:$0x19E90] =	vst v63  }
0x132: {  	s4 =	smov.u32 s13;
	s6 =	smov.u32 s16  }
0x133: {  	s13 =	sshra.s32 s6, $0x2;
	s6 =	sadd.s32 $0x1100, s16;
	s17 =	sadd.s32 $0x11640, s4  }
0x134: {  	[hbm4b:s15+s3] =	stream.linear.scatter [tilespmem:s17], [sflag:$0x5], $0x80, $0x38;
	[tilespmem:$0x19E90] =	vst v63  }
0x135: {  	p0 =	sne.s32 s16, $0x7700;
	s16 =	sadd.s32 $0x116C8, s4;
	s17 =	sadd.s32 $0x10, s15  }
0x136: {  	[hbm4b:s17+s3] =	stream.linear.scatter [tilespmem:s16], [sflag:$0x5], $0x80, $0x38;
	[tilespmem:$0x19E90] =	vst v63  }
0x137: {  	s16 =	sadd.s32 $0x11750, s4;
	s17 =	sadd.s32 $0x20, s15  }
0x138: {  	[hbm4b:s17+s3] =	stream.linear.scatter [tilespmem:s16], [sflag:$0x5], $0x80, $0x38;
	[tilespmem:$0x19E90] =	vst v63  }
0x139: {  	s16 =	sadd.s32 $0x117D8, s4;
	s17 =	sadd.s32 $0x30, s15  }
0x13a: {  	[hbm4b:s17+s3] =	stream.linear.scatter [tilespmem:s16], [sflag:$0x5], $0x80, $0x38;
	[tilespmem:$0x19E90] =	vst v63  }
0x13b: {  	s16 =	sadd.s32 $0x11860, s4;
	s17 =	sadd.s32 $0x40, s15  }
0x13c: {  	[hbm4b:s17+s3] =	stream.linear.scatter [tilespmem:s16], [sflag:$0x5], $0x80, $0x38;
	[tilespmem:$0x19E90] =	vst v63  }
0x13d: {  	s16 =	sadd.s32 $0x118E8, s4;
	s17 =	sadd.s32 $0x50, s15  }
0x13e: {  	[hbm4b:s17+s3] =	stream.linear.scatter [tilespmem:s16], [sflag:$0x5], $0x80, $0x38;
	[tilespmem:$0x19E90] =	vst v63  }
.Ltmp3:
0x13f: {  	_ = 	snop;
	(pc) =	sbr.rel @p0 .LBB2_5-.Ltmp3, $4  }
0x140: {  	s16 =	sadd.s32 $0x11970, s4;
	s17 =	sadd.s32 $0x60, s15  }
0x141: {  	[hbm4b:s17+s3] =	stream.linear.scatter [tilespmem:s16], [sflag:$0x5], $0x80, $0x38;
	[tilespmem:$0x19E90] =	vst v63  }
0x142: {  	s17 =	sadd.s32 $0x119F8, s4  }
0x143: {  	s4 =	sadd.s32 $0x70, s15;
	s15 =	sadd.s32 $0x1000, s15;
	s16 =	smov.u32 s6  }
0x144: {  	[hbm4b:s4+s3] =	stream.linear.scatter [tilespmem:s17], [sflag:$0x5], $0x80, $0x38;
	[tilespmem:$0x19E90] =	vst v63  }
0x145: {  	s16 =	sadd.s32 $0x11640, s13  }
0x146: {  	[hbm4b:s15+s3] =	stream.linear.scatter [tilespmem:s16], [sflag:$0x5], $0x80, $0x38;
	[tilespmem:$0x19E90] =	vst v63  }
0x147: {  	s17 =	sadd.s32 $0x116C8, s13;
	s6 =	sadd.s32 $0x10, s15  }
0x148: {  	[hbm4b:s6+s3] =	stream.linear.scatter [tilespmem:s17], [sflag:$0x5], $0x80, $0x38;
	[tilespmem:$0x19E90] =	vst v63  }
0x149: {  	s8 =	sadd.s32 $0x20, s15;
	s6 =	sadd.s32 $0x11750, s13  }
0x14a: {  	[hbm4b:s8+s3] =	stream.linear.scatter [tilespmem:s6], [sflag:$0x5], $0x80, $0x38;
	[tilespmem:$0x19E90] =	vst v63  }
0x14b: {  	p0 =	seq.s32 s0, $0x31;
	s16 =	sadd.s32 $0x117D8, s13;
	s17 =	sadd.s32 $0x30, s15  }
0x14c: {  	[hbm4b:s17+s3] =	stream.linear.scatter [tilespmem:s16], [sflag:$0x5], $0x80, $0x38;
	[tilespmem:$0x19E90] =	vst v63  }
0x14d: {  	s4 =	sshll.u32 @!p0 s0, $0x9;
	s6 =	sadd.s32 $0x11860, s13;
	s8 =	sadd.s32 $0x40, s15  }
0x14e: {  	[hbm4b:s8+s3] =	stream.linear.scatter [tilespmem:s6], [sflag:$0x5], $0x80, $0x38;
	[tilespmem:$0x19E90] =	vst v63  }
0x14f: {  	p1 =	seq.s32 @!p0 s0, $0x0;
	s16 =	sadd.s32 $0x118E8, s13;
	s17 =	sadd.s32 $0x50, s15  }
0x150: {  	[hbm4b:s17+s3] =	stream.linear.scatter [tilespmem:s16], [sflag:$0x5], $0x80, $0x38;
	[tilespmem:$0x19E90] =	vst v63  }
0x151: {  	p1 =	por p0, !p1;
	s6 =	sadd.s32 $0x11970, s13;
	s8 =	sadd.s32 $0x60, s15  }
0x152: {  	[hbm4b:s8+s3] =	stream.linear.scatter [tilespmem:s6], [sflag:$0x5], $0x80, $0x38;
	[tilespmem:$0x19E90] =	vst v63  }
0x153: {  	s16 =	sadd.s32 $0x119F8, s13;
	s17 =	sadd.s32 $0x70, s15;
	s13 =	sand.u32 @!p0 $0x3FFFFE00, s4  }
0x154: {  	[hbm4b:s17+s3] =	stream.linear.scatter [tilespmem:s16], [sflag:$0x5], $0x80, $0x38;
	[tilespmem:$0x19E90] =	vst v63  }
0x155: {  	s15 =	simm.s32 @!p0 $0x9640;
	s4 =	sadd.s32 @!p0 $0x200, s13;
	s6 =	simm.s32 @!p0 $0x80  }
0x156: {  	[tilespmem:s15], [sflag:$0x1] =	stream.indirect.gather @!p0 [hbm4b:s5+s6], $0x40, s4, s6, $0xb8;
	[tilespmem:$0x19E90] =	vst v63  }
0x157: {  	_ =	swait.ge @p1 [sflag:s29], $0x2000  }
0x158: {  	[sflag:s29] =	ssyncset.done @p1 $0x0  }
0x159: {  	s15 =	sor.u32 $0x2, s10;
	[sflag:s29] =	ssyncadd.s32 @p1 $0xFFFFE000  }
0x15a: {  	s8 =	sshll.u32 s15, $0x6;
	_ =	swait.ge [sflag:s21], $0x2000  }
0x15b: {  	v9 =	vlaneseq.u32;
	s16 =	sor.u32 $0x10, s8;
	[sflag:s21] =	ssyncset.done $0x0  }
0x15c: {  	v4 =	vor.u32 s16, v9;
	s16 =	sshll.u32 s14, $0x7;
	[sflag:s21] =	ssyncadd.s32 $0xFFFFE000  }
0x15d: {  	v8 =	vmov s16;
	v0 =	vld [tilespmem:$0x19E40]  }
0x15e: {  	v23 =	vor.u32 $0x1, v8;
	[tilespmem:$0x1FB10] =	vst v8;
	v3 =	vld [tilespmem:$0x19E80]  }
0x15f: {  	v28 =	vor.u32 $0x2, v8;
	[tilespmem:$0x1FAB0] =	vst v23;
	v1 =	vld [tilespmem:$0x19E50]  }
0x160: {  	v29 =	vor.u32 $0x3, v8;
	[tilespmem:$0x1FAC0] =	vst v28;
	v2 =	vld [tilespmem:$0x19E60]  }
0x161: {  	v30 =	vor.u32 $0x4, v8;
	[tilespmem:$0x1FAD0] =	vst v29;
	v5 =	vld [tilespmem:$0x19E70]  }
0x162: {  	v31 =	vor.u32 $0x5, v8;
	[tilespmem:$0x1FAE0] =	vst v30  }
0x163: {  	v32 =	vor.u32 $0x6, v8;
	[tilespmem:$0x1FAF0] =	vst v31;
	v0 =	vmul.u32 $0x440, v0;
	v3 =	vmul.u32 $0x88, v3  }
0x164: {  	v33 =	vor.u32 $0x7, v8;
	[tilespmem:$0x1FB00] =	vst v32;
	v1 =	vmul.u32 $0x440, v1  }
0x165: {  	[tilespmem:$0x1FB20] =	vst v33;
	v2 =	vmul.u32 $0x440, v2;
	v8 =	vadd.s32 v0, v3  }
0x166: {  	v5 =	vmul.u32 $0x440, v5;
	v1 =	vadd.s32 v1, v3;
	[tilespmem:$0x1FCB0] =	vst v8  }
0x167: {  	v2 =	vadd.s32 v2, v3;
	[tilespmem:$0x1FCD0] =	vst v1  }
0x168: {  	v3 =	vadd.s32 v5, v3;
	[tilespmem:$0x1FCF0] =	vst v2  }
0x169: {  	v0 =	vor.u32 $0x1, v8;
	[tilespmem:$0x1FD10] =	vst v3  }
0x16a: {  	v34 =	vor.u32 $0x1, v1;
	[tilespmem:$0x1FB30] =	vst v0  }
0x16b: {  	v35 =	vor.u32 $0x1, v2;
	[tilespmem:$0x1FB40] =	vst v34  }
0x16c: {  	v37 =	vor.u32 $0x1, v3;
	[tilespmem:$0x1FB50] =	vst v35  }
0x16d: {  	v38 =	vor.u32 $0x2, v8;
	[tilespmem:$0x1FB60] =	vst v37  }
0x16e: {  	v39 =	vor.u32 $0x2, v1;
	[tilespmem:$0x1FB70] =	vst v38  }
0x16f: {  	v40 =	vor.u32 $0x2, v2;
	[tilespmem:$0x1FB80] =	vst v39  }
0x170: {  	v41 =	vor.u32 $0x2, v3;
	[tilespmem:$0x1FB90] =	vst v40  }
0x171: {  	v42 =	vor.u32 $0x3, v8;
	[tilespmem:$0x1FBA0] =	vst v41  }
0x172: {  	v43 =	vor.u32 $0x3, v1;
	[tilespmem:$0x1FBB0] =	vst v42  }
0x173: {  	v45 =	vor.u32 $0x3, v2;
	[tilespmem:$0x1FBC0] =	vst v43  }
0x174: {  	v46 =	vor.u32 $0x3, v3;
	[tilespmem:$0x1FBD0] =	vst v45  }
0x175: {  	v47 =	vor.u32 $0x4, v8;
	[tilespmem:$0x1FBE0] =	vst v46  }
0x176: {  	v49 =	vor.u32 $0x4, v1;
	[tilespmem:$0x1FBF0] =	vst v47  }
0x177: {  	v50 =	vor.u32 $0x4, v2;
	[tilespmem:$0x1FC00] =	vst v49  }
0x178: {  	v51 =	vor.u32 $0x4, v3;
	[tilespmem:$0x1FC10] =	vst v50  }
0x179: {  	v52 =	vor.u32 $0x5, v8;
	[tilespmem:$0x1FC20] =	vst v51  }
0x17a: {  	v53 =	vor.u32 $0x5, v1;
	[tilespmem:$0x1FC30] =	vst v52  }
0x17b: {  	v54 =	vor.u32 $0x5, v2;
	[tilespmem:$0x1FC40] =	vst v53  }
0x17c: {  	v55 =	vor.u32 $0x5, v3;
	[tilespmem:$0x1FC50] =	vst v54  }
0x17d: {  	s17 =	sor.u32 $0x20, s8;
	v36 =	vor.u32 s8, v9;
	v56 =	vor.u32 $0x6, v8;
	[tilespmem:$0x1FC60] =	vst v55  }
0x17e: {  	s4 =	sor.u32 $0x30, s8;
	v44 =	vor.u32 s17, v9;
	v57 =	vor.u32 $0x6, v1;
	[tilespmem:$0x1FC70] =	vst v56  }
0x17f: {  	v48 =	vor.u32 s4, v9;
	v58 =	vor.u32 $0x6, v2;
	[tilespmem:$0x1FC80] =	vst v57  }
0x180: {  	v59 =	vor.u32 $0x6, v3;
	[tilespmem:$0x1FC90] =	vst v58  }
0x181: {  	v60 =	vor.u32 $0x7, v8;
	[tilespmem:$0x1FCA0] =	vst v59  }
0x182: {  	v36 =	vld.idx.msk [tilespmem:v36+s12+$0x0], $0xffff;
	v61 =	vor.u32 $0x7, v1;
	[tilespmem:$0x1FCC0] =	vst v60  }
0x183: {  	v44 =	vld.idx.msk [tilespmem:v44+s12+$0x0], $0xffff;
	v62 =	vor.u32 $0x7, v2;
	[tilespmem:$0x1FCE0] =	vst v61  }
0x184: {  	v48 =	vld.idx.msk [tilespmem:v48+s12+$0x0], $0xffff;
	v63 =	vor.u32 $0x7, v3;
	[tilespmem:$0x1FD00] =	vst v62  }
0x185: {  	s17 =	simm.s32 $0xB840;
	s16 =	simm.s32 $0xF;
	v40 =	vld.idx.msk [tilespmem:v4+s12+$0x0], $0xffff;
	[tilespmem:$0x1FD20] =	vst v63  }
.LBB2_7:
0x186: {  	s4 =	sadd.s32 $0xFFFFFFF1, s16  }
0x187: {  	v7 =	vld [tilespmem:$0x1FCB0];
	v0 =	vmov s4  }
0x188: {  	v0 =	vshrl.u32 v0, $0x3  }
0x189: {  	v0 =	vshll.u32 v0, v6  }
0x18a: {  	v0 =	vbroadcast v0, $0x0;
	_ =	sdelay $0x1  }
0x18b: {  	v19 =	vadd.s32 v7, v0;
	v7 =	vld [tilespmem:$0x1FCD0]  }
0x18c: {  	v16 =	vld [tilespmem:$0x1FB10]  }
0x18d: {  	v23 =	vld [tilespmem:$0x1FAB0]  }
0x18e: {  	v27 =	vld [tilespmem:$0x1FAC0]  }
0x18f: {  	v43 =	vld [tilespmem:$0x1FAD0]  }
0x190: {  	v34 =	vadd.s32 v7, v0;
	v7 =	vld [tilespmem:$0x1FCF0]  }
0x191: {  	v54 =	vld [tilespmem:s17+$0xFFFFFE00]  }
0x192: {  	v55 =	vld [tilespmem:s17+$0xFFFFFE10]  }
0x193: {  	s8 =	sadd.s32 $0xFFFFFFF2, s16;
	v56 =	vld [tilespmem:s17+$0xFFFFFE20]  }
0x194: {  	v57 =	vld [tilespmem:s17+$0xFFFFFE30];
	v1 =	vmov s8  }
0x195: {  	v1 =	vshrl.u32 v1, $0x3;
	v37 =	vadd.s32 v7, v0;
	v7 =	vld [tilespmem:$0x1FD10]  }
0x196: {  	v58 =	vld [tilespmem:s17+$0xFFFFFE40];
	v1 =	vshll.u32 v1, v6  }
0x197: {  	v49 =	vld [tilespmem:s17+$0xFFFFFE70];
	s8 =	sadd.s32 $0xFFFFFFF4, s16;
	v1 =	vbroadcast v1, $0x0  }
0x198: {  	v63 =	vld [tilespmem:s17+$0xFFFFFE80];
	v3 =	vmov s8;
	v4 =	vor.u32 v16, v0  }
0x199: {  	v50 =	vld [tilespmem:s17+$0xFFFFFE90];
	v3 =	vshrl.u32 v3, $0x3;
	v5 =	vadd.s32 v23, v1  }
0x19a: {  	s6 =	sadd.s32 $0xFFFFFFF3, s16;
	v3 =	vshll.u32 v3, v6;
	v0 =	vadd.s32 v7, v0;
	v7 =	vld [tilespmem:$0x1FB30]  }
0x19b: {  	v13 =	vld [tilespmem:s17+$0xFFFFFEA0];
	v2 =	vmov s6;
	v3 =	vbroadcast v3, $0x0  }
0x19c: {  	v20 =	vld [tilespmem:s17+$0xFFFFFEB0];
	v2 =	vshrl.u32 v2, $0x3  }
0x19d: {  	v2 =	vshll.u32 v2, v6;
	v53 =	vadd.s32 v43, v3;
	v4 =	vld.idx.msk [tilespmem:v4+s3+$0x0], $0xffff  }
0x19e: {  	v2 =	vbroadcast v2, $0x0;
	v5 =	vld.idx.msk [tilespmem:v5+s3+$0x0], $0xffff  }
0x19f: {  	v39 =	vadd.s32 v7, v1;
	v7 =	vld [tilespmem:$0x1FB40]  }
0x1a0: {  	v21 =	vld [tilespmem:s17+$0xFFFFFEC0];
	v52 =	vadd.s32 v27, v2  }
0x1a1: {  	v28 =	vld [tilespmem:s17+$0xFFFFFED0]  }
0x1a2: {  	v53 =	vld.idx.msk [tilespmem:v53+s3+$0x0], $0xffff;
	vm0 =	vgt.s32 v4, $0x0  }
0x1a3: {  	v4 =	vld [tilespmem:s17+$0xFFFFFE50];
	vm13 =	vgt.s32 v5, $0x0;
	v59 =	vsel vm0, $0x3F800000, v26  }
0x1a4: {  	v60 =	vsel vm13, $0x3F800000, v26;
	v61 =	vmul.f32 v59, v36;
	v41 =	vadd.s32 v7, v1;
	v7 =	vld [tilespmem:$0x1FB50]  }
0x1a5: {  	v52 =	vld.idx.msk [tilespmem:v52+s3+$0x0], $0xffff;
	v9 =	vmul.f32 v59, v40;
	v11 =	vmul.f32 v60, v36  }
0x1a6: {  	v5 =	vld [tilespmem:s17+$0xFFFFFE60];
	v10 =	vmul.f32 v59, v44;
	v14 =	vmul.f32 v60, v40;
	v54 =	vadd.f32 v54, v61  }
0x1a7: {  	v59 =	vmul.f32 v59, v48;
	v9 =	vadd.f32 v55, v9;
	v11 =	vadd.f32 v58, v11;
	v58 =	vld [tilespmem:s17+$0xFFFFFEE0]  }
0x1a8: {  	vm15 =	vgt.s32 v53, $0x0;
	v10 =	vadd.f32 v56, v10;
	v4 =	vadd.f32 v4, v14;
	v14 =	vld [tilespmem:s17+$0xFFFFFEF0];
	[tilespmem:v19+s22+$0x0] =	vst.idx.msk $0xffff, v54  }
0x1a9: {  	v12 =	vsel vm15, $0x3F800000, v26;
	v57 =	vadd.f32 v57, v59;
	[tilespmem:v34+s22+$0x0] =	vst.idx.msk $0xffff, v9;
	v42 =	vadd.s32 v7, v1;
	v7 =	vld [tilespmem:$0x1FB60]  }
0x1aa: {  	v33 =	vld [tilespmem:$0x1FB70];
	v35 =	vmul.f32 v12, v36;
	[tilespmem:v37+s22+$0x0] =	vst.idx.msk $0xffff, v10  }
0x1ab: {  	v34 =	vld [tilespmem:$0x1FB80];
	[tilespmem:v0+s22+$0x0] =	vst.idx.msk $0xffff, v57  }
0x1ac: {  	vm14 =	vgt.s32 v52, $0x0;
	v38 =	vmul.f32 v12, v40;
	v21 =	vadd.f32 v21, v35;
	v35 =	vld [tilespmem:$0x1FB90];
	[tilespmem:v39+s22+$0x0] =	vst.idx.msk $0xffff, v11  }
0x1ad: {  	v62 =	vsel vm14, $0x3F800000, v26;
	v15 =	vmul.f32 v60, v44;
	v60 =	vmul.f32 v60, v48;
	[tilespmem:v41+s22+$0x0] =	vst.idx.msk $0xffff, v4;
	v4 =	vld [tilespmem:$0x1FBA0]  }
0x1ae: {  	v22 =	vmul.f32 v62, v36;
	v45 =	vadd.f32 v28, v38;
	v38 =	vld [tilespmem:$0x1FBB0];
	v1 =	vadd.s32 v7, v1  }
0x1af: {  	v46 =	vadd.s32 v33, v2;
	v29 =	vmul.f32 v62, v40;
	v30 =	vmul.f32 v62, v44;
	v39 =	vld [tilespmem:$0x1FBC0]  }
0x1b0: {  	v31 =	vadd.f32 v49, v60;
	v5 =	vadd.f32 v5, v15;
	v47 =	vadd.s32 v34, v2;
	v41 =	vld [tilespmem:$0x1FBD0]  }
0x1b1: {  	s6 =	sadd.s32 $0xFFFFFFF5, s16;
	v22 =	vadd.f32 v63, v22;
	v53 =	vadd.f32 v50, v29;
	v55 =	vld [tilespmem:$0x1FBE0];
	v49 =	vadd.s32 v35, v2  }
0x1b2: {  	v13 =	vadd.f32 v13, v30;
	v50 =	vmov s6;
	v30 =	vld [tilespmem:$0x1FAE0];
	v2 =	vadd.s32 v4, v2;
	[tilespmem:v42+s22+$0x0] =	vst.idx.msk $0xffff, v5  }
0x1b3: {  	v62 =	vmul.f32 v62, v48;
	v54 =	vshrl.u32 v50, $0x3;
	v4 =	vadd.s32 v38, v3;
	[tilespmem:v1+s22+$0x0] =	vst.idx.msk $0xffff, v31  }
0x1b4: {  	v56 =	vshll.u32 v54, v6;
	v5 =	vadd.s32 v39, v3;
	[tilespmem:v46+s22+$0x0] =	vst.idx.msk $0xffff, v22  }
0x1b5: {  	v20 =	vadd.f32 v20, v62;
	v0 =	vbroadcast v56, $0x0;
	v51 =	vadd.s32 v41, v3;
	[tilespmem:v47+s22+$0x0] =	vst.idx.msk $0xffff, v53  }
0x1b6: {  	v63 =	vmul.f32 v12, v44;
	v1 =	vadd.s32 v55, v3;
	[tilespmem:v49+s22+$0x0] =	vst.idx.msk $0xffff, v13  }
0x1b7: {  	v12 =	vmul.f32 v12, v48;
	v29 =	vld [tilespmem:$0x1FB20];
	v19 =	vadd.s32 v30, v0;
	[tilespmem:v2+s22+$0x0] =	vst.idx.msk $0xffff, v20  }
0x1b8: {  	v28 =	vld [tilespmem:$0x1FB00];
	v20 =	vadd.f32 v58, v63;
	[tilespmem:v4+s22+$0x0] =	vst.idx.msk $0xffff, v21  }
0x1b9: {  	s8 =	sadd.s32 $0xFFFFFFF6, s16;
	v12 =	vadd.f32 v14, v12;
	v31 =	vld [tilespmem:$0x1FAF0];
	[tilespmem:v5+s22+$0x0] =	vst.idx.msk $0xffff, v45  }
0x1ba: {  	v57 =	vmov s8;
	v46 =	vld [tilespmem:$0x1FC00];
	[tilespmem:v51+s22+$0x0] =	vst.idx.msk $0xffff, v20  }
0x1bb: {  	s6 =	sadd.s32 $0xFFFFFFF7, s16;
	v59 =	vshrl.u32 v57, $0x3;
	v45 =	vld [tilespmem:$0x1FBF0];
	[tilespmem:v1+s22+$0x0] =	vst.idx.msk $0xffff, v12  }
0x1bc: {  	v60 =	vmov s6;
	v3 =	vshll.u32 v59, v6;
	v1 =	vld.idx.msk [tilespmem:v19+s3+$0x0], $0xffff  }
0x1bd: {  	v61 =	vshrl.u32 v60, $0x3;
	s8 =	sadd.s32 $0xFFFFFFF8, s16;
	v3 =	vbroadcast v3, $0x0;
	v37 =	vld [tilespmem:s17+$0xFFFFFF00]  }
0x1be: {  	v62 =	vmov s8;
	v11 =	vshll.u32 v61, v6;
	v10 =	vld [tilespmem:s17+$0xFFFFFF10]  }
0x1bf: {  	v18 =	vshrl.u32 v62, $0x3;
	v11 =	vbroadcast v11, $0x0;
	v4 =	vadd.s32 v31, v3;
	v12 =	vld [tilespmem:s17+$0xFFFFFF20]  }
0x1c0: {  	v13 =	vshll.u32 v18, v6;
	v42 =	vld [tilespmem:s17+$0xFFFFFF30]  }
0x1c1: {  	v13 =	vbroadcast v13, $0x0;
	v5 =	vadd.s32 v28, v11;
	v15 =	vld [tilespmem:s17+$0xFFFFFF40]  }
0x1c2: {  	v2 =	vld [tilespmem:s17+$0xFFFFFF60]  }
0x1c3: {  	v22 =	vadd.s32 v29, v13;
	v53 =	vld [tilespmem:s17+$0xFFFFFF80]  }
0x1c4: {  	v32 =	vld.idx.msk [tilespmem:v4+s3+$0x0], $0xffff  }
0x1c5: {  	v58 =	vld [tilespmem:s17+$0xFFFFFFA0]  }
0x1c6: {  	v4 =	vld.idx.msk [tilespmem:v5+s3+$0x0], $0xffff  }
0x1c7: {  	v61 =	vld [tilespmem:s17+$0xFFFFFFB0]  }
0x1c8: {  	v5 =	vld.idx.msk [tilespmem:v22+s3+$0x0], $0xffff  }
0x1c9: {  	v62 =	vld [tilespmem:s17+$0xFFFFFFC0];
	vm4 =	vgt.s32 v1, $0x0;
	vm5 =	vgt.s32 v32, $0x0  }
0x1ca: {  	v54 =	vld [tilespmem:s17+$0xFFFFFFD0];
	v47 =	vsel vm4, $0x3F800000, v26;
	v49 =	vsel vm5, $0x3F800000, v26  }
0x1cb: {  	v1 =	vld [tilespmem:s17+$0xFFFFFF50];
	vm6 =	vgt.s32 v4, $0x0;
	v19 =	vmul.f32 v49, v36;
	v59 =	vmul.f32 v49, v40  }
0x1cc: {  	v4 =	vld [tilespmem:s17+$0xFFFFFF70];
	v32 =	vmul.f32 v49, v44;
	v21 =	vmul.f32 v49, v48;
	v49 =	vadd.s32 v45, v0  }
0x1cd: {  	v50 =	vmul.f32 v47, v36;
	vm7 =	vgt.s32 v5, $0x0;
	v5 =	vld [tilespmem:s17+$0xFFFFFF90];
	v20 =	vmul.f32 v47, v48  }
0x1ce: {  	v51 =	vmul.f32 v47, v40;
	v17 =	vmul.f32 v47, v44;
	v47 =	vld [tilespmem:$0x1FC10]  }
0x1cf: {  	v52 =	vsel vm6, $0x3F800000, v26;
	v9 =	vadd.f32 v37, v50;
	v14 =	vadd.f32 v42, v20;
	v20 =	vld [tilespmem:s17+$0xFFFFFFE0]  }
0x1d0: {  	v50 =	vmul.f32 v52, v36;
	v1 =	vadd.f32 v1, v59;
	v59 =	vld [tilespmem:s17+$0xFFFFFFF0]  }
0x1d1: {  	[tilespmem:v49+s22+$0x0] =	vst.idx.msk $0xffff, v9;
	v49 =	vld [tilespmem:$0x1FC20]  }
0x1d2: {  	v53 =	vadd.f32 v53, v50;
	v50 =	vld [tilespmem:$0x1FC30]  }
0x1d3: {  	v10 =	vadd.f32 v10, v51;
	v51 =	vld [tilespmem:$0x1FC40]  }
0x1d4: {  	v12 =	vadd.f32 v12, v17;
	v17 =	vadd.s32 v46, v0  }
0x1d5: {  	v37 =	vmul.f32 v52, v40;
	v15 =	vadd.f32 v15, v19;
	v19 =	vadd.s32 v47, v0  }
0x1d6: {  	v42 =	vmul.f32 v52, v44;
	v0 =	vadd.s32 v49, v0  }
0x1d7: {  	v57 =	vsel vm7, $0x3F800000, v26;
	v5 =	vadd.f32 v5, v37;
	v37 =	vadd.s32 v50, v3  }
0x1d8: {  	v8 =	vld [tilespmem:$0x1FC50];
	v18 =	vmul.f32 v57, v36;
	v56 =	vadd.f32 v58, v42;
	v42 =	vadd.s32 v51, v3  }
0x1d9: {  	v7 =	vld [tilespmem:$0x1FC60];
	v2 =	vadd.f32 v2, v32;
	v32 =	vmul.f32 v57, v40;
	[tilespmem:v17+s22+$0x0] =	vst.idx.msk $0xffff, v10  }
0x1da: {  	v4 =	vadd.f32 v4, v21;
	v21 =	vadd.f32 v62, v18;
	v18 =	vld [tilespmem:$0x1FC70];
	[tilespmem:v19+s22+$0x0] =	vst.idx.msk $0xffff, v12  }
0x1db: {  	v52 =	vmul.f32 v52, v48;
	v9 =	vadd.f32 v54, v32;
	v32 =	vld [tilespmem:$0x1FC80];
	[tilespmem:v0+s22+$0x0] =	vst.idx.msk $0xffff, v14  }
0x1dc: {  	[tilespmem:v37+s22+$0x0] =	vst.idx.msk $0xffff, v15;
	v37 =	vld [tilespmem:$0x1FC90]  }
0x1dd: {  	v52 =	vadd.f32 v61, v52;
	v61 =	vadd.s32 v8, v3;
	[tilespmem:v42+s22+$0x0] =	vst.idx.msk $0xffff, v1;
	v42 =	vld [tilespmem:$0x1FCA0]  }
0x1de: {  	v17 =	vld [tilespmem:$0x1FCC0];
	v3 =	vadd.s32 v7, v3  }
0x1df: {  	v19 =	vld [tilespmem:$0x1FCE0];
	v0 =	vadd.s32 v18, v11  }
0x1e0: {  	v25 =	vld [tilespmem:$0x1FD00];
	v54 =	vadd.s32 v32, v11  }
0x1e1: {  	v24 =	vld [tilespmem:$0x1FD20];
	s6 =	sadd.s32 $0xFFFFFFF9, s16;
	v14 =	vadd.s32 v37, v11  }
0x1e2: {  	v60 =	vmov s6;
	[tilespmem:v61+s22+$0x0] =	vst.idx.msk $0xffff, v2;
	v55 =	vadd.s32 v42, v11  }
0x1e3: {  	v58 =	vadd.s32 v17, v13;
	v15 =	vshrl.u32 v60, $0x3;
	[tilespmem:v3+s22+$0x0] =	vst.idx.msk $0xffff, v4  }
0x1e4: {  	v61 =	vadd.s32 v19, v13;
	v4 =	vshll.u32 v15, v6;
	[tilespmem:v0+s22+$0x0] =	vst.idx.msk $0xffff, v53  }
0x1e5: {  	s8 =	sadd.s32 $0xFFFFFFFA, s16;
	v62 =	vadd.s32 v25, v13;
	v0 =	vbroadcast v4, $0x0;
	[tilespmem:v54+s22+$0x0] =	vst.idx.msk $0xffff, v5  }
0x1e6: {  	v22 =	vmov s8;
	v63 =	vmul.f32 v57, v44;
	v3 =	vadd.s32 v24, v13;
	[tilespmem:v14+s22+$0x0] =	vst.idx.msk $0xffff, v56  }
0x1e7: {  	v57 =	vmul.f32 v57, v48;
	v4 =	vshrl.u32 v22, $0x3;
	[tilespmem:v55+s22+$0x0] =	vst.idx.msk $0xffff, v52;
	v55 =	vadd.s32 v16, v0  }
0x1e8: {  	v4 =	vshll.u32 v4, v6;
	v56 =	vadd.f32 v20, v63;
	[tilespmem:v58+s22+$0x0] =	vst.idx.msk $0xffff, v21  }
0x1e9: {  	v60 =	vadd.f32 v59, v57;
	v4 =	vbroadcast v4, $0x0;
	[tilespmem:v61+s22+$0x0] =	vst.idx.msk $0xffff, v9  }
0x1ea: {  	[tilespmem:v62+s22+$0x0] =	vst.idx.msk $0xffff, v56  }
0x1eb: {  	s6 =	sadd.s32 $0xFFFFFFFB, s16;
	v58 =	vadd.s32 v23, v4;
	v23 =	vld [tilespmem:$0x1FCB0];
	[tilespmem:v3+s22+$0x0] =	vst.idx.msk $0xffff, v60  }
0x1ec: {  	v53 =	vmov s6;
	v1 =	vld.idx.msk [tilespmem:v55+s3+$0x0], $0xffff  }
0x1ed: {  	s8 =	sadd.s32 $0xFFFFFFFC, s16;
	v5 =	vshrl.u32 v53, $0x3;
	v10 =	vld [tilespmem:s17+$0x0]  }
0x1ee: {  	v54 =	vmov s8;
	v5 =	vshll.u32 v5, v6;
	v11 =	vld [tilespmem:s17+$0x10]  }
0x1ef: {  	v12 =	vshrl.u32 v54, $0x3;
	v5 =	vbroadcast v5, $0x0;
	v13 =	vld [tilespmem:s17+$0x20]  }
0x1f0: {  	v12 =	vshll.u32 v12, v6;
	v14 =	vld [tilespmem:s17+$0x30]  }
0x1f1: {  	v12 =	vbroadcast v12, $0x0;
	v61 =	vadd.s32 v27, v5;
	v15 =	vld [tilespmem:s17+$0x40]  }
0x1f2: {  	v53 =	vld [tilespmem:s17+$0x80]  }
0x1f3: {  	v62 =	vadd.s32 v43, v12;
	v3 =	vld.idx.msk [tilespmem:v58+s3+$0x0], $0xffff  }
0x1f4: {  	v58 =	vld [tilespmem:s17+$0xA0]  }
0x1f5: {  	v22 =	vadd.s32 v23, v0;
	v23 =	vld [tilespmem:$0x1FCF0]  }
0x1f6: {  	v2 =	vld.idx.msk [tilespmem:v61+s3+$0x0], $0xffff  }
0x1f7: {  	v61 =	vld [tilespmem:s17+$0xB0]  }
0x1f8: {  	v9 =	vld.idx.msk [tilespmem:v62+s3+$0x0], $0xffff  }
0x1f9: {  	v62 =	vld [tilespmem:s17+$0xC0];
	vm8 =	vgt.s32 v1, $0x0  }
0x1fa: {  	v1 =	vld [tilespmem:s17+$0x50];
	v63 =	vsel vm8, $0x3F800000, v26  }
0x1fb: {  	vm9 =	vgt.s32 v3, $0x0;
	vm10 =	vgt.s32 v2, $0x0;
	v2 =	vld [tilespmem:s17+$0x70];
	v16 =	vmul.f32 v63, v36  }
0x1fc: {  	v3 =	vld [tilespmem:s17+$0x60];
	v43 =	vsel vm9, $0x3F800000, v26;
	v54 =	vmul.f32 v63, v40;
	v55 =	vmul.f32 v63, v44  }
0x1fd: {  	v20 =	vmul.f32 v63, v48;
	v52 =	vsel vm10, $0x3F800000, v26;
	vm11 =	vgt.s32 v9, $0x0;
	v9 =	vld [tilespmem:s17+$0x90]  }
0x1fe: {  	v56 =	vmul.f32 v43, v36;
	v21 =	vmul.f32 v43, v48;
	v11 =	vadd.f32 v11, v54;
	v54 =	vld [tilespmem:s17+$0xD0]  }
0x1ff: {  	v59 =	vmul.f32 v43, v40;
	v60 =	vmul.f32 v43, v44;
	v14 =	vadd.f32 v14, v20;
	v20 =	vld [tilespmem:s17+$0xE0]  }
0x200: {  	v10 =	vadd.f32 v10, v16;
	v43 =	vmul.f32 v52, v36;
	v2 =	vadd.f32 v2, v21;
	v21 =	vld [tilespmem:$0x1FCD0]  }
0x201: {  	v13 =	vadd.f32 v13, v55;
	v55 =	vmul.f32 v52, v40;
	v1 =	vadd.f32 v1, v59;
	v59 =	vld [tilespmem:s17+$0xF0]  }
0x202: {  	v15 =	vadd.f32 v15, v56;
	v53 =	vadd.f32 v53, v43;
	v43 =	vld [tilespmem:$0x1FD10]  }
0x203: {  	v56 =	vmul.f32 v52, v44;
	v52 =	vmul.f32 v52, v48;
	v9 =	vadd.f32 v9, v55;
	v55 =	vld [tilespmem:$0x1FB30]  }
0x204: {  	[tilespmem:v22+s22+$0x0] =	vst.idx.msk $0xffff, v10;
	v10 =	vadd.s32 v23, v0;
	v23 =	vld [tilespmem:$0x1FB40]  }
0x205: {  	v52 =	vadd.f32 v61, v52;
	v61 =	vld [tilespmem:$0x1FB50];
	v21 =	vadd.s32 v21, v0  }
0x206: {  	v16 =	vld [tilespmem:$0x1FB60]  }
0x207: {  	v0 =	vadd.s32 v43, v0  }
0x208: {  	v55 =	vadd.s32 v55, v4  }
0x209: {  	v43 =	vadd.s32 v23, v4;
	v23 =	vadd.s32 v33, v5;
	v33 =	vadd.s32 v34, v5  }
0x20a: {  	v34 =	vadd.s32 v35, v5;
	v35 =	vld [tilespmem:$0x1FBA0];
	[tilespmem:v21+s22+$0x0] =	vst.idx.msk $0xffff, v11;
	v11 =	vadd.s32 v61, v4  }
0x20b: {  	v4 =	vadd.s32 v16, v4;
	[tilespmem:v10+s22+$0x0] =	vst.idx.msk $0xffff, v13  }
0x20c: {  	[tilespmem:v0+s22+$0x0] =	vst.idx.msk $0xffff, v14  }
0x20d: {  	v57 =	vsel vm11, $0x3F800000, v26;
	v3 =	vadd.f32 v3, v60;
	[tilespmem:v55+s22+$0x0] =	vst.idx.msk $0xffff, v15  }
0x20e: {  	s8 =	sadd.s32 $0xFFFFFFFD, s16;
	v63 =	vmul.f32 v57, v44;
	v60 =	vmul.f32 v57, v36;
	v55 =	vld [tilespmem:$0x1FBE0];
	[tilespmem:v43+s22+$0x0] =	vst.idx.msk $0xffff, v1  }
0x20f: {  	v1 =	vadd.s32 v35, v5;
	v5 =	vadd.s32 v38, v12;
	v38 =	vmov s8;
	[tilespmem:v11+s22+$0x0] =	vst.idx.msk $0xffff, v3  }
0x210: {  	v22 =	vmul.f32 v57, v40;
	v56 =	vadd.f32 v58, v56;
	v15 =	vshrl.u32 v38, $0x3;
	[tilespmem:v4+s22+$0x0] =	vst.idx.msk $0xffff, v2  }
0x211: {  	v43 =	vadd.s32 v39, v12;
	v4 =	vshll.u32 v15, v6;
	[tilespmem:v23+s22+$0x0] =	vst.idx.msk $0xffff, v53  }
0x212: {  	v10 =	vadd.f32 v54, v22;
	v54 =	vadd.s32 v41, v12;
	v0 =	vbroadcast v4, $0x0;
	[tilespmem:v33+s22+$0x0] =	vst.idx.msk $0xffff, v9  }
0x213: {  	v21 =	vadd.f32 v62, v60;
	v2 =	vadd.s32 v55, v12;
	[tilespmem:v34+s22+$0x0] =	vst.idx.msk $0xffff, v56  }
0x214: {  	s6 =	sadd.s32 $0xFFFFFFFE, s16;
	v57 =	vmul.f32 v57, v48;
	v16 =	vadd.s32 v30, v0;
	[tilespmem:v1+s22+$0x0] =	vst.idx.msk $0xffff, v52  }
0x215: {  	v58 =	vmov s6;
	v22 =	vadd.f32 v20, v63;
	[tilespmem:v5+s22+$0x0] =	vst.idx.msk $0xffff, v21  }
0x216: {  	v4 =	vshrl.u32 v58, $0x3;
	v23 =	vadd.f32 v59, v57;
	[tilespmem:v43+s22+$0x0] =	vst.idx.msk $0xffff, v10  }
0x217: {  	v4 =	vshll.u32 v4, v6;
	[tilespmem:v54+s22+$0x0] =	vst.idx.msk $0xffff, v22  }
0x218: {  	v4 =	vbroadcast v4, $0x0;
	[tilespmem:v2+s22+$0x0] =	vst.idx.msk $0xffff, v23  }
0x219: {  	v1 =	vld.idx.msk [tilespmem:v16+s3+$0x0], $0xffff  }
0x21a: {  	v5 =	vadd.s32 v31, v4;
	v31 =	vld [tilespmem:s17+$0x100]  }
0x21b: {  	v11 =	vld [tilespmem:s17+$0x110]  }
0x21c: {  	s8 =	sadd.s32 $0xFFFFFFFF, s16;
	v13 =	vld [tilespmem:s17+$0x120]  }
0x21d: {  	v60 =	vmov s8;
	v14 =	vld [tilespmem:s17+$0x130]  }
0x21e: {  	v61 =	vshrl.u32 v60, $0x3;
	v33 =	vld [tilespmem:s17+$0x140]  }
0x21f: {  	v9 =	vshll.u32 v61, v6;
	v16 =	vld [tilespmem:s17+$0x150]  }
0x220: {  	v62 =	vmov s16;
	v9 =	vbroadcast v9, $0x0;
	v21 =	vld [tilespmem:s17+$0x160]  }
0x221: {  	v12 =	vshrl.u32 v62, $0x3;
	v22 =	vld [tilespmem:s17+$0x170]  }
0x222: {  	v12 =	vshll.u32 v12, v6;
	v28 =	vadd.s32 v28, v9;
	v52 =	vld [tilespmem:s17+$0x180]  }
0x223: {  	v12 =	vbroadcast v12, $0x0;
	v2 =	vld.idx.msk [tilespmem:v5+s3+$0x0], $0xffff  }
0x224: {  	v35 =	vadd.s32 v45, v0;
	v39 =	vadd.s32 v46, v0;
	v61 =	vadd.s32 v50, v4;
	v53 =	vld [tilespmem:s17+$0x190]  }
0x225: {  	v30 =	vadd.s32 v29, v12;
	v43 =	vadd.s32 v47, v0;
	v0 =	vadd.s32 v49, v0;
	v55 =	vld [tilespmem:s17+$0x1B0]  }
0x226: {  	v58 =	vadd.s32 v25, v12;
	v54 =	vadd.s32 v19, v12;
	v57 =	vld [tilespmem:s17+$0x1C0];
	vm12 =	vgt.s32 v1, $0x0  }
0x227: {  	v3 =	vld.idx.msk [tilespmem:v28+s3+$0x0], $0xffff;
	v28 =	vadd.s32 v51, v4;
	v51 =	vadd.s32 v42, v9;
	v34 =	vsel vm12, $0x3F800000, v26  }
0x228: {  	v60 =	vld [tilespmem:s17+$0x1D0];
	vm13 =	vgt.s32 v2, $0x0;
	v38 =	vmul.f32 v34, v36;
	v41 =	vmul.f32 v34, v40  }
0x229: {  	v62 =	vld [tilespmem:s17+$0x1E0];
	v45 =	vmul.f32 v34, v44;
	v46 =	vmul.f32 v34, v48;
	v49 =	vsel vm13, $0x3F800000, v26  }
0x22a: {  	v63 =	vld [tilespmem:s17+$0x1F0];
	v23 =	vmul.f32 v49, v36;
	v29 =	vmul.f32 v49, v40;
	v10 =	vadd.f32 v31, v38  }
0x22b: {  	v5 =	vld.idx.msk [tilespmem:v30+s3+$0x0], $0xffff;
	v30 =	vmul.f32 v49, v44;
	v11 =	vadd.f32 v11, v41;
	v47 =	vadd.f32 v13, v45  }
0x22c: {  	v1 =	vld [tilespmem:s17+$0x1A0];
	v2 =	vadd.f32 v14, v46;
	v13 =	vmul.f32 v49, v48;
	[tilespmem:v35+s22+$0x0] =	vst.idx.msk $0xffff, v10  }
0x22d: {  	vm14 =	vgt.s32 v3, $0x0;
	v31 =	vadd.f32 v33, v23;
	v33 =	vadd.s32 v8, v4;
	[tilespmem:v39+s22+$0x0] =	vst.idx.msk $0xffff, v11  }
0x22e: {  	v38 =	vsel vm14, $0x3F800000, v26;
	v34 =	vadd.f32 v16, v29;
	v4 =	vadd.s32 v7, v4;
	[tilespmem:v43+s22+$0x0] =	vst.idx.msk $0xffff, v47  }
0x22f: {  	v41 =	vmul.f32 v38, v36;
	v39 =	vadd.s32 v18, v9;
	[tilespmem:v0+s22+$0x0] =	vst.idx.msk $0xffff, v2  }
0x230: {  	v35 =	vadd.f32 v21, v30;
	v43 =	vadd.s32 v32, v9;
	[tilespmem:v61+s22+$0x0] =	vst.idx.msk $0xffff, v31  }
0x231: {  	v45 =	vmul.f32 v38, v40;
	v13 =	vadd.f32 v22, v13;
	[tilespmem:v28+s22+$0x0] =	vst.idx.msk $0xffff, v34  }
0x232: {  	v46 =	vadd.s32 v37, v9;
	v47 =	vadd.f32 v52, v41;
	[tilespmem:v33+s22+$0x0] =	vst.idx.msk $0xffff, v35  }
0x233: {  	vm15 =	vgt.s32 v5, $0x0;
	v49 =	vmul.f32 v38, v44;
	[tilespmem:v4+s22+$0x0] =	vst.idx.msk $0xffff, v13;
	v4 =	vadd.f32 v53, v45  }
0x234: {  	v5 =	vmul.f32 v38, v48;
	v52 =	vsel vm15, $0x3F800000, v26;
	v53 =	vadd.s32 v17, v12;
	[tilespmem:v39+s22+$0x0] =	vst.idx.msk $0xffff, v47  }
0x235: {  	v50 =	vadd.f32 v1, v49;
	[tilespmem:v43+s22+$0x0] =	vst.idx.msk $0xffff, v4;
	v4 =	vmul.f32 v52, v36  }
0x236: {  	v5 =	vadd.f32 v55, v5;
	v56 =	vmul.f32 v52, v40;
	v59 =	vmul.f32 v52, v44  }
0x237: {  	p2 =	sne.s32 s16, $0x7F;
	v12 =	vadd.s32 v24, v12;
	[tilespmem:v46+s22+$0x0] =	vst.idx.msk $0xffff, v50;
	v4 =	vadd.f32 v57, v4  }
.Ltmp4:
0x238: {  	v2 =	vmul.f32 v52, v48;
	v61 =	vadd.f32 v60, v56;
	[tilespmem:v51+s22+$0x0] =	vst.idx.msk $0xffff, v5;
	(pc) =	sbr.rel @p2 .LBB2_7-.Ltmp4, $4  }
0x239: {  	v62 =	vadd.f32 v62, v59;
	[tilespmem:v53+s22+$0x0] =	vst.idx.msk $0xffff, v4  }
0x23a: {  	v63 =	vadd.f32 v63, v2;
	[tilespmem:v54+s22+$0x0] =	vst.idx.msk $0xffff, v61  }
0x23b: {  	[tilespmem:v58+s22+$0x0] =	vst.idx.msk $0xffff, v62  }
0x23c: {  	s16 =	sadd.s32 $0x10, s16;
	s17 =	sadd.s32 $0x400, s17;
	[tilespmem:v12+s22+$0x0] =	vst.idx.msk $0xffff, v63  }
0x23d: {  	s4 =	sshll.u32 s14, $0x12  }
0x23e: {  	s4 =	sor.u32 s7, s4  }
0x23f: {  	s4 =	sshrl.u32 s4, $0x3  }
0x240: {  	s6 =	simm.s32 $0x13840;
	s16 =	sadd.s32 s2, s4  }
0x241: {  	[hbm4b:s16+s3] =	stream.linear.scatter [tilespmem:s6], [sflag:$0x6], $0x80, $0x38;
	[tilespmem:$0x19E90] =	vst v63  }
0x242: {  	s8 =	simm.s32 $0x138C8;
	s6 =	sadd.s32 $0x10, s16  }
0x243: {  	[hbm4b:s6+s3] =	stream.linear.scatter [tilespmem:s8], [sflag:$0x6], $0x80, $0x38;
	[tilespmem:$0x19E90] =	vst v63  }
0x244: {  	s14 =	simm.s32 $0x13950;
	s17 =	sadd.s32 $0x20, s16  }
0x245: {  	[hbm4b:s17+s3] =	stream.linear.scatter [tilespmem:s14], [sflag:$0x6], $0x80, $0x38;
	[tilespmem:$0x19E90] =	vst v63  }
0x246: {  	s6 =	simm.s32 $0x139D8;
	s8 =	sadd.s32 $0x30, s16  }
0x247: {  	[hbm4b:s8+s3] =	stream.linear.scatter [tilespmem:s6], [sflag:$0x6], $0x80, $0x38;
	[tilespmem:$0x19E90] =	vst v63  }
0x248: {  	s14 =	simm.s32 $0x13A60;
	s17 =	sadd.s32 $0x40, s16  }
0x249: {  	[hbm4b:s17+s3] =	stream.linear.scatter [tilespmem:s14], [sflag:$0x6], $0x80, $0x38;
	[tilespmem:$0x19E90] =	vst v63  }
0x24a: {  	s4 =	simm.s32 $0x13BF8;
	s6 =	simm.s32 $0x13AE8;
	s8 =	sadd.s32 $0x50, s16  }
0x24b: {  	[hbm4b:s8+s3] =	stream.linear.scatter [tilespmem:s6], [sflag:$0x6], $0x80, $0x38;
	[tilespmem:$0x19E90] =	vst v63  }
0x24c: {  	s14 =	simm.s32 $0x13B70;
	s17 =	sadd.s32 $0x60, s16;
	s6 =	sadd.s32 $0x70, s16  }
0x24d: {  	[hbm4b:s17+s3] =	stream.linear.scatter [tilespmem:s14], [sflag:$0x6], $0x80, $0x38;
	[tilespmem:$0x19E90] =	vst v63  }
0x24e: {  	s16 =	sadd.s32 $0x1000, s16;
	s14 =	simm.s32 $0x440;
	s17 =	simm.s32 $0x2200  }
.LBB2_9:
0x24f: {  	[hbm4b:s6+s3] =	stream.linear.scatter [tilespmem:s4], [sflag:$0x6], $0x80, $0x38;
	[tilespmem:$0x19E90] =	vst v63  }
0x250: {  	s4 =	smov.u32 s14;
	s6 =	smov.u32 s17  }
0x251: {  	s8 =	sadd.s32 $0x1100, s17;
	s14 =	sshra.s32 s6, $0x2;
	s6 =	sadd.s32 $0x13840, s4  }
0x252: {  	[hbm4b:s16+s3] =	stream.linear.scatter [tilespmem:s6], [sflag:$0x6], $0x80, $0x38;
	[tilespmem:$0x19E90] =	vst v63  }
0x253: {  	p2 =	sne.s32 s17, $0x7700;
	s17 =	sadd.s32 $0x10, s16;
	s6 =	sadd.s32 $0x138C8, s4  }
0x254: {  	[hbm4b:s17+s3] =	stream.linear.scatter [tilespmem:s6], [sflag:$0x6], $0x80, $0x38;
	[tilespmem:$0x19E90] =	vst v63  }
0x255: {  	s6 =	sadd.s32 $0x13950, s4;
	s17 =	sadd.s32 $0x20, s16  }
0x256: {  	[hbm4b:s17+s3] =	stream.linear.scatter [tilespmem:s6], [sflag:$0x6], $0x80, $0x38;
	[tilespmem:$0x19E90] =	vst v63  }
0x257: {  	s6 =	sadd.s32 $0x139D8, s4;
	s17 =	sadd.s32 $0x30, s16  }
0x258: {  	[hbm4b:s17+s3] =	stream.linear.scatter [tilespmem:s6], [sflag:$0x6], $0x80, $0x38;
	[tilespmem:$0x19E90] =	vst v63  }
0x259: {  	s6 =	sadd.s32 $0x13A60, s4;
	s17 =	sadd.s32 $0x40, s16  }
0x25a: {  	[hbm4b:s17+s3] =	stream.linear.scatter [tilespmem:s6], [sflag:$0x6], $0x80, $0x38;
	[tilespmem:$0x19E90] =	vst v63  }
.Ltmp5:
0x25b: {  	s6 =	sadd.s32 $0x13AE8, s4;
	s17 =	sadd.s32 $0x50, s16;
	(pc) =	sbr.rel @p2 .LBB2_9-.Ltmp5, $4  }
0x25c: {  	[hbm4b:s17+s3] =	stream.linear.scatter [tilespmem:s6], [sflag:$0x6], $0x80, $0x38;
	[tilespmem:$0x19E90] =	vst v63  }
0x25d: {  	s6 =	sadd.s32 $0x13B70, s4;
	s17 =	sadd.s32 $0x60, s16;
	s4 =	sadd.s32 $0x13BF8, s4  }
0x25e: {  	[hbm4b:s17+s3] =	stream.linear.scatter [tilespmem:s6], [sflag:$0x6], $0x80, $0x38;
	[tilespmem:$0x19E90] =	vst v63  }
0x25f: {  	s6 =	sadd.s32 $0x70, s16;
	s16 =	sadd.s32 $0x1000, s16;
	s17 =	smov.u32 s8  }
0x260: {  	[hbm4b:s6+s3] =	stream.linear.scatter [tilespmem:s4], [sflag:$0x6], $0x80, $0x38;
	[tilespmem:$0x19E90] =	vst v63  }
0x261: {  	s6 =	sadd.s32 $0x13840, s14  }
0x262: {  	[hbm4b:s16+s3] =	stream.linear.scatter [tilespmem:s6], [sflag:$0x6], $0x80, $0x38;
	[tilespmem:$0x19E90] =	vst v63  }
0x263: {  	s8 =	sadd.s32 $0x138C8, s14;
	s17 =	sadd.s32 $0x10, s16  }
0x264: {  	[hbm4b:s17+s3] =	stream.linear.scatter [tilespmem:s8], [sflag:$0x6], $0x80, $0x38;
	[tilespmem:$0x19E90] =	vst v63  }
0x265: {  	s8 =	sadd.s32 $0x13950, s14;
	s17 =	sadd.s32 $0x20, s16  }
0x266: {  	[hbm4b:s17+s3] =	stream.linear.scatter [tilespmem:s8], [sflag:$0x6], $0x80, $0x38;
	[tilespmem:$0x19E90] =	vst v63  }
0x267: {  	s8 =	sadd.s32 $0x139D8, s14;
	s17 =	sadd.s32 $0x30, s16  }
0x268: {  	[hbm4b:s17+s3] =	stream.linear.scatter [tilespmem:s8], [sflag:$0x6], $0x80, $0x38;
	[tilespmem:$0x19E90] =	vst v63  }
0x269: {  	s8 =	sadd.s32 $0x13A60, s14;
	s17 =	sadd.s32 $0x40, s16  }
0x26a: {  	[hbm4b:s17+s3] =	stream.linear.scatter [tilespmem:s8], [sflag:$0x6], $0x80, $0x38;
	[tilespmem:$0x19E90] =	vst v63  }
0x26b: {  	s8 =	sadd.s32 $0x13AE8, s14;
	s17 =	sadd.s32 $0x50, s16  }
0x26c: {  	[hbm4b:s17+s3] =	stream.linear.scatter [tilespmem:s8], [sflag:$0x6], $0x80, $0x38;
	[tilespmem:$0x19E90] =	vst v63  }
0x26d: {  	s6 =	sadd.s32 $0x13B70, s14;
	s8 =	sadd.s32 $0x60, s16  }
0x26e: {  	[hbm4b:s8+s3] =	stream.linear.scatter [tilespmem:s6], [sflag:$0x6], $0x80, $0x38;
	[tilespmem:$0x19E90] =	vst v63  }
0x26f: {  	s14 =	sadd.s32 $0x13BF8, s14;
	s17 =	sadd.s32 $0x70, s16  }
0x270: {  	[hbm4b:s17+s3] =	stream.linear.scatter [tilespmem:s14], [sflag:$0x6], $0x80, $0x38;
	[tilespmem:$0x19E90] =	vst v63  }
0x271: {  	s4 =	sadd.s32 @!p0 $0x280, s13;
	s6 =	simm.s32 @!p0 $0x80;
	s8 =	simm.s32 @!p0 $0xB640  }
0x272: {  	[tilespmem:s8], [sflag:$0x2] =	stream.indirect.gather @!p0 [hbm4b:s5+s6], $0x40, s4, s6, $0xb8;
	[tilespmem:$0x19E90] =	vst v63  }
0x273: {  	_ =	swait.ge @p1 [sflag:s30], $0x2000  }
0x274: {  	[sflag:s30] =	ssyncset.done @p1 $0x0  }
0x275: {  	[sflag:s30] =	ssyncadd.s32 @p1 $0xFFFFE000  }
0x276: {  	_ =	swait.ge [sflag:s23], $0x2000  }
0x277: {  	s17 =	sshll.u32 s15, $0x7;
	[sflag:s23] =	ssyncset.done $0x0  }
0x278: {  	v8 =	vmov s17;
	[sflag:s23] =	ssyncadd.s32 $0xFFFFE000  }
0x279: {  	v23 =	vor.u32 $0x1, v8;
	v0 =	vld [tilespmem:$0x19E40]  }
0x27a: {  	v28 =	vor.u32 $0x2, v8;
	[tilespmem:$0x1F830] =	vst v23;
	v3 =	vld [tilespmem:$0x19E80]  }
0x27b: {  	v29 =	vor.u32 $0x3, v8;
	[tilespmem:$0x1F840] =	vst v28;
	v1 =	vld [tilespmem:$0x19E50]  }
0x27c: {  	v30 =	vor.u32 $0x4, v8;
	[tilespmem:$0x1F850] =	vst v29;
	v2 =	vld [tilespmem:$0x19E60]  }
0x27d: {  	v31 =	vor.u32 $0x5, v8;
	[tilespmem:$0x1F860] =	vst v30;
	v5 =	vld [tilespmem:$0x19E70]  }
0x27e: {  	v32 =	vor.u32 $0x6, v8;
	[tilespmem:$0x1F870] =	vst v31  }
0x27f: {  	[tilespmem:$0x1F880] =	vst v32;
	v0 =	vmul.u32 $0x440, v0;
	v3 =	vmul.u32 $0x88, v3  }
0x280: {  	v33 =	vor.u32 $0x7, v8;
	[tilespmem:$0x1F890] =	vst v8;
	v1 =	vmul.u32 $0x440, v1  }
0x281: {  	[tilespmem:$0x1F8A0] =	vst v33;
	v2 =	vmul.u32 $0x440, v2;
	v8 =	vadd.s32 v0, v3  }
0x282: {  	v5 =	vmul.u32 $0x440, v5;
	v1 =	vadd.s32 v1, v3;
	[tilespmem:$0x1FA30] =	vst v8  }
0x283: {  	v2 =	vadd.s32 v2, v3;
	[tilespmem:$0x1FA50] =	vst v1  }
0x284: {  	v3 =	vadd.s32 v5, v3;
	[tilespmem:$0x1FA70] =	vst v2  }
0x285: {  	v0 =	vor.u32 $0x1, v8;
	[tilespmem:$0x1FA90] =	vst v3  }
0x286: {  	v34 =	vor.u32 $0x1, v1;
	[tilespmem:$0x1F8B0] =	vst v0  }
0x287: {  	v35 =	vor.u32 $0x1, v2;
	[tilespmem:$0x1F8C0] =	vst v34  }
0x288: {  	v37 =	vor.u32 $0x1, v3;
	[tilespmem:$0x1F8D0] =	vst v35  }
0x289: {  	v38 =	vor.u32 $0x2, v8;
	[tilespmem:$0x1F8E0] =	vst v37  }
0x28a: {  	v39 =	vor.u32 $0x2, v1;
	[tilespmem:$0x1F8F0] =	vst v38  }
0x28b: {  	v40 =	vor.u32 $0x2, v2;
	[tilespmem:$0x1F900] =	vst v39  }
0x28c: {  	v41 =	vor.u32 $0x2, v3;
	[tilespmem:$0x1F910] =	vst v40  }
0x28d: {  	v42 =	vor.u32 $0x3, v8;
	[tilespmem:$0x1F920] =	vst v41  }
0x28e: {  	v43 =	vor.u32 $0x3, v1;
	[tilespmem:$0x1F930] =	vst v42  }
0x28f: {  	v45 =	vor.u32 $0x3, v2;
	[tilespmem:$0x1F940] =	vst v43  }
0x290: {  	v46 =	vor.u32 $0x3, v3;
	[tilespmem:$0x1F950] =	vst v45  }
0x291: {  	v47 =	vor.u32 $0x4, v8;
	[tilespmem:$0x1F960] =	vst v46  }
0x292: {  	v49 =	vor.u32 $0x4, v1;
	[tilespmem:$0x1F970] =	vst v47  }
0x293: {  	v50 =	vor.u32 $0x4, v2;
	[tilespmem:$0x1F980] =	vst v49  }
0x294: {  	v51 =	vor.u32 $0x4, v3;
	[tilespmem:$0x1F990] =	vst v50  }
0x295: {  	v52 =	vor.u32 $0x5, v8;
	[tilespmem:$0x1F9A0] =	vst v51  }
0x296: {  	v53 =	vor.u32 $0x5, v1;
	[tilespmem:$0x1F9B0] =	vst v52  }
0x297: {  	s10 =	sor.u32 $0x3, s10;
	v54 =	vor.u32 $0x5, v2;
	[tilespmem:$0x1F9C0] =	vst v53  }
0x298: {  	v9 =	vlaneseq.u32;
	s8 =	sshll.u32 s10, $0x6;
	v55 =	vor.u32 $0x5, v3;
	[tilespmem:$0x1F9D0] =	vst v54  }
0x299: {  	s16 =	sor.u32 $0x20, s8;
	v36 =	vor.u32 s8, v9;
	v56 =	vor.u32 $0x6, v8;
	[tilespmem:$0x1F9E0] =	vst v55  }
0x29a: {  	s4 =	sor.u32 $0x30, s8;
	v44 =	vor.u32 s16, v9;
	v57 =	vor.u32 $0x6, v1;
	[tilespmem:$0x1F9F0] =	vst v56  }
0x29b: {  	s14 =	sor.u32 $0x10, s8;
	v48 =	vor.u32 s4, v9;
	v58 =	vor.u32 $0x6, v2;
	[tilespmem:$0x1FA00] =	vst v57  }
0x29c: {  	v4 =	vor.u32 s14, v9;
	v59 =	vor.u32 $0x6, v3;
	[tilespmem:$0x1FA10] =	vst v58  }
0x29d: {  	v60 =	vor.u32 $0x7, v8;
	[tilespmem:$0x1FA20] =	vst v59  }
0x29e: {  	v36 =	vld.idx.msk [tilespmem:v36+s12+$0x0], $0xffff;
	v61 =	vor.u32 $0x7, v1;
	[tilespmem:$0x1FA40] =	vst v60  }
0x29f: {  	v44 =	vld.idx.msk [tilespmem:v44+s12+$0x0], $0xffff;
	v62 =	vor.u32 $0x7, v2;
	[tilespmem:$0x1FA60] =	vst v61  }
0x2a0: {  	v48 =	vld.idx.msk [tilespmem:v48+s12+$0x0], $0xffff;
	v63 =	vor.u32 $0x7, v3;
	[tilespmem:$0x1FA80] =	vst v62  }
0x2a1: {  	s14 =	simm.s32 $0xF;
	s16 =	simm.s32 $0xD840;
	v40 =	vld.idx.msk [tilespmem:v4+s12+$0x0], $0xffff;
	[tilespmem:$0x1FAA0] =	vst v63  }
.LBB2_11:
0x2a2: {  	s4 =	sadd.s32 $0xFFFFFFF1, s14  }
0x2a3: {  	v7 =	vld [tilespmem:$0x1FA30];
	v0 =	vmov s4  }
0x2a4: {  	v0 =	vshrl.u32 v0, $0x3  }
0x2a5: {  	v0 =	vshll.u32 v0, v6  }
0x2a6: {  	v0 =	vbroadcast v0, $0x0;
	_ =	sdelay $0x1  }
0x2a7: {  	v49 =	vadd.s32 v7, v0;
	v7 =	vld [tilespmem:$0x1FA50]  }
0x2a8: {  	v16 =	vld [tilespmem:$0x1F890]  }
0x2a9: {  	v23 =	vld [tilespmem:$0x1F830]  }
0x2aa: {  	v27 =	vld [tilespmem:$0x1F840]  }
0x2ab: {  	v30 =	vld [tilespmem:$0x1F850]  }
0x2ac: {  	v35 =	vadd.s32 v7, v0;
	v7 =	vld [tilespmem:$0x1FA70]  }
0x2ad: {  	v54 =	vld [tilespmem:s16+$0xFFFFFE00]  }
0x2ae: {  	s8 =	sadd.s32 $0xFFFFFFF2, s14;
	v55 =	vld [tilespmem:s16+$0xFFFFFE10]  }
0x2af: {  	v56 =	vld [tilespmem:s16+$0xFFFFFE20];
	v1 =	vmov s8  }
0x2b0: {  	v57 =	vld [tilespmem:s16+$0xFFFFFE30];
	v1 =	vshrl.u32 v1, $0x3  }
0x2b1: {  	v1 =	vshll.u32 v1, v6;
	v38 =	vadd.s32 v7, v0;
	v7 =	vld [tilespmem:$0x1FA90]  }
0x2b2: {  	v58 =	vld [tilespmem:s16+$0xFFFFFE40];
	v1 =	vbroadcast v1, $0x0  }
0x2b3: {  	s17 =	sadd.s32 $0xFFFFFFF4, s14;
	v46 =	vld [tilespmem:s16+$0xFFFFFE70];
	v4 =	vor.u32 v16, v0  }
0x2b4: {  	v63 =	vld [tilespmem:s16+$0xFFFFFE80];
	v3 =	vmov s17;
	v5 =	vadd.s32 v23, v1  }
0x2b5: {  	v47 =	vld [tilespmem:s16+$0xFFFFFE90];
	v3 =	vshrl.u32 v3, $0x3  }
0x2b6: {  	s6 =	sadd.s32 $0xFFFFFFF3, s14;
	v3 =	vshll.u32 v3, v6;
	v0 =	vadd.s32 v7, v0;
	v7 =	vld [tilespmem:$0x1F8B0]  }
0x2b7: {  	v13 =	vld [tilespmem:s16+$0xFFFFFEA0];
	v2 =	vmov s6;
	v3 =	vbroadcast v3, $0x0  }
0x2b8: {  	v2 =	vshrl.u32 v2, $0x3;
	v4 =	vld.idx.msk [tilespmem:v4+s3+$0x0], $0xffff  }
0x2b9: {  	v2 =	vshll.u32 v2, v6;
	v53 =	vadd.s32 v30, v3;
	v5 =	vld.idx.msk [tilespmem:v5+s3+$0x0], $0xffff  }
0x2ba: {  	v20 =	vld [tilespmem:s16+$0xFFFFFEB0];
	v2 =	vbroadcast v2, $0x0  }
0x2bb: {  	v41 =	vadd.s32 v7, v1;
	v7 =	vld [tilespmem:$0x1F8C0]  }
0x2bc: {  	v21 =	vld [tilespmem:s16+$0xFFFFFEC0];
	v52 =	vadd.s32 v27, v2  }
0x2bd: {  	v50 =	vld [tilespmem:s16+$0xFFFFFED0]  }
0x2be: {  	v53 =	vld.idx.msk [tilespmem:v53+s3+$0x0], $0xffff;
	vm0 =	vgt.s32 v4, $0x0;
	vm13 =	vgt.s32 v5, $0x0  }
0x2bf: {  	v4 =	vld [tilespmem:s16+$0xFFFFFE50];
	v59 =	vsel vm0, $0x3F800000, v26;
	v60 =	vsel vm13, $0x3F800000, v26  }
0x2c0: {  	v61 =	vmul.f32 v59, v36;
	v9 =	vmul.f32 v59, v40;
	v42 =	vadd.s32 v7, v1;
	v7 =	vld [tilespmem:$0x1F8D0]  }
0x2c1: {  	v52 =	vld.idx.msk [tilespmem:v52+s3+$0x0], $0xffff;
	v10 =	vmul.f32 v59, v44;
	v11 =	vmul.f32 v60, v36  }
0x2c2: {  	v5 =	vld [tilespmem:s16+$0xFFFFFE60];
	v59 =	vmul.f32 v59, v48;
	v14 =	vmul.f32 v60, v40  }
0x2c3: {  	v15 =	vmul.f32 v60, v44;
	v54 =	vadd.f32 v54, v61;
	v11 =	vadd.f32 v58, v11;
	v58 =	vld [tilespmem:s16+$0xFFFFFEE0]  }
0x2c4: {  	v60 =	vmul.f32 v60, v48;
	v9 =	vadd.f32 v55, v9;
	v4 =	vadd.f32 v4, v14;
	v14 =	vld [tilespmem:s16+$0xFFFFFEF0]  }
0x2c5: {  	vm15 =	vgt.s32 v53, $0x0;
	v10 =	vadd.f32 v56, v10;
	[tilespmem:v49+s24+$0x0] =	vst.idx.msk $0xffff, v54;
	v43 =	vadd.s32 v7, v1;
	v7 =	vld [tilespmem:$0x1F8E0]  }
0x2c6: {  	v12 =	vsel vm15, $0x3F800000, v26;
	v57 =	vadd.f32 v57, v59;
	v31 =	vadd.f32 v46, v60;
	v46 =	vld [tilespmem:$0x1F8F0];
	[tilespmem:v35+s24+$0x0] =	vst.idx.msk $0xffff, v9  }
0x2c7: {  	v34 =	vld [tilespmem:$0x1F900];
	v37 =	vmul.f32 v12, v36;
	[tilespmem:v38+s24+$0x0] =	vst.idx.msk $0xffff, v10  }
0x2c8: {  	vm14 =	vgt.s32 v52, $0x0;
	v35 =	vld [tilespmem:$0x1F910];
	[tilespmem:v0+s24+$0x0] =	vst.idx.msk $0xffff, v57  }
0x2c9: {  	v62 =	vsel vm14, $0x3F800000, v26;
	v39 =	vmul.f32 v12, v40;
	v21 =	vadd.f32 v21, v37;
	v37 =	vld [tilespmem:$0x1F920];
	[tilespmem:v41+s24+$0x0] =	vst.idx.msk $0xffff, v11  }
0x2ca: {  	v28 =	vmul.f32 v62, v40;
	[tilespmem:v42+s24+$0x0] =	vst.idx.msk $0xffff, v4;
	v4 =	vld [tilespmem:$0x1F930];
	v1 =	vadd.s32 v7, v1  }
0x2cb: {  	v22 =	vmul.f32 v62, v36;
	v45 =	vadd.f32 v50, v39;
	v39 =	vld [tilespmem:$0x1F940];
	v0 =	vadd.s32 v46, v2  }
0x2cc: {  	v53 =	vadd.f32 v47, v28;
	v47 =	vadd.s32 v34, v2;
	v5 =	vadd.f32 v5, v15;
	v41 =	vld [tilespmem:$0x1F950]  }
0x2cd: {  	v29 =	vmul.f32 v62, v44;
	v49 =	vadd.s32 v35, v2;
	v42 =	vld [tilespmem:$0x1F960]  }
0x2ce: {  	v22 =	vadd.f32 v63, v22;
	v2 =	vadd.s32 v37, v2;
	[tilespmem:v43+s24+$0x0] =	vst.idx.msk $0xffff, v5  }
0x2cf: {  	v62 =	vmul.f32 v62, v48;
	v4 =	vadd.s32 v4, v3;
	[tilespmem:v1+s24+$0x0] =	vst.idx.msk $0xffff, v31  }
0x2d0: {  	v13 =	vadd.f32 v13, v29;
	v5 =	vadd.s32 v39, v3;
	[tilespmem:v0+s24+$0x0] =	vst.idx.msk $0xffff, v22  }
0x2d1: {  	v20 =	vadd.f32 v20, v62;
	v51 =	vadd.s32 v41, v3;
	[tilespmem:v47+s24+$0x0] =	vst.idx.msk $0xffff, v53  }
0x2d2: {  	v32 =	vld [tilespmem:$0x1F870];
	v63 =	vmul.f32 v12, v44;
	v55 =	vadd.s32 v42, v3;
	[tilespmem:v49+s24+$0x0] =	vst.idx.msk $0xffff, v13  }
0x2d3: {  	v12 =	vmul.f32 v12, v48;
	v28 =	vld [tilespmem:$0x1F880];
	[tilespmem:v2+s24+$0x0] =	vst.idx.msk $0xffff, v20  }
0x2d4: {  	s6 =	sadd.s32 $0xFFFFFFF5, s14;
	v29 =	vld [tilespmem:$0x1F8A0];
	v20 =	vadd.f32 v58, v63;
	[tilespmem:v4+s24+$0x0] =	vst.idx.msk $0xffff, v21  }
0x2d5: {  	s8 =	sadd.s32 $0xFFFFFFF6, s14;
	v50 =	vmov s6;
	v12 =	vadd.f32 v14, v12;
	v31 =	vld [tilespmem:$0x1F860];
	[tilespmem:v5+s24+$0x0] =	vst.idx.msk $0xffff, v45  }
0x2d6: {  	v54 =	vshrl.u32 v50, $0x3;
	v57 =	vmov s8;
	v46 =	vld [tilespmem:$0x1F980];
	[tilespmem:v51+s24+$0x0] =	vst.idx.msk $0xffff, v20  }
0x2d7: {  	s17 =	sadd.s32 $0xFFFFFFF7, s14;
	v56 =	vshll.u32 v54, v6;
	v59 =	vshrl.u32 v57, $0x3;
	v45 =	vld [tilespmem:$0x1F970];
	[tilespmem:v55+s24+$0x0] =	vst.idx.msk $0xffff, v12  }
0x2d8: {  	v60 =	vmov s17;
	v3 =	vshll.u32 v59, v6;
	v0 =	vbroadcast v56, $0x0;
	v38 =	vld [tilespmem:s16+$0xFFFFFF00]  }
0x2d9: {  	v61 =	vshrl.u32 v60, $0x3;
	s8 =	sadd.s32 $0xFFFFFFF8, s14;
	v3 =	vbroadcast v3, $0x0;
	v10 =	vld [tilespmem:s16+$0xFFFFFF10]  }
0x2da: {  	v62 =	vmov s8;
	v11 =	vshll.u32 v61, v6;
	v19 =	vadd.s32 v31, v0;
	v12 =	vld [tilespmem:s16+$0xFFFFFF20]  }
0x2db: {  	v18 =	vshrl.u32 v62, $0x3;
	v11 =	vbroadcast v11, $0x0;
	v4 =	vadd.s32 v32, v3;
	v43 =	vld [tilespmem:s16+$0xFFFFFF30]  }
0x2dc: {  	v13 =	vshll.u32 v18, v6;
	v15 =	vld [tilespmem:s16+$0xFFFFFF40]  }
0x2dd: {  	v13 =	vbroadcast v13, $0x0;
	v5 =	vadd.s32 v28, v11;
	v2 =	vld [tilespmem:s16+$0xFFFFFF60]  }
0x2de: {  	v53 =	vld [tilespmem:s16+$0xFFFFFF80]  }
0x2df: {  	v22 =	vadd.s32 v29, v13;
	v1 =	vld.idx.msk [tilespmem:v19+s3+$0x0], $0xffff  }
0x2e0: {  	v33 =	vld.idx.msk [tilespmem:v4+s3+$0x0], $0xffff  }
0x2e1: {  	v58 =	vld [tilespmem:s16+$0xFFFFFFA0]  }
0x2e2: {  	v4 =	vld.idx.msk [tilespmem:v5+s3+$0x0], $0xffff  }
0x2e3: {  	v61 =	vld [tilespmem:s16+$0xFFFFFFB0]  }
0x2e4: {  	v5 =	vld.idx.msk [tilespmem:v22+s3+$0x0], $0xffff  }
0x2e5: {  	v62 =	vld [tilespmem:s16+$0xFFFFFFC0];
	vm4 =	vgt.s32 v1, $0x0;
	vm5 =	vgt.s32 v33, $0x0  }
0x2e6: {  	v54 =	vld [tilespmem:s16+$0xFFFFFFD0];
	v47 =	vsel vm4, $0x3F800000, v26;
	v49 =	vsel vm5, $0x3F800000, v26  }
0x2e7: {  	v1 =	vld [tilespmem:s16+$0xFFFFFF50];
	vm6 =	vgt.s32 v4, $0x0;
	v19 =	vmul.f32 v49, v36;
	v59 =	vmul.f32 v49, v40  }
0x2e8: {  	v4 =	vld [tilespmem:s16+$0xFFFFFF70];
	v33 =	vmul.f32 v49, v44;
	v21 =	vmul.f32 v49, v48;
	v49 =	vadd.s32 v45, v0  }
0x2e9: {  	vm7 =	vgt.s32 v5, $0x0;
	v5 =	vld [tilespmem:s16+$0xFFFFFF90];
	v50 =	vmul.f32 v47, v36;
	v20 =	vmul.f32 v47, v48  }
0x2ea: {  	v51 =	vmul.f32 v47, v40;
	v17 =	vmul.f32 v47, v44;
	v47 =	vld [tilespmem:$0x1F990]  }
0x2eb: {  	v52 =	vsel vm6, $0x3F800000, v26;
	v9 =	vadd.f32 v38, v50;
	v14 =	vadd.f32 v43, v20;
	v20 =	vld [tilespmem:s16+$0xFFFFFFE0]  }
0x2ec: {  	v50 =	vmul.f32 v52, v36;
	v1 =	vadd.f32 v1, v59;
	v59 =	vld [tilespmem:s16+$0xFFFFFFF0]  }
0x2ed: {  	[tilespmem:v49+s24+$0x0] =	vst.idx.msk $0xffff, v9;
	v49 =	vld [tilespmem:$0x1F9A0]  }
0x2ee: {  	v53 =	vadd.f32 v53, v50;
	v50 =	vld [tilespmem:$0x1F9B0]  }
0x2ef: {  	v10 =	vadd.f32 v10, v51;
	v51 =	vld [tilespmem:$0x1F9C0]  }
0x2f0: {  	v12 =	vadd.f32 v12, v17;
	v17 =	vadd.s32 v46, v0  }
0x2f1: {  	v38 =	vmul.f32 v52, v40;
	v15 =	vadd.f32 v15, v19;
	v19 =	vadd.s32 v47, v0  }
0x2f2: {  	v43 =	vmul.f32 v52, v44;
	v0 =	vadd.s32 v49, v0  }
0x2f3: {  	v5 =	vadd.f32 v5, v38;
	v38 =	vadd.s32 v50, v3  }
0x2f4: {  	v8 =	vld [tilespmem:$0x1F9D0];
	v57 =	vsel vm7, $0x3F800000, v26;
	v56 =	vadd.f32 v58, v43;
	v43 =	vadd.s32 v51, v3  }
0x2f5: {  	v7 =	vld [tilespmem:$0x1F9E0];
	v2 =	vadd.f32 v2, v33;
	v33 =	vmul.f32 v57, v40;
	[tilespmem:v17+s24+$0x0] =	vst.idx.msk $0xffff, v10  }
0x2f6: {  	[tilespmem:v19+s24+$0x0] =	vst.idx.msk $0xffff, v12;
	v19 =	vld [tilespmem:$0x1F9F0]  }
0x2f7: {  	v52 =	vmul.f32 v52, v48;
	v9 =	vadd.f32 v54, v33;
	v33 =	vld [tilespmem:$0x1FA00];
	[tilespmem:v0+s24+$0x0] =	vst.idx.msk $0xffff, v14  }
0x2f8: {  	v18 =	vmul.f32 v57, v36;
	[tilespmem:v38+s24+$0x0] =	vst.idx.msk $0xffff, v15;
	v38 =	vld [tilespmem:$0x1FA10]  }
0x2f9: {  	v52 =	vadd.f32 v61, v52;
	v61 =	vadd.s32 v8, v3;
	[tilespmem:v43+s24+$0x0] =	vst.idx.msk $0xffff, v1;
	v43 =	vld [tilespmem:$0x1FA20]  }
0x2fa: {  	v17 =	vld [tilespmem:$0x1FA40];
	v3 =	vadd.s32 v7, v3  }
0x2fb: {  	v4 =	vadd.f32 v4, v21;
	v21 =	vadd.f32 v62, v18;
	v18 =	vld [tilespmem:$0x1FA60];
	v0 =	vadd.s32 v19, v11  }
0x2fc: {  	v25 =	vld [tilespmem:$0x1FA80];
	v54 =	vadd.s32 v33, v11  }
0x2fd: {  	v24 =	vld [tilespmem:$0x1FAA0];
	s17 =	sadd.s32 $0xFFFFFFF9, s14;
	v14 =	vadd.s32 v38, v11  }
0x2fe: {  	v60 =	vmov s17;
	[tilespmem:v61+s24+$0x0] =	vst.idx.msk $0xffff, v2;
	v55 =	vadd.s32 v43, v11  }
0x2ff: {  	v58 =	vadd.s32 v17, v13;
	v15 =	vshrl.u32 v60, $0x3;
	[tilespmem:v3+s24+$0x0] =	vst.idx.msk $0xffff, v4  }
0x300: {  	v61 =	vadd.s32 v18, v13;
	v4 =	vshll.u32 v15, v6;
	[tilespmem:v0+s24+$0x0] =	vst.idx.msk $0xffff, v53  }
0x301: {  	s6 =	sadd.s32 $0xFFFFFFFA, s14;
	v62 =	vadd.s32 v25, v13;
	v0 =	vbroadcast v4, $0x0;
	[tilespmem:v54+s24+$0x0] =	vst.idx.msk $0xffff, v5  }
0x302: {  	v22 =	vmov s6;
	v63 =	vmul.f32 v57, v44;
	v3 =	vadd.s32 v24, v13;
	[tilespmem:v14+s24+$0x0] =	vst.idx.msk $0xffff, v56  }
0x303: {  	v57 =	vmul.f32 v57, v48;
	v4 =	vshrl.u32 v22, $0x3;
	[tilespmem:v55+s24+$0x0] =	vst.idx.msk $0xffff, v52;
	v55 =	vadd.s32 v16, v0  }
0x304: {  	v4 =	vshll.u32 v4, v6;
	v56 =	vadd.f32 v20, v63;
	[tilespmem:v58+s24+$0x0] =	vst.idx.msk $0xffff, v21  }
0x305: {  	v60 =	vadd.f32 v59, v57;
	v4 =	vbroadcast v4, $0x0;
	[tilespmem:v61+s24+$0x0] =	vst.idx.msk $0xffff, v9  }
0x306: {  	s8 =	sadd.s32 $0xFFFFFFFB, s14;
	[tilespmem:v62+s24+$0x0] =	vst.idx.msk $0xffff, v56  }
0x307: {  	s17 =	sadd.s32 $0xFFFFFFFC, s14;
	v53 =	vmov s8;
	v58 =	vadd.s32 v23, v4;
	v23 =	vld [tilespmem:$0x1FA30];
	[tilespmem:v3+s24+$0x0] =	vst.idx.msk $0xffff, v60  }
0x308: {  	v5 =	vshrl.u32 v53, $0x3;
	v54 =	vmov s17;
	v1 =	vld.idx.msk [tilespmem:v55+s3+$0x0], $0xffff  }
0x309: {  	v5 =	vshll.u32 v5, v6;
	v12 =	vshrl.u32 v54, $0x3;
	v10 =	vld [tilespmem:s16+$0x0]  }
0x30a: {  	v5 =	vbroadcast v5, $0x0;
	v12 =	vshll.u32 v12, v6;
	v11 =	vld [tilespmem:s16+$0x10]  }
0x30b: {  	v12 =	vbroadcast v12, $0x0;
	v13 =	vld [tilespmem:s16+$0x20]  }
0x30c: {  	v61 =	vadd.s32 v27, v5;
	v14 =	vld [tilespmem:s16+$0x30]  }
0x30d: {  	v62 =	vadd.s32 v30, v12;
	v15 =	vld [tilespmem:s16+$0x40]  }
0x30e: {  	v53 =	vld [tilespmem:s16+$0x80]  }
0x30f: {  	v3 =	vld.idx.msk [tilespmem:v58+s3+$0x0], $0xffff  }
0x310: {  	v58 =	vld [tilespmem:s16+$0xA0]  }
0x311: {  	v2 =	vld.idx.msk [tilespmem:v61+s3+$0x0], $0xffff  }
0x312: {  	v9 =	vld.idx.msk [tilespmem:v62+s3+$0x0], $0xffff  }
0x313: {  	v61 =	vld [tilespmem:s16+$0xB0]  }
0x314: {  	v62 =	vld [tilespmem:s16+$0xC0];
	vm8 =	vgt.s32 v1, $0x0  }
0x315: {  	v1 =	vld [tilespmem:s16+$0x50];
	v63 =	vsel vm8, $0x3F800000, v26;
	vm9 =	vgt.s32 v3, $0x0  }
0x316: {  	v3 =	vld [tilespmem:s16+$0x60];
	v30 =	vsel vm9, $0x3F800000, v26;
	vm10 =	vgt.s32 v2, $0x0;
	v54 =	vmul.f32 v63, v40  }
0x317: {  	v2 =	vld [tilespmem:s16+$0x70];
	vm11 =	vgt.s32 v9, $0x0;
	v56 =	vmul.f32 v30, v36;
	v59 =	vmul.f32 v30, v40  }
0x318: {  	v9 =	vld [tilespmem:s16+$0x90];
	v60 =	vmul.f32 v30, v44;
	v21 =	vmul.f32 v30, v48;
	v30 =	vadd.s32 v23, v0  }
0x319: {  	v16 =	vmul.f32 v63, v36;
	v20 =	vmul.f32 v63, v48;
	v23 =	vld [tilespmem:$0x1FA50]  }
0x31a: {  	v11 =	vadd.f32 v11, v54;
	v54 =	vld [tilespmem:s16+$0xD0]  }
0x31b: {  	v52 =	vsel vm10, $0x3F800000, v26;
	v10 =	vadd.f32 v10, v16;
	v14 =	vadd.f32 v14, v20;
	v20 =	vld [tilespmem:s16+$0xE0]  }
0x31c: {  	v55 =	vmul.f32 v63, v44;
	v63 =	vmul.f32 v52, v36;
	v1 =	vadd.f32 v1, v59;
	v59 =	vld [tilespmem:s16+$0xF0]  }
0x31d: {  	[tilespmem:v30+s24+$0x0] =	vst.idx.msk $0xffff, v10;
	v30 =	vld [tilespmem:$0x1FA70]  }
0x31e: {  	v53 =	vadd.f32 v53, v63;
	v63 =	vld [tilespmem:$0x1FA90]  }
0x31f: {  	v2 =	vadd.f32 v2, v21;
	v21 =	vadd.s32 v23, v0;
	v23 =	vld [tilespmem:$0x1F8B0]  }
0x320: {  	v15 =	vadd.f32 v15, v56;
	v56 =	vmul.f32 v52, v44  }
0x321: {  	v13 =	vadd.f32 v13, v55;
	v55 =	vmul.f32 v52, v40;
	v16 =	vld [tilespmem:$0x1F8E0];
	v52 =	vmul.f32 v52, v48  }
0x322: {  	v56 =	vadd.f32 v58, v56;
	v58 =	vld [tilespmem:$0x1F8C0];
	v10 =	vadd.s32 v30, v0  }
0x323: {  	v52 =	vadd.f32 v61, v52;
	v61 =	vld [tilespmem:$0x1F8D0];
	v0 =	vadd.s32 v63, v0  }
0x324: {  	v30 =	vadd.s32 v23, v4;
	v23 =	vld [tilespmem:$0x1F8F0];
	_ =	sdelay $0x1  }
0x325: {  	[tilespmem:v21+s24+$0x0] =	vst.idx.msk $0xffff, v11  }
0x326: {  	[tilespmem:v10+s24+$0x0] =	vst.idx.msk $0xffff, v13  }
0x327: {  	v58 =	vadd.s32 v58, v4;
	v11 =	vadd.s32 v61, v4;
	[tilespmem:v0+s24+$0x0] =	vst.idx.msk $0xffff, v14  }
0x328: {  	v4 =	vadd.s32 v16, v4;
	v0 =	vadd.s32 v23, v5;
	[tilespmem:v30+s24+$0x0] =	vst.idx.msk $0xffff, v15  }
0x329: {  	v30 =	vadd.s32 v34, v5;
	v34 =	vadd.s32 v35, v5;
	v35 =	vadd.s32 v37, v5;
	v5 =	vld [tilespmem:$0x1F930]  }
0x32a: {  	v57 =	vsel vm11, $0x3F800000, v26  }
0x32b: {  	v3 =	vadd.f32 v3, v60;
	v60 =	vmul.f32 v57, v36  }
0x32c: {  	s6 =	sadd.s32 $0xFFFFFFFD, s14;
	v39 =	vadd.s32 v39, v12;
	v22 =	vmul.f32 v57, v40;
	[tilespmem:v58+s24+$0x0] =	vst.idx.msk $0xffff, v1  }
0x32d: {  	s17 =	sadd.s32 $0xFFFFFFFF, s14;
	v9 =	vadd.f32 v9, v55;
	v21 =	vadd.f32 v62, v60;
	v37 =	vmov s6;
	[tilespmem:v11+s24+$0x0] =	vst.idx.msk $0xffff, v3  }
0x32e: {  	v60 =	vmov s17;
	v15 =	vshrl.u32 v37, $0x3;
	[tilespmem:v4+s24+$0x0] =	vst.idx.msk $0xffff, v2;
	v5 =	vadd.s32 v5, v12  }
0x32f: {  	v61 =	vshrl.u32 v60, $0x3;
	v10 =	vadd.f32 v54, v22;
	v4 =	vshll.u32 v15, v6;
	[tilespmem:v0+s24+$0x0] =	vst.idx.msk $0xffff, v53  }
0x330: {  	v54 =	vadd.s32 v41, v12;
	v0 =	vbroadcast v4, $0x0;
	[tilespmem:v30+s24+$0x0] =	vst.idx.msk $0xffff, v9;
	v9 =	vshll.u32 v61, v6  }
0x331: {  	v55 =	vadd.s32 v42, v12;
	v63 =	vmul.f32 v57, v44;
	[tilespmem:v34+s24+$0x0] =	vst.idx.msk $0xffff, v56;
	v9 =	vbroadcast v9, $0x0  }
0x332: {  	v57 =	vmul.f32 v57, v48;
	v16 =	vadd.s32 v31, v0;
	[tilespmem:v35+s24+$0x0] =	vst.idx.msk $0xffff, v52  }
0x333: {  	v22 =	vadd.f32 v20, v63;
	v28 =	vadd.s32 v28, v9;
	[tilespmem:v5+s24+$0x0] =	vst.idx.msk $0xffff, v21  }
0x334: {  	v23 =	vadd.f32 v59, v57;
	[tilespmem:v39+s24+$0x0] =	vst.idx.msk $0xffff, v10  }
0x335: {  	[tilespmem:v54+s24+$0x0] =	vst.idx.msk $0xffff, v22  }
0x336: {  	s8 =	sadd.s32 $0xFFFFFFFE, s14;
	[tilespmem:v55+s24+$0x0] =	vst.idx.msk $0xffff, v23  }
0x337: {  	v58 =	vmov s8;
	v1 =	vld.idx.msk [tilespmem:v16+s3+$0x0], $0xffff  }
0x338: {  	v4 =	vshrl.u32 v58, $0x3;
	v3 =	vld.idx.msk [tilespmem:v28+s3+$0x0], $0xffff  }
0x339: {  	v4 =	vshll.u32 v4, v6;
	v31 =	vld [tilespmem:s16+$0x100]  }
0x33a: {  	v4 =	vbroadcast v4, $0x0;
	v11 =	vld [tilespmem:s16+$0x110]  }
0x33b: {  	v13 =	vld [tilespmem:s16+$0x120]  }
0x33c: {  	v5 =	vadd.s32 v32, v4;
	v14 =	vld [tilespmem:s16+$0x130]  }
0x33d: {  	v32 =	vld [tilespmem:s16+$0x140]  }
0x33e: {  	v62 =	vmov s14;
	v16 =	vld [tilespmem:s16+$0x150]  }
0x33f: {  	v12 =	vshrl.u32 v62, $0x3;
	v21 =	vld [tilespmem:s16+$0x160]  }
0x340: {  	v12 =	vshll.u32 v12, v6;
	v22 =	vld [tilespmem:s16+$0x170]  }
0x341: {  	v12 =	vbroadcast v12, $0x0;
	v2 =	vld.idx.msk [tilespmem:v5+s3+$0x0], $0xffff  }
0x342: {  	v42 =	vadd.s32 v47, v0;
	v35 =	vadd.s32 v45, v0;
	v61 =	vadd.s32 v50, v4;
	v52 =	vld [tilespmem:s16+$0x180]  }
0x343: {  	v30 =	vadd.s32 v29, v12;
	v58 =	vadd.s32 v25, v12;
	v39 =	vadd.s32 v46, v0;
	v53 =	vld [tilespmem:s16+$0x190]  }
0x344: {  	v0 =	vadd.s32 v49, v0;
	v54 =	vadd.s32 v18, v12;
	v55 =	vld [tilespmem:s16+$0x1B0];
	vm12 =	vgt.s32 v1, $0x0  }
0x345: {  	v57 =	vld [tilespmem:s16+$0x1C0];
	v28 =	vadd.s32 v51, v4;
	v51 =	vadd.s32 v43, v9;
	v34 =	vsel vm12, $0x3F800000, v26  }
0x346: {  	v60 =	vld [tilespmem:s16+$0x1D0];
	vm13 =	vgt.s32 v2, $0x0;
	v37 =	vmul.f32 v34, v36;
	v41 =	vmul.f32 v34, v40  }
0x347: {  	v62 =	vld [tilespmem:s16+$0x1E0];
	v45 =	vmul.f32 v34, v44;
	v46 =	vmul.f32 v34, v48;
	v49 =	vsel vm13, $0x3F800000, v26  }
0x348: {  	v63 =	vld [tilespmem:s16+$0x1F0];
	v23 =	vmul.f32 v49, v36;
	v29 =	vmul.f32 v49, v40;
	v10 =	vadd.f32 v31, v37  }
0x349: {  	v5 =	vld.idx.msk [tilespmem:v30+s3+$0x0], $0xffff;
	v30 =	vmul.f32 v49, v44;
	v11 =	vadd.f32 v11, v41;
	v47 =	vadd.f32 v13, v45  }
0x34a: {  	v1 =	vld [tilespmem:s16+$0x1A0];
	v2 =	vadd.f32 v14, v46;
	v13 =	vmul.f32 v49, v48;
	[tilespmem:v35+s24+$0x0] =	vst.idx.msk $0xffff, v10  }
0x34b: {  	vm14 =	vgt.s32 v3, $0x0;
	v31 =	vadd.f32 v32, v23;
	v32 =	vadd.s32 v8, v4;
	[tilespmem:v39+s24+$0x0] =	vst.idx.msk $0xffff, v11  }
0x34c: {  	v37 =	vsel vm14, $0x3F800000, v26;
	v34 =	vadd.f32 v16, v29;
	v4 =	vadd.s32 v7, v4;
	[tilespmem:v42+s24+$0x0] =	vst.idx.msk $0xffff, v47  }
0x34d: {  	v41 =	vmul.f32 v37, v36;
	v39 =	vadd.s32 v19, v9;
	[tilespmem:v0+s24+$0x0] =	vst.idx.msk $0xffff, v2  }
0x34e: {  	v35 =	vadd.f32 v21, v30;
	v42 =	vadd.s32 v33, v9;
	[tilespmem:v61+s24+$0x0] =	vst.idx.msk $0xffff, v31  }
0x34f: {  	v45 =	vmul.f32 v37, v40;
	v13 =	vadd.f32 v22, v13;
	[tilespmem:v28+s24+$0x0] =	vst.idx.msk $0xffff, v34  }
0x350: {  	v46 =	vadd.s32 v38, v9;
	v47 =	vadd.f32 v52, v41;
	[tilespmem:v32+s24+$0x0] =	vst.idx.msk $0xffff, v35  }
0x351: {  	vm15 =	vgt.s32 v5, $0x0;
	v49 =	vmul.f32 v37, v44;
	[tilespmem:v4+s24+$0x0] =	vst.idx.msk $0xffff, v13;
	v4 =	vadd.f32 v53, v45  }
0x352: {  	v5 =	vmul.f32 v37, v48;
	v52 =	vsel vm15, $0x3F800000, v26;
	v53 =	vadd.s32 v17, v12;
	[tilespmem:v39+s24+$0x0] =	vst.idx.msk $0xffff, v47  }
0x353: {  	v50 =	vadd.f32 v1, v49;
	[tilespmem:v42+s24+$0x0] =	vst.idx.msk $0xffff, v4;
	v4 =	vmul.f32 v52, v36  }
0x354: {  	v5 =	vadd.f32 v55, v5;
	v56 =	vmul.f32 v52, v40;
	v59 =	vmul.f32 v52, v44  }
0x355: {  	p2 =	sne.s32 s14, $0x7F;
	v12 =	vadd.s32 v24, v12;
	[tilespmem:v46+s24+$0x0] =	vst.idx.msk $0xffff, v50;
	v4 =	vadd.f32 v57, v4  }
.Ltmp6:
0x356: {  	v2 =	vmul.f32 v52, v48;
	v61 =	vadd.f32 v60, v56;
	[tilespmem:v51+s24+$0x0] =	vst.idx.msk $0xffff, v5;
	(pc) =	sbr.rel @p2 .LBB2_11-.Ltmp6, $4  }
0x357: {  	v62 =	vadd.f32 v62, v59;
	[tilespmem:v53+s24+$0x0] =	vst.idx.msk $0xffff, v4  }
0x358: {  	v63 =	vadd.f32 v63, v2;
	[tilespmem:v54+s24+$0x0] =	vst.idx.msk $0xffff, v61  }
0x359: {  	[tilespmem:v58+s24+$0x0] =	vst.idx.msk $0xffff, v62  }
0x35a: {  	s14 =	sadd.s32 $0x10, s14;
	s16 =	sadd.s32 $0x400, s16;
	[tilespmem:v12+s24+$0x0] =	vst.idx.msk $0xffff, v63  }
0x35b: {  	s4 =	sshll.u32 s15, $0x12  }
0x35c: {  	s4 =	sor.u32 s7, s4  }
0x35d: {  	s4 =	sshrl.u32 s4, $0x3  }
0x35e: {  	s14 =	simm.s32 $0x15A40;
	s8 =	sadd.s32 s2, s4  }
0x35f: {  	[hbm4b:s8+s3] =	stream.linear.scatter [tilespmem:s14], [sflag:$0x7], $0x80, $0x38;
	[tilespmem:$0x19E90] =	vst v63  }
0x360: {  	s15 =	simm.s32 $0x15AC8;
	s6 =	sadd.s32 $0x10, s8  }
0x361: {  	[hbm4b:s6+s3] =	stream.linear.scatter [tilespmem:s15], [sflag:$0x7], $0x80, $0x38;
	[tilespmem:$0x19E90] =	vst v63  }
0x362: {  	s16 =	simm.s32 $0x15B50;
	s17 =	sadd.s32 $0x20, s8  }
0x363: {  	[hbm4b:s17+s3] =	stream.linear.scatter [tilespmem:s16], [sflag:$0x7], $0x80, $0x38;
	[tilespmem:$0x19E90] =	vst v63  }
0x364: {  	s14 =	simm.s32 $0x15BD8;
	s15 =	sadd.s32 $0x30, s8  }
0x365: {  	[hbm4b:s15+s3] =	stream.linear.scatter [tilespmem:s14], [sflag:$0x7], $0x80, $0x38;
	[tilespmem:$0x19E90] =	vst v63  }
0x366: {  	s16 =	simm.s32 $0x15C60;
	s17 =	sadd.s32 $0x40, s8  }
0x367: {  	[hbm4b:s17+s3] =	stream.linear.scatter [tilespmem:s16], [sflag:$0x7], $0x80, $0x38;
	[tilespmem:$0x19E90] =	vst v63  }
0x368: {  	s4 =	simm.s32 $0x15DF8;
	s14 =	simm.s32 $0x15CE8;
	s15 =	sadd.s32 $0x50, s8  }
0x369: {  	[hbm4b:s15+s3] =	stream.linear.scatter [tilespmem:s14], [sflag:$0x7], $0x80, $0x38;
	[tilespmem:$0x19E90] =	vst v63  }
0x36a: {  	s6 =	sadd.s32 $0x70, s8;
	s16 =	simm.s32 $0x15D70;
	s17 =	sadd.s32 $0x60, s8  }
0x36b: {  	[hbm4b:s17+s3] =	stream.linear.scatter [tilespmem:s16], [sflag:$0x7], $0x80, $0x38;
	[tilespmem:$0x19E90] =	vst v63  }
0x36c: {  	s14 =	simm.s32 $0x440;
	s15 =	sadd.s32 $0x1000, s8;
	s16 =	simm.s32 $0x2200  }
.LBB2_13:
0x36d: {  	[hbm4b:s6+s3] =	stream.linear.scatter [tilespmem:s4], [sflag:$0x7], $0x80, $0x38;
	[tilespmem:$0x19E90] =	vst v63  }
0x36e: {  	s4 =	smov.u32 s14;
	s6 =	smov.u32 s16  }
0x36f: {  	s8 =	sadd.s32 $0x1100, s16;
	s14 =	sshra.s32 s6, $0x2;
	s6 =	sadd.s32 $0x15A40, s4  }
0x370: {  	[hbm4b:s15+s3] =	stream.linear.scatter [tilespmem:s6], [sflag:$0x7], $0x80, $0x38;
	[tilespmem:$0x19E90] =	vst v63  }
0x371: {  	p2 =	sne.s32 s16, $0x7700;
	s16 =	sadd.s32 $0x10, s15;
	s6 =	sadd.s32 $0x15AC8, s4  }
0x372: {  	[hbm4b:s16+s3] =	stream.linear.scatter [tilespmem:s6], [sflag:$0x7], $0x80, $0x38;
	[tilespmem:$0x19E90] =	vst v63  }
0x373: {  	s6 =	sadd.s32 $0x15B50, s4;
	s16 =	sadd.s32 $0x20, s15  }
0x374: {  	[hbm4b:s16+s3] =	stream.linear.scatter [tilespmem:s6], [sflag:$0x7], $0x80, $0x38;
	[tilespmem:$0x19E90] =	vst v63  }
0x375: {  	s6 =	sadd.s32 $0x15BD8, s4;
	s16 =	sadd.s32 $0x30, s15  }
0x376: {  	[hbm4b:s16+s3] =	stream.linear.scatter [tilespmem:s6], [sflag:$0x7], $0x80, $0x38;
	[tilespmem:$0x19E90] =	vst v63  }
0x377: {  	s6 =	sadd.s32 $0x15C60, s4;
	s16 =	sadd.s32 $0x40, s15  }
0x378: {  	[hbm4b:s16+s3] =	stream.linear.scatter [tilespmem:s6], [sflag:$0x7], $0x80, $0x38;
	[tilespmem:$0x19E90] =	vst v63  }
.Ltmp7:
0x379: {  	s6 =	sadd.s32 $0x15CE8, s4;
	s16 =	sadd.s32 $0x50, s15;
	(pc) =	sbr.rel @p2 .LBB2_13-.Ltmp7, $4  }
0x37a: {  	[hbm4b:s16+s3] =	stream.linear.scatter [tilespmem:s6], [sflag:$0x7], $0x80, $0x38;
	[tilespmem:$0x19E90] =	vst v63  }
0x37b: {  	s6 =	sadd.s32 $0x15D70, s4;
	s16 =	sadd.s32 $0x60, s15;
	s4 =	sadd.s32 $0x15DF8, s4  }
0x37c: {  	[hbm4b:s16+s3] =	stream.linear.scatter [tilespmem:s6], [sflag:$0x7], $0x80, $0x38;
	[tilespmem:$0x19E90] =	vst v63  }
0x37d: {  	s6 =	sadd.s32 $0x70, s15;
	s15 =	sadd.s32 $0x1000, s15;
	s16 =	smov.u32 s8  }
0x37e: {  	[hbm4b:s6+s3] =	stream.linear.scatter [tilespmem:s4], [sflag:$0x7], $0x80, $0x38;
	[tilespmem:$0x19E90] =	vst v63  }
0x37f: {  	s17 =	sadd.s32 $0x15A40, s14  }
0x380: {  	[hbm4b:s15+s3] =	stream.linear.scatter [tilespmem:s17], [sflag:$0x7], $0x80, $0x38;
	[tilespmem:$0x19E90] =	vst v63  }
0x381: {  	s6 =	sadd.s32 $0x15AC8, s14;
	s8 =	sadd.s32 $0x10, s15  }
0x382: {  	[hbm4b:s8+s3] =	stream.linear.scatter [tilespmem:s6], [sflag:$0x7], $0x80, $0x38;
	[tilespmem:$0x19E90] =	vst v63  }
0x383: {  	s16 =	sadd.s32 $0x15B50, s14;
	s17 =	sadd.s32 $0x20, s15  }
0x384: {  	[hbm4b:s17+s3] =	stream.linear.scatter [tilespmem:s16], [sflag:$0x7], $0x80, $0x38;
	[tilespmem:$0x19E90] =	vst v63  }
0x385: {  	s6 =	sadd.s32 $0x15BD8, s14;
	s8 =	sadd.s32 $0x30, s15  }
0x386: {  	[hbm4b:s8+s3] =	stream.linear.scatter [tilespmem:s6], [sflag:$0x7], $0x80, $0x38;
	[tilespmem:$0x19E90] =	vst v63  }
0x387: {  	s16 =	sadd.s32 $0x15C60, s14;
	s17 =	sadd.s32 $0x40, s15  }
0x388: {  	[hbm4b:s17+s3] =	stream.linear.scatter [tilespmem:s16], [sflag:$0x7], $0x80, $0x38;
	[tilespmem:$0x19E90] =	vst v63  }
0x389: {  	s6 =	sadd.s32 $0x15CE8, s14;
	s8 =	sadd.s32 $0x50, s15  }
0x38a: {  	[hbm4b:s8+s3] =	stream.linear.scatter [tilespmem:s6], [sflag:$0x7], $0x80, $0x38;
	[tilespmem:$0x19E90] =	vst v63  }
0x38b: {  	s16 =	sadd.s32 $0x15D70, s14;
	s17 =	sadd.s32 $0x60, s15  }
0x38c: {  	[hbm4b:s17+s3] =	stream.linear.scatter [tilespmem:s16], [sflag:$0x7], $0x80, $0x38;
	[tilespmem:$0x19E90] =	vst v63  }
0x38d: {  	s6 =	sadd.s32 $0x15DF8, s14;
	s8 =	sadd.s32 $0x70, s15  }
0x38e: {  	[hbm4b:s8+s3] =	stream.linear.scatter [tilespmem:s6], [sflag:$0x7], $0x80, $0x38;
	[tilespmem:$0x19E90] =	vst v63  }
0x38f: {  	s4 =	sadd.s32 @!p0 $0x300, s13;
	s6 =	simm.s32 @!p0 $0x80;
	s8 =	simm.s32 @!p0 $0xD640  }
0x390: {  	[tilespmem:s8], [sflag:$0x3] =	stream.indirect.gather @!p0 [hbm4b:s5+s6], $0x40, s4, s6, $0xb8;
	[tilespmem:$0x19E90] =	vst v63  }
0x391: {  	_ =	swait.ge @p1 [sflag:s31], $0x2000  }
0x392: {  	[sflag:s31] =	ssyncset.done @p1 $0x0  }
0x393: {  	[sflag:s31] =	ssyncadd.s32 @p1 $0xFFFFE000  }
0x394: {  	_ =	swait.ge [sflag:s25], $0x2000  }
0x395: {  	s17 =	sshll.u32 s10, $0x7;
	[sflag:s25] =	ssyncset.done $0x0  }
0x396: {  	v8 =	vmov s17;
	[sflag:s25] =	ssyncadd.s32 $0xFFFFE000  }
0x397: {  	v23 =	vor.u32 $0x1, v8;
	v0 =	vld [tilespmem:$0x19E40]  }
0x398: {  	v28 =	vor.u32 $0x2, v8;
	[tilespmem:$0x1F5B0] =	vst v23;
	v3 =	vld [tilespmem:$0x19E80]  }
0x399: {  	v29 =	vor.u32 $0x3, v8;
	[tilespmem:$0x1F5C0] =	vst v28;
	v1 =	vld [tilespmem:$0x19E50]  }
0x39a: {  	v30 =	vor.u32 $0x4, v8;
	[tilespmem:$0x1F5D0] =	vst v29;
	v2 =	vld [tilespmem:$0x19E60]  }
0x39b: {  	v31 =	vor.u32 $0x5, v8;
	[tilespmem:$0x1F5E0] =	vst v30;
	v5 =	vld [tilespmem:$0x19E70]  }
0x39c: {  	v32 =	vor.u32 $0x6, v8;
	[tilespmem:$0x1F5F0] =	vst v31  }
0x39d: {  	[tilespmem:$0x1F600] =	vst v32;
	v0 =	vmul.u32 $0x440, v0;
	v3 =	vmul.u32 $0x88, v3  }
0x39e: {  	v33 =	vor.u32 $0x7, v8;
	[tilespmem:$0x1F610] =	vst v8;
	v1 =	vmul.u32 $0x440, v1  }
0x39f: {  	[tilespmem:$0x1F620] =	vst v33;
	v2 =	vmul.u32 $0x440, v2;
	v8 =	vadd.s32 v0, v3  }
0x3a0: {  	v5 =	vmul.u32 $0x440, v5;
	v1 =	vadd.s32 v1, v3;
	[tilespmem:$0x1F7B0] =	vst v8  }
0x3a1: {  	v2 =	vadd.s32 v2, v3;
	[tilespmem:$0x1F7D0] =	vst v1  }
0x3a2: {  	v3 =	vadd.s32 v5, v3;
	[tilespmem:$0x1F7F0] =	vst v2  }
0x3a3: {  	v0 =	vor.u32 $0x1, v8;
	[tilespmem:$0x1F810] =	vst v3  }
0x3a4: {  	v34 =	vor.u32 $0x1, v1;
	[tilespmem:$0x1F630] =	vst v0  }
0x3a5: {  	v35 =	vor.u32 $0x1, v2;
	[tilespmem:$0x1F640] =	vst v34  }
0x3a6: {  	v36 =	vor.u32 $0x1, v3;
	[tilespmem:$0x1F650] =	vst v35  }
0x3a7: {  	v37 =	vor.u32 $0x2, v8;
	[tilespmem:$0x1F660] =	vst v36  }
0x3a8: {  	v38 =	vor.u32 $0x2, v1;
	[tilespmem:$0x1F670] =	vst v37  }
0x3a9: {  	v39 =	vor.u32 $0x2, v2;
	[tilespmem:$0x1F680] =	vst v38  }
0x3aa: {  	v41 =	vor.u32 $0x2, v3;
	[tilespmem:$0x1F690] =	vst v39  }
0x3ab: {  	v42 =	vor.u32 $0x3, v8;
	[tilespmem:$0x1F6A0] =	vst v41  }
0x3ac: {  	v43 =	vor.u32 $0x3, v1;
	[tilespmem:$0x1F6B0] =	vst v42  }
0x3ad: {  	v45 =	vor.u32 $0x3, v2;
	[tilespmem:$0x1F6C0] =	vst v43  }
0x3ae: {  	v46 =	vor.u32 $0x3, v3;
	[tilespmem:$0x1F6D0] =	vst v45  }
0x3af: {  	v47 =	vor.u32 $0x4, v8;
	[tilespmem:$0x1F6E0] =	vst v46  }
0x3b0: {  	v49 =	vor.u32 $0x4, v1;
	[tilespmem:$0x1F6F0] =	vst v47  }
0x3b1: {  	v50 =	vor.u32 $0x4, v2;
	[tilespmem:$0x1F700] =	vst v49  }
0x3b2: {  	v51 =	vor.u32 $0x4, v3;
	[tilespmem:$0x1F710] =	vst v50  }
0x3b3: {  	v52 =	vor.u32 $0x5, v8;
	[tilespmem:$0x1F720] =	vst v51  }
0x3b4: {  	v53 =	vor.u32 $0x5, v1;
	[tilespmem:$0x1F730] =	vst v52  }
0x3b5: {  	s13 =	sshll.u32 s0, $0x8;
	v54 =	vor.u32 $0x5, v2;
	[tilespmem:$0x1F740] =	vst v53  }
0x3b6: {  	v9 =	vlaneseq.u32;
	s15 =	sadd.s32 $0x110, s13;
	v55 =	vor.u32 $0x5, v3;
	[tilespmem:$0x1F750] =	vst v54  }
0x3b7: {  	v40 =	vor.u32 s15, v9;
	s16 =	sadd.s32 $0x120, s13;
	v56 =	vor.u32 $0x6, v8;
	[tilespmem:$0x1F760] =	vst v55  }
0x3b8: {  	v44 =	vor.u32 s16, v9;
	s4 =	sadd.s32 $0x130, s13;
	v57 =	vor.u32 $0x6, v1;
	[tilespmem:$0x1F770] =	vst v56  }
0x3b9: {  	s14 =	sadd.s32 $0x100, s13;
	v48 =	vor.u32 s4, v9;
	v58 =	vor.u32 $0x6, v2;
	[tilespmem:$0x1F780] =	vst v57  }
0x3ba: {  	v4 =	vor.u32 s14, v9;
	v59 =	vor.u32 $0x6, v3;
	[tilespmem:$0x1F790] =	vst v58  }
0x3bb: {  	v60 =	vor.u32 $0x7, v8;
	[tilespmem:$0x1F7A0] =	vst v59  }
0x3bc: {  	v40 =	vld.idx.msk [tilespmem:v40+s12+$0x0], $0xffff;
	v61 =	vor.u32 $0x7, v1;
	[tilespmem:$0x1F7C0] =	vst v60  }
0x3bd: {  	v44 =	vld.idx.msk [tilespmem:v44+s12+$0x0], $0xffff;
	v62 =	vor.u32 $0x7, v2;
	[tilespmem:$0x1F7E0] =	vst v61  }
0x3be: {  	v48 =	vld.idx.msk [tilespmem:v48+s12+$0x0], $0xffff;
	v63 =	vor.u32 $0x7, v3;
	[tilespmem:$0x1F800] =	vst v62  }
0x3bf: {  	s14 =	simm.s32 $0xF840;
	s13 =	simm.s32 $0xF;
	v36 =	vld.idx.msk [tilespmem:v4+s12+$0x0], $0xffff;
	[tilespmem:$0x1F820] =	vst v63  }
.LBB2_15:
0x3c0: {  	s4 =	sadd.s32 $0xFFFFFFF1, s13  }
0x3c1: {  	v7 =	vld [tilespmem:$0x1F7B0];
	v0 =	vmov s4  }
0x3c2: {  	v0 =	vshrl.u32 v0, $0x3  }
0x3c3: {  	v0 =	vshll.u32 v0, v6  }
0x3c4: {  	v0 =	vbroadcast v0, $0x0;
	_ =	sdelay $0x1  }
0x3c5: {  	v19 =	vadd.s32 v7, v0;
	v7 =	vld [tilespmem:$0x1F7D0];
	_ =	sdelay $0x2  }
0x3c6: {  	v16 =	vld [tilespmem:$0x1F610]  }
0x3c7: {  	v23 =	vld [tilespmem:$0x1F5B0]  }
0x3c8: {  	v34 =	vadd.s32 v7, v0;
	v7 =	vld [tilespmem:$0x1F7F0]  }
0x3c9: {  	v27 =	vld [tilespmem:$0x1F5C0]  }
0x3ca: {  	v43 =	vld [tilespmem:$0x1F5D0]  }
0x3cb: {  	v54 =	vld [tilespmem:s14+$0xFFFFFE00]  }
0x3cc: {  	v55 =	vld [tilespmem:s14+$0xFFFFFE10]  }
0x3cd: {  	v37 =	vadd.s32 v7, v0;
	v7 =	vld [tilespmem:$0x1F810]  }
0x3ce: {  	v56 =	vld [tilespmem:s14+$0xFFFFFE20]  }
0x3cf: {  	s17 =	sadd.s32 $0xFFFFFFF2, s13;
	s8 =	sadd.s32 $0xFFFFFFF4, s13;
	v57 =	vld [tilespmem:s14+$0xFFFFFE30]  }
0x3d0: {  	v58 =	vld [tilespmem:s14+$0xFFFFFE40];
	v1 =	vmov s17;
	v3 =	vmov s8  }
0x3d1: {  	v49 =	vld [tilespmem:s14+$0xFFFFFE70];
	v1 =	vshrl.u32 v1, $0x3;
	v3 =	vshrl.u32 v3, $0x3  }
0x3d2: {  	v1 =	vshll.u32 v1, v6;
	v4 =	vor.u32 v16, v0;
	v0 =	vadd.s32 v7, v0;
	v7 =	vld [tilespmem:$0x1F630]  }
0x3d3: {  	v63 =	vld [tilespmem:s14+$0xFFFFFE80];
	v3 =	vshll.u32 v3, v6;
	v1 =	vbroadcast v1, $0x0  }
0x3d4: {  	v50 =	vld [tilespmem:s14+$0xFFFFFE90];
	v3 =	vbroadcast v3, $0x0  }
0x3d5: {  	s6 =	sadd.s32 $0xFFFFFFF3, s13;
	v13 =	vld [tilespmem:s14+$0xFFFFFEA0];
	v5 =	vadd.s32 v23, v1  }
0x3d6: {  	v20 =	vld [tilespmem:s14+$0xFFFFFEB0];
	v2 =	vmov s6;
	v53 =	vadd.s32 v43, v3  }
0x3d7: {  	v2 =	vshrl.u32 v2, $0x3;
	v39 =	vadd.s32 v7, v1;
	v7 =	vld [tilespmem:$0x1F640]  }
0x3d8: {  	v21 =	vld [tilespmem:s14+$0xFFFFFEC0];
	v2 =	vshll.u32 v2, v6  }
0x3d9: {  	v2 =	vbroadcast v2, $0x0;
	v4 =	vld.idx.msk [tilespmem:v4+s3+$0x0], $0xffff  }
0x3da: {  	v5 =	vld.idx.msk [tilespmem:v5+s3+$0x0], $0xffff  }
0x3db: {  	v52 =	vadd.s32 v27, v2;
	v53 =	vld.idx.msk [tilespmem:v53+s3+$0x0], $0xffff  }
0x3dc: {  	v41 =	vadd.s32 v7, v1;
	v7 =	vld [tilespmem:$0x1F650]  }
0x3dd: {  	v28 =	vld [tilespmem:s14+$0xFFFFFED0]  }
0x3de: {  	v33 =	vld [tilespmem:$0x1F670];
	vm0 =	vgt.s32 v4, $0x0  }
0x3df: {  	v4 =	vld [tilespmem:s14+$0xFFFFFE50];
	vm13 =	vgt.s32 v5, $0x0;
	v59 =	vsel vm0, $0x3F800000, v26  }
0x3e0: {  	v52 =	vld.idx.msk [tilespmem:v52+s3+$0x0], $0xffff;
	vm15 =	vgt.s32 v53, $0x0;
	v60 =	vsel vm13, $0x3F800000, v26;
	v61 =	vmul.f32 v59, v36  }
0x3e1: {  	v9 =	vmul.f32 v59, v40;
	v11 =	vmul.f32 v60, v36;
	v42 =	vadd.s32 v7, v1;
	v7 =	vld [tilespmem:$0x1F660]  }
0x3e2: {  	v5 =	vld [tilespmem:s14+$0xFFFFFE60];
	v10 =	vmul.f32 v59, v44;
	v14 =	vmul.f32 v60, v40;
	v54 =	vadd.f32 v54, v61  }
0x3e3: {  	v59 =	vmul.f32 v59, v48;
	v9 =	vadd.f32 v55, v9;
	v11 =	vadd.f32 v58, v11;
	v58 =	vld [tilespmem:s14+$0xFFFFFEE0]  }
0x3e4: {  	v12 =	vsel vm15, $0x3F800000, v26;
	v10 =	vadd.f32 v56, v10;
	v4 =	vadd.f32 v4, v14;
	v14 =	vld [tilespmem:s14+$0xFFFFFEF0];
	[tilespmem:v19+s26+$0x0] =	vst.idx.msk $0xffff, v54  }
0x3e5: {  	v35 =	vmul.f32 v12, v36;
	v57 =	vadd.f32 v57, v59;
	[tilespmem:v34+s26+$0x0] =	vst.idx.msk $0xffff, v9  }
0x3e6: {  	v15 =	vmul.f32 v60, v44;
	[tilespmem:v37+s26+$0x0] =	vst.idx.msk $0xffff, v10;
	v1 =	vadd.s32 v7, v1;
	v7 =	vld [tilespmem:$0x1F680]  }
0x3e7: {  	v38 =	vmul.f32 v12, v40;
	v21 =	vadd.f32 v21, v35;
	v35 =	vld [tilespmem:$0x1F690];
	[tilespmem:v0+s26+$0x0] =	vst.idx.msk $0xffff, v57  }
0x3e8: {  	v46 =	vadd.s32 v33, v2;
	vm14 =	vgt.s32 v52, $0x0;
	v5 =	vadd.f32 v5, v15;
	v37 =	vld [tilespmem:$0x1F6A0];
	[tilespmem:v39+s26+$0x0] =	vst.idx.msk $0xffff, v11  }
0x3e9: {  	v62 =	vsel vm14, $0x3F800000, v26;
	v60 =	vmul.f32 v60, v48;
	v45 =	vadd.f32 v28, v38;
	v38 =	vld [tilespmem:$0x1F6B0];
	[tilespmem:v41+s26+$0x0] =	vst.idx.msk $0xffff, v4  }
0x3ea: {  	v22 =	vmul.f32 v62, v36;
	v29 =	vmul.f32 v62, v40;
	[tilespmem:v42+s26+$0x0] =	vst.idx.msk $0xffff, v5;
	v5 =	vld [tilespmem:$0x1F6C0]  }
0x3eb: {  	v30 =	vmul.f32 v62, v44;
	v31 =	vadd.f32 v49, v60;
	v41 =	vld [tilespmem:$0x1F6D0];
	v47 =	vadd.s32 v7, v2  }
0x3ec: {  	s15 =	sadd.s32 $0xFFFFFFF5, s13;
	v62 =	vmul.f32 v62, v48;
	v22 =	vadd.f32 v63, v22;
	v49 =	vadd.s32 v35, v2;
	v42 =	vld [tilespmem:$0x1F6E0]  }
0x3ed: {  	v53 =	vadd.f32 v50, v29;
	v50 =	vmov s15;
	v2 =	vadd.s32 v37, v2;
	[tilespmem:v1+s26+$0x0] =	vst.idx.msk $0xffff, v31;
	v31 =	vld [tilespmem:$0x1F5E0]  }
0x3ee: {  	v13 =	vadd.f32 v13, v30;
	v54 =	vshrl.u32 v50, $0x3;
	v4 =	vadd.s32 v38, v3  }
0x3ef: {  	v57 =	vshll.u32 v54, v6;
	v5 =	vadd.s32 v5, v3;
	[tilespmem:v46+s26+$0x0] =	vst.idx.msk $0xffff, v22  }
0x3f0: {  	v20 =	vadd.f32 v20, v62;
	v0 =	vbroadcast v57, $0x0;
	v51 =	vadd.s32 v41, v3;
	[tilespmem:v47+s26+$0x0] =	vst.idx.msk $0xffff, v53  }
0x3f1: {  	v63 =	vmul.f32 v12, v44;
	v56 =	vadd.s32 v42, v3;
	[tilespmem:v49+s26+$0x0] =	vst.idx.msk $0xffff, v13  }
0x3f2: {  	v12 =	vmul.f32 v12, v48;
	[tilespmem:v2+s26+$0x0] =	vst.idx.msk $0xffff, v20;
	v20 =	vadd.s32 v31, v0  }
0x3f3: {  	v22 =	vadd.f32 v58, v63;
	[tilespmem:v4+s26+$0x0] =	vst.idx.msk $0xffff, v21  }
0x3f4: {  	s16 =	sadd.s32 $0xFFFFFFF6, s13;
	v32 =	vld [tilespmem:$0x1F5F0];
	v12 =	vadd.f32 v14, v12;
	[tilespmem:v5+s26+$0x0] =	vst.idx.msk $0xffff, v45  }
0x3f5: {  	v59 =	vmov s16;
	v28 =	vld [tilespmem:$0x1F600];
	[tilespmem:v51+s26+$0x0] =	vst.idx.msk $0xffff, v22  }
0x3f6: {  	v29 =	vld [tilespmem:$0x1F620];
	v60 =	vshrl.u32 v59, $0x3;
	[tilespmem:v56+s26+$0x0] =	vst.idx.msk $0xffff, v12  }
0x3f7: {  	v3 =	vshll.u32 v60, v6;
	v1 =	vld.idx.msk [tilespmem:v20+s3+$0x0], $0xffff  }
0x3f8: {  	s17 =	sadd.s32 $0xFFFFFFF7, s13;
	v3 =	vbroadcast v3, $0x0;
	v46 =	vld [tilespmem:s14+$0xFFFFFF00]  }
0x3f9: {  	v61 =	vmov s17;
	v10 =	vld [tilespmem:s14+$0xFFFFFF10]  }
0x3fa: {  	v62 =	vshrl.u32 v61, $0x3;
	v4 =	vadd.s32 v32, v3;
	v12 =	vld [tilespmem:s14+$0xFFFFFF20]  }
0x3fb: {  	s8 =	sadd.s32 $0xFFFFFFF8, s13;
	v11 =	vshll.u32 v62, v6;
	v14 =	vld [tilespmem:s14+$0xFFFFFF30]  }
0x3fc: {  	v18 =	vmov s8;
	v11 =	vbroadcast v11, $0x0;
	v15 =	vld [tilespmem:s14+$0xFFFFFF40]  }
0x3fd: {  	v19 =	vshrl.u32 v18, $0x3;
	v2 =	vld [tilespmem:s14+$0xFFFFFF60]  }
0x3fe: {  	v13 =	vshll.u32 v19, v6;
	v5 =	vadd.s32 v28, v11;
	v53 =	vld [tilespmem:s14+$0xFFFFFF80]  }
0x3ff: {  	v13 =	vbroadcast v13, $0x0;
	v45 =	vld.idx.msk [tilespmem:v4+s3+$0x0], $0xffff  }
0x400: {  	v58 =	vld [tilespmem:s14+$0xFFFFFFA0]  }
0x401: {  	v39 =	vadd.s32 v29, v13;
	v61 =	vld [tilespmem:s14+$0xFFFFFFB0]  }
0x402: {  	v62 =	vld [tilespmem:s14+$0xFFFFFFC0]  }
0x403: {  	v4 =	vld.idx.msk [tilespmem:v5+s3+$0x0], $0xffff  }
0x404: {  	vm5 =	vgt.s32 v45, $0x0;
	v45 =	vld [tilespmem:$0x1F6F0]  }
0x405: {  	v54 =	vld [tilespmem:s14+$0xFFFFFFD0];
	vm4 =	vgt.s32 v1, $0x0  }
0x406: {  	v5 =	vld.idx.msk [tilespmem:v39+s3+$0x0], $0xffff;
	v47 =	vsel vm4, $0x3F800000, v26  }
0x407: {  	v59 =	vld [tilespmem:s14+$0xFFFFFFF0];
	v49 =	vsel vm5, $0x3F800000, v26;
	v50 =	vmul.f32 v47, v36  }
0x408: {  	v1 =	vld [tilespmem:s14+$0xFFFFFF50];
	vm6 =	vgt.s32 v4, $0x0;
	v30 =	vmul.f32 v49, v36;
	v34 =	vmul.f32 v49, v40  }
0x409: {  	v4 =	vld [tilespmem:s14+$0xFFFFFF70];
	v39 =	vmul.f32 v49, v44;
	v21 =	vmul.f32 v49, v48;
	v49 =	vadd.s32 v45, v0  }
0x40a: {  	v9 =	vadd.f32 v46, v50;
	v46 =	vld [tilespmem:$0x1F700]  }
0x40b: {  	vm7 =	vgt.s32 v5, $0x0;
	v5 =	vld [tilespmem:s14+$0xFFFFFF90];
	v20 =	vmul.f32 v47, v48  }
0x40c: {  	v51 =	vmul.f32 v47, v40;
	v17 =	vmul.f32 v47, v44;
	v47 =	vld [tilespmem:$0x1F710];
	v52 =	vsel vm6, $0x3F800000, v26  }
0x40d: {  	v50 =	vmul.f32 v52, v36;
	v14 =	vadd.f32 v14, v20;
	v20 =	vld [tilespmem:s14+$0xFFFFFFE0]  }
0x40e: {  	[tilespmem:v49+s26+$0x0] =	vst.idx.msk $0xffff, v9;
	v49 =	vld [tilespmem:$0x1F720]  }
0x40f: {  	v15 =	vadd.f32 v15, v30;
	v53 =	vadd.f32 v53, v50;
	v50 =	vld [tilespmem:$0x1F730];
	v30 =	vadd.s32 v46, v0  }
0x410: {  	v57 =	vsel vm7, $0x3F800000, v26  }
0x411: {  	v10 =	vadd.f32 v10, v51;
	v51 =	vld [tilespmem:$0x1F740];
	v2 =	vadd.f32 v2, v39;
	v39 =	vadd.s32 v47, v0  }
0x412: {  	v8 =	vld [tilespmem:$0x1F750];
	v12 =	vadd.f32 v12, v17;
	v55 =	vmul.f32 v52, v40;
	v19 =	vmul.f32 v52, v44  }
0x413: {  	v7 =	vld [tilespmem:$0x1F760];
	v1 =	vadd.f32 v1, v34;
	v34 =	vmul.f32 v57, v36;
	v0 =	vadd.s32 v49, v0  }
0x414: {  	v52 =	vmul.f32 v52, v48;
	v18 =	vadd.s32 v50, v3;
	[tilespmem:v30+s26+$0x0] =	vst.idx.msk $0xffff, v10;
	v30 =	vld [tilespmem:$0x1F770]  }
0x415: {  	v17 =	vmul.f32 v57, v40;
	v4 =	vadd.f32 v4, v21;
	v21 =	vadd.f32 v62, v34;
	v34 =	vld [tilespmem:$0x1F780]  }
0x416: {  	v56 =	vadd.f32 v58, v19;
	v19 =	vadd.s32 v51, v3;
	[tilespmem:v39+s26+$0x0] =	vst.idx.msk $0xffff, v12;
	v39 =	vld [tilespmem:$0x1F790]  }
0x417: {  	v25 =	vld [tilespmem:$0x1F7A0];
	v52 =	vadd.f32 v61, v52;
	v61 =	vadd.s32 v8, v3  }
0x418: {  	v3 =	vadd.s32 v7, v3;
	v9 =	vadd.f32 v54, v17;
	v17 =	vld [tilespmem:$0x1F7C0];
	[tilespmem:v0+s26+$0x0] =	vst.idx.msk $0xffff, v14  }
0x419: {  	v0 =	vadd.s32 v30, v11;
	[tilespmem:v18+s26+$0x0] =	vst.idx.msk $0xffff, v15;
	v18 =	vld [tilespmem:$0x1F7E0]  }
0x41a: {  	v24 =	vld [tilespmem:$0x1F800];
	s15 =	sadd.s32 $0xFFFFFFF9, s13;
	v54 =	vadd.s32 v34, v11  }
0x41b: {  	v60 =	vmov s15;
	v14 =	vadd.s32 v39, v11;
	[tilespmem:v19+s26+$0x0] =	vst.idx.msk $0xffff, v1;
	v19 =	vld [tilespmem:$0x1F820]  }
0x41c: {  	s16 =	sadd.s32 $0xFFFFFFFA, s13;
	v5 =	vadd.f32 v5, v55;
	v55 =	vadd.s32 v25, v11;
	v15 =	vshrl.u32 v60, $0x3;
	[tilespmem:v61+s26+$0x0] =	vst.idx.msk $0xffff, v2  }
0x41d: {  	v22 =	vmov s16;
	v58 =	vadd.s32 v17, v13;
	[tilespmem:v3+s26+$0x0] =	vst.idx.msk $0xffff, v4;
	v4 =	vshll.u32 v15, v6  }
0x41e: {  	[tilespmem:v0+s26+$0x0] =	vst.idx.msk $0xffff, v53;
	v0 =	vbroadcast v4, $0x0;
	v4 =	vshrl.u32 v22, $0x3;
	v61 =	vadd.s32 v18, v13  }
0x41f: {  	v62 =	vadd.s32 v24, v13;
	[tilespmem:v54+s26+$0x0] =	vst.idx.msk $0xffff, v5;
	v4 =	vshll.u32 v4, v6  }
0x420: {  	v63 =	vmul.f32 v57, v44;
	v3 =	vadd.s32 v19, v13;
	[tilespmem:v14+s26+$0x0] =	vst.idx.msk $0xffff, v56;
	v4 =	vbroadcast v4, $0x0  }
0x421: {  	v57 =	vmul.f32 v57, v48;
	[tilespmem:v55+s26+$0x0] =	vst.idx.msk $0xffff, v52;
	v55 =	vadd.s32 v16, v0  }
0x422: {  	v56 =	vadd.f32 v20, v63;
	[tilespmem:v58+s26+$0x0] =	vst.idx.msk $0xffff, v21;
	v58 =	vadd.s32 v23, v4  }
0x423: {  	v60 =	vadd.f32 v59, v57;
	[tilespmem:v61+s26+$0x0] =	vst.idx.msk $0xffff, v9  }
0x424: {  	[tilespmem:v62+s26+$0x0] =	vst.idx.msk $0xffff, v56  }
0x425: {  	s17 =	sadd.s32 $0xFFFFFFFB, s13;
	v23 =	vld [tilespmem:$0x1F7B0];
	[tilespmem:v3+s26+$0x0] =	vst.idx.msk $0xffff, v60  }
0x426: {  	v53 =	vmov s17;
	v1 =	vld.idx.msk [tilespmem:v55+s3+$0x0], $0xffff  }
0x427: {  	s8 =	sadd.s32 $0xFFFFFFFC, s13;
	v5 =	vshrl.u32 v53, $0x3;
	v3 =	vld.idx.msk [tilespmem:v58+s3+$0x0], $0xffff  }
0x428: {  	v54 =	vmov s8;
	v5 =	vshll.u32 v5, v6;
	v10 =	vld [tilespmem:s14+$0x0]  }
0x429: {  	v12 =	vshrl.u32 v54, $0x3;
	v5 =	vbroadcast v5, $0x0;
	v11 =	vld [tilespmem:s14+$0x10]  }
0x42a: {  	v12 =	vshll.u32 v12, v6;
	v13 =	vld [tilespmem:s14+$0x20]  }
0x42b: {  	v12 =	vbroadcast v12, $0x0;
	v61 =	vadd.s32 v27, v5;
	v14 =	vld [tilespmem:s14+$0x30]  }
0x42c: {  	v15 =	vld [tilespmem:s14+$0x40]  }
0x42d: {  	v62 =	vadd.s32 v43, v12;
	v53 =	vld [tilespmem:s14+$0x80]  }
0x42e: {  	v58 =	vld [tilespmem:s14+$0xA0]  }
0x42f: {  	v22 =	vadd.s32 v23, v0;
	v23 =	vld [tilespmem:$0x1F7F0]  }
0x430: {  	v2 =	vld.idx.msk [tilespmem:v61+s3+$0x0], $0xffff  }
0x431: {  	v61 =	vld [tilespmem:s14+$0xB0]  }
0x432: {  	v9 =	vld.idx.msk [tilespmem:v62+s3+$0x0], $0xffff  }
0x433: {  	v62 =	vld [tilespmem:s14+$0xC0]  }
0x434: {  	vm8 =	vgt.s32 v1, $0x0;
	v1 =	vld [tilespmem:s14+$0x50]  }
0x435: {  	vm9 =	vgt.s32 v3, $0x0;
	v63 =	vsel vm8, $0x3F800000, v26;
	vm10 =	vgt.s32 v2, $0x0;
	v2 =	vld [tilespmem:s14+$0x70]  }
0x436: {  	v3 =	vld [tilespmem:s14+$0x60];
	v43 =	vsel vm9, $0x3F800000, v26;
	v16 =	vmul.f32 v63, v36;
	v54 =	vmul.f32 v63, v40  }
0x437: {  	v55 =	vmul.f32 v63, v44;
	v20 =	vmul.f32 v63, v48;
	vm11 =	vgt.s32 v9, $0x0;
	v9 =	vld [tilespmem:s14+$0x90]  }
0x438: {  	v56 =	vmul.f32 v43, v36;
	v21 =	vmul.f32 v43, v48;
	v11 =	vadd.f32 v11, v54;
	v54 =	vld [tilespmem:s14+$0xD0]  }
0x439: {  	v59 =	vmul.f32 v43, v40;
	v52 =	vsel vm10, $0x3F800000, v26;
	v14 =	vadd.f32 v14, v20;
	v20 =	vld [tilespmem:s14+$0xE0]  }
0x43a: {  	v60 =	vmul.f32 v43, v44;
	v43 =	vmul.f32 v52, v36;
	v2 =	vadd.f32 v2, v21;
	v21 =	vld [tilespmem:$0x1F7D0]  }
0x43b: {  	v13 =	vadd.f32 v13, v55;
	v55 =	vmul.f32 v52, v40;
	v1 =	vadd.f32 v1, v59;
	v59 =	vld [tilespmem:s14+$0xF0]  }
0x43c: {  	v10 =	vadd.f32 v10, v16;
	v53 =	vadd.f32 v53, v43;
	v43 =	vld [tilespmem:$0x1F810]  }
0x43d: {  	v9 =	vadd.f32 v9, v55;
	v55 =	vld [tilespmem:$0x1F630]  }
0x43e: {  	v15 =	vadd.f32 v15, v56;
	[tilespmem:v22+s26+$0x0] =	vst.idx.msk $0xffff, v10;
	v10 =	vadd.s32 v23, v0;
	v23 =	vld [tilespmem:$0x1F640]  }
0x43f: {  	v56 =	vmul.f32 v52, v44;
	v52 =	vmul.f32 v52, v48;
	v21 =	vadd.s32 v21, v0;
	_ =	sdelay $0x1  }
0x440: {  	v52 =	vadd.f32 v61, v52;
	v61 =	vld [tilespmem:$0x1F650];
	v0 =	vadd.s32 v43, v0  }
0x441: {  	v16 =	vld [tilespmem:$0x1F660];
	v55 =	vadd.s32 v55, v4  }
0x442: {  	v43 =	vadd.s32 v23, v4  }
0x443: {  	v23 =	vadd.s32 v33, v5;
	v33 =	vld [tilespmem:$0x1F680];
	[tilespmem:v21+s26+$0x0] =	vst.idx.msk $0xffff, v11  }
0x444: {  	[tilespmem:v10+s26+$0x0] =	vst.idx.msk $0xffff, v13  }
0x445: {  	v35 =	vadd.s32 v35, v5;
	v11 =	vadd.s32 v61, v4;
	[tilespmem:v0+s26+$0x0] =	vst.idx.msk $0xffff, v14  }
0x446: {  	v37 =	vadd.s32 v37, v5;
	v57 =	vsel vm11, $0x3F800000, v26;
	v4 =	vadd.s32 v16, v4;
	[tilespmem:v55+s26+$0x0] =	vst.idx.msk $0xffff, v15  }
0x447: {  	v3 =	vadd.f32 v3, v60;
	v60 =	vmul.f32 v57, v36;
	[tilespmem:v43+s26+$0x0] =	vst.idx.msk $0xffff, v1;
	v43 =	vld [tilespmem:$0x1F6C0]  }
0x448: {  	s15 =	sadd.s32 $0xFFFFFFFD, s13;
	v63 =	vmul.f32 v57, v44;
	v22 =	vmul.f32 v57, v40;
	v13 =	vadd.s32 v33, v5  }
0x449: {  	s16 =	sadd.s32 $0xFFFFFFFE, s13;
	v56 =	vadd.f32 v58, v56;
	v5 =	vadd.s32 v38, v12;
	v38 =	vmov s15  }
0x44a: {  	s17 =	sadd.s32 $0xFFFFFFFF, s13;
	v58 =	vmov s16;
	v21 =	vadd.f32 v62, v60;
	v15 =	vshrl.u32 v38, $0x3;
	[tilespmem:v11+s26+$0x0] =	vst.idx.msk $0xffff, v3  }
0x44b: {  	v60 =	vmov s17;
	v10 =	vadd.f32 v54, v22;
	[tilespmem:v4+s26+$0x0] =	vst.idx.msk $0xffff, v2;
	v4 =	vshll.u32 v15, v6  }
0x44c: {  	[tilespmem:v23+s26+$0x0] =	vst.idx.msk $0xffff, v53;
	v0 =	vbroadcast v4, $0x0;
	v4 =	vshrl.u32 v58, $0x3;
	v3 =	vadd.s32 v43, v12  }
0x44d: {  	v54 =	vadd.s32 v41, v12;
	v61 =	vshrl.u32 v60, $0x3;
	[tilespmem:v13+s26+$0x0] =	vst.idx.msk $0xffff, v9;
	v4 =	vshll.u32 v4, v6  }
0x44e: {  	v55 =	vadd.s32 v42, v12;
	v9 =	vshll.u32 v61, v6;
	[tilespmem:v35+s26+$0x0] =	vst.idx.msk $0xffff, v56;
	v4 =	vbroadcast v4, $0x0  }
0x44f: {  	v57 =	vmul.f32 v57, v48;
	v16 =	vadd.s32 v31, v0;
	v9 =	vbroadcast v9, $0x0;
	[tilespmem:v37+s26+$0x0] =	vst.idx.msk $0xffff, v52  }
0x450: {  	v22 =	vadd.f32 v20, v63;
	[tilespmem:v5+s26+$0x0] =	vst.idx.msk $0xffff, v21;
	v5 =	vadd.s32 v32, v4  }
0x451: {  	v23 =	vadd.f32 v59, v57;
	v28 =	vadd.s32 v28, v9;
	[tilespmem:v3+s26+$0x0] =	vst.idx.msk $0xffff, v10  }
0x452: {  	[tilespmem:v54+s26+$0x0] =	vst.idx.msk $0xffff, v22  }
0x453: {  	[tilespmem:v55+s26+$0x0] =	vst.idx.msk $0xffff, v23  }
0x454: {  	v1 =	vld.idx.msk [tilespmem:v16+s3+$0x0], $0xffff  }
0x455: {  	v2 =	vld.idx.msk [tilespmem:v5+s3+$0x0], $0xffff  }
0x456: {  	v3 =	vld.idx.msk [tilespmem:v28+s3+$0x0], $0xffff  }
0x457: {  	v32 =	vld [tilespmem:s14+$0x100]  }
0x458: {  	v11 =	vld [tilespmem:s14+$0x110]  }
0x459: {  	v13 =	vld [tilespmem:s14+$0x120]  }
0x45a: {  	v14 =	vld [tilespmem:s14+$0x130]  }
0x45b: {  	v62 =	vmov s13;
	v33 =	vld [tilespmem:s14+$0x140]  }
0x45c: {  	v12 =	vshrl.u32 v62, $0x3;
	v16 =	vld [tilespmem:s14+$0x150]  }
0x45d: {  	v12 =	vshll.u32 v12, v6;
	v21 =	vld [tilespmem:s14+$0x160]  }
0x45e: {  	v12 =	vbroadcast v12, $0x0;
	v22 =	vld [tilespmem:s14+$0x170]  }
0x45f: {  	v41 =	vadd.s32 v46, v0;
	v43 =	vadd.s32 v47, v0;
	v37 =	vadd.s32 v45, v0;
	v52 =	vld [tilespmem:s14+$0x180]  }
0x460: {  	v0 =	vadd.s32 v49, v0;
	v61 =	vadd.s32 v50, v4;
	v31 =	vadd.s32 v29, v12;
	v53 =	vld [tilespmem:s14+$0x190]  }
0x461: {  	v58 =	vadd.s32 v24, v12;
	v54 =	vadd.s32 v18, v12;
	v55 =	vld [tilespmem:s14+$0x1B0];
	vm12 =	vgt.s32 v1, $0x0  }
0x462: {  	v57 =	vld [tilespmem:s14+$0x1C0];
	v28 =	vadd.s32 v51, v4;
	v51 =	vadd.s32 v25, v9;
	v35 =	vsel vm12, $0x3F800000, v26  }
0x463: {  	v60 =	vld [tilespmem:s14+$0x1D0];
	vm13 =	vgt.s32 v2, $0x0;
	v38 =	vmul.f32 v35, v36;
	v42 =	vmul.f32 v35, v40  }
0x464: {  	v62 =	vld [tilespmem:s14+$0x1E0];
	v49 =	vsel vm13, $0x3F800000, v26;
	v45 =	vmul.f32 v35, v44;
	v46 =	vmul.f32 v35, v48  }
0x465: {  	v63 =	vld [tilespmem:s14+$0x1F0];
	v23 =	vmul.f32 v49, v36;
	v29 =	vmul.f32 v49, v40;
	v10 =	vadd.f32 v32, v38  }
0x466: {  	v5 =	vld.idx.msk [tilespmem:v31+s3+$0x0], $0xffff;
	v31 =	vmul.f32 v49, v44;
	v11 =	vadd.f32 v11, v42;
	v47 =	vadd.f32 v13, v45  }
0x467: {  	v1 =	vld [tilespmem:s14+$0x1A0];
	v2 =	vadd.f32 v14, v46;
	v32 =	vadd.f32 v33, v23;
	[tilespmem:v37+s26+$0x0] =	vst.idx.msk $0xffff, v10  }
0x468: {  	vm14 =	vgt.s32 v3, $0x0;
	v33 =	vadd.s32 v8, v4;
	v35 =	vadd.f32 v16, v29;
	[tilespmem:v41+s26+$0x0] =	vst.idx.msk $0xffff, v11  }
0x469: {  	v4 =	vadd.s32 v7, v4;
	v38 =	vsel vm14, $0x3F800000, v26;
	v13 =	vmul.f32 v49, v48;
	[tilespmem:v43+s26+$0x0] =	vst.idx.msk $0xffff, v47  }
0x46a: {  	v42 =	vmul.f32 v38, v36;
	v41 =	vadd.s32 v30, v9;
	[tilespmem:v0+s26+$0x0] =	vst.idx.msk $0xffff, v2  }
0x46b: {  	v37 =	vadd.f32 v21, v31;
	v43 =	vadd.s32 v34, v9;
	[tilespmem:v61+s26+$0x0] =	vst.idx.msk $0xffff, v32  }
0x46c: {  	v45 =	vmul.f32 v38, v40;
	v13 =	vadd.f32 v22, v13;
	[tilespmem:v28+s26+$0x0] =	vst.idx.msk $0xffff, v35  }
0x46d: {  	v46 =	vadd.s32 v39, v9;
	v47 =	vadd.f32 v52, v42;
	[tilespmem:v33+s26+$0x0] =	vst.idx.msk $0xffff, v37  }
0x46e: {  	vm15 =	vgt.s32 v5, $0x0;
	v49 =	vmul.f32 v38, v44;
	[tilespmem:v4+s26+$0x0] =	vst.idx.msk $0xffff, v13;
	v4 =	vadd.f32 v53, v45  }
0x46f: {  	v5 =	vmul.f32 v38, v48;
	v52 =	vsel vm15, $0x3F800000, v26;
	v53 =	vadd.s32 v17, v12;
	[tilespmem:v41+s26+$0x0] =	vst.idx.msk $0xffff, v47  }
0x470: {  	v50 =	vadd.f32 v1, v49;
	[tilespmem:v43+s26+$0x0] =	vst.idx.msk $0xffff, v4;
	v4 =	vmul.f32 v52, v36  }
0x471: {  	v5 =	vadd.f32 v55, v5;
	v56 =	vmul.f32 v52, v40;
	v59 =	vmul.f32 v52, v44  }
0x472: {  	p1 =	sne.s32 s13, $0x7F;
	v12 =	vadd.s32 v19, v12;
	[tilespmem:v46+s26+$0x0] =	vst.idx.msk $0xffff, v50;
	v4 =	vadd.f32 v57, v4  }
.Ltmp8:
0x473: {  	v2 =	vmul.f32 v52, v48;
	v61 =	vadd.f32 v60, v56;
	[tilespmem:v51+s26+$0x0] =	vst.idx.msk $0xffff, v5;
	(pc) =	sbr.rel @p1 .LBB2_15-.Ltmp8, $4  }
0x474: {  	v62 =	vadd.f32 v62, v59;
	[tilespmem:v53+s26+$0x0] =	vst.idx.msk $0xffff, v4  }
0x475: {  	v63 =	vadd.f32 v63, v2;
	[tilespmem:v54+s26+$0x0] =	vst.idx.msk $0xffff, v61  }
0x476: {  	[tilespmem:v58+s26+$0x0] =	vst.idx.msk $0xffff, v62  }
0x477: {  	s13 =	sadd.s32 $0x10, s13;
	s14 =	sadd.s32 $0x400, s14;
	[tilespmem:v12+s26+$0x0] =	vst.idx.msk $0xffff, v63  }
0x478: {  	s4 =	sshll.u32 s10, $0x12  }
0x479: {  	s4 =	sor.u32 s7, s4  }
0x47a: {  	s4 =	sshrl.u32 s4, $0x3  }
0x47b: {  	s10 =	simm.s32 $0x17C40;
	s8 =	sadd.s32 s2, s4  }
0x47c: {  	[hbm4b:s8+s3] =	stream.linear.scatter [tilespmem:s10], [sflag:$0x8], $0x80, $0x38;
	[tilespmem:$0x19E90] =	vst v63  }
0x47d: {  	s13 =	simm.s32 $0x17CC8;
	s6 =	sadd.s32 $0x10, s8  }
0x47e: {  	[hbm4b:s6+s3] =	stream.linear.scatter [tilespmem:s13], [sflag:$0x8], $0x80, $0x38;
	[tilespmem:$0x19E90] =	vst v63  }
0x47f: {  	s14 =	simm.s32 $0x17D50;
	s16 =	simm.s32 $0x17DD8;
	s15 =	sadd.s32 $0x20, s8  }
0x480: {  	[hbm4b:s15+s3] =	stream.linear.scatter [tilespmem:s14], [sflag:$0x8], $0x80, $0x38;
	[tilespmem:$0x19E90] =	vst v63  }
0x481: {  	s4 =	simm.s32 $0x17FF8;
	s17 =	sadd.s32 $0x30, s8;
	s10 =	simm.s32 $0x17E60  }
0x482: {  	[hbm4b:s17+s3] =	stream.linear.scatter [tilespmem:s16], [sflag:$0x8], $0x80, $0x38;
	[tilespmem:$0x19E90] =	vst v63  }
0x483: {  	s13 =	sadd.s32 $0x40, s8;
	s6 =	sadd.s32 $0x70, s8;
	s14 =	simm.s32 $0x17EE8  }
0x484: {  	[hbm4b:s13+s3] =	stream.linear.scatter [tilespmem:s10], [sflag:$0x8], $0x80, $0x38;
	[tilespmem:$0x19E90] =	vst v63  }
0x485: {  	s15 =	sadd.s32 $0x50, s8;
	s16 =	simm.s32 $0x17F70;
	s17 =	sadd.s32 $0x60, s8  }
0x486: {  	[hbm4b:s15+s3] =	stream.linear.scatter [tilespmem:s14], [sflag:$0x8], $0x80, $0x38;
	[tilespmem:$0x19E90] =	vst v63  }
0x487: {  	s10 =	simm.s32 $0x440;
	s13 =	sadd.s32 $0x1000, s8;
	s14 =	simm.s32 $0x2200  }
0x488: {  	[hbm4b:s17+s3] =	stream.linear.scatter [tilespmem:s16], [sflag:$0x8], $0x80, $0x38;
	[tilespmem:$0x19E90] =	vst v63  }
.LBB2_17:
0x489: {  	[hbm4b:s6+s3] =	stream.linear.scatter [tilespmem:s4], [sflag:$0x8], $0x80, $0x38;
	[tilespmem:$0x19E90] =	vst v63  }
0x48a: {  	s4 =	smov.u32 s10;
	s6 =	smov.u32 s14  }
0x48b: {  	s8 =	sadd.s32 $0x1100, s14;
	s10 =	sshra.s32 s6, $0x2;
	s6 =	sadd.s32 $0x17C40, s4  }
0x48c: {  	[hbm4b:s13+s3] =	stream.linear.scatter [tilespmem:s6], [sflag:$0x8], $0x80, $0x38;
	[tilespmem:$0x19E90] =	vst v63  }
0x48d: {  	p1 =	sne.s32 s14, $0x7700;
	s14 =	sadd.s32 $0x10, s13;
	s6 =	sadd.s32 $0x17CC8, s4  }
0x48e: {  	[hbm4b:s14+s3] =	stream.linear.scatter [tilespmem:s6], [sflag:$0x8], $0x80, $0x38;
	[tilespmem:$0x19E90] =	vst v63  }
0x48f: {  	s6 =	sadd.s32 $0x17D50, s4;
	s14 =	sadd.s32 $0x20, s13  }
0x490: {  	[hbm4b:s14+s3] =	stream.linear.scatter [tilespmem:s6], [sflag:$0x8], $0x80, $0x38;
	[tilespmem:$0x19E90] =	vst v63  }
0x491: {  	s6 =	sadd.s32 $0x17DD8, s4;
	s14 =	sadd.s32 $0x30, s13  }
0x492: {  	[hbm4b:s14+s3] =	stream.linear.scatter [tilespmem:s6], [sflag:$0x8], $0x80, $0x38;
	[tilespmem:$0x19E90] =	vst v63  }
0x493: {  	s6 =	sadd.s32 $0x17E60, s4;
	s14 =	sadd.s32 $0x40, s13  }
0x494: {  	[hbm4b:s14+s3] =	stream.linear.scatter [tilespmem:s6], [sflag:$0x8], $0x80, $0x38;
	[tilespmem:$0x19E90] =	vst v63  }
.Ltmp9:
0x495: {  	s6 =	sadd.s32 $0x17EE8, s4;
	s14 =	sadd.s32 $0x50, s13;
	(pc) =	sbr.rel @p1 .LBB2_17-.Ltmp9, $4  }
0x496: {  	[hbm4b:s14+s3] =	stream.linear.scatter [tilespmem:s6], [sflag:$0x8], $0x80, $0x38;
	[tilespmem:$0x19E90] =	vst v63  }
0x497: {  	s6 =	sadd.s32 $0x17F70, s4;
	s14 =	sadd.s32 $0x60, s13;
	s4 =	sadd.s32 $0x17FF8, s4  }
0x498: {  	[hbm4b:s14+s3] =	stream.linear.scatter [tilespmem:s6], [sflag:$0x8], $0x80, $0x38;
	[tilespmem:$0x19E90] =	vst v63  }
0x499: {  	s6 =	sadd.s32 $0x70, s13;
	s13 =	sadd.s32 $0x1000, s13;
	s14 =	smov.u32 s8  }
0x49a: {  	[hbm4b:s6+s3] =	stream.linear.scatter [tilespmem:s4], [sflag:$0x8], $0x80, $0x38;
	[tilespmem:$0x19E90] =	vst v63  }
0x49b: {  	s15 =	sadd.s32 $0x17C40, s10  }
0x49c: {  	[hbm4b:s13+s3] =	stream.linear.scatter [tilespmem:s15], [sflag:$0x8], $0x80, $0x38;
	[tilespmem:$0x19E90] =	vst v63  }
0x49d: {  	s16 =	sadd.s32 $0x17CC8, s10;
	s17 =	sadd.s32 $0x10, s13  }
0x49e: {  	[hbm4b:s17+s3] =	stream.linear.scatter [tilespmem:s16], [sflag:$0x8], $0x80, $0x38;
	[tilespmem:$0x19E90] =	vst v63  }
0x49f: {  	s6 =	sadd.s32 $0x17D50, s10;
	s8 =	sadd.s32 $0x20, s13  }
0x4a0: {  	[hbm4b:s8+s3] =	stream.linear.scatter [tilespmem:s6], [sflag:$0x8], $0x80, $0x38;
	[tilespmem:$0x19E90] =	vst v63  }
0x4a1: {  	s14 =	sadd.s32 $0x17DD8, s10;
	s15 =	sadd.s32 $0x30, s13  }
0x4a2: {  	[hbm4b:s15+s3] =	stream.linear.scatter [tilespmem:s14], [sflag:$0x8], $0x80, $0x38;
	[tilespmem:$0x19E90] =	vst v63  }
0x4a3: {  	s16 =	sadd.s32 $0x17E60, s10;
	s17 =	sadd.s32 $0x40, s13  }
0x4a4: {  	[hbm4b:s17+s3] =	stream.linear.scatter [tilespmem:s16], [sflag:$0x8], $0x80, $0x38;
	[tilespmem:$0x19E90] =	vst v63  }
0x4a5: {  	s6 =	sadd.s32 $0x17EE8, s10;
	s8 =	sadd.s32 $0x50, s13  }
0x4a6: {  	[hbm4b:s8+s3] =	stream.linear.scatter [tilespmem:s6], [sflag:$0x8], $0x80, $0x38;
	[tilespmem:$0x19E90] =	vst v63  }
.Ltmp10:
0x4a7: {  	_ = 	snop;
	(pc) =	sbr.rel @p0 .LBB2_20-.Ltmp10, $4  }
0x4a8: {  	s14 =	sadd.s32 $0x17F70, s10;
	s15 =	sadd.s32 $0x60, s13  }
0x4a9: {  	[hbm4b:s15+s3] =	stream.linear.scatter [tilespmem:s14], [sflag:$0x8], $0x80, $0x38;
	[tilespmem:$0x19E90] =	vst v63  }
0x4aa: {  	s16 =	sadd.s32 $0x17FF8, s10;
	s17 =	sadd.s32 $0x70, s13  }
0x4ab: {  	[hbm4b:s17+s3] =	stream.linear.scatter [tilespmem:s16], [sflag:$0x8], $0x80, $0x38;
	[tilespmem:$0x19E90] =	vst v63  }
.Ltmp11:
0x4ac: {  	(pc) =	sbr.rel .LBB2_2-.Ltmp11, $4  }
0x4ad: {  	s4 =	sshll.u32 s0, $0x9  }
0x4ae: {  	s4 =	sand.u32 $0x3FFFFE00, s4  }
0x4af: {  	s0 =	sadd.s32 $0x1, s0;
	s4 =	sadd.s32 $0x380, s4  }
0x4b0: {  	[tilespmem:s18], [sflag:$0x4] =	stream.indirect.gather [hbm4b:s5+s9], $0x40, s4, s9, $0xb8;
	[tilespmem:$0x19E90] =	vst v63  }
.LBB2_21:
0x4b1: {  	_ =	sfence.sel $0x180000  }
0x4b2: {  	[bflag:$0x0] =	sbarrier.arrive $0xFFFF  }
0x4b3: {  	_ =	strace $0x90000047  }
0x4b4: {  	s0 =	stileid.u32;
	[bflag:$0x2] =	sbarrier.arrive $0xFFFF  }
0x4b5: {  	p0 =	sne.s32 s0, $0x0;
	s0 =	rddreg [dreg:$0x2]  }
0x4b6: {  	s0 =	sadd.s32 @!p0 $0x100000, s0  }
0x4b7: {  	[sflag:s0] =	ssyncadd.tile.s32 @!p0 $0x1;
	_ =	shalt  }
.Lfunc_end2:
_tile_overlayer_lowered:
.L_overlay_start_2:
0x4b8: {  	(tag) =	ssettag $0x2  }
0x4b9: {  	s0 =	rddreg [dreg:$0x0];
	s2 =	stileid.u32  }
0x4ba: {  	s1 =	rddreg [dreg:$0x1];
	p0 =	sne.s32 s2, $0x0  }
0x4bb: {  	s3 =	rddreg [dreg:$0x2];
	[bflag:$0x3] =	sbarrier.arrive $0xFFFF;
	s2 =	simm.s32 @!p0 $0x1C09  }
0x4bc: {  	[timem:s3], [sflag:s2] =	dma.local @!p0 [hbm:s0], s1  }
0x4bd: {  	s0 =	simm.s32 @!p0 $0x9  }
0x4be: {  	_ =	swait.ge @!p0 [sflag:s0], s1  }
0x4bf: {  	s1 =	ssub.s32 @!p0 $0x0, s1;
	[sflag:s0] =	ssyncset.done @!p0 $0x0  }
0x4c0: {  	[sflag:s0] =	ssyncadd.s32 @!p0 s1  }
0x4c1: {  	[bflag:$0x3] =	sbarrier.arrive $0xFFFF  }
0x4c2: {  	_ =	shalt  }

</sc_bundles>
